<compile_context>
chip_gen: v7x
topology: tpu7x:2x2x1
jax: 0.10.2.dev20260603
libtpu: 0.0.44.dev20260713+nightly
codegen_flags: <defaults>
</compile_context>

<pallas_src>
import jax
import jax.numpy as jnp
from jax import lax
from jax.experimental import pallas as pl
from jax.experimental.pallas import tpu as pltpu
from jax.experimental.pallas import tpu_sc as plsc

_S = 256
_K = _S * (_S + 1) // 2
_B = 4096
_NC = 2
_NS = 16
_NW = _NC * _NS
_RPW = _B // _NW
_XPAD = 528
_OPAD = _K + 272


def _compute_row(x_v, o_v):
    iota = lax.iota(jnp.int32, 16)

    for i0, nch in ((0, 16), (64, 12)):
        full = (_S - (i0 + 63)) // 16

        @plsc.parallel_loop(0, 64, 1)
        def seg(ii, i0=i0, nch=nch, full=full):
            i = i0 + ii
            ivec = jnp.broadcast_to(i, (16,))
            base = (i << 8) - lax.shift_right_logical(i * (i - 1), 1)
            bvec = jnp.broadcast_to(base, (16,))
            rem = _S - i
            left = None
            for c in range(nch):
                cvec = iota + 16 * c
                right = plsc.load_gather(x_v, [ivec + cvec])
                if left is None:
                    left = jnp.broadcast_to(right[0], (16,))
                prod = left * right
                if c < full:
                    plsc.store_scatter(o_v, [bvec + cvec], prod)
                else:
                    plsc.store_scatter(
                        o_v, [bvec + cvec], prod, mask=iota < (rem - 16 * c)
                    )

    for i0, nch, unroll in ((128, 8, 2), (192, 4, 4)):

        @plsc.parallel_loop(0, 64, 1, unroll=unroll)
        def seg(ii, i0=i0, nch=nch):
            i = i0 + ii
            ivec = jnp.broadcast_to(i, (16,))
            base = (i << 8) - lax.shift_right_logical(i * (i - 1), 1)
            bvec = jnp.broadcast_to(base, (16,))
            rem = _S - i
            left = None
            for c in range(nch):
                cvec = iota + 16 * c
                right = plsc.load_gather(x_v, [ivec + cvec])
                if left is None:
                    left = jnp.broadcast_to(right[0], (16,))
                plsc.store_scatter(
                    o_v, [bvec + cvec], left * right, mask=iota < (rem - 16 * c)
                )


def _sc_body(act_hbm, out_hbm, x0_v, x1_v, o0_v, o1_v,
             isem0, isem1, osem0, osem1):
    xs = (x0_v, x1_v)
    os_ = (o0_v, o1_v)
    isems = (isem0, isem1)
    osems = (osem0, osem1)
    wid = lax.axis_index("s") * _NC + lax.axis_index("c")
    row0 = wid * _RPW

    pltpu.async_copy(
        act_hbm.at[row0, pl.ds(0, _S)], xs[0].at[pl.ds(0, _S)], isems[0]
    )

    def body(r2, carry):
        for s in (0, 1):
            r = 2 * r2 + s
            row = row0 + r

            @pl.when(r < _RPW - 1)
            def _():
                pltpu.async_copy(
                    act_hbm.at[row + 1, pl.ds(0, _S)],
                    xs[1 - s].at[pl.ds(0, _S)],
                    isems[1 - s],
                )

            pltpu.make_async_copy(
                act_hbm.at[row, pl.ds(0, _S)], xs[s].at[pl.ds(0, _S)], isems[s]
            ).wait()

            @pl.when(r2 >= 1)
            def _():
                pltpu.make_async_copy(
                    os_[s].at[pl.ds(0, _K)], out_hbm.at[row - 2], osems[s]
                ).wait()

            _compute_row(xs[s], os_[s])

            pltpu.async_copy(os_[s].at[pl.ds(0, _K)], out_hbm.at[row], osems[s])
        return carry

    lax.fori_loop(0, _RPW // 2, body, 0)

    last = row0 + _RPW - 1
    pltpu.make_async_copy(
        os_[0].at[pl.ds(0, _K)], out_hbm.at[last - 1], osems[0]
    ).wait()
    pltpu.make_async_copy(
        os_[1].at[pl.ds(0, _K)], out_hbm.at[last], osems[1]
    ).wait()


@jax.jit
def _sc_pairing(activations):
    mesh = plsc.VectorSubcoreMesh(core_axis_name="c", subcore_axis_name="s")
    return pl.kernel(
        _sc_body,
        mesh=mesh,
        compiler_params=pltpu.CompilerParams(needs_layout_passes=False),
        out_type=jax.ShapeDtypeStruct((_B, _K), jnp.float32),
        scratch_types=[
            pltpu.VMEM((_XPAD,), jnp.float32),
            pltpu.VMEM((_XPAD,), jnp.float32),
            pltpu.VMEM((_OPAD,), jnp.float32),
            pltpu.VMEM((_OPAD,), jnp.float32),
            pltpu.SemaphoreType.DMA,
            pltpu.SemaphoreType.DMA,
            pltpu.SemaphoreType.DMA,
            pltpu.SemaphoreType.DMA,
        ],
    )(activations)


def kernel(activations):
    return _sc_pairing(activations)

# --- scband reference (transcript-rebuilt; emitter-appended) ---
"""Pipeline reference for scband-synch-pairing-45681272160734 (READ-ONLY COPY).

The authoritative reference and input builder live on the scoring server;
editing this copy changes nothing except your own understanding.
"""

import jax, jax.numpy as jnp
import numpy as np


def setup_inputs(seed: int = 0) -> dict:
    key = jax.random.key(seed)
    activations = jax.random.normal(key, (4096, 4096), dtype=jnp.float32)
    return {"activations": activations}


def reference(activations):
    # SynchPairing with pairing_strategy='first-last', sync_type='out':
    # left/right indices are arange(0, sync_size_out) buffers.
    sync_size = 256
    left_indices = jnp.arange(sync_size)
    right_indices = jnp.arange(sync_size)
    selected_left = jnp.take(activations, left_indices, axis=1)   # [B, S]
    selected_right = jnp.take(activations, right_indices, axis=1)  # [B, S]
    # dense pairwise products: outer product then upper-triangle gather
    outer_product = selected_left[:, :, None] * selected_right[:, None, :]  # [B, S, S]
    iu, ju = jnp.triu_indices(sync_size)  # includes diagonal, matches torch.triu_indices
    pairwise_products = outer_product[:, iu, ju]  # [B, S*(S+1)//2] = [4096, 32896]
    return pairwise_products

if __name__ == "__main__":
    import jax
    _d = setup_inputs()
    print(jax.jit(kernel)(*tuple(_d.values())))

</pallas_src>

<mosaic_0001>
#map = affine_map<(d0, d1) -> (0, 0)>
module attributes {stable_mosaic.version = 14 : i64} {
  func.func @_sc_body(%arg0: i32, %arg1: i32, %arg2: memref<4096x4096xf32, #tpu.memory_space<hbm>>, %arg3: memref<4096x32896xf32, #tpu.memory_space<hbm>>, %arg4: memref<528xf32, #tpu.memory_space<vmem>>, %arg5: memref<528xf32, #tpu.memory_space<vmem>>, %arg6: memref<33168xf32, #tpu.memory_space<vmem>>, %arg7: memref<33168xf32, #tpu.memory_space<vmem>>, %arg8: memref<!tpu.dma_semaphore, #tpu.memory_space<semaphore_mem>>, %arg9: memref<!tpu.dma_semaphore, #tpu.memory_space<semaphore_mem>>, %arg10: memref<!tpu.dma_semaphore, #tpu.memory_space<semaphore_mem>>, %arg11: memref<!tpu.dma_semaphore, #tpu.memory_space<semaphore_mem>>) attributes {dimension_semantics = [#tpu.dimension_semantics<core_parallel>, #tpu.dimension_semantics<subcore_parallel>], iteration_bounds = array<i64: 2, 16>, scalar_prefetch = 0 : i64, scratch_operands = 8 : i64, tpu.core_type = #tpu.core_type<sc_vector_subcore>, window_params = [{transform_indices = #map}, {transform_indices = #map}]} {
    %mul3A = arith.constant 2 : i32
    %mul3A_0 = arith.muli %arg1, %mul3A : i32
    %add3A = arith.addi %mul3A_0, %arg0 : i32
    %mul3A_1 = arith.constant 128 : i32
    %mul3A_2 = arith.muli %add3A, %mul3A_1 : i32
    %dma_start3A = arith.constant 0 : i32
    %dma_start3A_3 = tpu.memref_slice %arg4[%dma_start3A] : memref<528xf32, #tpu.memory_space<vmem>> -> memref<256xf32, #tpu.memory_space<vmem>>
    %dma_start3A_4 = arith.constant 0 : i32
    %dma_start3A_5 = tpu.memref_slice %arg2[%mul3A_2, %dma_start3A_4] : memref<4096x4096xf32, #tpu.memory_space<hbm>> -> memref<1x256xf32, #tpu.memory_space<hbm>>
    %dma_start3A_6 = tpu.memref_squeeze %dma_start3A_5 : memref<1x256xf32, #tpu.memory_space<hbm>> -> memref<256xf32, #tpu.memory_space<hbm>>
    %dma_start3A_7 = arith.constant 0 : i32
    %dma_start3A_8 = tpu.memref_slice %arg4[%dma_start3A_7] : memref<528xf32, #tpu.memory_space<vmem>> -> memref<256xf32, #tpu.memory_space<vmem>>
    %dma_start3A_9 = arith.constant 0 : i32
    %dma_start3A_10 = tpu.memref_slice %arg2[%mul3A_2, %dma_start3A_9] : memref<4096x4096xf32, #tpu.memory_space<hbm>> -> memref<1x256xf32, #tpu.memory_space<hbm>>
    %dma_start3A_11 = tpu.memref_squeeze %dma_start3A_10 : memref<1x256xf32, #tpu.memory_space<hbm>> -> memref<256xf32, #tpu.memory_space<hbm>>
    tpu.enqueue_dma source(%dma_start3A_11 : memref<256xf32, #tpu.memory_space<hbm>>) target(%dma_start3A_8 : memref<256xf32, #tpu.memory_space<vmem>>) target_semaphore(%arg8 : memref<!tpu.dma_semaphore, #tpu.memory_space<semaphore_mem>>)
    %scan3A = arith.constant 0 : i32
    %scan3A_12 = arith.constant 0 : i32
    %scan3A_13 = arith.constant 64 : i32
    %scan3A_14 = arith.addi %scan3A_12, %scan3A_13 : i32
    %scan3A_15 = arith.constant 1 : i32
    scf.for %scan3A_41 = %scan3A_12 to %scan3A_14 step %scan3A_15  : i32 {
      %mul3A_42 = arith.constant 2 : i32
      %mul3A_43 = arith.muli %mul3A_42, %scan3A_41 : i32
      %add3A_44 = arith.constant 0 : i32
      %add3A_45 = arith.addi %mul3A_43, %add3A_44 : i32
      %add3A_46 = arith.addi %mul3A_2, %add3A_45 : i32
      %lt3A = arith.constant 127 : i32
      %lt3A_47 = arith.cmpi slt, %add3A_45, %lt3A : i32
      %convert_element_type3A = arith.extui %lt3A_47 : i1 to i32
      %cond3A = arith.constant 0 : i32
      %cond3A_48 = arith.cmpi ne, %convert_element_type3A, %cond3A : i32
      scf.if %cond3A_48 {
        %add3A_132 = arith.constant 1 : i32
        %add3A_133 = arith.addi %add3A_46, %add3A_132 : i32
        %dma_start3A_134 = arith.constant 0 : i32
        %dma_start3A_135 = tpu.memref_slice %arg5[%dma_start3A_134] : memref<528xf32, #tpu.memory_space<vmem>> -> memref<256xf32, #tpu.memory_space<vmem>>
        %dma_start3A_136 = arith.constant 0 : i32
        %dma_start3A_137 = tpu.memref_slice %arg2[%add3A_133, %dma_start3A_136] : memref<4096x4096xf32, #tpu.memory_space<hbm>> -> memref<1x256xf32, #tpu.memory_space<hbm>>
        %dma_start3A_138 = tpu.memref_squeeze %dma_start3A_137 : memref<1x256xf32, #tpu.memory_space<hbm>> -> memref<256xf32, #tpu.memory_space<hbm>>
        %dma_start3A_139 = arith.constant 0 : i32
        %dma_start3A_140 = tpu.memref_slice %arg5[%dma_start3A_139] : memref<528xf32, #tpu.memory_space<vmem>> -> memref<256xf32, #tpu.memory_space<vmem>>
        %dma_start3A_141 = arith.constant 0 : i32
        %dma_start3A_142 = tpu.memref_slice %arg2[%add3A_133, %dma_start3A_141] : memref<4096x4096xf32, #tpu.memory_space<hbm>> -> memref<1x256xf32, #tpu.memory_space<hbm>>
        %dma_start3A_143 = tpu.memref_squeeze %dma_start3A_142 : memref<1x256xf32, #tpu.memory_space<hbm>> -> memref<256xf32, #tpu.memory_space<hbm>>
        tpu.enqueue_dma source(%dma_start3A_143 : memref<256xf32, #tpu.memory_space<hbm>>) target(%dma_start3A_140 : memref<256xf32, #tpu.memory_space<vmem>>) target_semaphore(%arg9 : memref<!tpu.dma_semaphore, #tpu.memory_space<semaphore_mem>>)
      } else {
      }
      %dma_wait3A_49 = arith.constant 0 : i32
      %dma_wait3A_50 = tpu.memref_slice %arg4[%dma_wait3A_49] : memref<528xf32, #tpu.memory_space<vmem>> -> memref<256xf32, #tpu.memory_space<vmem>>
      %dma_wait3A_51 = arith.constant 0 : i32
      %dma_wait3A_52 = tpu.memref_slice %arg2[%add3A_46, %dma_wait3A_51] : memref<4096x4096xf32, #tpu.memory_space<hbm>> -> memref<1x256xf32, #tpu.memory_space<hbm>>
      %dma_wait3A_53 = tpu.memref_squeeze %dma_wait3A_52 : memref<1x256xf32, #tpu.memory_space<hbm>> -> memref<256xf32, #tpu.memory_space<hbm>>
      %dma_wait3A_54 = arith.constant 0 : i32
      %dma_wait3A_55 = tpu.memref_slice %arg4[%dma_wait3A_54] : memref<528xf32, #tpu.memory_space<vmem>> -> memref<256xf32, #tpu.memory_space<vmem>>
      %dma_wait3A_56 = arith.constant 0 : i32
      %dma_wait3A_57 = tpu.memref_slice %arg2[%add3A_46, %dma_wait3A_56] : memref<4096x4096xf32, #tpu.memory_space<hbm>> -> memref<1x256xf32, #tpu.memory_space<hbm>>
      %dma_wait3A_58 = tpu.memref_squeeze %dma_wait3A_57 : memref<1x256xf32, #tpu.memory_space<hbm>> -> memref<256xf32, #tpu.memory_space<hbm>>
      tpu.wait_dma2 semaphore(%arg8 : memref<!tpu.dma_semaphore, #tpu.memory_space<semaphore_mem>>) src(%dma_wait3A_58 : memref<256xf32, #tpu.memory_space<hbm>>) dst(%dma_wait3A_55 : memref<256xf32, #tpu.memory_space<vmem>>)
      %ge3A = arith.constant 1 : i32
      %ge3A_59 = arith.cmpi sge, %scan3A_41, %ge3A : i32
      %convert_element_type3A_60 = arith.extui %ge3A_59 : i1 to i32
      %cond3A_61 = arith.constant 0 : i32
      %cond3A_62 = arith.cmpi ne, %convert_element_type3A_60, %cond3A_61 : i32
      scf.if %cond3A_62 {
        %sub3A_132 = arith.constant 2 : i32
        %sub3A_133 = arith.subi %add3A_46, %sub3A_132 : i32
        %dma_wait3A_134 = arith.constant 0 : i32
        %dma_wait3A_135 = tpu.memref_slice %arg6[%dma_wait3A_134] : memref<33168xf32, #tpu.memory_space<vmem>> -> memref<32896xf32, #tpu.memory_space<vmem>>
        %dma_wait3A_136 = arith.constant 0 : i32
        %dma_wait3A_137 = tpu.memref_slice %arg3[%sub3A_133, %dma_wait3A_136] : memref<4096x32896xf32, #tpu.memory_space<hbm>> -> memref<1x32896xf32, #tpu.memory_space<hbm>>
        %dma_wait3A_138 = tpu.memref_squeeze %dma_wait3A_137 : memref<1x32896xf32, #tpu.memory_space<hbm>> -> memref<32896xf32, #tpu.memory_space<hbm>>
        %dma_wait3A_139 = arith.constant 0 : i32
        %dma_wait3A_140 = tpu.memref_slice %arg3[%sub3A_133, %dma_wait3A_139] : memref<4096x32896xf32, #tpu.memory_space<hbm>> -> memref<1x32896xf32, #tpu.memory_space<hbm>>
        %dma_wait3A_141 = tpu.memref_squeeze %dma_wait3A_140 : memref<1x32896xf32, #tpu.memory_space<hbm>> -> memref<32896xf32, #tpu.memory_space<hbm>>
        %dma_wait3A_142 = arith.constant 0 : i32
        %dma_wait3A_143 = tpu.memref_slice %arg6[%dma_wait3A_142] : memref<33168xf32, #tpu.memory_space<vmem>> -> memref<32896xf32, #tpu.memory_space<vmem>>
        tpu.wait_dma2 semaphore(%arg10 : memref<!tpu.dma_semaphore, #tpu.memory_space<semaphore_mem>>) src(%dma_wait3A_143 : memref<32896xf32, #tpu.memory_space<vmem>>) dst(%dma_wait3A_141 : memref<32896xf32, #tpu.memory_space<hbm>>)
      } else {
      }
      %iota3A = tpu.iota {dimensions = array<i32: 0>} : vector<16xi32>
      %parallel_loop3A = arith.constant 0 : i32
      %parallel_loop3A_63 = arith.constant 64 : i32
      %parallel_loop3A_64 = arith.constant 1 : i32
      scf.for %parallel_loop3A_132 = %parallel_loop3A to %parallel_loop3A_63 step %parallel_loop3A_64  : i32 {
        %parallel_loop3A_133 = arith.constant 0 : i32
        %parallel_loop3A_134 = arith.addi %parallel_loop3A_133, %parallel_loop3A_132 : i32
        %parallel_loop3A_135 = vector.broadcast %parallel_loop3A_134 : i32 to vector<16xi32>
        %parallel_loop3A_136 = arith.constant 8 : i32
        %parallel_loop3A_137 = arith.shli %parallel_loop3A_134, %parallel_loop3A_136 : i32
        %parallel_loop3A_138 = arith.constant 1 : i32
        %parallel_loop3A_139 = arith.subi %parallel_loop3A_134, %parallel_loop3A_138 : i32
        %parallel_loop3A_140 = arith.muli %parallel_loop3A_134, %parallel_loop3A_139 : i32
        %parallel_loop3A_141 = arith.constant 1 : i32
        %parallel_loop3A_142 = arith.shrui %parallel_loop3A_140, %parallel_loop3A_141 : i32
        %parallel_loop3A_143 = arith.subi %parallel_loop3A_137, %parallel_loop3A_142 : i32
        %parallel_loop3A_144 = vector.broadcast %parallel_loop3A_143 : i32 to vector<16xi32>
        %parallel_loop3A_145 = arith.constant 256 : i32
        %parallel_loop3A_146 = arith.subi %parallel_loop3A_145, %parallel_loop3A_134 : i32
        %parallel_loop3A_147 = arith.constant 0 : i32
        %parallel_loop3A_148 = vector.broadcast %parallel_loop3A_147 : i32 to vector<16xi32>
        %parallel_loop3A_149 = arith.addi %iota3A, %parallel_loop3A_148 : vector<16xi32>
        %parallel_loop3A_150 = arith.addi %parallel_loop3A_135, %parallel_loop3A_149 : vector<16xi32>
        %parallel_loop3A_151 = tpu.vector_load_idx %arg4[%parallel_loop3A_150] : memref<528xf32, #tpu.memory_space<vmem>>[vector<16xi32>], vector<16xf32>,
        %parallel_loop3A_152 = vector.extract_strided_slice %parallel_loop3A_151 {offsets = [0], sizes = [1], strides = [1]} : vector<16xf32> to vector<1xf32>
        %parallel_loop3A_153 = vector.extract %parallel_loop3A_152[0] : f32 from vector<1xf32>
        %parallel_loop3A_154 = vector.broadcast %parallel_loop3A_153 : f32 to vector<16xf32>
        %parallel_loop3A_155 = arith.mulf %parallel_loop3A_154, %parallel_loop3A_151 : vector<16xf32>
        %parallel_loop3A_156 = arith.addi %parallel_loop3A_144, %parallel_loop3A_149 : vector<16xi32>
        tpu.vector_store_idx %arg6[%parallel_loop3A_156], %parallel_loop3A_155 : memref<33168xf32, #tpu.memory_space<vmem>>[vector<16xi32>], vector<16xf32>,
        %parallel_loop3A_157 = arith.constant 16 : i32
        %parallel_loop3A_158 = vector.broadcast %parallel_loop3A_157 : i32 to vector<16xi32>
        %parallel_loop3A_159 = arith.addi %iota3A, %parallel_loop3A_158 : vector<16xi32>
        %parallel_loop3A_160 = arith.addi %parallel_loop3A_135, %parallel_loop3A_159 : vector<16xi32>
        %parallel_loop3A_161 = tpu.vector_load_idx %arg4[%parallel_loop3A_160] : memref<528xf32, #tpu.memory_space<vmem>>[vector<16xi32>], vector<16xf32>,
        %parallel_loop3A_162 = arith.mulf %parallel_loop3A_154, %parallel_loop3A_161 : vector<16xf32>
        %parallel_loop3A_163 = arith.addi %parallel_loop3A_144, %parallel_loop3A_159 : vector<16xi32>
        tpu.vector_store_idx %arg6[%parallel_loop3A_163], %parallel_loop3A_162 : memref<33168xf32, #tpu.memory_space<vmem>>[vector<16xi32>], vector<16xf32>,
        %parallel_loop3A_164 = arith.constant 32 : i32
        %parallel_loop3A_165 = vector.broadcast %parallel_loop3A_164 : i32 to vector<16xi32>
        %parallel_loop3A_166 = arith.addi %iota3A, %parallel_loop3A_165 : vector<16xi32>
        %parallel_loop3A_167 = arith.addi %parallel_loop3A_135, %parallel_loop3A_166 : vector<16xi32>
        %parallel_loop3A_168 = tpu.vector_load_idx %arg4[%parallel_loop3A_167] : memref<528xf32, #tpu.memory_space<vmem>>[vector<16xi32>], vector<16xf32>,
        %parallel_loop3A_169 = arith.mulf %parallel_loop3A_154, %parallel_loop3A_168 : vector<16xf32>
        %parallel_loop3A_170 = arith.addi %parallel_loop3A_144, %parallel_loop3A_166 : vector<16xi32>
        tpu.vector_store_idx %arg6[%parallel_loop3A_170], %parallel_loop3A_169 : memref<33168xf32, #tpu.memory_space<vmem>>[vector<16xi32>], vector<16xf32>,
        %parallel_loop3A_171 = arith.constant 48 : i32
        %parallel_loop3A_172 = vector.broadcast %parallel_loop3A_171 : i32 to vector<16xi32>
        %parallel_loop3A_173 = arith.addi %iota3A, %parallel_loop3A_172 : vector<16xi32>
        %parallel_loop3A_174 = arith.addi %parallel_loop3A_135, %parallel_loop3A_173 : vector<16xi32>
        %parallel_loop3A_175 = tpu.vector_load_idx %arg4[%parallel_loop3A_174] : memref<528xf32, #tpu.memory_space<vmem>>[vector<16xi32>], vector<16xf32>,
        %parallel_loop3A_176 = arith.mulf %parallel_loop3A_154, %parallel_loop3A_175 : vector<16xf32>
        %parallel_loop3A_177 = arith.addi %parallel_loop3A_144, %parallel_loop3A_173 : vector<16xi32>
        tpu.vector_store_idx %arg6[%parallel_loop3A_177], %parallel_loop3A_176 : memref<33168xf32, #tpu.memory_space<vmem>>[vector<16xi32>], vector<16xf32>,
        %parallel_loop3A_178 = arith.constant 64 : i32
        %parallel_loop3A_179 = vector.broadcast %parallel_loop3A_178 : i32 to vector<16xi32>
        %parallel_loop3A_180 = arith.addi %iota3A, %parallel_loop3A_179 : vector<16xi32>
        %parallel_loop3A_181 = arith.addi %parallel_loop3A_135, %parallel_loop3A_180 : vector<16xi32>
        %parallel_loop3A_182 = tpu.vector_load_idx %arg4[%parallel_loop3A_181] : memref<528xf32, #tpu.memory_space<vmem>>[vector<16xi32>], vector<16xf32>,
        %parallel_loop3A_183 = arith.mulf %parallel_loop3A_154, %parallel_loop3A_182 : vector<16xf32>
        %parallel_loop3A_184 = arith.addi %parallel_loop3A_144, %parallel_loop3A_180 : vector<16xi32>
        tpu.vector_store_idx %arg6[%parallel_loop3A_184], %parallel_loop3A_183 : memref<33168xf32, #tpu.memory_space<vmem>>[vector<16xi32>], vector<16xf32>,
        %parallel_loop3A_185 = arith.constant 80 : i32
        %parallel_loop3A_186 = vector.broadcast %parallel_loop3A_185 : i32 to vector<16xi32>
        %parallel_loop3A_187 = arith.addi %iota3A, %parallel_loop3A_186 : vector<16xi32>
        %parallel_loop3A_188 = arith.addi %parallel_loop3A_135, %parallel_loop3A_187 : vector<16xi32>
        %parallel_loop3A_189 = tpu.vector_load_idx %arg4[%parallel_loop3A_188] : memref<528xf32, #tpu.memory_space<vmem>>[vector<16xi32>], vector<16xf32>,
        %parallel_loop3A_190 = arith.mulf %parallel_loop3A_154, %parallel_loop3A_189 : vector<16xf32>
        %parallel_loop3A_191 = arith.addi %parallel_loop3A_144, %parallel_loop3A_187 : vector<16xi32>
        tpu.vector_store_idx %arg6[%parallel_loop3A_191], %parallel_loop3A_190 : memref<33168xf32, #tpu.memory_space<vmem>>[vector<16xi32>], vector<16xf32>,
        %parallel_loop3A_192 = arith.constant 96 : i32
        %parallel_loop3A_193 = vector.broadcast %parallel_loop3A_192 : i32 to vector<16xi32>
        %parallel_loop3A_194 = arith.addi %iota3A, %parallel_loop3A_193 : vector<16xi32>
        %parallel_loop3A_195 = arith.addi %parallel_loop3A_135, %parallel_loop3A_194 : vector<16xi32>
        %parallel_loop3A_196 = tpu.vector_load_idx %arg4[%parallel_loop3A_195] : memref<528xf32, #tpu.memory_space<vmem>>[vector<16xi32>], vector<16xf32>,
        %parallel_loop3A_197 = arith.mulf %parallel_loop3A_154, %parallel_loop3A_196 : vector<16xf32>
        %parallel_loop3A_198 = arith.addi %parallel_loop3A_144, %parallel_loop3A_194 : vector<16xi32>
        tpu.vector_store_idx %arg6[%parallel_loop3A_198], %parallel_loop3A_197 : memref<33168xf32, #tpu.memory_space<vmem>>[vector<16xi32>], vector<16xf32>,
        %parallel_loop3A_199 = arith.constant 112 : i32
        %parallel_loop3A_200 = vector.broadcast %parallel_loop3A_199 : i32 to vector<16xi32>
        %parallel_loop3A_201 = arith.addi %iota3A, %parallel_loop3A_200 : vector<16xi32>
        %parallel_loop3A_202 = arith.addi %parallel_loop3A_135, %parallel_loop3A_201 : vector<16xi32>
        %parallel_loop3A_203 = tpu.vector_load_idx %arg4[%parallel_loop3A_202] : memref<528xf32, #tpu.memory_space<vmem>>[vector<16xi32>], vector<16xf32>,
        %parallel_loop3A_204 = arith.mulf %parallel_loop3A_154, %parallel_loop3A_203 : vector<16xf32>
        %parallel_loop3A_205 = arith.addi %parallel_loop3A_144, %parallel_loop3A_201 : vector<16xi32>
        tpu.vector_store_idx %arg6[%parallel_loop3A_205], %parallel_loop3A_204 : memref<33168xf32, #tpu.memory_space<vmem>>[vector<16xi32>], vector<16xf32>,
        %parallel_loop3A_206 = arith.constant 128 : i32
        %parallel_loop3A_207 = vector.broadcast %parallel_loop3A_206 : i32 to vector<16xi32>
        %parallel_loop3A_208 = arith.addi %iota3A, %parallel_loop3A_207 : vector<16xi32>
        %parallel_loop3A_209 = arith.addi %parallel_loop3A_135, %parallel_loop3A_208 : vector<16xi32>
        %parallel_loop3A_210 = tpu.vector_load_idx %arg4[%parallel_loop3A_209] : memref<528xf32, #tpu.memory_space<vmem>>[vector<16xi32>], vector<16xf32>,
        %parallel_loop3A_211 = arith.mulf %parallel_loop3A_154, %parallel_loop3A_210 : vector<16xf32>
        %parallel_loop3A_212 = arith.addi %parallel_loop3A_144, %parallel_loop3A_208 : vector<16xi32>
        tpu.vector_store_idx %arg6[%parallel_loop3A_212], %parallel_loop3A_211 : memref<33168xf32, #tpu.memory_space<vmem>>[vector<16xi32>], vector<16xf32>,
        %parallel_loop3A_213 = arith.constant 144 : i32
        %parallel_loop3A_214 = vector.broadcast %parallel_loop3A_213 : i32 to vector<16xi32>
        %parallel_loop3A_215 = arith.addi %iota3A, %parallel_loop3A_214 : vector<16xi32>
        %parallel_loop3A_216 = arith.addi %parallel_loop3A_135, %parallel_loop3A_215 : vector<16xi32>
        %parallel_loop3A_217 = tpu.vector_load_idx %arg4[%parallel_loop3A_216] : memref<528xf32, #tpu.memory_space<vmem>>[vector<16xi32>], vector<16xf32>,
        %parallel_loop3A_218 = arith.mulf %parallel_loop3A_154, %parallel_loop3A_217 : vector<16xf32>
        %parallel_loop3A_219 = arith.addi %parallel_loop3A_144, %parallel_loop3A_215 : vector<16xi32>
        tpu.vector_store_idx %arg6[%parallel_loop3A_219], %parallel_loop3A_218 : memref<33168xf32, #tpu.memory_space<vmem>>[vector<16xi32>], vector<16xf32>,
        %parallel_loop3A_220 = arith.constant 160 : i32
        %parallel_loop3A_221 = vector.broadcast %parallel_loop3A_220 : i32 to vector<16xi32>
        %parallel_loop3A_222 = arith.addi %iota3A, %parallel_loop3A_221 : vector<16xi32>
        %parallel_loop3A_223 = arith.addi %parallel_loop3A_135, %parallel_loop3A_222 : vector<16xi32>
        %parallel_loop3A_224 = tpu.vector_load_idx %arg4[%parallel_loop3A_223] : memref<528xf32, #tpu.memory_space<vmem>>[vector<16xi32>], vector<16xf32>,
        %parallel_loop3A_225 = arith.mulf %parallel_loop3A_154, %parallel_loop3A_224 : vector<16xf32>
        %parallel_loop3A_226 = arith.addi %parallel_loop3A_144, %parallel_loop3A_222 : vector<16xi32>
        tpu.vector_store_idx %arg6[%parallel_loop3A_226], %parallel_loop3A_225 : memref<33168xf32, #tpu.memory_space<vmem>>[vector<16xi32>], vector<16xf32>,
        %parallel_loop3A_227 = arith.constant 176 : i32
        %parallel_loop3A_228 = vector.broadcast %parallel_loop3A_227 : i32 to vector<16xi32>
        %parallel_loop3A_229 = arith.addi %iota3A, %parallel_loop3A_228 : vector<16xi32>
        %parallel_loop3A_230 = arith.addi %parallel_loop3A_135, %parallel_loop3A_229 : vector<16xi32>
        %parallel_loop3A_231 = tpu.vector_load_idx %arg4[%parallel_loop3A_230] : memref<528xf32, #tpu.memory_space<vmem>>[vector<16xi32>], vector<16xf32>,
        %parallel_loop3A_232 = arith.mulf %parallel_loop3A_154, %parallel_loop3A_231 : vector<16xf32>
        %parallel_loop3A_233 = arith.addi %parallel_loop3A_144, %parallel_loop3A_229 : vector<16xi32>
        tpu.vector_store_idx %arg6[%parallel_loop3A_233], %parallel_loop3A_232 : memref<33168xf32, #tpu.memory_space<vmem>>[vector<16xi32>], vector<16xf32>,
        %parallel_loop3A_234 = arith.constant 192 : i32
        %parallel_loop3A_235 = vector.broadcast %parallel_loop3A_234 : i32 to vector<16xi32>
        %parallel_loop3A_236 = arith.addi %iota3A, %parallel_loop3A_235 : vector<16xi32>
        %parallel_loop3A_237 = arith.addi %parallel_loop3A_135, %parallel_loop3A_236 : vector<16xi32>
        %parallel_loop3A_238 = tpu.vector_load_idx %arg4[%parallel_loop3A_237] : memref<528xf32, #tpu.memory_space<vmem>>[vector<16xi32>], vector<16xf32>,
        %parallel_loop3A_239 = arith.mulf %parallel_loop3A_154, %parallel_loop3A_238 : vector<16xf32>
        %parallel_loop3A_240 = arith.addi %parallel_loop3A_144, %parallel_loop3A_236 : vector<16xi32>
        %parallel_loop3A_241 = arith.constant 192 : i32
        %parallel_loop3A_242 = arith.subi %parallel_loop3A_146, %parallel_loop3A_241 : i32
        %parallel_loop3A_243 = vector.broadcast %parallel_loop3A_242 : i32 to vector<16xi32>
        %parallel_loop3A_244 = arith.cmpi slt, %iota3A, %parallel_loop3A_243 : vector<16xi32>
        tpu.vector_store_idx %arg6[%parallel_loop3A_240], %parallel_loop3A_239 masked %parallel_loop3A_244 : memref<33168xf32, #tpu.memory_space<vmem>>[vector<16xi32>], vector<16xf32>, vector<16xi1>
        %parallel_loop3A_245 = arith.constant 208 : i32
        %parallel_loop3A_246 = vector.broadcast %parallel_loop3A_245 : i32 to vector<16xi32>
        %parallel_loop3A_247 = arith.addi %iota3A, %parallel_loop3A_246 : vector<16xi32>
        %parallel_loop3A_248 = arith.addi %parallel_loop3A_135, %parallel_loop3A_247 : vector<16xi32>
        %parallel_loop3A_249 = tpu.vector_load_idx %arg4[%parallel_loop3A_248] : memref<528xf32, #tpu.memory_space<vmem>>[vector<16xi32>], vector<16xf32>,
        %parallel_loop3A_250 = arith.mulf %parallel_loop3A_154, %parallel_loop3A_249 : vector<16xf32>
        %parallel_loop3A_251 = arith.addi %parallel_loop3A_144, %parallel_loop3A_247 : vector<16xi32>
        %parallel_loop3A_252 = arith.constant 208 : i32
        %parallel_loop3A_253 = arith.subi %parallel_loop3A_146, %parallel_loop3A_252 : i32
        %parallel_loop3A_254 = vector.broadcast %parallel_loop3A_253 : i32 to vector<16xi32>
        %parallel_loop3A_255 = arith.cmpi slt, %iota3A, %parallel_loop3A_254 : vector<16xi32>
        tpu.vector_store_idx %arg6[%parallel_loop3A_251], %parallel_loop3A_250 masked %parallel_loop3A_255 : memref<33168xf32, #tpu.memory_space<vmem>>[vector<16xi32>], vector<16xf32>, vector<16xi1>
        %parallel_loop3A_256 = arith.constant 224 : i32
        %parallel_loop3A_257 = vector.broadcast %parallel_loop3A_256 : i32 to vector<16xi32>
        %parallel_loop3A_258 = arith.addi %iota3A, %parallel_loop3A_257 : vector<16xi32>
        %parallel_loop3A_259 = arith.addi %parallel_loop3A_135, %parallel_loop3A_258 : vector<16xi32>
        %parallel_loop3A_260 = tpu.vector_load_idx %arg4[%parallel_loop3A_259] : memref<528xf32, #tpu.memory_space<vmem>>[vector<16xi32>], vector<16xf32>,
        %parallel_loop3A_261 = arith.mulf %parallel_loop3A_154, %parallel_loop3A_260 : vector<16xf32>
        %parallel_loop3A_262 = arith.addi %parallel_loop3A_144, %parallel_loop3A_258 : vector<16xi32>
        %parallel_loop3A_263 = arith.constant 224 : i32
        %parallel_loop3A_264 = arith.subi %parallel_loop3A_146, %parallel_loop3A_263 : i32
        %parallel_loop3A_265 = vector.broadcast %parallel_loop3A_264 : i32 to vector<16xi32>
        %parallel_loop3A_266 = arith.cmpi slt, %iota3A, %parallel_loop3A_265 : vector<16xi32>
        tpu.vector_store_idx %arg6[%parallel_loop3A_262], %parallel_loop3A_261 masked %parallel_loop3A_266 : memref<33168xf32, #tpu.memory_space<vmem>>[vector<16xi32>], vector<16xf32>, vector<16xi1>
        %parallel_loop3A_267 = arith.constant 240 : i32
        %parallel_loop3A_268 = vector.broadcast %parallel_loop3A_267 : i32 to vector<16xi32>
        %parallel_loop3A_269 = arith.addi %iota3A, %parallel_loop3A_268 : vector<16xi32>
        %parallel_loop3A_270 = arith.addi %parallel_loop3A_135, %parallel_loop3A_269 : vector<16xi32>
        %parallel_loop3A_271 = tpu.vector_load_idx %arg4[%parallel_loop3A_270] : memref<528xf32, #tpu.memory_space<vmem>>[vector<16xi32>], vector<16xf32>,
        %parallel_loop3A_272 = arith.mulf %parallel_loop3A_154, %parallel_loop3A_271 : vector<16xf32>
        %parallel_loop3A_273 = arith.addi %parallel_loop3A_144, %parallel_loop3A_269 : vector<16xi32>
        %parallel_loop3A_274 = arith.constant 240 : i32
        %parallel_loop3A_275 = arith.subi %parallel_loop3A_146, %parallel_loop3A_274 : i32
        %parallel_loop3A_276 = vector.broadcast %parallel_loop3A_275 : i32 to vector<16xi32>
        %parallel_loop3A_277 = arith.cmpi slt, %iota3A, %parallel_loop3A_276 : vector<16xi32>
        tpu.vector_store_idx %arg6[%parallel_loop3A_273], %parallel_loop3A_272 masked %parallel_loop3A_277 : memref<33168xf32, #tpu.memory_space<vmem>>[vector<16xi32>], vector<16xf32>, vector<16xi1>
      } {sc.loop_unroll_factor = 1 : i64, sc.parallel_access}
      %parallel_loop3A_65 = arith.constant 0 : i32
      %parallel_loop3A_66 = arith.constant 64 : i32
      %parallel_loop3A_67 = arith.constant 1 : i32
      scf.for %parallel_loop3A_132 = %parallel_loop3A_65 to %parallel_loop3A_66 step %parallel_loop3A_67  : i32 {
        %parallel_loop3A_133 = arith.constant 64 : i32
        %parallel_loop3A_134 = arith.addi %parallel_loop3A_133, %parallel_loop3A_132 : i32
        %parallel_loop3A_135 = vector.broadcast %parallel_loop3A_134 : i32 to vector<16xi32>
        %parallel_loop3A_136 = arith.constant 8 : i32
        %parallel_loop3A_137 = arith.shli %parallel_loop3A_134, %parallel_loop3A_136 : i32
        %parallel_loop3A_138 = arith.constant 1 : i32
        %parallel_loop3A_139 = arith.subi %parallel_loop3A_134, %parallel_loop3A_138 : i32
        %parallel_loop3A_140 = arith.muli %parallel_loop3A_134, %parallel_loop3A_139 : i32
        %parallel_loop3A_141 = arith.constant 1 : i32
        %parallel_loop3A_142 = arith.shrui %parallel_loop3A_140, %parallel_loop3A_141 : i32
        %parallel_loop3A_143 = arith.subi %parallel_loop3A_137, %parallel_loop3A_142 : i32
        %parallel_loop3A_144 = vector.broadcast %parallel_loop3A_143 : i32 to vector<16xi32>
        %parallel_loop3A_145 = arith.constant 256 : i32
        %parallel_loop3A_146 = arith.subi %parallel_loop3A_145, %parallel_loop3A_134 : i32
        %parallel_loop3A_147 = arith.constant 0 : i32
        %parallel_loop3A_148 = vector.broadcast %parallel_loop3A_147 : i32 to vector<16xi32>
        %parallel_loop3A_149 = arith.addi %iota3A, %parallel_loop3A_148 : vector<16xi32>
        %parallel_loop3A_150 = arith.addi %parallel_loop3A_135, %parallel_loop3A_149 : vector<16xi32>
        %parallel_loop3A_151 = tpu.vector_load_idx %arg4[%parallel_loop3A_150] : memref<528xf32, #tpu.memory_space<vmem>>[vector<16xi32>], vector<16xf32>,
        %parallel_loop3A_152 = vector.extract_strided_slice %parallel_loop3A_151 {offsets = [0], sizes = [1], strides = [1]} : vector<16xf32> to vector<1xf32>
        %parallel_loop3A_153 = vector.extract %parallel_loop3A_152[0] : f32 from vector<1xf32>
        %parallel_loop3A_154 = vector.broadcast %parallel_loop3A_153 : f32 to vector<16xf32>
        %parallel_loop3A_155 = arith.mulf %parallel_loop3A_154, %parallel_loop3A_151 : vector<16xf32>
        %parallel_loop3A_156 = arith.addi %parallel_loop3A_144, %parallel_loop3A_149 : vector<16xi32>
        tpu.vector_store_idx %arg6[%parallel_loop3A_156], %parallel_loop3A_155 : memref<33168xf32, #tpu.memory_space<vmem>>[vector<16xi32>], vector<16xf32>,
        %parallel_loop3A_157 = arith.constant 16 : i32
        %parallel_loop3A_158 = vector.broadcast %parallel_loop3A_157 : i32 to vector<16xi32>
        %parallel_loop3A_159 = arith.addi %iota3A, %parallel_loop3A_158 : vector<16xi32>
        %parallel_loop3A_160 = arith.addi %parallel_loop3A_135, %parallel_loop3A_159 : vector<16xi32>
        %parallel_loop3A_161 = tpu.vector_load_idx %arg4[%parallel_loop3A_160] : memref<528xf32, #tpu.memory_space<vmem>>[vector<16xi32>], vector<16xf32>,
        %parallel_loop3A_162 = arith.mulf %parallel_loop3A_154, %parallel_loop3A_161 : vector<16xf32>
        %parallel_loop3A_163 = arith.addi %parallel_loop3A_144, %parallel_loop3A_159 : vector<16xi32>
        tpu.vector_store_idx %arg6[%parallel_loop3A_163], %parallel_loop3A_162 : memref<33168xf32, #tpu.memory_space<vmem>>[vector<16xi32>], vector<16xf32>,
        %parallel_loop3A_164 = arith.constant 32 : i32
        %parallel_loop3A_165 = vector.broadcast %parallel_loop3A_164 : i32 to vector<16xi32>
        %parallel_loop3A_166 = arith.addi %iota3A, %parallel_loop3A_165 : vector<16xi32>
        %parallel_loop3A_167 = arith.addi %parallel_loop3A_135, %parallel_loop3A_166 : vector<16xi32>
        %parallel_loop3A_168 = tpu.vector_load_idx %arg4[%parallel_loop3A_167] : memref<528xf32, #tpu.memory_space<vmem>>[vector<16xi32>], vector<16xf32>,
        %parallel_loop3A_169 = arith.mulf %parallel_loop3A_154, %parallel_loop3A_168 : vector<16xf32>
        %parallel_loop3A_170 = arith.addi %parallel_loop3A_144, %parallel_loop3A_166 : vector<16xi32>
        tpu.vector_store_idx %arg6[%parallel_loop3A_170], %parallel_loop3A_169 : memref<33168xf32, #tpu.memory_space<vmem>>[vector<16xi32>], vector<16xf32>,
        %parallel_loop3A_171 = arith.constant 48 : i32
        %parallel_loop3A_172 = vector.broadcast %parallel_loop3A_171 : i32 to vector<16xi32>
        %parallel_loop3A_173 = arith.addi %iota3A, %parallel_loop3A_172 : vector<16xi32>
        %parallel_loop3A_174 = arith.addi %parallel_loop3A_135, %parallel_loop3A_173 : vector<16xi32>
        %parallel_loop3A_175 = tpu.vector_load_idx %arg4[%parallel_loop3A_174] : memref<528xf32, #tpu.memory_space<vmem>>[vector<16xi32>], vector<16xf32>,
        %parallel_loop3A_176 = arith.mulf %parallel_loop3A_154, %parallel_loop3A_175 : vector<16xf32>
        %parallel_loop3A_177 = arith.addi %parallel_loop3A_144, %parallel_loop3A_173 : vector<16xi32>
        tpu.vector_store_idx %arg6[%parallel_loop3A_177], %parallel_loop3A_176 : memref<33168xf32, #tpu.memory_space<vmem>>[vector<16xi32>], vector<16xf32>,
        %parallel_loop3A_178 = arith.constant 64 : i32
        %parallel_loop3A_179 = vector.broadcast %parallel_loop3A_178 : i32 to vector<16xi32>
        %parallel_loop3A_180 = arith.addi %iota3A, %parallel_loop3A_179 : vector<16xi32>
        %parallel_loop3A_181 = arith.addi %parallel_loop3A_135, %parallel_loop3A_180 : vector<16xi32>
        %parallel_loop3A_182 = tpu.vector_load_idx %arg4[%parallel_loop3A_181] : memref<528xf32, #tpu.memory_space<vmem>>[vector<16xi32>], vector<16xf32>,
        %parallel_loop3A_183 = arith.mulf %parallel_loop3A_154, %parallel_loop3A_182 : vector<16xf32>
        %parallel_loop3A_184 = arith.addi %parallel_loop3A_144, %parallel_loop3A_180 : vector<16xi32>
        tpu.vector_store_idx %arg6[%parallel_loop3A_184], %parallel_loop3A_183 : memref<33168xf32, #tpu.memory_space<vmem>>[vector<16xi32>], vector<16xf32>,
        %parallel_loop3A_185 = arith.constant 80 : i32
        %parallel_loop3A_186 = vector.broadcast %parallel_loop3A_185 : i32 to vector<16xi32>
        %parallel_loop3A_187 = arith.addi %iota3A, %parallel_loop3A_186 : vector<16xi32>
        %parallel_loop3A_188 = arith.addi %parallel_loop3A_135, %parallel_loop3A_187 : vector<16xi32>
        %parallel_loop3A_189 = tpu.vector_load_idx %arg4[%parallel_loop3A_188] : memref<528xf32, #tpu.memory_space<vmem>>[vector<16xi32>], vector<16xf32>,
        %parallel_loop3A_190 = arith.mulf %parallel_loop3A_154, %parallel_loop3A_189 : vector<16xf32>
        %parallel_loop3A_191 = arith.addi %parallel_loop3A_144, %parallel_loop3A_187 : vector<16xi32>
        tpu.vector_store_idx %arg6[%parallel_loop3A_191], %parallel_loop3A_190 : memref<33168xf32, #tpu.memory_space<vmem>>[vector<16xi32>], vector<16xf32>,
        %parallel_loop3A_192 = arith.constant 96 : i32
        %parallel_loop3A_193 = vector.broadcast %parallel_loop3A_192 : i32 to vector<16xi32>
        %parallel_loop3A_194 = arith.addi %iota3A, %parallel_loop3A_193 : vector<16xi32>
        %parallel_loop3A_195 = arith.addi %parallel_loop3A_135, %parallel_loop3A_194 : vector<16xi32>
        %parallel_loop3A_196 = tpu.vector_load_idx %arg4[%parallel_loop3A_195] : memref<528xf32, #tpu.memory_space<vmem>>[vector<16xi32>], vector<16xf32>,
        %parallel_loop3A_197 = arith.mulf %parallel_loop3A_154, %parallel_loop3A_196 : vector<16xf32>
        %parallel_loop3A_198 = arith.addi %parallel_loop3A_144, %parallel_loop3A_194 : vector<16xi32>
        tpu.vector_store_idx %arg6[%parallel_loop3A_198], %parallel_loop3A_197 : memref<33168xf32, #tpu.memory_space<vmem>>[vector<16xi32>], vector<16xf32>,
        %parallel_loop3A_199 = arith.constant 112 : i32
        %parallel_loop3A_200 = vector.broadcast %parallel_loop3A_199 : i32 to vector<16xi32>
        %parallel_loop3A_201 = arith.addi %iota3A, %parallel_loop3A_200 : vector<16xi32>
        %parallel_loop3A_202 = arith.addi %parallel_loop3A_135, %parallel_loop3A_201 : vector<16xi32>
        %parallel_loop3A_203 = tpu.vector_load_idx %arg4[%parallel_loop3A_202] : memref<528xf32, #tpu.memory_space<vmem>>[vector<16xi32>], vector<16xf32>,
        %parallel_loop3A_204 = arith.mulf %parallel_loop3A_154, %parallel_loop3A_203 : vector<16xf32>
        %parallel_loop3A_205 = arith.addi %parallel_loop3A_144, %parallel_loop3A_201 : vector<16xi32>
        tpu.vector_store_idx %arg6[%parallel_loop3A_205], %parallel_loop3A_204 : memref<33168xf32, #tpu.memory_space<vmem>>[vector<16xi32>], vector<16xf32>,
        %parallel_loop3A_206 = arith.constant 128 : i32
        %parallel_loop3A_207 = vector.broadcast %parallel_loop3A_206 : i32 to vector<16xi32>
        %parallel_loop3A_208 = arith.addi %iota3A, %parallel_loop3A_207 : vector<16xi32>
        %parallel_loop3A_209 = arith.addi %parallel_loop3A_135, %parallel_loop3A_208 : vector<16xi32>
        %parallel_loop3A_210 = tpu.vector_load_idx %arg4[%parallel_loop3A_209] : memref<528xf32, #tpu.memory_space<vmem>>[vector<16xi32>], vector<16xf32>,
        %parallel_loop3A_211 = arith.mulf %parallel_loop3A_154, %parallel_loop3A_210 : vector<16xf32>
        %parallel_loop3A_212 = arith.addi %parallel_loop3A_144, %parallel_loop3A_208 : vector<16xi32>
        %parallel_loop3A_213 = arith.constant 128 : i32
        %parallel_loop3A_214 = arith.subi %parallel_loop3A_146, %parallel_loop3A_213 : i32
        %parallel_loop3A_215 = vector.broadcast %parallel_loop3A_214 : i32 to vector<16xi32>
        %parallel_loop3A_216 = arith.cmpi slt, %iota3A, %parallel_loop3A_215 : vector<16xi32>
        tpu.vector_store_idx %arg6[%parallel_loop3A_212], %parallel_loop3A_211 masked %parallel_loop3A_216 : memref<33168xf32, #tpu.memory_space<vmem>>[vector<16xi32>], vector<16xf32>, vector<16xi1>
        %parallel_loop3A_217 = arith.constant 144 : i32
        %parallel_loop3A_218 = vector.broadcast %parallel_loop3A_217 : i32 to vector<16xi32>
        %parallel_loop3A_219 = arith.addi %iota3A, %parallel_loop3A_218 : vector<16xi32>
        %parallel_loop3A_220 = arith.addi %parallel_loop3A_135, %parallel_loop3A_219 : vector<16xi32>
        %parallel_loop3A_221 = tpu.vector_load_idx %arg4[%parallel_loop3A_220] : memref<528xf32, #tpu.memory_space<vmem>>[vector<16xi32>], vector<16xf32>,
        %parallel_loop3A_222 = arith.mulf %parallel_loop3A_154, %parallel_loop3A_221 : vector<16xf32>
        %parallel_loop3A_223 = arith.addi %parallel_loop3A_144, %parallel_loop3A_219 : vector<16xi32>
        %parallel_loop3A_224 = arith.constant 144 : i32
        %parallel_loop3A_225 = arith.subi %parallel_loop3A_146, %parallel_loop3A_224 : i32
        %parallel_loop3A_226 = vector.broadcast %parallel_loop3A_225 : i32 to vector<16xi32>
        %parallel_loop3A_227 = arith.cmpi slt, %iota3A, %parallel_loop3A_226 : vector<16xi32>
        tpu.vector_store_idx %arg6[%parallel_loop3A_223], %parallel_loop3A_222 masked %parallel_loop3A_227 : memref<33168xf32, #tpu.memory_space<vmem>>[vector<16xi32>], vector<16xf32>, vector<16xi1>
        %parallel_loop3A_228 = arith.constant 160 : i32
        %parallel_loop3A_229 = vector.broadcast %parallel_loop3A_228 : i32 to vector<16xi32>
        %parallel_loop3A_230 = arith.addi %iota3A, %parallel_loop3A_229 : vector<16xi32>
        %parallel_loop3A_231 = arith.addi %parallel_loop3A_135, %parallel_loop3A_230 : vector<16xi32>
        %parallel_loop3A_232 = tpu.vector_load_idx %arg4[%parallel_loop3A_231] : memref<528xf32, #tpu.memory_space<vmem>>[vector<16xi32>], vector<16xf32>,
        %parallel_loop3A_233 = arith.mulf %parallel_loop3A_154, %parallel_loop3A_232 : vector<16xf32>
        %parallel_loop3A_234 = arith.addi %parallel_loop3A_144, %parallel_loop3A_230 : vector<16xi32>
        %parallel_loop3A_235 = arith.constant 160 : i32
        %parallel_loop3A_236 = arith.subi %parallel_loop3A_146, %parallel_loop3A_235 : i32
        %parallel_loop3A_237 = vector.broadcast %parallel_loop3A_236 : i32 to vector<16xi32>
        %parallel_loop3A_238 = arith.cmpi slt, %iota3A, %parallel_loop3A_237 : vector<16xi32>
        tpu.vector_store_idx %arg6[%parallel_loop3A_234], %parallel_loop3A_233 masked %parallel_loop3A_238 : memref<33168xf32, #tpu.memory_space<vmem>>[vector<16xi32>], vector<16xf32>, vector<16xi1>
        %parallel_loop3A_239 = arith.constant 176 : i32
        %parallel_loop3A_240 = vector.broadcast %parallel_loop3A_239 : i32 to vector<16xi32>
        %parallel_loop3A_241 = arith.addi %iota3A, %parallel_loop3A_240 : vector<16xi32>
        %parallel_loop3A_242 = arith.addi %parallel_loop3A_135, %parallel_loop3A_241 : vector<16xi32>
        %parallel_loop3A_243 = tpu.vector_load_idx %arg4[%parallel_loop3A_242] : memref<528xf32, #tpu.memory_space<vmem>>[vector<16xi32>], vector<16xf32>,
        %parallel_loop3A_244 = arith.mulf %parallel_loop3A_154, %parallel_loop3A_243 : vector<16xf32>
        %parallel_loop3A_245 = arith.addi %parallel_loop3A_144, %parallel_loop3A_241 : vector<16xi32>
        %parallel_loop3A_246 = arith.constant 176 : i32
        %parallel_loop3A_247 = arith.subi %parallel_loop3A_146, %parallel_loop3A_246 : i32
        %parallel_loop3A_248 = vector.broadcast %parallel_loop3A_247 : i32 to vector<16xi32>
        %parallel_loop3A_249 = arith.cmpi slt, %iota3A, %parallel_loop3A_248 : vector<16xi32>
        tpu.vector_store_idx %arg6[%parallel_loop3A_245], %parallel_loop3A_244 masked %parallel_loop3A_249 : memref<33168xf32, #tpu.memory_space<vmem>>[vector<16xi32>], vector<16xf32>, vector<16xi1>
      } {sc.loop_unroll_factor = 1 : i64, sc.parallel_access}
      %parallel_loop3A_68 = arith.constant 0 : i32
      %parallel_loop3A_69 = arith.constant 64 : i32
      %parallel_loop3A_70 = arith.constant 1 : i32
      scf.for %parallel_loop3A_132 = %parallel_loop3A_68 to %parallel_loop3A_69 step %parallel_loop3A_70  : i32 {
        %parallel_loop3A_133 = arith.constant 128 : i32
        %parallel_loop3A_134 = arith.addi %parallel_loop3A_133, %parallel_loop3A_132 : i32
        %parallel_loop3A_135 = vector.broadcast %parallel_loop3A_134 : i32 to vector<16xi32>
        %parallel_loop3A_136 = arith.constant 8 : i32
        %parallel_loop3A_137 = arith.shli %parallel_loop3A_134, %parallel_loop3A_136 : i32
        %parallel_loop3A_138 = arith.constant 1 : i32
        %parallel_loop3A_139 = arith.subi %parallel_loop3A_134, %parallel_loop3A_138 : i32
        %parallel_loop3A_140 = arith.muli %parallel_loop3A_134, %parallel_loop3A_139 : i32
        %parallel_loop3A_141 = arith.constant 1 : i32
        %parallel_loop3A_142 = arith.shrui %parallel_loop3A_140, %parallel_loop3A_141 : i32
        %parallel_loop3A_143 = arith.subi %parallel_loop3A_137, %parallel_loop3A_142 : i32
        %parallel_loop3A_144 = vector.broadcast %parallel_loop3A_143 : i32 to vector<16xi32>
        %parallel_loop3A_145 = arith.constant 256 : i32
        %parallel_loop3A_146 = arith.subi %parallel_loop3A_145, %parallel_loop3A_134 : i32
        %parallel_loop3A_147 = arith.constant 0 : i32
        %parallel_loop3A_148 = vector.broadcast %parallel_loop3A_147 : i32 to vector<16xi32>
        %parallel_loop3A_149 = arith.addi %iota3A, %parallel_loop3A_148 : vector<16xi32>
        %parallel_loop3A_150 = arith.addi %parallel_loop3A_135, %parallel_loop3A_149 : vector<16xi32>
        %parallel_loop3A_151 = tpu.vector_load_idx %arg4[%parallel_loop3A_150] : memref<528xf32, #tpu.memory_space<vmem>>[vector<16xi32>], vector<16xf32>,
        %parallel_loop3A_152 = vector.extract_strided_slice %parallel_loop3A_151 {offsets = [0], sizes = [1], strides = [1]} : vector<16xf32> to vector<1xf32>
        %parallel_loop3A_153 = vector.extract %parallel_loop3A_152[0] : f32 from vector<1xf32>
        %parallel_loop3A_154 = vector.broadcast %parallel_loop3A_153 : f32 to vector<16xf32>
        %parallel_loop3A_155 = arith.addi %parallel_loop3A_144, %parallel_loop3A_149 : vector<16xi32>
        %parallel_loop3A_156 = arith.mulf %parallel_loop3A_154, %parallel_loop3A_151 : vector<16xf32>
        %parallel_loop3A_157 = arith.constant 0 : i32
        %parallel_loop3A_158 = arith.subi %parallel_loop3A_146, %parallel_loop3A_157 : i32
        %parallel_loop3A_159 = vector.broadcast %parallel_loop3A_158 : i32 to vector<16xi32>
        %parallel_loop3A_160 = arith.cmpi slt, %iota3A, %parallel_loop3A_159 : vector<16xi32>
        tpu.vector_store_idx %arg6[%parallel_loop3A_155], %parallel_loop3A_156 masked %parallel_loop3A_160 : memref<33168xf32, #tpu.memory_space<vmem>>[vector<16xi32>], vector<16xf32>, vector<16xi1>
        %parallel_loop3A_161 = arith.constant 16 : i32
        %parallel_loop3A_162 = vector.broadcast %parallel_loop3A_161 : i32 to vector<16xi32>
        %parallel_loop3A_163 = arith.addi %iota3A, %parallel_loop3A_162 : vector<16xi32>
        %parallel_loop3A_164 = arith.addi %parallel_loop3A_135, %parallel_loop3A_163 : vector<16xi32>
        %parallel_loop3A_165 = tpu.vector_load_idx %arg4[%parallel_loop3A_164] : memref<528xf32, #tpu.memory_space<vmem>>[vector<16xi32>], vector<16xf32>,
        %parallel_loop3A_166 = arith.addi %parallel_loop3A_144, %parallel_loop3A_163 : vector<16xi32>
        %parallel_loop3A_167 = arith.mulf %parallel_loop3A_154, %parallel_loop3A_165 : vector<16xf32>
        %parallel_loop3A_168 = arith.constant 16 : i32
        %parallel_loop3A_169 = arith.subi %parallel_loop3A_146, %parallel_loop3A_168 : i32
        %parallel_loop3A_170 = vector.broadcast %parallel_loop3A_169 : i32 to vector<16xi32>
        %parallel_loop3A_171 = arith.cmpi slt, %iota3A, %parallel_loop3A_170 : vector<16xi32>
        tpu.vector_store_idx %arg6[%parallel_loop3A_166], %parallel_loop3A_167 masked %parallel_loop3A_171 : memref<33168xf32, #tpu.memory_space<vmem>>[vector<16xi32>], vector<16xf32>, vector<16xi1>
        %parallel_loop3A_172 = arith.constant 32 : i32
        %parallel_loop3A_173 = vector.broadcast %parallel_loop3A_172 : i32 to vector<16xi32>
        %parallel_loop3A_174 = arith.addi %iota3A, %parallel_loop3A_173 : vector<16xi32>
        %parallel_loop3A_175 = arith.addi %parallel_loop3A_135, %parallel_loop3A_174 : vector<16xi32>
        %parallel_loop3A_176 = tpu.vector_load_idx %arg4[%parallel_loop3A_175] : memref<528xf32, #tpu.memory_space<vmem>>[vector<16xi32>], vector<16xf32>,
        %parallel_loop3A_177 = arith.addi %parallel_loop3A_144, %parallel_loop3A_174 : vector<16xi32>
        %parallel_loop3A_178 = arith.mulf %parallel_loop3A_154, %parallel_loop3A_176 : vector<16xf32>
        %parallel_loop3A_179 = arith.constant 32 : i32
        %parallel_loop3A_180 = arith.subi %parallel_loop3A_146, %parallel_loop3A_179 : i32
        %parallel_loop3A_181 = vector.broadcast %parallel_loop3A_180 : i32 to vector<16xi32>
        %parallel_loop3A_182 = arith.cmpi slt, %iota3A, %parallel_loop3A_181 : vector<16xi32>
        tpu.vector_store_idx %arg6[%parallel_loop3A_177], %parallel_loop3A_178 masked %parallel_loop3A_182 : memref<33168xf32, #tpu.memory_space<vmem>>[vector<16xi32>], vector<16xf32>, vector<16xi1>
        %parallel_loop3A_183 = arith.constant 48 : i32
        %parallel_loop3A_184 = vector.broadcast %parallel_loop3A_183 : i32 to vector<16xi32>
        %parallel_loop3A_185 = arith.addi %iota3A, %parallel_loop3A_184 : vector<16xi32>
        %parallel_loop3A_186 = arith.addi %parallel_loop3A_135, %parallel_loop3A_185 : vector<16xi32>
        %parallel_loop3A_187 = tpu.vector_load_idx %arg4[%parallel_loop3A_186] : memref<528xf32, #tpu.memory_space<vmem>>[vector<16xi32>], vector<16xf32>,
        %parallel_loop3A_188 = arith.addi %parallel_loop3A_144, %parallel_loop3A_185 : vector<16xi32>
        %parallel_loop3A_189 = arith.mulf %parallel_loop3A_154, %parallel_loop3A_187 : vector<16xf32>
        %parallel_loop3A_190 = arith.constant 48 : i32
        %parallel_loop3A_191 = arith.subi %parallel_loop3A_146, %parallel_loop3A_190 : i32
        %parallel_loop3A_192 = vector.broadcast %parallel_loop3A_191 : i32 to vector<16xi32>
        %parallel_loop3A_193 = arith.cmpi slt, %iota3A, %parallel_loop3A_192 : vector<16xi32>
        tpu.vector_store_idx %arg6[%parallel_loop3A_188], %parallel_loop3A_189 masked %parallel_loop3A_193 : memref<33168xf32, #tpu.memory_space<vmem>>[vector<16xi32>], vector<16xf32>, vector<16xi1>
        %parallel_loop3A_194 = arith.constant 64 : i32
        %parallel_loop3A_195 = vector.broadcast %parallel_loop3A_194 : i32 to vector<16xi32>
        %parallel_loop3A_196 = arith.addi %iota3A, %parallel_loop3A_195 : vector<16xi32>
        %parallel_loop3A_197 = arith.addi %parallel_loop3A_135, %parallel_loop3A_196 : vector<16xi32>
        %parallel_loop3A_198 = tpu.vector_load_idx %arg4[%parallel_loop3A_197] : memref<528xf32, #tpu.memory_space<vmem>>[vector<16xi32>], vector<16xf32>,
        %parallel_loop3A_199 = arith.addi %parallel_loop3A_144, %parallel_loop3A_196 : vector<16xi32>
        %parallel_loop3A_200 = arith.mulf %parallel_loop3A_154, %parallel_loop3A_198 : vector<16xf32>
        %parallel_loop3A_201 = arith.constant 64 : i32
        %parallel_loop3A_202 = arith.subi %parallel_loop3A_146, %parallel_loop3A_201 : i32
        %parallel_loop3A_203 = vector.broadcast %parallel_loop3A_202 : i32 to vector<16xi32>
        %parallel_loop3A_204 = arith.cmpi slt, %iota3A, %parallel_loop3A_203 : vector<16xi32>
        tpu.vector_store_idx %arg6[%parallel_loop3A_199], %parallel_loop3A_200 masked %parallel_loop3A_204 : memref<33168xf32, #tpu.memory_space<vmem>>[vector<16xi32>], vector<16xf32>, vector<16xi1>
        %parallel_loop3A_205 = arith.constant 80 : i32
        %parallel_loop3A_206 = vector.broadcast %parallel_loop3A_205 : i32 to vector<16xi32>
        %parallel_loop3A_207 = arith.addi %iota3A, %parallel_loop3A_206 : vector<16xi32>
        %parallel_loop3A_208 = arith.addi %parallel_loop3A_135, %parallel_loop3A_207 : vector<16xi32>
        %parallel_loop3A_209 = tpu.vector_load_idx %arg4[%parallel_loop3A_208] : memref<528xf32, #tpu.memory_space<vmem>>[vector<16xi32>], vector<16xf32>,
        %parallel_loop3A_210 = arith.addi %parallel_loop3A_144, %parallel_loop3A_207 : vector<16xi32>
        %parallel_loop3A_211 = arith.mulf %parallel_loop3A_154, %parallel_loop3A_209 : vector<16xf32>
        %parallel_loop3A_212 = arith.constant 80 : i32
        %parallel_loop3A_213 = arith.subi %parallel_loop3A_146, %parallel_loop3A_212 : i32
        %parallel_loop3A_214 = vector.broadcast %parallel_loop3A_213 : i32 to vector<16xi32>
        %parallel_loop3A_215 = arith.cmpi slt, %iota3A, %parallel_loop3A_214 : vector<16xi32>
        tpu.vector_store_idx %arg6[%parallel_loop3A_210], %parallel_loop3A_211 masked %parallel_loop3A_215 : memref<33168xf32, #tpu.memory_space<vmem>>[vector<16xi32>], vector<16xf32>, vector<16xi1>
        %parallel_loop3A_216 = arith.constant 96 : i32
        %parallel_loop3A_217 = vector.broadcast %parallel_loop3A_216 : i32 to vector<16xi32>
        %parallel_loop3A_218 = arith.addi %iota3A, %parallel_loop3A_217 : vector<16xi32>
        %parallel_loop3A_219 = arith.addi %parallel_loop3A_135, %parallel_loop3A_218 : vector<16xi32>
        %parallel_loop3A_220 = tpu.vector_load_idx %arg4[%parallel_loop3A_219] : memref<528xf32, #tpu.memory_space<vmem>>[vector<16xi32>], vector<16xf32>,
        %parallel_loop3A_221 = arith.addi %parallel_loop3A_144, %parallel_loop3A_218 : vector<16xi32>
        %parallel_loop3A_222 = arith.mulf %parallel_loop3A_154, %parallel_loop3A_220 : vector<16xf32>
        %parallel_loop3A_223 = arith.constant 96 : i32
        %parallel_loop3A_224 = arith.subi %parallel_loop3A_146, %parallel_loop3A_223 : i32
        %parallel_loop3A_225 = vector.broadcast %parallel_loop3A_224 : i32 to vector<16xi32>
        %parallel_loop3A_226 = arith.cmpi slt, %iota3A, %parallel_loop3A_225 : vector<16xi32>
        tpu.vector_store_idx %arg6[%parallel_loop3A_221], %parallel_loop3A_222 masked %parallel_loop3A_226 : memref<33168xf32, #tpu.memory_space<vmem>>[vector<16xi32>], vector<16xf32>, vector<16xi1>
        %parallel_loop3A_227 = arith.constant 112 : i32
        %parallel_loop3A_228 = vector.broadcast %parallel_loop3A_227 : i32 to vector<16xi32>
        %parallel_loop3A_229 = arith.addi %iota3A, %parallel_loop3A_228 : vector<16xi32>
        %parallel_loop3A_230 = arith.addi %parallel_loop3A_135, %parallel_loop3A_229 : vector<16xi32>
        %parallel_loop3A_231 = tpu.vector_load_idx %arg4[%parallel_loop3A_230] : memref<528xf32, #tpu.memory_space<vmem>>[vector<16xi32>], vector<16xf32>,
        %parallel_loop3A_232 = arith.addi %parallel_loop3A_144, %parallel_loop3A_229 : vector<16xi32>
        %parallel_loop3A_233 = arith.mulf %parallel_loop3A_154, %parallel_loop3A_231 : vector<16xf32>
        %parallel_loop3A_234 = arith.constant 112 : i32
        %parallel_loop3A_235 = arith.subi %parallel_loop3A_146, %parallel_loop3A_234 : i32
        %parallel_loop3A_236 = vector.broadcast %parallel_loop3A_235 : i32 to vector<16xi32>
        %parallel_loop3A_237 = arith.cmpi slt, %iota3A, %parallel_loop3A_236 : vector<16xi32>
        tpu.vector_store_idx %arg6[%parallel_loop3A_232], %parallel_loop3A_233 masked %parallel_loop3A_237 : memref<33168xf32, #tpu.memory_space<vmem>>[vector<16xi32>], vector<16xf32>, vector<16xi1>
      } {sc.loop_unroll_factor = 2 : i64, sc.parallel_access}
      %parallel_loop3A_71 = arith.constant 0 : i32
      %parallel_loop3A_72 = arith.constant 64 : i32
      %parallel_loop3A_73 = arith.constant 1 : i32
      scf.for %parallel_loop3A_132 = %parallel_loop3A_71 to %parallel_loop3A_72 step %parallel_loop3A_73  : i32 {
        %parallel_loop3A_133 = arith.constant 192 : i32
        %parallel_loop3A_134 = arith.addi %parallel_loop3A_133, %parallel_loop3A_132 : i32
        %parallel_loop3A_135 = vector.broadcast %parallel_loop3A_134 : i32 to vector<16xi32>
        %parallel_loop3A_136 = arith.constant 8 : i32
        %parallel_loop3A_137 = arith.shli %parallel_loop3A_134, %parallel_loop3A_136 : i32
        %parallel_loop3A_138 = arith.constant 1 : i32
        %parallel_loop3A_139 = arith.subi %parallel_loop3A_134, %parallel_loop3A_138 : i32
        %parallel_loop3A_140 = arith.muli %parallel_loop3A_134, %parallel_loop3A_139 : i32
        %parallel_loop3A_141 = arith.constant 1 : i32
        %parallel_loop3A_142 = arith.shrui %parallel_loop3A_140, %parallel_loop3A_141 : i32
        %parallel_loop3A_143 = arith.subi %parallel_loop3A_137, %parallel_loop3A_142 : i32
        %parallel_loop3A_144 = vector.broadcast %parallel_loop3A_143 : i32 to vector<16xi32>
        %parallel_loop3A_145 = arith.constant 256 : i32
        %parallel_loop3A_146 = arith.subi %parallel_loop3A_145, %parallel_loop3A_134 : i32
        %parallel_loop3A_147 = arith.constant 0 : i32
        %parallel_loop3A_148 = vector.broadcast %parallel_loop3A_147 : i32 to vector<16xi32>
        %parallel_loop3A_149 = arith.addi %iota3A, %parallel_loop3A_148 : vector<16xi32>
        %parallel_loop3A_150 = arith.addi %parallel_loop3A_135, %parallel_loop3A_149 : vector<16xi32>
        %parallel_loop3A_151 = tpu.vector_load_idx %arg4[%parallel_loop3A_150] : memref<528xf32, #tpu.memory_space<vmem>>[vector<16xi32>], vector<16xf32>,
        %parallel_loop3A_152 = vector.extract_strided_slice %parallel_loop3A_151 {offsets = [0], sizes = [1], strides = [1]} : vector<16xf32> to vector<1xf32>
        %parallel_loop3A_153 = vector.extract %parallel_loop3A_152[0] : f32 from vector<1xf32>
        %parallel_loop3A_154 = vector.broadcast %parallel_loop3A_153 : f32 to vector<16xf32>
        %parallel_loop3A_155 = arith.addi %parallel_loop3A_144, %parallel_loop3A_149 : vector<16xi32>
        %parallel_loop3A_156 = arith.mulf %parallel_loop3A_154, %parallel_loop3A_151 : vector<16xf32>
        %parallel_loop3A_157 = arith.constant 0 : i32
        %parallel_loop3A_158 = arith.subi %parallel_loop3A_146, %parallel_loop3A_157 : i32
        %parallel_loop3A_159 = vector.broadcast %parallel_loop3A_158 : i32 to vector<16xi32>
        %parallel_loop3A_160 = arith.cmpi slt, %iota3A, %parallel_loop3A_159 : vector<16xi32>
        tpu.vector_store_idx %arg6[%parallel_loop3A_155], %parallel_loop3A_156 masked %parallel_loop3A_160 : memref<33168xf32, #tpu.memory_space<vmem>>[vector<16xi32>], vector<16xf32>, vector<16xi1>
        %parallel_loop3A_161 = arith.constant 16 : i32
        %parallel_loop3A_162 = vector.broadcast %parallel_loop3A_161 : i32 to vector<16xi32>
        %parallel_loop3A_163 = arith.addi %iota3A, %parallel_loop3A_162 : vector<16xi32>
        %parallel_loop3A_164 = arith.addi %parallel_loop3A_135, %parallel_loop3A_163 : vector<16xi32>
        %parallel_loop3A_165 = tpu.vector_load_idx %arg4[%parallel_loop3A_164] : memref<528xf32, #tpu.memory_space<vmem>>[vector<16xi32>], vector<16xf32>,
        %parallel_loop3A_166 = arith.addi %parallel_loop3A_144, %parallel_loop3A_163 : vector<16xi32>
        %parallel_loop3A_167 = arith.mulf %parallel_loop3A_154, %parallel_loop3A_165 : vector<16xf32>
        %parallel_loop3A_168 = arith.constant 16 : i32
        %parallel_loop3A_169 = arith.subi %parallel_loop3A_146, %parallel_loop3A_168 : i32
        %parallel_loop3A_170 = vector.broadcast %parallel_loop3A_169 : i32 to vector<16xi32>
        %parallel_loop3A_171 = arith.cmpi slt, %iota3A, %parallel_loop3A_170 : vector<16xi32>
        tpu.vector_store_idx %arg6[%parallel_loop3A_166], %parallel_loop3A_167 masked %parallel_loop3A_171 : memref<33168xf32, #tpu.memory_space<vmem>>[vector<16xi32>], vector<16xf32>, vector<16xi1>
        %parallel_loop3A_172 = arith.constant 32 : i32
        %parallel_loop3A_173 = vector.broadcast %parallel_loop3A_172 : i32 to vector<16xi32>
        %parallel_loop3A_174 = arith.addi %iota3A, %parallel_loop3A_173 : vector<16xi32>
        %parallel_loop3A_175 = arith.addi %parallel_loop3A_135, %parallel_loop3A_174 : vector<16xi32>
        %parallel_loop3A_176 = tpu.vector_load_idx %arg4[%parallel_loop3A_175] : memref<528xf32, #tpu.memory_space<vmem>>[vector<16xi32>], vector<16xf32>,
        %parallel_loop3A_177 = arith.addi %parallel_loop3A_144, %parallel_loop3A_174 : vector<16xi32>
        %parallel_loop3A_178 = arith.mulf %parallel_loop3A_154, %parallel_loop3A_176 : vector<16xf32>
        %parallel_loop3A_179 = arith.constant 32 : i32
        %parallel_loop3A_180 = arith.subi %parallel_loop3A_146, %parallel_loop3A_179 : i32
        %parallel_loop3A_181 = vector.broadcast %parallel_loop3A_180 : i32 to vector<16xi32>
        %parallel_loop3A_182 = arith.cmpi slt, %iota3A, %parallel_loop3A_181 : vector<16xi32>
        tpu.vector_store_idx %arg6[%parallel_loop3A_177], %parallel_loop3A_178 masked %parallel_loop3A_182 : memref<33168xf32, #tpu.memory_space<vmem>>[vector<16xi32>], vector<16xf32>, vector<16xi1>
        %parallel_loop3A_183 = arith.constant 48 : i32
        %parallel_loop3A_184 = vector.broadcast %parallel_loop3A_183 : i32 to vector<16xi32>
        %parallel_loop3A_185 = arith.addi %iota3A, %parallel_loop3A_184 : vector<16xi32>
        %parallel_loop3A_186 = arith.addi %parallel_loop3A_135, %parallel_loop3A_185 : vector<16xi32>
        %parallel_loop3A_187 = tpu.vector_load_idx %arg4[%parallel_loop3A_186] : memref<528xf32, #tpu.memory_space<vmem>>[vector<16xi32>], vector<16xf32>,
        %parallel_loop3A_188 = arith.addi %parallel_loop3A_144, %parallel_loop3A_185 : vector<16xi32>
        %parallel_loop3A_189 = arith.mulf %parallel_loop3A_154, %parallel_loop3A_187 : vector<16xf32>
        %parallel_loop3A_190 = arith.constant 48 : i32
        %parallel_loop3A_191 = arith.subi %parallel_loop3A_146, %parallel_loop3A_190 : i32
        %parallel_loop3A_192 = vector.broadcast %parallel_loop3A_191 : i32 to vector<16xi32>
        %parallel_loop3A_193 = arith.cmpi slt, %iota3A, %parallel_loop3A_192 : vector<16xi32>
        tpu.vector_store_idx %arg6[%parallel_loop3A_188], %parallel_loop3A_189 masked %parallel_loop3A_193 : memref<33168xf32, #tpu.memory_space<vmem>>[vector<16xi32>], vector<16xf32>, vector<16xi1>
      } {sc.loop_unroll_factor = 4 : i64, sc.parallel_access}
      %dma_start3A_74 = arith.constant 0 : i32
      %dma_start3A_75 = tpu.memref_slice %arg6[%dma_start3A_74] : memref<33168xf32, #tpu.memory_space<vmem>> -> memref<32896xf32, #tpu.memory_space<vmem>>
      %dma_start3A_76 = arith.constant 0 : i32
      %dma_start3A_77 = tpu.memref_slice %arg3[%add3A_46, %dma_start3A_76] : memref<4096x32896xf32, #tpu.memory_space<hbm>> -> memref<1x32896xf32, #tpu.memory_space<hbm>>
      %dma_start3A_78 = tpu.memref_squeeze %dma_start3A_77 : memref<1x32896xf32, #tpu.memory_space<hbm>> -> memref<32896xf32, #tpu.memory_space<hbm>>
      %dma_start3A_79 = arith.constant 0 : i32
      %dma_start3A_80 = tpu.memref_slice %arg3[%add3A_46, %dma_start3A_79] : memref<4096x32896xf32, #tpu.memory_space<hbm>> -> memref<1x32896xf32, #tpu.memory_space<hbm>>
      %dma_start3A_81 = tpu.memref_squeeze %dma_start3A_80 : memref<1x32896xf32, #tpu.memory_space<hbm>> -> memref<32896xf32, #tpu.memory_space<hbm>>
      %dma_start3A_82 = arith.constant 0 : i32
      %dma_start3A_83 = tpu.memref_slice %arg6[%dma_start3A_82] : memref<33168xf32, #tpu.memory_space<vmem>> -> memref<32896xf32, #tpu.memory_space<vmem>>
      tpu.enqueue_dma source(%dma_start3A_83 : memref<32896xf32, #tpu.memory_space<vmem>>) target(%dma_start3A_81 : memref<32896xf32, #tpu.memory_space<hbm>>) target_semaphore(%arg10 : memref<!tpu.dma_semaphore, #tpu.memory_space<semaphore_mem>>)
      %mul3A_84 = arith.constant 2 : i32
      %mul3A_85 = arith.muli %mul3A_84, %scan3A_41 : i32
      %add3A_86 = arith.constant 1 : i32
      %add3A_87 = arith.addi %mul3A_85, %add3A_86 : i32
      %add3A_88 = arith.addi %mul3A_2, %add3A_87 : i32
      %lt3A_89 = arith.constant 127 : i32
      %lt3A_90 = arith.cmpi slt, %add3A_87, %lt3A_89 : i32
      %convert_element_type3A_91 = arith.extui %lt3A_90 : i1 to i32
      %cond3A_92 = arith.constant 0 : i32
      %cond3A_93 = arith.cmpi ne, %convert_element_type3A_91, %cond3A_92 : i32
      scf.if %cond3A_93 {
        %add3A_132 = arith.constant 1 : i32
        %add3A_133 = arith.addi %add3A_88, %add3A_132 : i32
        %dma_start3A_134 = arith.constant 0 : i32
        %dma_start3A_135 = tpu.memref_slice %arg4[%dma_start3A_134] : memref<528xf32, #tpu.memory_space<vmem>> -> memref<256xf32, #tpu.memory_space<vmem>>
        %dma_start3A_136 = arith.constant 0 : i32
        %dma_start3A_137 = tpu.memref_slice %arg2[%add3A_133, %dma_start3A_136] : memref<4096x4096xf32, #tpu.memory_space<hbm>> -> memref<1x256xf32, #tpu.memory_space<hbm>>
        %dma_start3A_138 = tpu.memref_squeeze %dma_start3A_137 : memref<1x256xf32, #tpu.memory_space<hbm>> -> memref<256xf32, #tpu.memory_space<hbm>>
        %dma_start3A_139 = arith.constant 0 : i32
        %dma_start3A_140 = tpu.memref_slice %arg4[%dma_start3A_139] : memref<528xf32, #tpu.memory_space<vmem>> -> memref<256xf32, #tpu.memory_space<vmem>>
        %dma_start3A_141 = arith.constant 0 : i32
        %dma_start3A_142 = tpu.memref_slice %arg2[%add3A_133, %dma_start3A_141] : memref<4096x4096xf32, #tpu.memory_space<hbm>> -> memref<1x256xf32, #tpu.memory_space<hbm>>
        %dma_start3A_143 = tpu.memref_squeeze %dma_start3A_142 : memref<1x256xf32, #tpu.memory_space<hbm>> -> memref<256xf32, #tpu.memory_space<hbm>>
        tpu.enqueue_dma source(%dma_start3A_143 : memref<256xf32, #tpu.memory_space<hbm>>) target(%dma_start3A_140 : memref<256xf32, #tpu.memory_space<vmem>>) target_semaphore(%arg8 : memref<!tpu.dma_semaphore, #tpu.memory_space<semaphore_mem>>)
      } else {
      }
      %dma_wait3A_94 = arith.constant 0 : i32
      %dma_wait3A_95 = tpu.memref_slice %arg5[%dma_wait3A_94] : memref<528xf32, #tpu.memory_space<vmem>> -> memref<256xf32, #tpu.memory_space<vmem>>
      %dma_wait3A_96 = arith.constant 0 : i32
      %dma_wait3A_97 = tpu.memref_slice %arg2[%add3A_88, %dma_wait3A_96] : memref<4096x4096xf32, #tpu.memory_space<hbm>> -> memref<1x256xf32, #tpu.memory_space<hbm>>
      %dma_wait3A_98 = tpu.memref_squeeze %dma_wait3A_97 : memref<1x256xf32, #tpu.memory_space<hbm>> -> memref<256xf32, #tpu.memory_space<hbm>>
      %dma_wait3A_99 = arith.constant 0 : i32
      %dma_wait3A_100 = tpu.memref_slice %arg5[%dma_wait3A_99] : memref<528xf32, #tpu.memory_space<vmem>> -> memref<256xf32, #tpu.memory_space<vmem>>
      %dma_wait3A_101 = arith.constant 0 : i32
      %dma_wait3A_102 = tpu.memref_slice %arg2[%add3A_88, %dma_wait3A_101] : memref<4096x4096xf32, #tpu.memory_space<hbm>> -> memref<1x256xf32, #tpu.memory_space<hbm>>
      %dma_wait3A_103 = tpu.memref_squeeze %dma_wait3A_102 : memref<1x256xf32, #tpu.memory_space<hbm>> -> memref<256xf32, #tpu.memory_space<hbm>>
      tpu.wait_dma2 semaphore(%arg9 : memref<!tpu.dma_semaphore, #tpu.memory_space<semaphore_mem>>) src(%dma_wait3A_103 : memref<256xf32, #tpu.memory_space<hbm>>) dst(%dma_wait3A_100 : memref<256xf32, #tpu.memory_space<vmem>>)
      %ge3A_104 = arith.constant 1 : i32
      %ge3A_105 = arith.cmpi sge, %scan3A_41, %ge3A_104 : i32
      %convert_element_type3A_106 = arith.extui %ge3A_105 : i1 to i32
      %cond3A_107 = arith.constant 0 : i32
      %cond3A_108 = arith.cmpi ne, %convert_element_type3A_106, %cond3A_107 : i32
      scf.if %cond3A_108 {
        %sub3A_132 = arith.constant 2 : i32
        %sub3A_133 = arith.subi %add3A_88, %sub3A_132 : i32
        %dma_wait3A_134 = arith.constant 0 : i32
        %dma_wait3A_135 = tpu.memref_slice %arg7[%dma_wait3A_134] : memref<33168xf32, #tpu.memory_space<vmem>> -> memref<32896xf32, #tpu.memory_space<vmem>>
        %dma_wait3A_136 = arith.constant 0 : i32
        %dma_wait3A_137 = tpu.memref_slice %arg3[%sub3A_133, %dma_wait3A_136] : memref<4096x32896xf32, #tpu.memory_space<hbm>> -> memref<1x32896xf32, #tpu.memory_space<hbm>>
        %dma_wait3A_138 = tpu.memref_squeeze %dma_wait3A_137 : memref<1x32896xf32, #tpu.memory_space<hbm>> -> memref<32896xf32, #tpu.memory_space<hbm>>
        %dma_wait3A_139 = arith.constant 0 : i32
        %dma_wait3A_140 = tpu.memref_slice %arg3[%sub3A_133, %dma_wait3A_139] : memref<4096x32896xf32, #tpu.memory_space<hbm>> -> memref<1x32896xf32, #tpu.memory_space<hbm>>
        %dma_wait3A_141 = tpu.memref_squeeze %dma_wait3A_140 : memref<1x32896xf32, #tpu.memory_space<hbm>> -> memref<32896xf32, #tpu.memory_space<hbm>>
        %dma_wait3A_142 = arith.constant 0 : i32
        %dma_wait3A_143 = tpu.memref_slice %arg7[%dma_wait3A_142] : memref<33168xf32, #tpu.memory_space<vmem>> -> memref<32896xf32, #tpu.memory_space<vmem>>
        tpu.wait_dma2 semaphore(%arg11 : memref<!tpu.dma_semaphore, #tpu.memory_space<semaphore_mem>>) src(%dma_wait3A_143 : memref<32896xf32, #tpu.memory_space<vmem>>) dst(%dma_wait3A_141 : memref<32896xf32, #tpu.memory_space<hbm>>)
      } else {
      }
      %iota3A_109 = tpu.iota {dimensions = array<i32: 0>} : vector<16xi32>
      %parallel_loop3A_110 = arith.constant 0 : i32
      %parallel_loop3A_111 = arith.constant 64 : i32
      %parallel_loop3A_112 = arith.constant 1 : i32
      scf.for %parallel_loop3A_132 = %parallel_loop3A_110 to %parallel_loop3A_111 step %parallel_loop3A_112  : i32 {
        %parallel_loop3A_133 = arith.constant 0 : i32
        %parallel_loop3A_134 = arith.addi %parallel_loop3A_133, %parallel_loop3A_132 : i32
        %parallel_loop3A_135 = vector.broadcast %parallel_loop3A_134 : i32 to vector<16xi32>
        %parallel_loop3A_136 = arith.constant 8 : i32
        %parallel_loop3A_137 = arith.shli %parallel_loop3A_134, %parallel_loop3A_136 : i32
        %parallel_loop3A_138 = arith.constant 1 : i32
        %parallel_loop3A_139 = arith.subi %parallel_loop3A_134, %parallel_loop3A_138 : i32
        %parallel_loop3A_140 = arith.muli %parallel_loop3A_134, %parallel_loop3A_139 : i32
        %parallel_loop3A_141 = arith.constant 1 : i32
        %parallel_loop3A_142 = arith.shrui %parallel_loop3A_140, %parallel_loop3A_141 : i32
        %parallel_loop3A_143 = arith.subi %parallel_loop3A_137, %parallel_loop3A_142 : i32
        %parallel_loop3A_144 = vector.broadcast %parallel_loop3A_143 : i32 to vector<16xi32>
        %parallel_loop3A_145 = arith.constant 256 : i32
        %parallel_loop3A_146 = arith.subi %parallel_loop3A_145, %parallel_loop3A_134 : i32
        %parallel_loop3A_147 = arith.constant 0 : i32
        %parallel_loop3A_148 = vector.broadcast %parallel_loop3A_147 : i32 to vector<16xi32>
        %parallel_loop3A_149 = arith.addi %iota3A_109, %parallel_loop3A_148 : vector<16xi32>
        %parallel_loop3A_150 = arith.addi %parallel_loop3A_135, %parallel_loop3A_149 : vector<16xi32>
        %parallel_loop3A_151 = tpu.vector_load_idx %arg5[%parallel_loop3A_150] : memref<528xf32, #tpu.memory_space<vmem>>[vector<16xi32>], vector<16xf32>,
        %parallel_loop3A_152 = vector.extract_strided_slice %parallel_loop3A_151 {offsets = [0], sizes = [1], strides = [1]} : vector<16xf32> to vector<1xf32>
        %parallel_loop3A_153 = vector.extract %parallel_loop3A_152[0] : f32 from vector<1xf32>
        %parallel_loop3A_154 = vector.broadcast %parallel_loop3A_153 : f32 to vector<16xf32>
        %parallel_loop3A_155 = arith.mulf %parallel_loop3A_154, %parallel_loop3A_151 : vector<16xf32>
        %parallel_loop3A_156 = arith.addi %parallel_loop3A_144, %parallel_loop3A_149 : vector<16xi32>
        tpu.vector_store_idx %arg7[%parallel_loop3A_156], %parallel_loop3A_155 : memref<33168xf32, #tpu.memory_space<vmem>>[vector<16xi32>], vector<16xf32>,
        %parallel_loop3A_157 = arith.constant 16 : i32
        %parallel_loop3A_158 = vector.broadcast %parallel_loop3A_157 : i32 to vector<16xi32>
        %parallel_loop3A_159 = arith.addi %iota3A_109, %parallel_loop3A_158 : vector<16xi32>
        %parallel_loop3A_160 = arith.addi %parallel_loop3A_135, %parallel_loop3A_159 : vector<16xi32>
        %parallel_loop3A_161 = tpu.vector_load_idx %arg5[%parallel_loop3A_160] : memref<528xf32, #tpu.memory_space<vmem>>[vector<16xi32>], vector<16xf32>,
        %parallel_loop3A_162 = arith.mulf %parallel_loop3A_154, %parallel_loop3A_161 : vector<16xf32>
        %parallel_loop3A_163 = arith.addi %parallel_loop3A_144, %parallel_loop3A_159 : vector<16xi32>
        tpu.vector_store_idx %arg7[%parallel_loop3A_163], %parallel_loop3A_162 : memref<33168xf32, #tpu.memory_space<vmem>>[vector<16xi32>], vector<16xf32>,
        %parallel_loop3A_164 = arith.constant 32 : i32
        %parallel_loop3A_165 = vector.broadcast %parallel_loop3A_164 : i32 to vector<16xi32>
        %parallel_loop3A_166 = arith.addi %iota3A_109, %parallel_loop3A_165 : vector<16xi32>
        %parallel_loop3A_167 = arith.addi %parallel_loop3A_135, %parallel_loop3A_166 : vector<16xi32>
        %parallel_loop3A_168 = tpu.vector_load_idx %arg5[%parallel_loop3A_167] : memref<528xf32, #tpu.memory_space<vmem>>[vector<16xi32>], vector<16xf32>,
        %parallel_loop3A_169 = arith.mulf %parallel_loop3A_154, %parallel_loop3A_168 : vector<16xf32>
        %parallel_loop3A_170 = arith.addi %parallel_loop3A_144, %parallel_loop3A_166 : vector<16xi32>
        tpu.vector_store_idx %arg7[%parallel_loop3A_170], %parallel_loop3A_169 : memref<33168xf32, #tpu.memory_space<vmem>>[vector<16xi32>], vector<16xf32>,
        %parallel_loop3A_171 = arith.constant 48 : i32
        %parallel_loop3A_172 = vector.broadcast %parallel_loop3A_171 : i32 to vector<16xi32>
        %parallel_loop3A_173 = arith.addi %iota3A_109, %parallel_loop3A_172 : vector<16xi32>
        %parallel_loop3A_174 = arith.addi %parallel_loop3A_135, %parallel_loop3A_173 : vector<16xi32>
        %parallel_loop3A_175 = tpu.vector_load_idx %arg5[%parallel_loop3A_174] : memref<528xf32, #tpu.memory_space<vmem>>[vector<16xi32>], vector<16xf32>,
        %parallel_loop3A_176 = arith.mulf %parallel_loop3A_154, %parallel_loop3A_175 : vector<16xf32>
        %parallel_loop3A_177 = arith.addi %parallel_loop3A_144, %parallel_loop3A_173 : vector<16xi32>
        tpu.vector_store_idx %arg7[%parallel_loop3A_177], %parallel_loop3A_176 : memref<33168xf32, #tpu.memory_space<vmem>>[vector<16xi32>], vector<16xf32>,
        %parallel_loop3A_178 = arith.constant 64 : i32
        %parallel_loop3A_179 = vector.broadcast %parallel_loop3A_178 : i32 to vector<16xi32>
        %parallel_loop3A_180 = arith.addi %iota3A_109, %parallel_loop3A_179 : vector<16xi32>
        %parallel_loop3A_181 = arith.addi %parallel_loop3A_135, %parallel_loop3A_180 : vector<16xi32>
        %parallel_loop3A_182 = tpu.vector_load_idx %arg5[%parallel_loop3A_181] : memref<528xf32, #tpu.memory_space<vmem>>[vector<16xi32>], vector<16xf32>,
        %parallel_loop3A_183 = arith.mulf %parallel_loop3A_154, %parallel_loop3A_182 : vector<16xf32>
        %parallel_loop3A_184 = arith.addi %parallel_loop3A_144, %parallel_loop3A_180 : vector<16xi32>
        tpu.vector_store_idx %arg7[%parallel_loop3A_184], %parallel_loop3A_183 : memref<33168xf32, #tpu.memory_space<vmem>>[vector<16xi32>], vector<16xf32>,
        %parallel_loop3A_185 = arith.constant 80 : i32
        %parallel_loop3A_186 = vector.broadcast %parallel_loop3A_185 : i32 to vector<16xi32>
        %parallel_loop3A_187 = arith.addi %iota3A_109, %parallel_loop3A_186 : vector<16xi32>
        %parallel_loop3A_188 = arith.addi %parallel_loop3A_135, %parallel_loop3A_187 : vector<16xi32>
        %parallel_loop3A_189 = tpu.vector_load_idx %arg5[%parallel_loop3A_188] : memref<528xf32, #tpu.memory_space<vmem>>[vector<16xi32>], vector<16xf32>,
        %parallel_loop3A_190 = arith.mulf %parallel_loop3A_154, %parallel_loop3A_189 : vector<16xf32>
        %parallel_loop3A_191 = arith.addi %parallel_loop3A_144, %parallel_loop3A_187 : vector<16xi32>
        tpu.vector_store_idx %arg7[%parallel_loop3A_191], %parallel_loop3A_190 : memref<33168xf32, #tpu.memory_space<vmem>>[vector<16xi32>], vector<16xf32>,
        %parallel_loop3A_192 = arith.constant 96 : i32
        %parallel_loop3A_193 = vector.broadcast %parallel_loop3A_192 : i32 to vector<16xi32>
        %parallel_loop3A_194 = arith.addi %iota3A_109, %parallel_loop3A_193 : vector<16xi32>
        %parallel_loop3A_195 = arith.addi %parallel_loop3A_135, %parallel_loop3A_194 : vector<16xi32>
        %parallel_loop3A_196 = tpu.vector_load_idx %arg5[%parallel_loop3A_195] : memref<528xf32, #tpu.memory_space<vmem>>[vector<16xi32>], vector<16xf32>,
        %parallel_loop3A_197 = arith.mulf %parallel_loop3A_154, %parallel_loop3A_196 : vector<16xf32>
        %parallel_loop3A_198 = arith.addi %parallel_loop3A_144, %parallel_loop3A_194 : vector<16xi32>
        tpu.vector_store_idx %arg7[%parallel_loop3A_198], %parallel_loop3A_197 : memref<33168xf32, #tpu.memory_space<vmem>>[vector<16xi32>], vector<16xf32>,
        %parallel_loop3A_199 = arith.constant 112 : i32
        %parallel_loop3A_200 = vector.broadcast %parallel_loop3A_199 : i32 to vector<16xi32>
        %parallel_loop3A_201 = arith.addi %iota3A_109, %parallel_loop3A_200 : vector<16xi32>
        %parallel_loop3A_202 = arith.addi %parallel_loop3A_135, %parallel_loop3A_201 : vector<16xi32>
        %parallel_loop3A_203 = tpu.vector_load_idx %arg5[%parallel_loop3A_202] : memref<528xf32, #tpu.memory_space<vmem>>[vector<16xi32>], vector<16xf32>,
        %parallel_loop3A_204 = arith.mulf %parallel_loop3A_154, %parallel_loop3A_203 : vector<16xf32>
        %parallel_loop3A_205 = arith.addi %parallel_loop3A_144, %parallel_loop3A_201 : vector<16xi32>
        tpu.vector_store_idx %arg7[%parallel_loop3A_205], %parallel_loop3A_204 : memref<33168xf32, #tpu.memory_space<vmem>>[vector<16xi32>], vector<16xf32>,
        %parallel_loop3A_206 = arith.constant 128 : i32
        %parallel_loop3A_207 = vector.broadcast %parallel_loop3A_206 : i32 to vector<16xi32>
        %parallel_loop3A_208 = arith.addi %iota3A_109, %parallel_loop3A_207 : vector<16xi32>
        %parallel_loop3A_209 = arith.addi %parallel_loop3A_135, %parallel_loop3A_208 : vector<16xi32>
        %parallel_loop3A_210 = tpu.vector_load_idx %arg5[%parallel_loop3A_209] : memref<528xf32, #tpu.memory_space<vmem>>[vector<16xi32>], vector<16xf32>,
        %parallel_loop3A_211 = arith.mulf %parallel_loop3A_154, %parallel_loop3A_210 : vector<16xf32>
        %parallel_loop3A_212 = arith.addi %parallel_loop3A_144, %parallel_loop3A_208 : vector<16xi32>
        tpu.vector_store_idx %arg7[%parallel_loop3A_212], %parallel_loop3A_211 : memref<33168xf32, #tpu.memory_space<vmem>>[vector<16xi32>], vector<16xf32>,
        %parallel_loop3A_213 = arith.constant 144 : i32
        %parallel_loop3A_214 = vector.broadcast %parallel_loop3A_213 : i32 to vector<16xi32>
        %parallel_loop3A_215 = arith.addi %iota3A_109, %parallel_loop3A_214 : vector<16xi32>
        %parallel_loop3A_216 = arith.addi %parallel_loop3A_135, %parallel_loop3A_215 : vector<16xi32>
        %parallel_loop3A_217 = tpu.vector_load_idx %arg5[%parallel_loop3A_216] : memref<528xf32, #tpu.memory_space<vmem>>[vector<16xi32>], vector<16xf32>,
        %parallel_loop3A_218 = arith.mulf %parallel_loop3A_154, %parallel_loop3A_217 : vector<16xf32>
        %parallel_loop3A_219 = arith.addi %parallel_loop3A_144, %parallel_loop3A_215 : vector<16xi32>
        tpu.vector_store_idx %arg7[%parallel_loop3A_219], %parallel_loop3A_218 : memref<33168xf32, #tpu.memory_space<vmem>>[vector<16xi32>], vector<16xf32>,
        %parallel_loop3A_220 = arith.constant 160 : i32
        %parallel_loop3A_221 = vector.broadcast %parallel_loop3A_220 : i32 to vector<16xi32>
        %parallel_loop3A_222 = arith.addi %iota3A_109, %parallel_loop3A_221 : vector<16xi32>
        %parallel_loop3A_223 = arith.addi %parallel_loop3A_135, %parallel_loop3A_222 : vector<16xi32>
        %parallel_loop3A_224 = tpu.vector_load_idx %arg5[%parallel_loop3A_223] : memref<528xf32, #tpu.memory_space<vmem>>[vector<16xi32>], vector<16xf32>,
        %parallel_loop3A_225 = arith.mulf %parallel_loop3A_154, %parallel_loop3A_224 : vector<16xf32>
        %parallel_loop3A_226 = arith.addi %parallel_loop3A_144, %parallel_loop3A_222 : vector<16xi32>
        tpu.vector_store_idx %arg7[%parallel_loop3A_226], %parallel_loop3A_225 : memref<33168xf32, #tpu.memory_space<vmem>>[vector<16xi32>], vector<16xf32>,
        %parallel_loop3A_227 = arith.constant 176 : i32
        %parallel_loop3A_228 = vector.broadcast %parallel_loop3A_227 : i32 to vector<16xi32>
        %parallel_loop3A_229 = arith.addi %iota3A_109, %parallel_loop3A_228 : vector<16xi32>
        %parallel_loop3A_230 = arith.addi %parallel_loop3A_135, %parallel_loop3A_229 : vector<16xi32>
        %parallel_loop3A_231 = tpu.vector_load_idx %arg5[%parallel_loop3A_230] : memref<528xf32, #tpu.memory_space<vmem>>[vector<16xi32>], vector<16xf32>,
        %parallel_loop3A_232 = arith.mulf %parallel_loop3A_154, %parallel_loop3A_231 : vector<16xf32>
        %parallel_loop3A_233 = arith.addi %parallel_loop3A_144, %parallel_loop3A_229 : vector<16xi32>
        tpu.vector_store_idx %arg7[%parallel_loop3A_233], %parallel_loop3A_232 : memref<33168xf32, #tpu.memory_space<vmem>>[vector<16xi32>], vector<16xf32>,
        %parallel_loop3A_234 = arith.constant 192 : i32
        %parallel_loop3A_235 = vector.broadcast %parallel_loop3A_234 : i32 to vector<16xi32>
        %parallel_loop3A_236 = arith.addi %iota3A_109, %parallel_loop3A_235 : vector<16xi32>
        %parallel_loop3A_237 = arith.addi %parallel_loop3A_135, %parallel_loop3A_236 : vector<16xi32>
        %parallel_loop3A_238 = tpu.vector_load_idx %arg5[%parallel_loop3A_237] : memref<528xf32, #tpu.memory_space<vmem>>[vector<16xi32>], vector<16xf32>,
        %parallel_loop3A_239 = arith.mulf %parallel_loop3A_154, %parallel_loop3A_238 : vector<16xf32>
        %parallel_loop3A_240 = arith.addi %parallel_loop3A_144, %parallel_loop3A_236 : vector<16xi32>
        %parallel_loop3A_241 = arith.constant 192 : i32
        %parallel_loop3A_242 = arith.subi %parallel_loop3A_146, %parallel_loop3A_241 : i32
        %parallel_loop3A_243 = vector.broadcast %parallel_loop3A_242 : i32 to vector<16xi32>
        %parallel_loop3A_244 = arith.cmpi slt, %iota3A_109, %parallel_loop3A_243 : vector<16xi32>
        tpu.vector_store_idx %arg7[%parallel_loop3A_240], %parallel_loop3A_239 masked %parallel_loop3A_244 : memref<33168xf32, #tpu.memory_space<vmem>>[vector<16xi32>], vector<16xf32>, vector<16xi1>
        %parallel_loop3A_245 = arith.constant 208 : i32
        %parallel_loop3A_246 = vector.broadcast %parallel_loop3A_245 : i32 to vector<16xi32>
        %parallel_loop3A_247 = arith.addi %iota3A_109, %parallel_loop3A_246 : vector<16xi32>
        %parallel_loop3A_248 = arith.addi %parallel_loop3A_135, %parallel_loop3A_247 : vector<16xi32>
        %parallel_loop3A_249 = tpu.vector_load_idx %arg5[%parallel_loop3A_248] : memref<528xf32, #tpu.memory_space<vmem>>[vector<16xi32>], vector<16xf32>,
        %parallel_loop3A_250 = arith.mulf %parallel_loop3A_154, %parallel_loop3A_249 : vector<16xf32>
        %parallel_loop3A_251 = arith.addi %parallel_loop3A_144, %parallel_loop3A_247 : vector<16xi32>
        %parallel_loop3A_252 = arith.constant 208 : i32
        %parallel_loop3A_253 = arith.subi %parallel_loop3A_146, %parallel_loop3A_252 : i32
        %parallel_loop3A_254 = vector.broadcast %parallel_loop3A_253 : i32 to vector<16xi32>
        %parallel_loop3A_255 = arith.cmpi slt, %iota3A_109, %parallel_loop3A_254 : vector<16xi32>
        tpu.vector_store_idx %arg7[%parallel_loop3A_251], %parallel_loop3A_250 masked %parallel_loop3A_255 : memref<33168xf32, #tpu.memory_space<vmem>>[vector<16xi32>], vector<16xf32>, vector<16xi1>
        %parallel_loop3A_256 = arith.constant 224 : i32
        %parallel_loop3A_257 = vector.broadcast %parallel_loop3A_256 : i32 to vector<16xi32>
        %parallel_loop3A_258 = arith.addi %iota3A_109, %parallel_loop3A_257 : vector<16xi32>
        %parallel_loop3A_259 = arith.addi %parallel_loop3A_135, %parallel_loop3A_258 : vector<16xi32>
        %parallel_loop3A_260 = tpu.vector_load_idx %arg5[%parallel_loop3A_259] : memref<528xf32, #tpu.memory_space<vmem>>[vector<16xi32>], vector<16xf32>,
        %parallel_loop3A_261 = arith.mulf %parallel_loop3A_154, %parallel_loop3A_260 : vector<16xf32>
        %parallel_loop3A_262 = arith.addi %parallel_loop3A_144, %parallel_loop3A_258 : vector<16xi32>
        %parallel_loop3A_263 = arith.constant 224 : i32
        %parallel_loop3A_264 = arith.subi %parallel_loop3A_146, %parallel_loop3A_263 : i32
        %parallel_loop3A_265 = vector.broadcast %parallel_loop3A_264 : i32 to vector<16xi32>
        %parallel_loop3A_266 = arith.cmpi slt, %iota3A_109, %parallel_loop3A_265 : vector<16xi32>
        tpu.vector_store_idx %arg7[%parallel_loop3A_262], %parallel_loop3A_261 masked %parallel_loop3A_266 : memref<33168xf32, #tpu.memory_space<vmem>>[vector<16xi32>], vector<16xf32>, vector<16xi1>
        %parallel_loop3A_267 = arith.constant 240 : i32
        %parallel_loop3A_268 = vector.broadcast %parallel_loop3A_267 : i32 to vector<16xi32>
        %parallel_loop3A_269 = arith.addi %iota3A_109, %parallel_loop3A_268 : vector<16xi32>
        %parallel_loop3A_270 = arith.addi %parallel_loop3A_135, %parallel_loop3A_269 : vector<16xi32>
        %parallel_loop3A_271 = tpu.vector_load_idx %arg5[%parallel_loop3A_270] : memref<528xf32, #tpu.memory_space<vmem>>[vector<16xi32>], vector<16xf32>,
        %parallel_loop3A_272 = arith.mulf %parallel_loop3A_154, %parallel_loop3A_271 : vector<16xf32>
        %parallel_loop3A_273 = arith.addi %parallel_loop3A_144, %parallel_loop3A_269 : vector<16xi32>
        %parallel_loop3A_274 = arith.constant 240 : i32
        %parallel_loop3A_275 = arith.subi %parallel_loop3A_146, %parallel_loop3A_274 : i32
        %parallel_loop3A_276 = vector.broadcast %parallel_loop3A_275 : i32 to vector<16xi32>
        %parallel_loop3A_277 = arith.cmpi slt, %iota3A_109, %parallel_loop3A_276 : vector<16xi32>
        tpu.vector_store_idx %arg7[%parallel_loop3A_273], %parallel_loop3A_272 masked %parallel_loop3A_277 : memref<33168xf32, #tpu.memory_space<vmem>>[vector<16xi32>], vector<16xf32>, vector<16xi1>
      } {sc.loop_unroll_factor = 1 : i64, sc.parallel_access}
      %parallel_loop3A_113 = arith.constant 0 : i32
      %parallel_loop3A_114 = arith.constant 64 : i32
      %parallel_loop3A_115 = arith.constant 1 : i32
      scf.for %parallel_loop3A_132 = %parallel_loop3A_113 to %parallel_loop3A_114 step %parallel_loop3A_115  : i32 {
        %parallel_loop3A_133 = arith.constant 64 : i32
        %parallel_loop3A_134 = arith.addi %parallel_loop3A_133, %parallel_loop3A_132 : i32
        %parallel_loop3A_135 = vector.broadcast %parallel_loop3A_134 : i32 to vector<16xi32>
        %parallel_loop3A_136 = arith.constant 8 : i32
        %parallel_loop3A_137 = arith.shli %parallel_loop3A_134, %parallel_loop3A_136 : i32
        %parallel_loop3A_138 = arith.constant 1 : i32
        %parallel_loop3A_139 = arith.subi %parallel_loop3A_134, %parallel_loop3A_138 : i32
        %parallel_loop3A_140 = arith.muli %parallel_loop3A_134, %parallel_loop3A_139 : i32
        %parallel_loop3A_141 = arith.constant 1 : i32
        %parallel_loop3A_142 = arith.shrui %parallel_loop3A_140, %parallel_loop3A_141 : i32
        %parallel_loop3A_143 = arith.subi %parallel_loop3A_137, %parallel_loop3A_142 : i32
        %parallel_loop3A_144 = vector.broadcast %parallel_loop3A_143 : i32 to vector<16xi32>
        %parallel_loop3A_145 = arith.constant 256 : i32
        %parallel_loop3A_146 = arith.subi %parallel_loop3A_145, %parallel_loop3A_134 : i32
        %parallel_loop3A_147 = arith.constant 0 : i32
        %parallel_loop3A_148 = vector.broadcast %parallel_loop3A_147 : i32 to vector<16xi32>
        %parallel_loop3A_149 = arith.addi %iota3A_109, %parallel_loop3A_148 : vector<16xi32>
        %parallel_loop3A_150 = arith.addi %parallel_loop3A_135, %parallel_loop3A_149 : vector<16xi32>
        %parallel_loop3A_151 = tpu.vector_load_idx %arg5[%parallel_loop3A_150] : memref<528xf32, #tpu.memory_space<vmem>>[vector<16xi32>], vector<16xf32>,
        %parallel_loop3A_152 = vector.extract_strided_slice %parallel_loop3A_151 {offsets = [0], sizes = [1], strides = [1]} : vector<16xf32> to vector<1xf32>
        %parallel_loop3A_153 = vector.extract %parallel_loop3A_152[0] : f32 from vector<1xf32>
        %parallel_loop3A_154 = vector.broadcast %parallel_loop3A_153 : f32 to vector<16xf32>
        %parallel_loop3A_155 = arith.mulf %parallel_loop3A_154, %parallel_loop3A_151 : vector<16xf32>
        %parallel_loop3A_156 = arith.addi %parallel_loop3A_144, %parallel_loop3A_149 : vector<16xi32>
        tpu.vector_store_idx %arg7[%parallel_loop3A_156], %parallel_loop3A_155 : memref<33168xf32, #tpu.memory_space<vmem>>[vector<16xi32>], vector<16xf32>,
        %parallel_loop3A_157 = arith.constant 16 : i32
        %parallel_loop3A_158 = vector.broadcast %parallel_loop3A_157 : i32 to vector<16xi32>
        %parallel_loop3A_159 = arith.addi %iota3A_109, %parallel_loop3A_158 : vector<16xi32>
        %parallel_loop3A_160 = arith.addi %parallel_loop3A_135, %parallel_loop3A_159 : vector<16xi32>
        %parallel_loop3A_161 = tpu.vector_load_idx %arg5[%parallel_loop3A_160] : memref<528xf32, #tpu.memory_space<vmem>>[vector<16xi32>], vector<16xf32>,
        %parallel_loop3A_162 = arith.mulf %parallel_loop3A_154, %parallel_loop3A_161 : vector<16xf32>
        %parallel_loop3A_163 = arith.addi %parallel_loop3A_144, %parallel_loop3A_159 : vector<16xi32>
        tpu.vector_store_idx %arg7[%parallel_loop3A_163], %parallel_loop3A_162 : memref<33168xf32, #tpu.memory_space<vmem>>[vector<16xi32>], vector<16xf32>,
        %parallel_loop3A_164 = arith.constant 32 : i32
        %parallel_loop3A_165 = vector.broadcast %parallel_loop3A_164 : i32 to vector<16xi32>
        %parallel_loop3A_166 = arith.addi %iota3A_109, %parallel_loop3A_165 : vector<16xi32>
        %parallel_loop3A_167 = arith.addi %parallel_loop3A_135, %parallel_loop3A_166 : vector<16xi32>
        %parallel_loop3A_168 = tpu.vector_load_idx %arg5[%parallel_loop3A_167] : memref<528xf32, #tpu.memory_space<vmem>>[vector<16xi32>], vector<16xf32>,
        %parallel_loop3A_169 = arith.mulf %parallel_loop3A_154, %parallel_loop3A_168 : vector<16xf32>
        %parallel_loop3A_170 = arith.addi %parallel_loop3A_144, %parallel_loop3A_166 : vector<16xi32>
        tpu.vector_store_idx %arg7[%parallel_loop3A_170], %parallel_loop3A_169 : memref<33168xf32, #tpu.memory_space<vmem>>[vector<16xi32>], vector<16xf32>,
        %parallel_loop3A_171 = arith.constant 48 : i32
        %parallel_loop3A_172 = vector.broadcast %parallel_loop3A_171 : i32 to vector<16xi32>
        %parallel_loop3A_173 = arith.addi %iota3A_109, %parallel_loop3A_172 : vector<16xi32>
        %parallel_loop3A_174 = arith.addi %parallel_loop3A_135, %parallel_loop3A_173 : vector<16xi32>
        %parallel_loop3A_175 = tpu.vector_load_idx %arg5[%parallel_loop3A_174] : memref<528xf32, #tpu.memory_space<vmem>>[vector<16xi32>], vector<16xf32>,
        %parallel_loop3A_176 = arith.mulf %parallel_loop3A_154, %parallel_loop3A_175 : vector<16xf32>
        %parallel_loop3A_177 = arith.addi %parallel_loop3A_144, %parallel_loop3A_173 : vector<16xi32>
        tpu.vector_store_idx %arg7[%parallel_loop3A_177], %parallel_loop3A_176 : memref<33168xf32, #tpu.memory_space<vmem>>[vector<16xi32>], vector<16xf32>,
        %parallel_loop3A_178 = arith.constant 64 : i32
        %parallel_loop3A_179 = vector.broadcast %parallel_loop3A_178 : i32 to vector<16xi32>
        %parallel_loop3A_180 = arith.addi %iota3A_109, %parallel_loop3A_179 : vector<16xi32>
        %parallel_loop3A_181 = arith.addi %parallel_loop3A_135, %parallel_loop3A_180 : vector<16xi32>
        %parallel_loop3A_182 = tpu.vector_load_idx %arg5[%parallel_loop3A_181] : memref<528xf32, #tpu.memory_space<vmem>>[vector<16xi32>], vector<16xf32>,
        %parallel_loop3A_183 = arith.mulf %parallel_loop3A_154, %parallel_loop3A_182 : vector<16xf32>
        %parallel_loop3A_184 = arith.addi %parallel_loop3A_144, %parallel_loop3A_180 : vector<16xi32>
        tpu.vector_store_idx %arg7[%parallel_loop3A_184], %parallel_loop3A_183 : memref<33168xf32, #tpu.memory_space<vmem>>[vector<16xi32>], vector<16xf32>,
        %parallel_loop3A_185 = arith.constant 80 : i32
        %parallel_loop3A_186 = vector.broadcast %parallel_loop3A_185 : i32 to vector<16xi32>
        %parallel_loop3A_187 = arith.addi %iota3A_109, %parallel_loop3A_186 : vector<16xi32>
        %parallel_loop3A_188 = arith.addi %parallel_loop3A_135, %parallel_loop3A_187 : vector<16xi32>
        %parallel_loop3A_189 = tpu.vector_load_idx %arg5[%parallel_loop3A_188] : memref<528xf32, #tpu.memory_space<vmem>>[vector<16xi32>], vector<16xf32>,
        %parallel_loop3A_190 = arith.mulf %parallel_loop3A_154, %parallel_loop3A_189 : vector<16xf32>
        %parallel_loop3A_191 = arith.addi %parallel_loop3A_144, %parallel_loop3A_187 : vector<16xi32>
        tpu.vector_store_idx %arg7[%parallel_loop3A_191], %parallel_loop3A_190 : memref<33168xf32, #tpu.memory_space<vmem>>[vector<16xi32>], vector<16xf32>,
        %parallel_loop3A_192 = arith.constant 96 : i32
        %parallel_loop3A_193 = vector.broadcast %parallel_loop3A_192 : i32 to vector<16xi32>
        %parallel_loop3A_194 = arith.addi %iota3A_109, %parallel_loop3A_193 : vector<16xi32>
        %parallel_loop3A_195 = arith.addi %parallel_loop3A_135, %parallel_loop3A_194 : vector<16xi32>
        %parallel_loop3A_196 = tpu.vector_load_idx %arg5[%parallel_loop3A_195] : memref<528xf32, #tpu.memory_space<vmem>>[vector<16xi32>], vector<16xf32>,
        %parallel_loop3A_197 = arith.mulf %parallel_loop3A_154, %parallel_loop3A_196 : vector<16xf32>
        %parallel_loop3A_198 = arith.addi %parallel_loop3A_144, %parallel_loop3A_194 : vector<16xi32>
        tpu.vector_store_idx %arg7[%parallel_loop3A_198], %parallel_loop3A_197 : memref<33168xf32, #tpu.memory_space<vmem>>[vector<16xi32>], vector<16xf32>,
        %parallel_loop3A_199 = arith.constant 112 : i32
        %parallel_loop3A_200 = vector.broadcast %parallel_loop3A_199 : i32 to vector<16xi32>
        %parallel_loop3A_201 = arith.addi %iota3A_109, %parallel_loop3A_200 : vector<16xi32>
        %parallel_loop3A_202 = arith.addi %parallel_loop3A_135, %parallel_loop3A_201 : vector<16xi32>
        %parallel_loop3A_203 = tpu.vector_load_idx %arg5[%parallel_loop3A_202] : memref<528xf32, #tpu.memory_space<vmem>>[vector<16xi32>], vector<16xf32>,
        %parallel_loop3A_204 = arith.mulf %parallel_loop3A_154, %parallel_loop3A_203 : vector<16xf32>
        %parallel_loop3A_205 = arith.addi %parallel_loop3A_144, %parallel_loop3A_201 : vector<16xi32>
        tpu.vector_store_idx %arg7[%parallel_loop3A_205], %parallel_loop3A_204 : memref<33168xf32, #tpu.memory_space<vmem>>[vector<16xi32>], vector<16xf32>,
        %parallel_loop3A_206 = arith.constant 128 : i32
        %parallel_loop3A_207 = vector.broadcast %parallel_loop3A_206 : i32 to vector<16xi32>
        %parallel_loop3A_208 = arith.addi %iota3A_109, %parallel_loop3A_207 : vector<16xi32>
        %parallel_loop3A_209 = arith.addi %parallel_loop3A_135, %parallel_loop3A_208 : vector<16xi32>
        %parallel_loop3A_210 = tpu.vector_load_idx %arg5[%parallel_loop3A_209] : memref<528xf32, #tpu.memory_space<vmem>>[vector<16xi32>], vector<16xf32>,
        %parallel_loop3A_211 = arith.mulf %parallel_loop3A_154, %parallel_loop3A_210 : vector<16xf32>
        %parallel_loop3A_212 = arith.addi %parallel_loop3A_144, %parallel_loop3A_208 : vector<16xi32>
        %parallel_loop3A_213 = arith.constant 128 : i32
        %parallel_loop3A_214 = arith.subi %parallel_loop3A_146, %parallel_loop3A_213 : i32
        %parallel_loop3A_215 = vector.broadcast %parallel_loop3A_214 : i32 to vector<16xi32>
        %parallel_loop3A_216 = arith.cmpi slt, %iota3A_109, %parallel_loop3A_215 : vector<16xi32>
        tpu.vector_store_idx %arg7[%parallel_loop3A_212], %parallel_loop3A_211 masked %parallel_loop3A_216 : memref<33168xf32, #tpu.memory_space<vmem>>[vector<16xi32>], vector<16xf32>, vector<16xi1>
        %parallel_loop3A_217 = arith.constant 144 : i32
        %parallel_loop3A_218 = vector.broadcast %parallel_loop3A_217 : i32 to vector<16xi32>
        %parallel_loop3A_219 = arith.addi %iota3A_109, %parallel_loop3A_218 : vector<16xi32>
        %parallel_loop3A_220 = arith.addi %parallel_loop3A_135, %parallel_loop3A_219 : vector<16xi32>
        %parallel_loop3A_221 = tpu.vector_load_idx %arg5[%parallel_loop3A_220] : memref<528xf32, #tpu.memory_space<vmem>>[vector<16xi32>], vector<16xf32>,
        %parallel_loop3A_222 = arith.mulf %parallel_loop3A_154, %parallel_loop3A_221 : vector<16xf32>
        %parallel_loop3A_223 = arith.addi %parallel_loop3A_144, %parallel_loop3A_219 : vector<16xi32>
        %parallel_loop3A_224 = arith.constant 144 : i32
        %parallel_loop3A_225 = arith.subi %parallel_loop3A_146, %parallel_loop3A_224 : i32
        %parallel_loop3A_226 = vector.broadcast %parallel_loop3A_225 : i32 to vector<16xi32>
        %parallel_loop3A_227 = arith.cmpi slt, %iota3A_109, %parallel_loop3A_226 : vector<16xi32>
        tpu.vector_store_idx %arg7[%parallel_loop3A_223], %parallel_loop3A_222 masked %parallel_loop3A_227 : memref<33168xf32, #tpu.memory_space<vmem>>[vector<16xi32>], vector<16xf32>, vector<16xi1>
        %parallel_loop3A_228 = arith.constant 160 : i32
        %parallel_loop3A_229 = vector.broadcast %parallel_loop3A_228 : i32 to vector<16xi32>
        %parallel_loop3A_230 = arith.addi %iota3A_109, %parallel_loop3A_229 : vector<16xi32>
        %parallel_loop3A_231 = arith.addi %parallel_loop3A_135, %parallel_loop3A_230 : vector<16xi32>
        %parallel_loop3A_232 = tpu.vector_load_idx %arg5[%parallel_loop3A_231] : memref<528xf32, #tpu.memory_space<vmem>>[vector<16xi32>], vector<16xf32>,
        %parallel_loop3A_233 = arith.mulf %parallel_loop3A_154, %parallel_loop3A_232 : vector<16xf32>
        %parallel_loop3A_234 = arith.addi %parallel_loop3A_144, %parallel_loop3A_230 : vector<16xi32>
        %parallel_loop3A_235 = arith.constant 160 : i32
        %parallel_loop3A_236 = arith.subi %parallel_loop3A_146, %parallel_loop3A_235 : i32
        %parallel_loop3A_237 = vector.broadcast %parallel_loop3A_236 : i32 to vector<16xi32>
        %parallel_loop3A_238 = arith.cmpi slt, %iota3A_109, %parallel_loop3A_237 : vector<16xi32>
        tpu.vector_store_idx %arg7[%parallel_loop3A_234], %parallel_loop3A_233 masked %parallel_loop3A_238 : memref<33168xf32, #tpu.memory_space<vmem>>[vector<16xi32>], vector<16xf32>, vector<16xi1>
        %parallel_loop3A_239 = arith.constant 176 : i32
        %parallel_loop3A_240 = vector.broadcast %parallel_loop3A_239 : i32 to vector<16xi32>
        %parallel_loop3A_241 = arith.addi %iota3A_109, %parallel_loop3A_240 : vector<16xi32>
        %parallel_loop3A_242 = arith.addi %parallel_loop3A_135, %parallel_loop3A_241 : vector<16xi32>
        %parallel_loop3A_243 = tpu.vector_load_idx %arg5[%parallel_loop3A_242] : memref<528xf32, #tpu.memory_space<vmem>>[vector<16xi32>], vector<16xf32>,
        %parallel_loop3A_244 = arith.mulf %parallel_loop3A_154, %parallel_loop3A_243 : vector<16xf32>
        %parallel_loop3A_245 = arith.addi %parallel_loop3A_144, %parallel_loop3A_241 : vector<16xi32>
        %parallel_loop3A_246 = arith.constant 176 : i32
        %parallel_loop3A_247 = arith.subi %parallel_loop3A_146, %parallel_loop3A_246 : i32
        %parallel_loop3A_248 = vector.broadcast %parallel_loop3A_247 : i32 to vector<16xi32>
        %parallel_loop3A_249 = arith.cmpi slt, %iota3A_109, %parallel_loop3A_248 : vector<16xi32>
        tpu.vector_store_idx %arg7[%parallel_loop3A_245], %parallel_loop3A_244 masked %parallel_loop3A_249 : memref<33168xf32, #tpu.memory_space<vmem>>[vector<16xi32>], vector<16xf32>, vector<16xi1>
      } {sc.loop_unroll_factor = 1 : i64, sc.parallel_access}
      %parallel_loop3A_116 = arith.constant 0 : i32
      %parallel_loop3A_117 = arith.constant 64 : i32
      %parallel_loop3A_118 = arith.constant 1 : i32
      scf.for %parallel_loop3A_132 = %parallel_loop3A_116 to %parallel_loop3A_117 step %parallel_loop3A_118  : i32 {
        %parallel_loop3A_133 = arith.constant 128 : i32
        %parallel_loop3A_134 = arith.addi %parallel_loop3A_133, %parallel_loop3A_132 : i32
        %parallel_loop3A_135 = vector.broadcast %parallel_loop3A_134 : i32 to vector<16xi32>
        %parallel_loop3A_136 = arith.constant 8 : i32
        %parallel_loop3A_137 = arith.shli %parallel_loop3A_134, %parallel_loop3A_136 : i32
        %parallel_loop3A_138 = arith.constant 1 : i32
        %parallel_loop3A_139 = arith.subi %parallel_loop3A_134, %parallel_loop3A_138 : i32
        %parallel_loop3A_140 = arith.muli %parallel_loop3A_134, %parallel_loop3A_139 : i32
        %parallel_loop3A_141 = arith.constant 1 : i32
        %parallel_loop3A_142 = arith.shrui %parallel_loop3A_140, %parallel_loop3A_141 : i32
        %parallel_loop3A_143 = arith.subi %parallel_loop3A_137, %parallel_loop3A_142 : i32
        %parallel_loop3A_144 = vector.broadcast %parallel_loop3A_143 : i32 to vector<16xi32>
        %parallel_loop3A_145 = arith.constant 256 : i32
        %parallel_loop3A_146 = arith.subi %parallel_loop3A_145, %parallel_loop3A_134 : i32
        %parallel_loop3A_147 = arith.constant 0 : i32
        %parallel_loop3A_148 = vector.broadcast %parallel_loop3A_147 : i32 to vector<16xi32>
        %parallel_loop3A_149 = arith.addi %iota3A_109, %parallel_loop3A_148 : vector<16xi32>
        %parallel_loop3A_150 = arith.addi %parallel_loop3A_135, %parallel_loop3A_149 : vector<16xi32>
        %parallel_loop3A_151 = tpu.vector_load_idx %arg5[%parallel_loop3A_150] : memref<528xf32, #tpu.memory_space<vmem>>[vector<16xi32>], vector<16xf32>,
        %parallel_loop3A_152 = vector.extract_strided_slice %parallel_loop3A_151 {offsets = [0], sizes = [1], strides = [1]} : vector<16xf32> to vector<1xf32>
        %parallel_loop3A_153 = vector.extract %parallel_loop3A_152[0] : f32 from vector<1xf32>
        %parallel_loop3A_154 = vector.broadcast %parallel_loop3A_153 : f32 to vector<16xf32>
        %parallel_loop3A_155 = arith.addi %parallel_loop3A_144, %parallel_loop3A_149 : vector<16xi32>
        %parallel_loop3A_156 = arith.mulf %parallel_loop3A_154, %parallel_loop3A_151 : vector<16xf32>
        %parallel_loop3A_157 = arith.constant 0 : i32
        %parallel_loop3A_158 = arith.subi %parallel_loop3A_146, %parallel_loop3A_157 : i32
        %parallel_loop3A_159 = vector.broadcast %parallel_loop3A_158 : i32 to vector<16xi32>
        %parallel_loop3A_160 = arith.cmpi slt, %iota3A_109, %parallel_loop3A_159 : vector<16xi32>
        tpu.vector_store_idx %arg7[%parallel_loop3A_155], %parallel_loop3A_156 masked %parallel_loop3A_160 : memref<33168xf32, #tpu.memory_space<vmem>>[vector<16xi32>], vector<16xf32>, vector<16xi1>
        %parallel_loop3A_161 = arith.constant 16 : i32
        %parallel_loop3A_162 = vector.broadcast %parallel_loop3A_161 : i32 to vector<16xi32>
        %parallel_loop3A_163 = arith.addi %iota3A_109, %parallel_loop3A_162 : vector<16xi32>
        %parallel_loop3A_164 = arith.addi %parallel_loop3A_135, %parallel_loop3A_163 : vector<16xi32>
        %parallel_loop3A_165 = tpu.vector_load_idx %arg5[%parallel_loop3A_164] : memref<528xf32, #tpu.memory_space<vmem>>[vector<16xi32>], vector<16xf32>,
        %parallel_loop3A_166 = arith.addi %parallel_loop3A_144, %parallel_loop3A_163 : vector<16xi32>
        %parallel_loop3A_167 = arith.mulf %parallel_loop3A_154, %parallel_loop3A_165 : vector<16xf32>
        %parallel_loop3A_168 = arith.constant 16 : i32
        %parallel_loop3A_169 = arith.subi %parallel_loop3A_146, %parallel_loop3A_168 : i32
        %parallel_loop3A_170 = vector.broadcast %parallel_loop3A_169 : i32 to vector<16xi32>
        %parallel_loop3A_171 = arith.cmpi slt, %iota3A_109, %parallel_loop3A_170 : vector<16xi32>
        tpu.vector_store_idx %arg7[%parallel_loop3A_166], %parallel_loop3A_167 masked %parallel_loop3A_171 : memref<33168xf32, #tpu.memory_space<vmem>>[vector<16xi32>], vector<16xf32>, vector<16xi1>
        %parallel_loop3A_172 = arith.constant 32 : i32
        %parallel_loop3A_173 = vector.broadcast %parallel_loop3A_172 : i32 to vector<16xi32>
        %parallel_loop3A_174 = arith.addi %iota3A_109, %parallel_loop3A_173 : vector<16xi32>
        %parallel_loop3A_175 = arith.addi %parallel_loop3A_135, %parallel_loop3A_174 : vector<16xi32>
        %parallel_loop3A_176 = tpu.vector_load_idx %arg5[%parallel_loop3A_175] : memref<528xf32, #tpu.memory_space<vmem>>[vector<16xi32>], vector<16xf32>,
        %parallel_loop3A_177 = arith.addi %parallel_loop3A_144, %parallel_loop3A_174 : vector<16xi32>
        %parallel_loop3A_178 = arith.mulf %parallel_loop3A_154, %parallel_loop3A_176 : vector<16xf32>
        %parallel_loop3A_179 = arith.constant 32 : i32
        %parallel_loop3A_180 = arith.subi %parallel_loop3A_146, %parallel_loop3A_179 : i32
        %parallel_loop3A_181 = vector.broadcast %parallel_loop3A_180 : i32 to vector<16xi32>
        %parallel_loop3A_182 = arith.cmpi slt, %iota3A_109, %parallel_loop3A_181 : vector<16xi32>
        tpu.vector_store_idx %arg7[%parallel_loop3A_177], %parallel_loop3A_178 masked %parallel_loop3A_182 : memref<33168xf32, #tpu.memory_space<vmem>>[vector<16xi32>], vector<16xf32>, vector<16xi1>
        %parallel_loop3A_183 = arith.constant 48 : i32
        %parallel_loop3A_184 = vector.broadcast %parallel_loop3A_183 : i32 to vector<16xi32>
        %parallel_loop3A_185 = arith.addi %iota3A_109, %parallel_loop3A_184 : vector<16xi32>
        %parallel_loop3A_186 = arith.addi %parallel_loop3A_135, %parallel_loop3A_185 : vector<16xi32>
        %parallel_loop3A_187 = tpu.vector_load_idx %arg5[%parallel_loop3A_186] : memref<528xf32, #tpu.memory_space<vmem>>[vector<16xi32>], vector<16xf32>,
        %parallel_loop3A_188 = arith.addi %parallel_loop3A_144, %parallel_loop3A_185 : vector<16xi32>
        %parallel_loop3A_189 = arith.mulf %parallel_loop3A_154, %parallel_loop3A_187 : vector<16xf32>
        %parallel_loop3A_190 = arith.constant 48 : i32
        %parallel_loop3A_191 = arith.subi %parallel_loop3A_146, %parallel_loop3A_190 : i32
        %parallel_loop3A_192 = vector.broadcast %parallel_loop3A_191 : i32 to vector<16xi32>
        %parallel_loop3A_193 = arith.cmpi slt, %iota3A_109, %parallel_loop3A_192 : vector<16xi32>
        tpu.vector_store_idx %arg7[%parallel_loop3A_188], %parallel_loop3A_189 masked %parallel_loop3A_193 : memref<33168xf32, #tpu.memory_space<vmem>>[vector<16xi32>], vector<16xf32>, vector<16xi1>
        %parallel_loop3A_194 = arith.constant 64 : i32
        %parallel_loop3A_195 = vector.broadcast %parallel_loop3A_194 : i32 to vector<16xi32>
        %parallel_loop3A_196 = arith.addi %iota3A_109, %parallel_loop3A_195 : vector<16xi32>
        %parallel_loop3A_197 = arith.addi %parallel_loop3A_135, %parallel_loop3A_196 : vector<16xi32>
        %parallel_loop3A_198 = tpu.vector_load_idx %arg5[%parallel_loop3A_197] : memref<528xf32, #tpu.memory_space<vmem>>[vector<16xi32>], vector<16xf32>,
        %parallel_loop3A_199 = arith.addi %parallel_loop3A_144, %parallel_loop3A_196 : vector<16xi32>
        %parallel_loop3A_200 = arith.mulf %parallel_loop3A_154, %parallel_loop3A_198 : vector<16xf32>
        %parallel_loop3A_201 = arith.constant 64 : i32
        %parallel_loop3A_202 = arith.subi %parallel_loop3A_146, %parallel_loop3A_201 : i32
        %parallel_loop3A_203 = vector.broadcast %parallel_loop3A_202 : i32 to vector<16xi32>
        %parallel_loop3A_204 = arith.cmpi slt, %iota3A_109, %parallel_loop3A_203 : vector<16xi32>
        tpu.vector_store_idx %arg7[%parallel_loop3A_199], %parallel_loop3A_200 masked %parallel_loop3A_204 : memref<33168xf32, #tpu.memory_space<vmem>>[vector<16xi32>], vector<16xf32>, vector<16xi1>
        %parallel_loop3A_205 = arith.constant 80 : i32
        %parallel_loop3A_206 = vector.broadcast %parallel_loop3A_205 : i32 to vector<16xi32>
        %parallel_loop3A_207 = arith.addi %iota3A_109, %parallel_loop3A_206 : vector<16xi32>
        %parallel_loop3A_208 = arith.addi %parallel_loop3A_135, %parallel_loop3A_207 : vector<16xi32>
        %parallel_loop3A_209 = tpu.vector_load_idx %arg5[%parallel_loop3A_208] : memref<528xf32, #tpu.memory_space<vmem>>[vector<16xi32>], vector<16xf32>,
        %parallel_loop3A_210 = arith.addi %parallel_loop3A_144, %parallel_loop3A_207 : vector<16xi32>
        %parallel_loop3A_211 = arith.mulf %parallel_loop3A_154, %parallel_loop3A_209 : vector<16xf32>
        %parallel_loop3A_212 = arith.constant 80 : i32
        %parallel_loop3A_213 = arith.subi %parallel_loop3A_146, %parallel_loop3A_212 : i32
        %parallel_loop3A_214 = vector.broadcast %parallel_loop3A_213 : i32 to vector<16xi32>
        %parallel_loop3A_215 = arith.cmpi slt, %iota3A_109, %parallel_loop3A_214 : vector<16xi32>
        tpu.vector_store_idx %arg7[%parallel_loop3A_210], %parallel_loop3A_211 masked %parallel_loop3A_215 : memref<33168xf32, #tpu.memory_space<vmem>>[vector<16xi32>], vector<16xf32>, vector<16xi1>
        %parallel_loop3A_216 = arith.constant 96 : i32
        %parallel_loop3A_217 = vector.broadcast %parallel_loop3A_216 : i32 to vector<16xi32>
        %parallel_loop3A_218 = arith.addi %iota3A_109, %parallel_loop3A_217 : vector<16xi32>
        %parallel_loop3A_219 = arith.addi %parallel_loop3A_135, %parallel_loop3A_218 : vector<16xi32>
        %parallel_loop3A_220 = tpu.vector_load_idx %arg5[%parallel_loop3A_219] : memref<528xf32, #tpu.memory_space<vmem>>[vector<16xi32>], vector<16xf32>,
        %parallel_loop3A_221 = arith.addi %parallel_loop3A_144, %parallel_loop3A_218 : vector<16xi32>
        %parallel_loop3A_222 = arith.mulf %parallel_loop3A_154, %parallel_loop3A_220 : vector<16xf32>
        %parallel_loop3A_223 = arith.constant 96 : i32
        %parallel_loop3A_224 = arith.subi %parallel_loop3A_146, %parallel_loop3A_223 : i32
        %parallel_loop3A_225 = vector.broadcast %parallel_loop3A_224 : i32 to vector<16xi32>
        %parallel_loop3A_226 = arith.cmpi slt, %iota3A_109, %parallel_loop3A_225 : vector<16xi32>
        tpu.vector_store_idx %arg7[%parallel_loop3A_221], %parallel_loop3A_222 masked %parallel_loop3A_226 : memref<33168xf32, #tpu.memory_space<vmem>>[vector<16xi32>], vector<16xf32>, vector<16xi1>
        %parallel_loop3A_227 = arith.constant 112 : i32
        %parallel_loop3A_228 = vector.broadcast %parallel_loop3A_227 : i32 to vector<16xi32>
        %parallel_loop3A_229 = arith.addi %iota3A_109, %parallel_loop3A_228 : vector<16xi32>
        %parallel_loop3A_230 = arith.addi %parallel_loop3A_135, %parallel_loop3A_229 : vector<16xi32>
        %parallel_loop3A_231 = tpu.vector_load_idx %arg5[%parallel_loop3A_230] : memref<528xf32, #tpu.memory_space<vmem>>[vector<16xi32>], vector<16xf32>,
        %parallel_loop3A_232 = arith.addi %parallel_loop3A_144, %parallel_loop3A_229 : vector<16xi32>
        %parallel_loop3A_233 = arith.mulf %parallel_loop3A_154, %parallel_loop3A_231 : vector<16xf32>
        %parallel_loop3A_234 = arith.constant 112 : i32
        %parallel_loop3A_235 = arith.subi %parallel_loop3A_146, %parallel_loop3A_234 : i32
        %parallel_loop3A_236 = vector.broadcast %parallel_loop3A_235 : i32 to vector<16xi32>
        %parallel_loop3A_237 = arith.cmpi slt, %iota3A_109, %parallel_loop3A_236 : vector<16xi32>
        tpu.vector_store_idx %arg7[%parallel_loop3A_232], %parallel_loop3A_233 masked %parallel_loop3A_237 : memref<33168xf32, #tpu.memory_space<vmem>>[vector<16xi32>], vector<16xf32>, vector<16xi1>
      } {sc.loop_unroll_factor = 2 : i64, sc.parallel_access}
      %parallel_loop3A_119 = arith.constant 0 : i32
      %parallel_loop3A_120 = arith.constant 64 : i32
      %parallel_loop3A_121 = arith.constant 1 : i32
      scf.for %parallel_loop3A_132 = %parallel_loop3A_119 to %parallel_loop3A_120 step %parallel_loop3A_121  : i32 {
        %parallel_loop3A_133 = arith.constant 192 : i32
        %parallel_loop3A_134 = arith.addi %parallel_loop3A_133, %parallel_loop3A_132 : i32
        %parallel_loop3A_135 = vector.broadcast %parallel_loop3A_134 : i32 to vector<16xi32>
        %parallel_loop3A_136 = arith.constant 8 : i32
        %parallel_loop3A_137 = arith.shli %parallel_loop3A_134, %parallel_loop3A_136 : i32
        %parallel_loop3A_138 = arith.constant 1 : i32
        %parallel_loop3A_139 = arith.subi %parallel_loop3A_134, %parallel_loop3A_138 : i32
        %parallel_loop3A_140 = arith.muli %parallel_loop3A_134, %parallel_loop3A_139 : i32
        %parallel_loop3A_141 = arith.constant 1 : i32
        %parallel_loop3A_142 = arith.shrui %parallel_loop3A_140, %parallel_loop3A_141 : i32
        %parallel_loop3A_143 = arith.subi %parallel_loop3A_137, %parallel_loop3A_142 : i32
        %parallel_loop3A_144 = vector.broadcast %parallel_loop3A_143 : i32 to vector<16xi32>
        %parallel_loop3A_145 = arith.constant 256 : i32
        %parallel_loop3A_146 = arith.subi %parallel_loop3A_145, %parallel_loop3A_134 : i32
        %parallel_loop3A_147 = arith.constant 0 : i32
        %parallel_loop3A_148 = vector.broadcast %parallel_loop3A_147 : i32 to vector<16xi32>
        %parallel_loop3A_149 = arith.addi %iota3A_109, %parallel_loop3A_148 : vector<16xi32>
        %parallel_loop3A_150 = arith.addi %parallel_loop3A_135, %parallel_loop3A_149 : vector<16xi32>
        %parallel_loop3A_151 = tpu.vector_load_idx %arg5[%parallel_loop3A_150] : memref<528xf32, #tpu.memory_space<vmem>>[vector<16xi32>], vector<16xf32>,
        %parallel_loop3A_152 = vector.extract_strided_slice %parallel_loop3A_151 {offsets = [0], sizes = [1], strides = [1]} : vector<16xf32> to vector<1xf32>
        %parallel_loop3A_153 = vector.extract %parallel_loop3A_152[0] : f32 from vector<1xf32>
        %parallel_loop3A_154 = vector.broadcast %parallel_loop3A_153 : f32 to vector<16xf32>
        %parallel_loop3A_155 = arith.addi %parallel_loop3A_144, %parallel_loop3A_149 : vector<16xi32>
        %parallel_loop3A_156 = arith.mulf %parallel_loop3A_154, %parallel_loop3A_151 : vector<16xf32>
        %parallel_loop3A_157 = arith.constant 0 : i32
        %parallel_loop3A_158 = arith.subi %parallel_loop3A_146, %parallel_loop3A_157 : i32
        %parallel_loop3A_159 = vector.broadcast %parallel_loop3A_158 : i32 to vector<16xi32>
        %parallel_loop3A_160 = arith.cmpi slt, %iota3A_109, %parallel_loop3A_159 : vector<16xi32>
        tpu.vector_store_idx %arg7[%parallel_loop3A_155], %parallel_loop3A_156 masked %parallel_loop3A_160 : memref<33168xf32, #tpu.memory_space<vmem>>[vector<16xi32>], vector<16xf32>, vector<16xi1>
        %parallel_loop3A_161 = arith.constant 16 : i32
        %parallel_loop3A_162 = vector.broadcast %parallel_loop3A_161 : i32 to vector<16xi32>
        %parallel_loop3A_163 = arith.addi %iota3A_109, %parallel_loop3A_162 : vector<16xi32>
        %parallel_loop3A_164 = arith.addi %parallel_loop3A_135, %parallel_loop3A_163 : vector<16xi32>
        %parallel_loop3A_165 = tpu.vector_load_idx %arg5[%parallel_loop3A_164] : memref<528xf32, #tpu.memory_space<vmem>>[vector<16xi32>], vector<16xf32>,
        %parallel_loop3A_166 = arith.addi %parallel_loop3A_144, %parallel_loop3A_163 : vector<16xi32>
        %parallel_loop3A_167 = arith.mulf %parallel_loop3A_154, %parallel_loop3A_165 : vector<16xf32>
        %parallel_loop3A_168 = arith.constant 16 : i32
        %parallel_loop3A_169 = arith.subi %parallel_loop3A_146, %parallel_loop3A_168 : i32
        %parallel_loop3A_170 = vector.broadcast %parallel_loop3A_169 : i32 to vector<16xi32>
        %parallel_loop3A_171 = arith.cmpi slt, %iota3A_109, %parallel_loop3A_170 : vector<16xi32>
        tpu.vector_store_idx %arg7[%parallel_loop3A_166], %parallel_loop3A_167 masked %parallel_loop3A_171 : memref<33168xf32, #tpu.memory_space<vmem>>[vector<16xi32>], vector<16xf32>, vector<16xi1>
        %parallel_loop3A_172 = arith.constant 32 : i32
        %parallel_loop3A_173 = vector.broadcast %parallel_loop3A_172 : i32 to vector<16xi32>
        %parallel_loop3A_174 = arith.addi %iota3A_109, %parallel_loop3A_173 : vector<16xi32>
        %parallel_loop3A_175 = arith.addi %parallel_loop3A_135, %parallel_loop3A_174 : vector<16xi32>
        %parallel_loop3A_176 = tpu.vector_load_idx %arg5[%parallel_loop3A_175] : memref<528xf32, #tpu.memory_space<vmem>>[vector<16xi32>], vector<16xf32>,
        %parallel_loop3A_177 = arith.addi %parallel_loop3A_144, %parallel_loop3A_174 : vector<16xi32>
        %parallel_loop3A_178 = arith.mulf %parallel_loop3A_154, %parallel_loop3A_176 : vector<16xf32>
        %parallel_loop3A_179 = arith.constant 32 : i32
        %parallel_loop3A_180 = arith.subi %parallel_loop3A_146, %parallel_loop3A_179 : i32
        %parallel_loop3A_181 = vector.broadcast %parallel_loop3A_180 : i32 to vector<16xi32>
        %parallel_loop3A_182 = arith.cmpi slt, %iota3A_109, %parallel_loop3A_181 : vector<16xi32>
        tpu.vector_store_idx %arg7[%parallel_loop3A_177], %parallel_loop3A_178 masked %parallel_loop3A_182 : memref<33168xf32, #tpu.memory_space<vmem>>[vector<16xi32>], vector<16xf32>, vector<16xi1>
        %parallel_loop3A_183 = arith.constant 48 : i32
        %parallel_loop3A_184 = vector.broadcast %parallel_loop3A_183 : i32 to vector<16xi32>
        %parallel_loop3A_185 = arith.addi %iota3A_109, %parallel_loop3A_184 : vector<16xi32>
        %parallel_loop3A_186 = arith.addi %parallel_loop3A_135, %parallel_loop3A_185 : vector<16xi32>
        %parallel_loop3A_187 = tpu.vector_load_idx %arg5[%parallel_loop3A_186] : memref<528xf32, #tpu.memory_space<vmem>>[vector<16xi32>], vector<16xf32>,
        %parallel_loop3A_188 = arith.addi %parallel_loop3A_144, %parallel_loop3A_185 : vector<16xi32>
        %parallel_loop3A_189 = arith.mulf %parallel_loop3A_154, %parallel_loop3A_187 : vector<16xf32>
        %parallel_loop3A_190 = arith.constant 48 : i32
        %parallel_loop3A_191 = arith.subi %parallel_loop3A_146, %parallel_loop3A_190 : i32
        %parallel_loop3A_192 = vector.broadcast %parallel_loop3A_191 : i32 to vector<16xi32>
        %parallel_loop3A_193 = arith.cmpi slt, %iota3A_109, %parallel_loop3A_192 : vector<16xi32>
        tpu.vector_store_idx %arg7[%parallel_loop3A_188], %parallel_loop3A_189 masked %parallel_loop3A_193 : memref<33168xf32, #tpu.memory_space<vmem>>[vector<16xi32>], vector<16xf32>, vector<16xi1>
      } {sc.loop_unroll_factor = 4 : i64, sc.parallel_access}
      %dma_start3A_122 = arith.constant 0 : i32
      %dma_start3A_123 = tpu.memref_slice %arg7[%dma_start3A_122] : memref<33168xf32, #tpu.memory_space<vmem>> -> memref<32896xf32, #tpu.memory_space<vmem>>
      %dma_start3A_124 = arith.constant 0 : i32
      %dma_start3A_125 = tpu.memref_slice %arg3[%add3A_88, %dma_start3A_124] : memref<4096x32896xf32, #tpu.memory_space<hbm>> -> memref<1x32896xf32, #tpu.memory_space<hbm>>
      %dma_start3A_126 = tpu.memref_squeeze %dma_start3A_125 : memref<1x32896xf32, #tpu.memory_space<hbm>> -> memref<32896xf32, #tpu.memory_space<hbm>>
      %dma_start3A_127 = arith.constant 0 : i32
      %dma_start3A_128 = tpu.memref_slice %arg3[%add3A_88, %dma_start3A_127] : memref<4096x32896xf32, #tpu.memory_space<hbm>> -> memref<1x32896xf32, #tpu.memory_space<hbm>>
      %dma_start3A_129 = tpu.memref_squeeze %dma_start3A_128 : memref<1x32896xf32, #tpu.memory_space<hbm>> -> memref<32896xf32, #tpu.memory_space<hbm>>
      %dma_start3A_130 = arith.constant 0 : i32
      %dma_start3A_131 = tpu.memref_slice %arg7[%dma_start3A_130] : memref<33168xf32, #tpu.memory_space<vmem>> -> memref<32896xf32, #tpu.memory_space<vmem>>
      tpu.enqueue_dma source(%dma_start3A_131 : memref<32896xf32, #tpu.memory_space<vmem>>) target(%dma_start3A_129 : memref<32896xf32, #tpu.memory_space<hbm>>) target_semaphore(%arg11 : memref<!tpu.dma_semaphore, #tpu.memory_space<semaphore_mem>>)
    }
    %scan3A_16 = arith.constant 64 : i32
    %add3A_17 = arith.constant 128 : i32
    %add3A_18 = arith.addi %mul3A_2, %add3A_17 : i32
    %sub3A = arith.constant 1 : i32
    %sub3A_19 = arith.subi %add3A_18, %sub3A : i32
    %sub3A_20 = arith.constant 1 : i32
    %sub3A_21 = arith.subi %sub3A_19, %sub3A_20 : i32
    %dma_wait3A = arith.constant 0 : i32
    %dma_wait3A_22 = tpu.memref_slice %arg6[%dma_wait3A] : memref<33168xf32, #tpu.memory_space<vmem>> -> memref<32896xf32, #tpu.memory_space<vmem>>
    %dma_wait3A_23 = arith.constant 0 : i32
    %dma_wait3A_24 = tpu.memref_slice %arg3[%sub3A_21, %dma_wait3A_23] : memref<4096x32896xf32, #tpu.memory_space<hbm>> -> memref<1x32896xf32, #tpu.memory_space<hbm>>
    %dma_wait3A_25 = tpu.memref_squeeze %dma_wait3A_24 : memref<1x32896xf32, #tpu.memory_space<hbm>> -> memref<32896xf32, #tpu.memory_space<hbm>>
    %dma_wait3A_26 = arith.constant 0 : i32
    %dma_wait3A_27 = tpu.memref_slice %arg3[%sub3A_21, %dma_wait3A_26] : memref<4096x32896xf32, #tpu.memory_space<hbm>> -> memref<1x32896xf32, #tpu.memory_space<hbm>>
    %dma_wait3A_28 = tpu.memref_squeeze %dma_wait3A_27 : memref<1x32896xf32, #tpu.memory_space<hbm>> -> memref<32896xf32, #tpu.memory_space<hbm>>
    %dma_wait3A_29 = arith.constant 0 : i32
    %dma_wait3A_30 = tpu.memref_slice %arg6[%dma_wait3A_29] : memref<33168xf32, #tpu.memory_space<vmem>> -> memref<32896xf32, #tpu.memory_space<vmem>>
    tpu.wait_dma2 semaphore(%arg10 : memref<!tpu.dma_semaphore, #tpu.memory_space<semaphore_mem>>) src(%dma_wait3A_30 : memref<32896xf32, #tpu.memory_space<vmem>>) dst(%dma_wait3A_28 : memref<32896xf32, #tpu.memory_space<hbm>>)
    %dma_wait3A_31 = arith.constant 0 : i32
    %dma_wait3A_32 = tpu.memref_slice %arg7[%dma_wait3A_31] : memref<33168xf32, #tpu.memory_space<vmem>> -> memref<32896xf32, #tpu.memory_space<vmem>>
    %dma_wait3A_33 = arith.constant 0 : i32
    %dma_wait3A_34 = tpu.memref_slice %arg3[%sub3A_19, %dma_wait3A_33] : memref<4096x32896xf32, #tpu.memory_space<hbm>> -> memref<1x32896xf32, #tpu.memory_space<hbm>>
    %dma_wait3A_35 = tpu.memref_squeeze %dma_wait3A_34 : memref<1x32896xf32, #tpu.memory_space<hbm>> -> memref<32896xf32, #tpu.memory_space<hbm>>
    %dma_wait3A_36 = arith.constant 0 : i32
    %dma_wait3A_37 = tpu.memref_slice %arg3[%sub3A_19, %dma_wait3A_36] : memref<4096x32896xf32, #tpu.memory_space<hbm>> -> memref<1x32896xf32, #tpu.memory_space<hbm>>
    %dma_wait3A_38 = tpu.memref_squeeze %dma_wait3A_37 : memref<1x32896xf32, #tpu.memory_space<hbm>> -> memref<32896xf32, #tpu.memory_space<hbm>>
    %dma_wait3A_39 = arith.constant 0 : i32
    %dma_wait3A_40 = tpu.memref_slice %arg7[%dma_wait3A_39] : memref<33168xf32, #tpu.memory_space<vmem>> -> memref<32896xf32, #tpu.memory_space<vmem>>
    tpu.wait_dma2 semaphore(%arg11 : memref<!tpu.dma_semaphore, #tpu.memory_space<semaphore_mem>>) src(%dma_wait3A_40 : memref<32896xf32, #tpu.memory_space<vmem>>) dst(%dma_wait3A_38 : memref<32896xf32, #tpu.memory_space<hbm>>)
    return
  }
}

</mosaic_0001>

<sc_bundles>
// kernel: _sc_pairing.3.cloned.1.call-start
scs
__scs_entry_jumppad:
0x0: {  	(pc) =	sbr.rel $0x88, $3  }
0x1: {  	(tag) =	ssettag $0x0;
	lr =	simm.s32 $0x1  }
0x2: {  	[smem:$0x3FA0] =	sst lr;
	_ =	strace $0xD0000000  }
0x3: {  	_ = 	snop  }
0x4: {  	_ = 	snop  }
0x5: {  	_ = 	snop  }
0x6: {  	_ = 	snop  }
0x7: {  	_ = 	snop  }
__scs_overlays_trampoline_lowered:
0x8: {  	[smem:$0x3FAF] =	sst s0  }
0x9: {  	[smem:$0x3FB0] =	sst s1  }
0xa: {  	[smem:$0x3FB1] =	sst s2  }
0xb: {  	[smem:$0x3FB2] =	sst s3  }
0xc: {  	[smem:$0x3FB3] =	sst s4  }
0xd: {  	[smem:$0x3FB4] =	sst s5  }
0xe: {  	[smem:$0x3FB5] =	sst s6  }
0xf: {  	[smem:$0x3FB6] =	sst s7  }
0x10: {  	[smem:$0x3FB7] =	sst s8  }
0x11: {  	[smem:$0x3FB8] =	sst s9;
	s0 =	simm.s32 @!p0 $0x0  }
0x12: {  	s1 =	sld [smem:$0x3F9E];
	s0 =	simm.s32 @p0 $0x1  }
0x13: {  	[smem:$0x3FB9] =	sst s0;
	s0 =	simm.s32 @!p1 $0x0  }
0x14: {  	s2 =	sld [smem:$0x3F9D];
	s0 =	simm.s32 @p1 $0x1  }
0x15: {  	[smem:$0x3FBA] =	sst s0;
	s0 =	simm.s32 @!p2 $0x0  }
0x16: {  	s3 =	sld [smem:$0x3FDB];
	s0 =	simm.s32 @p2 $0x1  }
0x17: {  	s4 =	simm.s32 $0x1BF5;
	[smem:$0x3FBC] =	sst s0  }
0x18: {  	s0 =	sld [smem:$0x3F9F];
	_ =	swait.ge [sflag:s4], $0x0  }
0x19: {  	s7 =	sld [smem:$0x3FA0]  }
0x1a: {  	s8 =	sadd.s32 $0xFFFFE003, lr  }
0x1b: {  	s9 =	sadd.s32 $0xFFFFFEF7, lr;
	s5 =	simm.s32 $0xFFFFFFFF;
	p2 =	slt.u32 s8, $0xFFFFF086  }
0x1c: {  	p1 =	slt.u32 s9, $0xF7A;
	s5 =	simm.s32 @!p2 $0x0  }
0x1d: {  	s5 =	simm.s32 @p1 $0x1;
	p0 =	seq.s32 s7, s2  }
0x1e: {  	s7 =	smul.u32 @!p0 $0xF7A, s2;
	p2 =	seq.s32 @!p0 s5, $0x0  }
0x1f: {  	s9 =	smul.u32 $0xF7A, s1;
	s8 =	simm.s32 @!p0 $0x1BF5;
	p2 =	por !p2, p0  }
0x20: {  	[sflag:s8] =	ssyncset.s32 @!p0 $0xFFFFF086;
	s6 =	sadd.s32 @!p0 s3, s7;
	s7 =	simm.s32 @!p0 $0x108  }
0x21: {  	s3 =	sadd.s32 s3, s9;
	s6 =	sadd.s32 @!p0 $0x88, s6;
	s7 =	simm.s32 @p2 $0x1082  }
0x22: {  	[simem:s7], [sflag:s8] =	dma.local @!p0 [hbm:s6], $0xF7A  }
0x23: {  	s9 =	sor.u32 $0xD0000000, s2;
	s6 =	simm.s32 $0x108;
	_ =	swait.ge @!p0 [sflag:s8], $0x0  }
0x24: {  	s3 =	sadd.s32 $0x88, s3;
	s6 =	simm.s32 @!p1 $0x1082;
	[sflag:s4] =	ssyncset.s32 $0xFFFFF086  }
0x25: {  	[simem:s6], [sflag:s4] =	dma.local [hbm:s3], $0xF7A  }
0x26: {  	[smem:$0x3FA0] =	sst s1;
	(tag) =	ssettag s2;
	_ =	strace s9  }
0x27: {  	s1 =	sld [smem:$0x3FB0]  }
0x28: {  	s2 =	sld [smem:$0x3FB1]  }
0x29: {  	s4 =	sld [smem:$0x3FB3]  }
0x2a: {  	p0 =	seq.s32 s5, $0x0;
	s5 =	sld [smem:$0x3FB4]  }
0x2b: {  	s6 =	sld [smem:$0x3FB5]  }
0x2c: {  	s7 =	sld [smem:$0x3FB6]  }
0x2d: {  	s3 =	simm.s32 $0x108;
	s8 =	sld [smem:$0x3FB7]  }
0x2e: {  	s3 =	simm.s32 @!p0 $0x1082;
	s9 =	sld [smem:$0x3FB8]  }
0x2f: {  	lr =	sadd.s32 s0, s3;
	s0 =	sld [smem:$0x3FAF]  }
0x30: {  	s3 =	sld [smem:$0x3FB2]  }
0x31: {  	[smem:$0x3FBB] =	sst s10  }
0x32: {  	s10 =	sld [smem:$0x3FB9];
	_ =	sdelay $0x3  }
0x33: {  	p0 =	seq.s32 s10, $0x1;
	s10 =	sld [smem:$0x3FBB];
	_ =	sdelay $0x3  }
0x34: {  	[smem:$0x3FBB] =	sst s10  }
0x35: {  	s10 =	sld [smem:$0x3FBA];
	_ =	sdelay $0x3  }
0x36: {  	p1 =	seq.s32 s10, $0x1;
	s10 =	sld [smem:$0x3FBB];
	_ =	sdelay $0x3  }
0x37: {  	[smem:$0x3FBB] =	sst s10  }
0x38: {  	s10 =	sld [smem:$0x3FBC]  }
0x39: {  	_ = 	snop;
	(pc) =	sbr.ind lr, $3  }
0x3a: {  	_ = 	snop  }
0x3b: {  	_ = 	snop  }
0x3c: {  	p2 =	seq.s32 s10, $0x1;
	s10 =	sld [smem:$0x3FBB]  }
0x3d: {  	_ =	shalt  }
0x3e: {  	_ =	shalt  }
0x3f: {  	_ =	shalt  }
0x40: {  	_ =	shalt  }
0x41: {  	_ =	shalt  }
0x42: {  	_ =	shalt  }
0x43: {  	_ =	shalt  }
0x44: {  	_ =	shalt  }
0x45: {  	_ =	shalt  }
0x46: {  	_ =	shalt  }
0x47: {  	_ =	shalt  }
0x48: {  	_ =	shalt  }
0x49: {  	_ =	shalt  }
0x4a: {  	_ =	shalt  }
0x4b: {  	_ =	shalt  }
0x4c: {  	_ =	shalt  }
0x4d: {  	_ =	shalt  }
0x4e: {  	_ =	shalt  }
0x4f: {  	_ =	shalt  }
0x50: {  	_ =	shalt  }
0x51: {  	_ =	shalt  }
0x52: {  	_ =	shalt  }
0x53: {  	_ =	shalt  }
0x54: {  	_ =	shalt  }
0x55: {  	_ =	shalt  }
0x56: {  	_ =	shalt  }
0x57: {  	_ =	shalt  }
0x58: {  	_ =	shalt  }
0x59: {  	_ =	shalt  }
0x5a: {  	_ =	shalt  }
0x5b: {  	_ =	shalt  }
0x5c: {  	_ =	shalt  }
0x5d: {  	_ =	shalt  }
0x5e: {  	_ =	shalt  }
0x5f: {  	_ =	shalt  }
0x60: {  	_ =	shalt  }
0x61: {  	_ =	shalt  }
0x62: {  	_ =	shalt  }
0x63: {  	_ =	shalt  }
0x64: {  	_ =	shalt  }
0x65: {  	_ =	shalt  }
0x66: {  	_ =	shalt  }
0x67: {  	_ =	shalt  }
0x68: {  	_ =	shalt  }
0x69: {  	_ =	shalt  }
0x6a: {  	_ =	shalt  }
0x6b: {  	_ =	shalt  }
0x6c: {  	_ =	shalt  }
0x6d: {  	_ =	shalt  }
0x6e: {  	_ =	shalt  }
0x6f: {  	_ =	shalt  }
0x70: {  	_ =	shalt  }
0x71: {  	_ =	shalt  }
0x72: {  	_ =	shalt  }
0x73: {  	_ =	shalt  }
0x74: {  	_ =	shalt  }
0x75: {  	_ =	shalt  }
0x76: {  	_ =	shalt  }
0x77: {  	_ =	shalt  }
0x78: {  	_ =	shalt  }
0x79: {  	_ =	shalt  }
0x7a: {  	_ =	shalt  }
0x7b: {  	_ =	shalt  }
0x7c: {  	_ =	shalt  }
0x7d: {  	_ =	shalt  }
0x7e: {  	_ =	shalt  }
0x7f: {  	_ =	shalt  }
0x80: {  	_ =	shalt  }
0x81: {  	_ =	shalt  }
0x82: {  	_ =	shalt  }
0x83: {  	_ =	shalt  }
0x84: {  	_ =	shalt  }
0x85: {  	_ =	shalt  }
0x86: {  	_ =	shalt  }
0x87: {  	_ =	shalt  }
.Lfunc_end0:
.L_simem_size_0:
called_computation_lowered:
.L_overlay_start_0:
0x88: {  	s2 =	sld [smem:$0x3FD9]  }
0x89: {  	s3 =	sld [smem:$0x3FFE];
	_ =	sdelay $0x1  }
0x8a: {  	s1 =	srdreg.scid  }
0x8b: {  	s0 =	sand.u32 $0x1, s1  }
0x8c: {  	s18 =	sshll.u32 s0, $0xA;
	s2 =	sadd.s32 s3, s2  }
0x8d: {  	s2 =	sadd.s32 s2, s18  }
0x8e: {  	[smem:$0x3FC7] =	sst s2  }
0x8f: {  	_ = 	snop  }
0x90: {  	s2 =	sld [smem:$0x3FC9]  }
0x91: {  	s19 =	sld [smem:$0x3FD0];
	(tm) =	ssettm $0x1  }
0x92: {  	s4 =	sld [smem:$0x3FFB];
	_ =	sdelay $0x3  }
0x93: {  	_ =	strace s4  }
0x94: {  	s4 =	sld [smem:$0x3FFC];
	_ =	sdelay $0x3  }
0x95: {  	_ =	strace s4  }
0x96: {  	s4 =	sld [smem:$0x3FFD];
	_ =	sdelay $0x3  }
0x97: {  	_ =	strace s4  }
0x98: {  	_ =	strace $0x8FFFFFFF  }
0x99: {  	s20 =	sld [smem:$0x3FDB];
	_ =	sdelay $0x1  }
0x9a: {  	s5 =	simm.s32 $_scs_section_size  }
0x9b: {  	s6 =	simm.s32 $_size__tile_overlayer_lowered;
	s7 =	simm.s32 $_tile_overlayer_lowered  }
0x9c: {  	s23 =	simm.s32 $0x1BFF;
	s22 =	sshll.u32 s7, $0x1;
	s4 =	sadd.s32 s5, s20  }
0x9d: {  	s8 =	simm.s32 $0x0;
	s21 =	sshll.u32 s6, $0x1;
	s6 =	sadd.s32 s22, s4  }
0x9e: {  	[timem:s8], [sflag:s23] =	dma.local [hbm:s6], s21  }
0x9f: {  	_ =	swait.ge [sflag:s23], s21  }
0xa0: {  	s5 =	ssub.s32 $0x0, s21;
	[sflag:s23] =	ssyncset.done $0x0  }
0xa1: {  	[sflag:s23] =	ssyncadd.s32 s5;
	_ =	sdelay $0x1  }
0xa2: {  	s24 =	simm.s32 $0x1B8B  }
0xa3: {  	_ =	swait.ge [sflag:s24], $0x1  }
0xa4: {  	[sflag:s24] =	ssyncset.done $0x0  }
0xa5: {  	s25 =	simm.s32 $0x1B8E;
	[sflag:s24] =	ssyncadd.s32 $0xFFFFFFFF  }
0xa6: {  	s26 =	simm.s32 $execute0_lowered;
	[smem:$0x3FD2] =	sst s25  }
0xa7: {  	s5 =	sshll.u32 s26, $0x1;
	_ =	strace $0x80000046;
	[dreg:$0x1] =	wrdreg $0xFFFFFFFF  }
0xa8: {  	s28 =	simm.s32 $_size_execute0_lowered;
	s4 =	sadd.s32 s4, s5;
	[dreg:$0x0] =	wrdreg $0x0  }
0xa9: {  	s5 =	sshll.u32 s28, $0x1;
	[dreg:$0x2] =	wrdreg s4  }
0xaa: {  	[dreg:$0x3] =	wrdreg s5  }
0xab: {  	[dreg:$0x4] =	wrdreg $0xC0  }
0xac: {  	_ =	task [dreg:s8], $0x5FFFF  }
0xad: {  	[dreg:$0x1] =	wrdreg $0xFFFFFFFF  }
0xae: {  	[dreg:$0x0] =	wrdreg $0x60  }
0xaf: {  	[dreg:$0x2] =	wrdreg s2  }
0xb0: {  	[dreg:$0x3] =	wrdreg s19  }
0xb1: {  	[dreg:$0x4] =	wrdreg $0x9  }
0xb2: {  	_ =	task.clear_ibuf [dreg:s8], $0x5FFFF;
	_ =	strace $0x90000046  }
0xb3: {  	s29 =	simm.s32 $0x9;
	_ =	strace $0x80000048  }
0xb4: {  	_ =	swait.ge [sflag:s29], $0x1  }
0xb5: {  	[sflag:s29] =	ssyncadd.s32 $0xFFFFFFFF  }
0xb6: {  	_ =	strace $0x90000048  }
0xb7: {  	_ =	sfence  }
0xb8: {  	s30 =	sld [smem:$0x0];
	_ =	sdelay $0x2  }
0xb9: {  	s31 =	sshll.u32 s1, $0xD;
	s1 =	sshrl.u32 s1, $0x2  }
0xba: {  	s3 =	sand.u32 $0x4000, s31;
	s1 =	sadd.s32 s1, s30  }
0xbb: {  	s0 =	sor.u32 s3, s0;
	s1 =	sshll.u32 s1, $0x11  }
0xbc: {  	s0 =	sor.u32 s1, s0  }
0xbd: {  	s0 =	sadd.s32 $0x8F2B, s0  }
0xbe: {  	[sflag:s0] =	ssyncadd.remote.s32 $0x1  }
0xbf: {  	_ =	sfence.sel $0xFFFF  }
0xc0: {  	[dreg:$0x0] =	wrdreg $0xFFFFFFFF;
	(pc) =	sbr.abs _section_cstart, $3  }
0xc1: {  	[dreg:$0x1] =	wrdreg $0xFFFFFFFF  }
0xc2: {  	_ =	task.clear_ibuf [dreg:s8], $0x2FFFF;
	_ =	strace $0x9FFFFFFF  }
0xc3: {  	(tm) =	ssettm $0x7FFFFFFF  }
tec
execute0_lowered:
.L_overlay_start_1:
0x0: {  	(tag) =	ssettag $0x1  }
0x1: {  	s4 =	rddreg [dreg:$0x0];
	s0 =	srdreg.scid  }
0x2: {  	s12 =	simm.s32 $0x0;
	s2 =	stileid.u32;
	s0 =	sand.u32 $0x1, s0  }
0x3: {  	v0 =	vlaneseq.u32;
	s2 =	sshll.u32 s2, $0x8;
	s1 =	ssub.s32 $0x2, s0;
	s0 =	sshll.u32 s0, $0x7  }
0x4: {  	s14 =	simm.s32 $0x280;
	[smem:$0x7FF] =	sst s12;
	v1 =	vor.u32 $0x10, v0;
	v2 =	vor.u32 $0x20, v0;
	v3 =	vor.u32 $0x30, v0;
	s2 =	sor.u32 s0, s2  }
0x5: {  	v4 =	vor.u32 $0x40, v0;
	v5 =	vor.u32 $0x50, v0;
	v12 =	vor.u32 $0xC0, v0;
	_ =	strace $0x80000047;
	s3 =	sshrl.u32 s1, $0x1;
	s31 =	sshll.u32 s2, $0x9  }
0x6: {  	v6 =	vor.u32 $0x60, v0;
	v7 =	vor.u32 $0x70, v0;
	v13 =	vor.u32 $0xD0, v0;
	[tilespmem:$0x1FFD0] =	vst v12;
	s30 =	ssub.s32 s1, s3;
	[dreg:$0x7] =	wrdreg s2;
	s1 =	sadd.s32 s4, s31  }
0x7: {  	v8 =	vor.u32 $0x80, v0;
	v9 =	vor.u32 $0x90, v0;
	v14 =	vor.u32 $0xE0, v0;
	[tilespmem:$0x1FFE0] =	vst v13;
	s3 =	simm.s32 $0x80;
	s0 =	smax.u32 s30, $0x1;
	[dreg:$0x8] =	wrdreg s1  }
0x8: {  	v10 =	vor.u32 $0xA0, v0;
	v11 =	vor.u32 $0xB0, v0;
	v15 =	vor.u32 $0xF0, v0;
	[tilespmem:$0x1FFF0] =	vst v14;
	s2 =	simm.s32 $0x0;
	s4 =	simm.s32 $0x400;
	[dreg:$0x9] =	wrdreg s0  }
.LBB2_1:
0x9: {  	[dreg:$0xa] =	wrdreg s2  }
0xa: {  	s0 =	rddreg [dreg:$0x8];
	s9 =	simm.s32 $0x0  }
0xb: {  	[tilespmem:s12], [sflag:$0x1] =	stream.strided.gather [hbm4b:s0+s3], $0x100, s4, s3, $0x38;
	[tilespmem:$0x10900] =	vst v63  }
.LBB2_2:
0xc: {  	s1 =	sshll.u32 s9, $0x1;
	s0 =	rddreg [dreg:$0x7]  }
0xd: {  	s22 =	sshll.u32 s9, $0x5;
	s2 =	rddreg [dreg:$0x0];
	s18 =	sor.u32 s0, s1  }
0xe: {  	[dreg:$0xc] =	wrdreg s1;
	s0 =	sand.u32 $0x60, s22;
	s1 =	sshll.u32 s18, $0x9  }
0xf: {  	s0 =	sadd.s32 s0, s2;
	s1 =	sand.u32 $0x1FF000, s1  }
0x10: {  	s0 =	sadd.s32 s1, s0  }
0x11: {  	s23 =	simm.s32 $0x1;
	s0 =	sadd.s32 $0x10, s0  }
0x12: {  	[tilespmem:s14], [sflag:$0x2] =	stream.strided.gather [hbm4b:s0+s3], $0x100, s4, s3, $0x38;
	[tilespmem:$0x10900] =	vst v63  }
0x13: {  	s5 =	simm.s32 $0x0;
	_ =	swait.ge [sflag:s23], $0x100  }
0x14: {  	p0 =	seq.s32 s9, $0x0;
	v16 =	vadd.s32 s5, v0;
	[sflag:s23] =	ssyncset.done $0x0  }
0x15: {  	s0 =	simm.s32 @!p0 $0x3;
	[sflag:s23] =	ssyncadd.s32 $0xFFFFFF00  }
0x16: {  	_ =	swait.ge @!p0 [sflag:s0], $0x8080  }
0x17: {  	[sflag:s0] =	ssyncset.done @!p0 $0x0  }
0x18: {  	[sflag:s0] =	ssyncadd.s32 @!p0 $0xFFFF7F80  }
0x19: {  	v16 =	vld.idx.msk [tilespmem:v16+s12+$0x0], $0xffff;
	_ =	sdelay $0x2  }
0x1a: {  	s8 =	simm.s32 $0x0  }
0x1b: {  	v17 =	vadd.s32 s8, v0  }
0x1c: {  	v18 =	vadd.s32 s5, v1;
	v21 =	vbroadcast v16, $0x0;
	_ =	sdelay $0x1  }
0x1d: {  	v16 =	vmul.f32 v21, v16  }
0x1e: {  	s14 =	simm.s32 $0x500  }
0x1f: {  	[tilespmem:v17+s14+$0x0] =	vst.idx.msk $0xffff, v16  }
0x20: {  	v16 =	vld.idx.msk [tilespmem:v18+s12+$0x0], $0xffff  }
0x21: {  	s11 =	simm.s32 $0x1  }
0x22: {  	v17 =	vadd.s32 s11, v0;
	v18 =	vadd.s32 s8, v1  }
0x23: {  	v19 =	vadd.s32 s5, v2;
	_ =	sdelay $0x1  }
0x24: {  	v16 =	vmul.f32 v16, v21;
	_ =	sdelay $0x1  }
0x25: {  	v17 =	vld.idx.msk [tilespmem:v17+s12+$0x0], $0xffff;
	[tilespmem:v18+s14+$0x0] =	vst.idx.msk $0xffff, v16  }
0x26: {  	v16 =	vld.idx.msk [tilespmem:v19+s12+$0x0], $0xffff;
	_ =	sdelay $0x1  }
0x27: {  	s3 =	simm.s32 $0x100;
	v18 =	vadd.s32 s8, v2  }
0x28: {  	v22 =	vadd.s32 s5, v3;
	v20 =	vadd.s32 s3, v0  }
0x29: {  	v23 =	vadd.s32 s11, v1;
	v19 =	vbroadcast v17, $0x0  }
0x2a: {  	v16 =	vmul.f32 v16, v21  }
0x2b: {  	v17 =	vmul.f32 v19, v17  }
0x2c: {  	[tilespmem:v18+s14+$0x0] =	vst.idx.msk $0xffff, v16  }
0x2d: {  	[tilespmem:v20+s14+$0x0] =	vst.idx.msk $0xffff, v17;
	v16 =	vld.idx.msk [tilespmem:v22+s12+$0x0], $0xffff  }
0x2e: {  	s15 =	simm.s32 $0x2;
	v17 =	vld.idx.msk [tilespmem:v23+s12+$0x0], $0xffff  }
0x2f: {  	v20 =	vadd.s32 s8, v3;
	v18 =	vadd.s32 s15, v0  }
0x30: {  	v23 =	vadd.s32 s5, v4;
	v22 =	vadd.s32 s3, v1  }
0x31: {  	v24 =	vadd.s32 s11, v2  }
0x32: {  	v16 =	vmul.f32 v16, v21  }
0x33: {  	v17 =	vmul.f32 v17, v19  }
0x34: {  	v18 =	vld.idx.msk [tilespmem:v18+s12+$0x0], $0xffff;
	[tilespmem:v20+s14+$0x0] =	vst.idx.msk $0xffff, v16  }
0x35: {  	[tilespmem:v22+s14+$0x0] =	vst.idx.msk $0xffff, v17;
	v17 =	vld.idx.msk [tilespmem:v23+s12+$0x0], $0xffff  }
0x36: {  	v20 =	vld.idx.msk [tilespmem:v24+s12+$0x0], $0xffff  }
0x37: {  	v22 =	vadd.s32 s8, v4  }
0x38: {  	s31 =	simm.s32 $0x1FF;
	v24 =	vadd.s32 s5, v5;
	v23 =	vadd.s32 s3, v2  }
0x39: {  	v25 =	vadd.s32 s31, v0;
	v26 =	vadd.s32 s11, v3  }
0x3a: {  	v27 =	vadd.s32 s15, v1;
	v16 =	vbroadcast v18, $0x0;
	v17 =	vmul.f32 v17, v21  }
0x3b: {  	v20 =	vmul.f32 v20, v19  }
0x3c: {  	v18 =	vmul.f32 v16, v18;
	[tilespmem:v22+s14+$0x0] =	vst.idx.msk $0xffff, v17  }
0x3d: {  	[tilespmem:v23+s14+$0x0] =	vst.idx.msk $0xffff, v20;
	v17 =	vld.idx.msk [tilespmem:v24+s12+$0x0], $0xffff  }
0x3e: {  	s2 =	simm.s32 $0x3;
	[tilespmem:v25+s14+$0x0] =	vst.idx.msk $0xffff, v18;
	v18 =	vld.idx.msk [tilespmem:v26+s12+$0x0], $0xffff  }
0x3f: {  	v20 =	vadd.s32 s2, v0;
	v23 =	vadd.s32 s8, v5;
	v22 =	vld.idx.msk [tilespmem:v27+s12+$0x0], $0xffff  }
0x40: {  	v25 =	vadd.s32 s5, v6;
	v24 =	vadd.s32 s3, v3  }
0x41: {  	v26 =	vadd.s32 s31, v1;
	v27 =	vadd.s32 s11, v4  }
0x42: {  	v28 =	vadd.s32 s15, v2;
	v17 =	vmul.f32 v17, v21  }
0x43: {  	v18 =	vmul.f32 v18, v19  }
0x44: {  	v20 =	vld.idx.msk [tilespmem:v20+s12+$0x0], $0xffff;
	v22 =	vmul.f32 v22, v16;
	[tilespmem:v23+s14+$0x0] =	vst.idx.msk $0xffff, v17  }
0x45: {  	[tilespmem:v24+s14+$0x0] =	vst.idx.msk $0xffff, v18;
	v17 =	vld.idx.msk [tilespmem:v25+s12+$0x0], $0xffff  }
0x46: {  	[tilespmem:v26+s14+$0x0] =	vst.idx.msk $0xffff, v22;
	v18 =	vld.idx.msk [tilespmem:v27+s12+$0x0], $0xffff  }
0x47: {  	v22 =	vld.idx.msk [tilespmem:v28+s12+$0x0], $0xffff;
	v23 =	vadd.s32 s8, v6  }
0x48: {  	v24 =	vadd.s32 s5, v7;
	v25 =	vadd.s32 s3, v4  }
0x49: {  	s0 =	simm.s32 $0x2FD;
	v26 =	vadd.s32 s31, v2;
	v27 =	vadd.s32 s11, v5  }
0x4a: {  	v29 =	vadd.s32 s15, v3;
	v28 =	vadd.s32 s0, v0;
	v30 =	vmul.f32 v17, v21  }
0x4b: {  	v31 =	vadd.s32 s2, v1;
	v18 =	vmul.f32 v18, v19;
	v17 =	vbroadcast v20, $0x0  }
0x4c: {  	v22 =	vmul.f32 v22, v16;
	[tilespmem:v23+s14+$0x0] =	vst.idx.msk $0xffff, v30  }
0x4d: {  	[tilespmem:v25+s14+$0x0] =	vst.idx.msk $0xffff, v18;
	v20 =	vmul.f32 v17, v20;
	v18 =	vld.idx.msk [tilespmem:v24+s12+$0x0], $0xffff  }
0x4e: {  	s7 =	simm.s32 $0x4;
	[tilespmem:v26+s14+$0x0] =	vst.idx.msk $0xffff, v22;
	v22 =	vld.idx.msk [tilespmem:v27+s12+$0x0], $0xffff  }
0x4f: {  	v23 =	vadd.s32 s7, v0;
	v24 =	vadd.s32 s8, v7;
	[tilespmem:v28+s14+$0x0] =	vst.idx.msk $0xffff, v20;
	v20 =	vld.idx.msk [tilespmem:v29+s12+$0x0], $0xffff  }
0x50: {  	v26 =	vadd.s32 s3, v5;
	v27 =	vadd.s32 s5, v8;
	v25 =	vld.idx.msk [tilespmem:v31+s12+$0x0], $0xffff  }
0x51: {  	v28 =	vadd.s32 s31, v3;
	v29 =	vadd.s32 s11, v6  }
0x52: {  	v30 =	vadd.s32 s0, v1;
	v31 =	vadd.s32 s15, v4;
	v18 =	vmul.f32 v18, v21  }
0x53: {  	v32 =	vadd.s32 s2, v2;
	v22 =	vmul.f32 v22, v19  }
0x54: {  	v23 =	vld.idx.msk [tilespmem:v23+s12+$0x0], $0xffff;
	v20 =	vmul.f32 v20, v16;
	[tilespmem:v24+s14+$0x0] =	vst.idx.msk $0xffff, v18  }
0x55: {  	[tilespmem:v26+s14+$0x0] =	vst.idx.msk $0xffff, v22;
	v18 =	vmul.f32 v25, v17;
	v22 =	vld.idx.msk [tilespmem:v27+s12+$0x0], $0xffff  }
0x56: {  	[tilespmem:v28+s14+$0x0] =	vst.idx.msk $0xffff, v20;
	v20 =	vld.idx.msk [tilespmem:v29+s12+$0x0], $0xffff  }
0x57: {  	v25 =	vadd.s32 s8, v8;
	[tilespmem:v30+s14+$0x0] =	vst.idx.msk $0xffff, v18;
	v24 =	vld.idx.msk [tilespmem:v31+s12+$0x0], $0xffff  }
0x58: {  	v26 =	vadd.s32 s5, v9;
	v28 =	vadd.s32 s3, v6;
	v27 =	vld.idx.msk [tilespmem:v32+s12+$0x0], $0xffff  }
0x59: {  	v29 =	vadd.s32 s11, v7;
	v30 =	vadd.s32 s31, v4  }
0x5a: {  	s6 =	simm.s32 $0x3FA;
	v59 =	vadd.s32 s15, v5;
	v31 =	vadd.s32 s0, v2;
	v22 =	vmul.f32 v22, v21  }
0x5b: {  	v33 =	vadd.s32 s6, v0;
	v34 =	vadd.s32 s2, v3;
	v20 =	vmul.f32 v20, v19  }
0x5c: {  	v35 =	vadd.s32 s7, v1;
	v18 =	vbroadcast v23, $0x0;
	v24 =	vmul.f32 v24, v16;
	[tilespmem:v25+s14+$0x0] =	vst.idx.msk $0xffff, v22  }
0x5d: {  	v22 =	vmul.f32 v27, v17;
	[tilespmem:v28+s14+$0x0] =	vst.idx.msk $0xffff, v20;
	v20 =	vld.idx.msk [tilespmem:v26+s12+$0x0], $0xffff  }
0x5e: {  	v23 =	vmul.f32 v18, v23;
	[tilespmem:v30+s14+$0x0] =	vst.idx.msk $0xffff, v24;
	v24 =	vld.idx.msk [tilespmem:v29+s12+$0x0], $0xffff  }
0x5f: {  	v26 =	vadd.s32 s8, v9;
	[tilespmem:v31+s14+$0x0] =	vst.idx.msk $0xffff, v22;
	v22 =	vld.idx.msk [tilespmem:v59+s12+$0x0], $0xffff  }
0x60: {  	[tilespmem:v33+s14+$0x0] =	vst.idx.msk $0xffff, v23;
	v27 =	vadd.s32 s3, v7;
	v28 =	vadd.s32 s5, v10;
	v23 =	vld.idx.msk [tilespmem:v34+s12+$0x0], $0xffff  }
0x61: {  	v29 =	vld.idx.msk [tilespmem:v35+s12+$0x0], $0xffff;
	v30 =	vadd.s32 s31, v5;
	v31 =	vadd.s32 s11, v8  }
0x62: {  	v61 =	vadd.s32 s15, v6;
	v60 =	vadd.s32 s0, v3;
	v20 =	vmul.f32 v20, v21  }
0x63: {  	s16 =	simm.s32 $0x5;
	v62 =	vadd.s32 s6, v1;
	v63 =	vadd.s32 s2, v4;
	v24 =	vmul.f32 v24, v19  }
0x64: {  	v25 =	vadd.s32 s16, v0;
	v22 =	vmul.f32 v22, v16;
	[tilespmem:v26+s14+$0x0] =	vst.idx.msk $0xffff, v20  }
0x65: {  	v36 =	vadd.s32 s7, v2;
	v20 =	vmul.f32 v23, v17;
	[tilespmem:v27+s14+$0x0] =	vst.idx.msk $0xffff, v24;
	v23 =	vld.idx.msk [tilespmem:v28+s12+$0x0], $0xffff  }
0x66: {  	v24 =	vmul.f32 v29, v18;
	[tilespmem:v30+s14+$0x0] =	vst.idx.msk $0xffff, v22;
	v22 =	vld.idx.msk [tilespmem:v31+s12+$0x0], $0xffff  }
0x67: {  	v26 =	vadd.s32 s8, v10;
	[tilespmem:v60+s14+$0x0] =	vst.idx.msk $0xffff, v20;
	v20 =	vld.idx.msk [tilespmem:v61+s12+$0x0], $0xffff  }
0x68: {  	v27 =	vadd.s32 s5, v11;
	v28 =	vadd.s32 s3, v8;
	[tilespmem:v62+s14+$0x0] =	vst.idx.msk $0xffff, v24;
	v24 =	vld.idx.msk [tilespmem:v63+s12+$0x0], $0xffff  }
0x69: {  	v25 =	vld.idx.msk [tilespmem:v25+s12+$0x0], $0xffff;
	v29 =	vadd.s32 s11, v9;
	v31 =	vadd.s32 s31, v6  }
0x6a: {  	v40 =	vadd.s32 s15, v7;
	v41 =	vadd.s32 s0, v4;
	v30 =	vld.idx.msk [tilespmem:v36+s12+$0x0], $0xffff;
	v23 =	vmul.f32 v23, v21  }
0x6b: {  	v22 =	vmul.f32 v22, v19  }
0x6c: {  	s17 =	simm.s32 $0x4F6;
	v42 =	vadd.s32 s6, v2;
	v43 =	vadd.s32 s2, v5;
	v38 =	vmul.f32 v20, v16;
	[tilespmem:v26+s14+$0x0] =	vst.idx.msk $0xffff, v23  }
0x6d: {  	v44 =	vadd.s32 s17, v0;
	v37 =	vadd.s32 s7, v3;
	v24 =	vmul.f32 v24, v17;
	[tilespmem:v28+s14+$0x0] =	vst.idx.msk $0xffff, v22;
	v22 =	vld.idx.msk [tilespmem:v27+s12+$0x0], $0xffff  }
0x6e: {  	v20 =	vbroadcast v25, $0x0;
	[tilespmem:v31+s14+$0x0] =	vst.idx.msk $0xffff, v38;
	v27 =	vld.idx.msk [tilespmem:v29+s12+$0x0], $0xffff  }
0x6f: {  	v23 =	vadd.s32 s16, v1;
	v26 =	vmul.f32 v30, v18;
	v29 =	vadd.s32 s8, v11;
	[tilespmem:v41+s14+$0x0] =	vst.idx.msk $0xffff, v24;
	v24 =	vld.idx.msk [tilespmem:v40+s12+$0x0], $0xffff  }
0x70: {  	v30 =	vadd.s32 s3, v9;
	v25 =	vmul.f32 v20, v25;
	v31 =	vadd.s32 s5, v12  }
0x71: {  	v45 =	vadd.s32 s31, v7;
	v46 =	vadd.s32 s11, v10;
	[tilespmem:v42+s14+$0x0] =	vst.idx.msk $0xffff, v26;
	v26 =	vld.idx.msk [tilespmem:v43+s12+$0x0], $0xffff  }
0x72: {  	v48 =	vadd.s32 s15, v8;
	[tilespmem:v44+s14+$0x0] =	vst.idx.msk $0xffff, v25;
	v25 =	vld.idx.msk [tilespmem:v37+s12+$0x0], $0xffff;
	v22 =	vmul.f32 v22, v21  }
0x73: {  	v47 =	vadd.s32 s0, v5;
	v27 =	vmul.f32 v27, v19  }
0x74: {  	s24 =	simm.s32 $0x40;
	v49 =	vadd.s32 s6, v3;
	v50 =	vadd.s32 s2, v6;
	v23 =	vld.idx.msk [tilespmem:v23+s12+$0x0], $0xffff;
	v24 =	vmul.f32 v24, v16;
	[tilespmem:v29+s14+$0x0] =	vst.idx.msk $0xffff, v22  }
0x75: {  	v51 =	vadd.s32 s17, v1;
	v22 =	vmov s24;
	[tilespmem:v30+s14+$0x0] =	vst.idx.msk $0xffff, v27;
	v27 =	vld.idx.msk [tilespmem:v31+s12+$0x0], $0xffff  }
0x76: {  	s1 =	simm.s32 $0x6;
	v26 =	vmul.f32 v26, v17;
	vm0 =	vgt.u32 v22, v0;
	[tilespmem:v45+s14+$0x0] =	vst.idx.msk $0xffff, v24;
	v24 =	vld.idx.msk [tilespmem:v46+s12+$0x0], $0xffff  }
0x77: {  	v28 =	vadd.s32 s1, v0;
	v30 =	vadd.s32 s8, v12;
	v22 =	vmul.f32 v25, v18;
	v25 =	vld.idx.msk [tilespmem:v48+s12+$0x0], $0xffff  }
0x78: {  	v39 =	vadd.s32 s7, v4;
	v52 =	vadd.s32 s3, v10;
	[tilespmem:v47+s14+$0x0] =	vst.idx.msk $0xffff, v26  }
0x79: {  	v54 =	vadd.s32 s31, v8;
	v29 =	vadd.s32 s16, v2;
	v23 =	vmul.f32 v23, v20;
	[tilespmem:v49+s14+$0x0] =	vst.idx.msk $0xffff, v22;
	v22 =	vld.idx.msk [tilespmem:v50+s12+$0x0], $0xffff  }
0x7a: {  	v31 =	vadd.s32 s5, v13;
	v27 =	vmul.f32 v27, v21  }
0x7b: {  	v56 =	vadd.s32 s0, v6;
	[tilespmem:v51+s14+$0x0] =	vst.idx.msk $0xffff, v23;
	v24 =	vmul.f32 v24, v19  }
0x7c: {  	v55 =	vadd.s32 s11, v11;
	v28 =	vld.idx.msk [tilespmem:v28+s12+$0x0], $0xffff;
	v25 =	vmul.f32 v25, v16;
	[tilespmem:v30+s14+$0x0] =	vst.idx.msk vm0, v27  }
0x7d: {  	v23 =	vld.idx.msk [tilespmem:v39+s12+$0x0], $0xffff;
	[tilespmem:v52+s14+$0x0] =	vst.idx.msk $0xffff, v24  }
0x7e: {  	s25 =	simm.s32 $0x30;
	v53 =	vadd.s32 s15, v9;
	v58 =	vadd.s32 s6, v4;
	v29 =	vld.idx.msk [tilespmem:v29+s12+$0x0], $0xffff;
	v30 =	vmul.f32 v22, v17;
	[tilespmem:v54+s14+$0x0] =	vst.idx.msk $0xffff, v25  }
0x7f: {  	v57 =	vadd.s32 s2, v7;
	v32 =	vadd.s32 s6, v5;
	v26 =	vmov s25;
	v31 =	vld.idx.msk [tilespmem:v31+s12+$0x0], $0xffff;
	[dreg:$0xb] =	wrdreg s9  }
0x80: {  	s13 =	simm.s32 $0x5F1;
	s26 =	sshll.u32 s9, $0x8;
	s10 =	sshrl.u32 s18, $0x3;
	vm1 =	vgt.s32 v26, v0;
	v26 =	vadd.s32 s17, v2;
	v27 =	vadd.s32 s7, v5;
	[tilespmem:v56+s14+$0x0] =	vst.idx.msk $0xffff, v30  }
0x81: {  	s4 =	sand.u32 $0x300, s26;
	v33 =	vadd.s32 s7, v6;
	v59 =	vadd.s32 s13, v0;
	v24 =	vadd.s32 s16, v3;
	v25 =	vld.idx.msk [tilespmem:v55+s12+$0x0], $0xffff;
	[dreg:$0xf] =	wrdreg s10  }
0x82: {  	v60 =	vadd.s32 s1, v1;
	v22 =	vbroadcast v28, $0x0;
	v23 =	vmul.f32 v23, v18;
	s9 =	simm.s32 $0x7;
	[dreg:$0xd] =	wrdreg s4  }
0x83: {  	v40 =	vadd.s32 s8, v13;
	v29 =	vmul.f32 v29, v20;
	v62 =	vadd.s32 s9, v0;
	v34 =	vld.idx.msk [tilespmem:v53+s12+$0x0], $0xffff  }
0x84: {  	v41 =	vadd.s32 s3, v11;
	v42 =	vadd.s32 s5, v14;
	v28 =	vmul.f32 v22, v28;
	[tilespmem:v58+s14+$0x0] =	vst.idx.msk $0xffff, v23;
	v23 =	vld.idx.msk [tilespmem:v57+s12+$0x0], $0xffff  }
0x85: {  	s19 =	simm.s32 $0x3F;
	s28 =	simm.s32 $0x1E;
	[tilespmem:v26+s14+$0x0] =	vst.idx.msk $0xffff, v29;
	v26 =	vadd.s32 s31, v9;
	v29 =	vadd.s32 s11, v12;
	v30 =	vld.idx.msk [tilespmem:v27+s12+$0x0], $0xffff  }
0x86: {  	s29 =	simm.s32 $0x38;
	s21 =	simm.s32 $0x3C;
	s30 =	simm.s32 $0x3A;
	v61 =	vmov s19;
	[tilespmem:v59+s14+$0x0] =	vst.idx.msk $0xffff, v28;
	v36 =	vld.idx.msk [tilespmem:v24+s12+$0x0], $0xffff;
	v27 =	vadd.s32 s0, v7;
	v63 =	vmul.f32 v31, v21  }
0x87: {  	s20 =	simm.s32 $0x39;
	s22 =	simm.s32 $0x3E;
	s18 =	simm.s32 $0x3D;
	vm0 =	vgt.u32 v61, v0;
	v24 =	vadd.s32 s15, v10;
	v39 =	vld.idx.msk [tilespmem:v60+s12+$0x0], $0xffff;
	v25 =	vmul.f32 v25, v19  }
0x88: {  	s26 =	simm.s32 $0x600;
	s23 =	simm.s32 $0x3F;
	s19 =	simm.s32 $0x3B;
	v38 =	vadd.s32 s16, v4;
	v28 =	vadd.s32 s2, v8;
	v31 =	vld.idx.msk [tilespmem:v62+s12+$0x0], $0xffff;
	[tilespmem:v40+s14+$0x0] =	vst.idx.msk vm1, v63;
	v34 =	vmul.f32 v34, v16  }
0x89: {  	v37 =	vadd.s32 s17, v3;
	s24 =	simm.s32 $0x40;
	s25 =	simm.s32 $0xA;
	s4 =	simm.s32 $0x20;
	v40 =	vadd.s32 s13, v1;
	v35 =	vmul.f32 v23, v17;
	[tilespmem:v41+s14+$0x0] =	vst.idx.msk $0xffff, v25;
	v25 =	vld.idx.msk [tilespmem:v42+s12+$0x0], $0xffff  }
.LBB2_3:
0x8a: {  	p1 =	sne.s32 s29, $0x1;
	v23 =	vadd.s32 s1, v2;
	v30 =	vmul.f32 v30, v18;
	[tilespmem:v26+s14+$0x0] =	vst.idx.msk $0xffff, v34;
	v26 =	vld.idx.msk [tilespmem:v29+s12+$0x0], $0xffff;
	v29 =	vmov s4;
	s4 =	sadd.s32 $0xFFFFFFD0, s24;
	v34 =	vmovc v17;
	s24 =	smov.u32 s23  }
0x8b: {  	v36 =	vmul.f32 v36, v20;
	[tilespmem:v27+s14+$0x0] =	vst.idx.msk $0xffff, v35;
	vm3 =	vgt.s32 v29, v0;
	v27 =	vmov s4  }
0x8c: {  	s23 =	smov.u32 s22;
	s22 =	smov.u32 s18;
	v24 =	vld.idx.msk [tilespmem:v24+s12+$0x0], $0xffff;
	s10 =	sadd.s32 $0xFFFFFFF0, s24;
	v29 =	vmul.f32 v39, v22;
	v35 =	vadd.s32 s3, v12;
	v39 =	vadd.s32 s31, v10  }
0x8d: {  	v17 =	vmov v18;
	s18 =	smov.u32 s21;
	s21 =	smov.u32 s19;
	s19 =	smov.u32 s30;
	[tilespmem:v32+s14+$0x0] =	vst.idx.msk $0xffff, v30;
	v28 =	vld.idx.msk [tilespmem:v28+s12+$0x0], $0xffff;
	v30 =	vmov s10;
	v32 =	vadd.s32 s8, v14  }
0x8e: {  	v18 =	vmov v20;
	[tilespmem:v37+s14+$0x0] =	vst.idx.msk $0xffff, v36;
	v33 =	vld.idx.msk [tilespmem:v33+s12+$0x0], $0xffff;
	v36 =	vadd.s32 s11, v13;
	v37 =	vadd.s32 s5, v15;
	s5 =	smov.u32 s11;
	s11 =	smov.u32 s15;
	s15 =	smov.u32 s2  }
0x8f: {  	v20 =	vmov v22;
	s2 =	smov.u32 s7;
	s7 =	smov.u32 s16;
	s16 =	smov.u32 s1;
	[tilespmem:v40+s14+$0x0] =	vst.idx.msk $0xffff, v29;
	v29 =	vld.idx.msk [tilespmem:v38+s12+$0x0], $0xffff;
	v38 =	vadd.s32 s15, v9;
	v40 =	vadd.s32 s11, v11  }
0x90: {  	s25 =	sadd.s32 $0x2, s25;
	v42 =	vadd.s32 s0, v8;
	s30 =	smov.u32 s20;
	s1 =	smov.u32 s9;
	v41 =	vadd.s32 s2, v7;
	v22 =	vmul.f32 v25, v21;
	v23 =	vld.idx.msk [tilespmem:v23+s12+$0x0], $0xffff  }
0x91: {  	s20 =	smov.u32 s29;
	s28 =	sadd.s32 s25, s28;
	vm2 =	vgt.s32 v27, v0;
	v25 =	vadd.s32 s6, v6;
	v26 =	vmul.f32 v26, v19  }
0x92: {  	s26 =	sadd.s32 $0x100, s26;
	s4 =	sshrl.u32 s28, $0x1;
	v27 =	vadd.s32 s17, v4;
	vm1 =	vgt.s32 v30, v0;
	v24 =	vmul.f32 v24, v16;
	[tilespmem:v32+s14+$0x0] =	vst.idx.msk vm3, v22  }
0x93: {  	s4 =	ssub.s32 s26, s4;
	v30 =	vadd.s32 s13, v2;
	v32 =	vadd.s32 s7, v5;
	v28 =	vmul.f32 v28, v34;
	[tilespmem:v35+s14+$0x0] =	vst.idx.msk vm0, v26;
	v35 =	vld.idx.msk [tilespmem:v37+s12+$0x0], $0xffff  }
0x94: {  	v26 =	vadd.s32 s4, v0;
	v37 =	vadd.s32 s16, v3;
	v33 =	vmul.f32 v33, v17;
	[tilespmem:v39+s14+$0x0] =	vst.idx.msk $0xffff, v24;
	v43 =	vld.idx.msk [tilespmem:v36+s12+$0x0], $0xffff  }
0x95: {  	v22 =	vbroadcast v31, $0x0;
	v24 =	vadd.s32 s9, v1;
	v29 =	vmul.f32 v29, v18;
	[tilespmem:v42+s14+$0x0] =	vst.idx.msk $0xffff, v28;
	v40 =	vld.idx.msk [tilespmem:v40+s12+$0x0], $0xffff  }
0x96: {  	s9 =	sadd.s32 $0x1, s9;
	v23 =	vmul.f32 v23, v20;
	v28 =	vmov s23;
	[tilespmem:v25+s14+$0x0] =	vst.idx.msk $0xffff, v33;
	v25 =	vld.idx.msk [tilespmem:v38+s12+$0x0], $0xffff;
	v33 =	vadd.s32 s8, v15;
	s8 =	smov.u32 s3;
	s3 =	smov.u32 s31  }
0x97: {  	v31 =	vmul.f32 v22, v31;
	v38 =	vadd.s32 s9, v0;
	s31 =	smov.u32 s0;
	s0 =	smov.u32 s6;
	s6 =	smov.u32 s17;
	[tilespmem:v27+s14+$0x0] =	vst.idx.msk $0xffff, v29;
	v41 =	vld.idx.msk [tilespmem:v41+s12+$0x0], $0xffff;
	v42 =	vadd.s32 s8, v13  }
0x98: {  	v44 =	vadd.s32 s5, v14;
	vm0 =	vgt.u32 v28, v0;
	s17 =	smov.u32 s13;
	s13 =	smov.u32 s4;
	[tilespmem:v30+s14+$0x0] =	vst.idx.msk $0xffff, v23;
	v30 =	vld.idx.msk [tilespmem:v32+s12+$0x0], $0xffff;
	v23 =	vadd.s32 s3, v11  }
.Ltmp0:
0x99: {  	v29 =	vadd.s32 s11, v12;
	[tilespmem:v26+s14+$0x0] =	vst.idx.msk $0xffff, v31;
	v36 =	vld.idx.msk [tilespmem:v37+s12+$0x0], $0xffff;
	v26 =	vadd.s32 s31, v9;
	v31 =	vmul.f32 v35, v21;
	(pc) =	sbr.rel @p1 .LBB2_3-.Ltmp0, $4  }
0x9a: {  	v27 =	vadd.s32 s0, v7;
	v35 =	vmul.f32 v43, v19;
	v21 =	vmovc v19;
	v19 =	vmovc v16;
	v39 =	vld.idx.msk [tilespmem:v24+s12+$0x0], $0xffff;
	v24 =	vadd.s32 s15, v10  }
0x9b: {  	v28 =	vadd.s32 s2, v8;
	v32 =	vadd.s32 s6, v5;
	v16 =	vmovc v34;
	v43 =	vmul.f32 v40, v19;
	[tilespmem:v33+s14+$0x0] =	vst.idx.msk vm2, v31  }
0x9c: {  	v37 =	vadd.s32 s17, v3;
	v33 =	vadd.s32 s7, v6;
	v34 =	vmul.f32 v25, v16;
	v31 =	vld.idx.msk [tilespmem:v38+s12+$0x0], $0xffff;
	[tilespmem:v42+s14+$0x0] =	vst.idx.msk vm1, v35  }
0x9d: {  	s29 =	sadd.s32 $0xFFFFFFFF, s29;
	s4 =	sadd.s32 $0xFFFFFFE0, s24;
	v40 =	vadd.s32 s13, v1;
	v38 =	vadd.s32 s16, v4;
	v35 =	vmul.f32 v41, v17;
	[tilespmem:v23+s14+$0x0] =	vst.idx.msk $0xffff, v43;
	v25 =	vld.idx.msk [tilespmem:v44+s12+$0x0], $0xffff  }
0x9e: {  	s10 =	sadd.s32 $0x2, s25  }
0x9f: {  	s10 =	sadd.s32 s10, s28  }
0xa0: {  	s26 =	sadd.s32 $0x100, s26;
	s10 =	sshrl.u32 s10, $0x1  }
0xa1: {  	s10 =	ssub.s32 s26, s10  }
0xa2: {  	v41 =	vadd.s32 s10, v0  }
0xa3: {  	v42 =	vadd.s32 s9, v1;
	v23 =	vbroadcast v31, $0x0;
	_ =	sdelay $0x1  }
0xa4: {  	v31 =	vmul.f32 v23, v31;
	_ =	sdelay $0x1  }
0xa5: {  	[tilespmem:v41+s14+$0x0] =	vst.idx.msk $0xffff, v31  }
0xa6: {  	v31 =	vld.idx.msk [tilespmem:v42+s12+$0x0], $0xffff;
	_ =	sdelay $0x1  }
0xa7: {  	v51 =	vadd.s32 s1, v2;
	v52 =	vadd.s32 s10, v1  }
0xa8: {  	v43 =	vadd.s32 s9, v2  }
0xa9: {  	v39 =	vmul.f32 v39, v22  }
0xaa: {  	v31 =	vmul.f32 v31, v23  }
0xab: {  	[tilespmem:v40+s14+$0x0] =	vst.idx.msk $0xffff, v39  }
0xac: {  	v39 =	vld.idx.msk [tilespmem:v51+s12+$0x0], $0xffff;
	[tilespmem:v52+s14+$0x0] =	vst.idx.msk $0xffff, v31  }
0xad: {  	v31 =	vld.idx.msk [tilespmem:v43+s12+$0x0], $0xffff  }
0xae: {  	v53 =	vadd.s32 s13, v2  }
0xaf: {  	v54 =	vadd.s32 s1, v3;
	v55 =	vadd.s32 s10, v2  }
0xb0: {  	v56 =	vadd.s32 s9, v3  }
0xb1: {  	v39 =	vmul.f32 v39, v22  }
0xb2: {  	v31 =	vmul.f32 v31, v23  }
0xb3: {  	[tilespmem:v53+s14+$0x0] =	vst.idx.msk $0xffff, v39  }
0xb4: {  	v39 =	vld.idx.msk [tilespmem:v54+s12+$0x0], $0xffff;
	[tilespmem:v55+s14+$0x0] =	vst.idx.msk $0xffff, v31  }
0xb5: {  	v31 =	vld.idx.msk [tilespmem:v56+s12+$0x0], $0xffff  }
0xb6: {  	v57 =	vadd.s32 s13, v3  }
0xb7: {  	v36 =	vmul.f32 v36, v20;
	v58 =	vadd.s32 s1, v4;
	v59 =	vadd.s32 s10, v3  }
0xb8: {  	v60 =	vadd.s32 s9, v4  }
0xb9: {  	[tilespmem:v37+s14+$0x0] =	vst.idx.msk $0xffff, v36;
	v61 =	vmul.f32 v39, v22  }
0xba: {  	v37 =	vld.idx.msk [tilespmem:v38+s12+$0x0], $0xffff;
	v31 =	vmul.f32 v31, v23  }
0xbb: {  	[tilespmem:v57+s14+$0x0] =	vst.idx.msk $0xffff, v61  }
0xbc: {  	v62 =	vadd.s32 s17, v4;
	v63 =	vld.idx.msk [tilespmem:v58+s12+$0x0], $0xffff;
	[tilespmem:v59+s14+$0x0] =	vst.idx.msk $0xffff, v31  }
0xbd: {  	v31 =	vadd.s32 s16, v5;
	v45 =	vld.idx.msk [tilespmem:v60+s12+$0x0], $0xffff  }
0xbe: {  	v46 =	vadd.s32 s13, v4  }
0xbf: {  	v47 =	vadd.s32 s1, v5;
	v48 =	vadd.s32 s10, v4;
	v37 =	vmul.f32 v37, v20  }
0xc0: {  	v49 =	vadd.s32 s9, v5  }
0xc1: {  	[tilespmem:v62+s14+$0x0] =	vst.idx.msk $0xffff, v37;
	v50 =	vmul.f32 v63, v22  }
0xc2: {  	v31 =	vld.idx.msk [tilespmem:v31+s12+$0x0], $0xffff;
	v51 =	vmul.f32 v45, v23  }
0xc3: {  	v29 =	vld.idx.msk [tilespmem:v29+s12+$0x0], $0xffff;
	[tilespmem:v46+s14+$0x0] =	vst.idx.msk $0xffff, v50  }
0xc4: {  	v30 =	vmul.f32 v30, v18;
	v52 =	vadd.s32 s17, v5;
	v53 =	vld.idx.msk [tilespmem:v47+s12+$0x0], $0xffff;
	[tilespmem:v48+s14+$0x0] =	vst.idx.msk $0xffff, v51  }
0xc5: {  	[tilespmem:v26+s14+$0x0] =	vst.idx.msk $0xffff, v34;
	v54 =	vadd.s32 s16, v6;
	v55 =	vld.idx.msk [tilespmem:v49+s12+$0x0], $0xffff  }
0xc6: {  	v24 =	vld.idx.msk [tilespmem:v24+s12+$0x0], $0xffff;
	[tilespmem:v32+s14+$0x0] =	vst.idx.msk $0xffff, v30;
	v56 =	vadd.s32 s13, v5  }
0xc7: {  	[tilespmem:v27+s14+$0x0] =	vst.idx.msk $0xffff, v35;
	v32 =	vld.idx.msk [tilespmem:v33+s12+$0x0], $0xffff;
	v57 =	vadd.s32 s1, v6;
	v58 =	vadd.s32 s10, v5;
	v31 =	vmul.f32 v31, v20  }
0xc8: {  	v30 =	vadd.s32 s9, v6;
	v26 =	vld.idx.msk [tilespmem:v28+s12+$0x0], $0xffff  }
0xc9: {  	v61 =	vadd.s32 s6, v6;
	[tilespmem:v52+s14+$0x0] =	vst.idx.msk $0xffff, v31;
	v31 =	vmul.f32 v53, v22  }
0xca: {  	s25 =	sadd.s32 $0xFFFFFFD0, s24;
	v27 =	vadd.s32 s16, v7;
	v36 =	vld.idx.msk [tilespmem:v54+s12+$0x0], $0xffff;
	v60 =	vmul.f32 v55, v23  }
0xcb: {  	v35 =	vadd.s32 s5, v15;
	v38 =	vmov s25;
	v29 =	vmul.f32 v29, v19;
	[tilespmem:v56+s14+$0x0] =	vst.idx.msk $0xffff, v31  }
0xcc: {  	v28 =	vmul.f32 v32, v18;
	v62 =	vadd.s32 s17, v6;
	v31 =	vadd.s32 s7, v7;
	v41 =	vld.idx.msk [tilespmem:v57+s12+$0x0], $0xffff;
	[tilespmem:v58+s14+$0x0] =	vst.idx.msk $0xffff, v60  }
0xcd: {  	s26 =	sadd.s32 $0xFFFFFFF0, s23;
	v24 =	vmul.f32 v24, v16;
	v26 =	vmul.f32 v26, v17;
	v50 =	vadd.s32 s3, v12;
	v30 =	vld.idx.msk [tilespmem:v30+s12+$0x0], $0xffff  }
0xce: {  	[tilespmem:v61+s14+$0x0] =	vst.idx.msk $0xffff, v28;
	v28 =	vadd.s32 s9, v7;
	v63 =	vmov s26;
	v45 =	vadd.s32 s13, v6  }
0xcf: {  	v47 =	vadd.s32 s1, v7;
	v48 =	vadd.s32 s10, v6;
	v46 =	vmul.f32 v36, v20  }
0xd0: {  	s24 =	sadd.s32 $0xFFFFFFE0, s23;
	v61 =	vadd.s32 s10, v7;
	vm2 =	vgt.s32 v63, v0;
	v49 =	vadd.s32 s0, v8  }
0xd1: {  	v63 =	vmov s24;
	v51 =	vadd.s32 s2, v9;
	v31 =	vld.idx.msk [tilespmem:v31+s12+$0x0], $0xffff;
	[tilespmem:v62+s14+$0x0] =	vst.idx.msk $0xffff, v46;
	v52 =	vmul.f32 v41, v22  }
0xd2: {  	v59 =	vmov s4;
	[tilespmem:v50+s14+$0x0] =	vst.idx.msk vm0, v29;
	v54 =	vadd.s32 s31, v10;
	v27 =	vld.idx.msk [tilespmem:v27+s12+$0x0], $0xffff;
	v30 =	vmul.f32 v30, v23  }
0xd3: {  	v50 =	vadd.s32 s13, v8;
	v53 =	vadd.s32 s11, v13;
	v55 =	vadd.s32 s6, v7;
	[tilespmem:v45+s14+$0x0] =	vst.idx.msk $0xffff, v52  }
0xd4: {  	v43 =	vadd.s32 s15, v15;
	v56 =	vadd.s32 s15, v11;
	v36 =	vld.idx.msk [tilespmem:v47+s12+$0x0], $0xffff;
	[tilespmem:v48+s14+$0x0] =	vst.idx.msk $0xffff, v30;
	v30 =	vadd.s32 s17, v7  }
0xd5: {  	vm1 =	vgt.s32 v59, v0;
	v59 =	vadd.s32 s13, v7;
	[tilespmem:v49+s14+$0x0] =	vst.idx.msk $0xffff, v26;
	v26 =	vadd.s32 s7, v8;
	v28 =	vld.idx.msk [tilespmem:v28+s12+$0x0], $0xffff  }
0xd6: {  	v49 =	vadd.s32 s16, v9;
	v29 =	vld.idx.msk [tilespmem:v51+s12+$0x0], $0xffff;
	v58 =	vadd.s32 s16, v8;
	v31 =	vmul.f32 v31, v18  }
0xd7: {  	v57 =	vadd.s32 s8, v14;
	v60 =	vadd.s32 s1, v8;
	[tilespmem:v54+s14+$0x0] =	vst.idx.msk $0xffff, v24;
	v27 =	vmul.f32 v27, v20  }
0xd8: {  	v25 =	vmul.f32 v25, v21;
	v39 =	vld.idx.msk [tilespmem:v53+s12+$0x0], $0xffff;
	v62 =	vadd.s32 s0, v9;
	[tilespmem:v55+s14+$0x0] =	vst.idx.msk $0xffff, v31;
	v31 =	vadd.s32 s9, v8  }
0xd9: {  	v51 =	vadd.s32 s1, v9;
	v34 =	vld.idx.msk [tilespmem:v56+s12+$0x0], $0xffff;
	[tilespmem:v30+s14+$0x0] =	vst.idx.msk $0xffff, v27;
	v27 =	vadd.s32 s2, v10;
	v30 =	vmul.f32 v36, v22  }
0xda: {  	v53 =	vadd.s32 s9, v9;
	v45 =	vadd.s32 s3, v13;
	v26 =	vld.idx.msk [tilespmem:v26+s12+$0x0], $0xffff;
	v28 =	vmul.f32 v28, v23  }
0xdb: {  	v24 =	vadd.s32 s8, v15;
	v29 =	vmul.f32 v29, v17;
	v33 =	vld.idx.msk [tilespmem:v58+s12+$0x0], $0xffff;
	[tilespmem:v59+s14+$0x0] =	vst.idx.msk $0xffff, v30;
	v30 =	vadd.s32 s31, v11  }
0xdc: {  	vm0 =	vgt.s32 v38, v0;
	v46 =	vadd.s32 s11, v14;
	[tilespmem:v61+s14+$0x0] =	vst.idx.msk $0xffff, v28;
	v28 =	vadd.s32 s6, v8;
	v40 =	vld.idx.msk [tilespmem:v60+s12+$0x0], $0xffff  }
0xdd: {  	v39 =	vmul.f32 v39, v19;
	v48 =	vadd.s32 s17, v8;
	[tilespmem:v62+s14+$0x0] =	vst.idx.msk $0xffff, v29;
	v29 =	vadd.s32 s7, v9;
	v31 =	vld.idx.msk [tilespmem:v31+s12+$0x0], $0xffff  }
0xde: {  	v56 =	vmov s22;
	[tilespmem:v57+s14+$0x0] =	vst.idx.msk vm1, v25;
	vm1 =	vgt.s32 v63, v0;
	v25 =	vmul.f32 v34, v16;
	v27 =	vld.idx.msk [tilespmem:v27+s12+$0x0], $0xffff  }
0xdf: {  	s25 =	sadd.s32 $0xFFFFFFD0, s23;
	vm3 =	vgt.u32 v56, v0;
	v52 =	vadd.s32 s10, v8;
	[tilespmem:v45+s14+$0x0] =	vst.idx.msk vm2, v39;
	v26 =	vmul.f32 v26, v18  }
0xe0: {  	v54 =	vmov s25;
	v35 =	vld.idx.msk [tilespmem:v35+s12+$0x0], $0xffff;
	v33 =	vmul.f32 v33, v20;
	[tilespmem:v30+s14+$0x0] =	vst.idx.msk $0xffff, v25;
	v30 =	vadd.s32 s0, v10  }
0xe1: {  	v57 =	vadd.s32 s3, v14;
	v25 =	vld.idx.msk [tilespmem:v46+s12+$0x0], $0xffff;
	[tilespmem:v28+s14+$0x0] =	vst.idx.msk $0xffff, v26;
	v26 =	vadd.s32 s2, v11;
	v28 =	vmul.f32 v40, v22  }
0xe2: {  	v63 =	vadd.s32 s0, v11;
	v56 =	vadd.s32 s0, v12;
	[tilespmem:v48+s14+$0x0] =	vst.idx.msk $0xffff, v33;
	v29 =	vld.idx.msk [tilespmem:v29+s12+$0x0], $0xffff;
	v31 =	vmul.f32 v31, v23  }
0xe3: {  	s26 =	sadd.s32 $0xFFFFFFF0, s22;
	v47 =	vadd.s32 s15, v12;
	v62 =	vadd.s32 s10, v9;
	v34 =	vld.idx.msk [tilespmem:v49+s12+$0x0], $0xffff;
	v27 =	vmul.f32 v27, v17;
	[tilespmem:v50+s14+$0x0] =	vst.idx.msk $0xffff, v28  }
0xe4: {  	v55 =	vmov s26;
	v58 =	vadd.s32 s6, v9;
	v36 =	vld.idx.msk [tilespmem:v51+s12+$0x0], $0xffff;
	[tilespmem:v52+s14+$0x0] =	vst.idx.msk $0xffff, v31  }
0xe5: {  	v21 =	vmul.f32 v35, v21;
	[tilespmem:v30+s14+$0x0] =	vst.idx.msk $0xffff, v27;
	v27 =	vadd.s32 s7, v10;
	v30 =	vadd.s32 s17, v9;
	v31 =	vld.idx.msk [tilespmem:v53+s12+$0x0], $0xffff  }
0xe6: {  	v59 =	vadd.s32 s16, v10;
	v60 =	vadd.s32 s13, v9;
	v25 =	vmul.f32 v25, v19;
	v26 =	vld.idx.msk [tilespmem:v26+s12+$0x0], $0xffff  }
0xe7: {  	v45 =	vadd.s32 s9, v10;
	[tilespmem:v24+s14+$0x0] =	vst.idx.msk vm0, v21;
	v61 =	vadd.s32 s1, v10;
	v29 =	vmul.f32 v29, v18  }
0xe8: {  	vm2 =	vgt.s32 v55, v0;
	v55 =	vadd.s32 s10, v10;
	[tilespmem:v57+s14+$0x0] =	vst.idx.msk vm1, v25;
	v25 =	vmul.f32 v34, v20  }
0xe9: {  	v46 =	vadd.s32 s31, v12;
	v38 =	vld.idx.msk [tilespmem:v47+s12+$0x0], $0xffff;
	[tilespmem:v58+s14+$0x0] =	vst.idx.msk $0xffff, v29;
	v29 =	vadd.s32 s2, v12;
	v47 =	vmul.f32 v36, v22  }
0xea: {  	v48 =	vadd.s32 s15, v13;
	v28 =	vadd.s32 s11, v15;
	[tilespmem:v30+s14+$0x0] =	vst.idx.msk $0xffff, v25;
	v27 =	vld.idx.msk [tilespmem:v27+s12+$0x0], $0xffff;
	v30 =	vmul.f32 v31, v23  }
0xeb: {  	v49 =	vmov s18;
	v50 =	vadd.s32 s6, v10;
	v26 =	vmul.f32 v26, v17;
	v35 =	vld.idx.msk [tilespmem:v59+s12+$0x0], $0xffff;
	[tilespmem:v60+s14+$0x0] =	vst.idx.msk $0xffff, v47  }
0xec: {  	vm4 =	vgt.u32 v49, v0;
	v49 =	vadd.s32 s0, v13;
	v52 =	vadd.s32 s16, v11;
	v39 =	vld.idx.msk [tilespmem:v61+s12+$0x0], $0xffff;
	[tilespmem:v62+s14+$0x0] =	vst.idx.msk $0xffff, v30  }
0xed: {  	v21 =	vadd.s32 s17, v15;
	v30 =	vadd.s32 s17, v10;
	[tilespmem:v63+s14+$0x0] =	vst.idx.msk $0xffff, v26;
	v26 =	vadd.s32 s7, v11;
	v51 =	vld.idx.msk [tilespmem:v45+s12+$0x0], $0xffff  }
0xee: {  	v53 =	vadd.s32 s13, v10;
	v38 =	vmul.f32 v38, v16;
	vm1 =	vgt.s32 v54, v0;
	v29 =	vld.idx.msk [tilespmem:v29+s12+$0x0], $0xffff  }
0xef: {  	v54 =	vadd.s32 s1, v11;
	v57 =	vadd.s32 s9, v11;
	v28 =	vld.idx.msk [tilespmem:v28+s12+$0x0], $0xffff;
	v27 =	vmul.f32 v27, v18  }
0xf0: {  	s5 =	sadd.s32 $0xFFFFFFE0, s22;
	[tilespmem:v46+s14+$0x0] =	vst.idx.msk vm3, v38;
	v46 =	vadd.s32 s10, v11;
	v58 =	vadd.s32 s31, v13;
	v35 =	vmul.f32 v35, v20  }
0xf1: {  	v36 =	vld.idx.msk [tilespmem:v48+s12+$0x0], $0xffff;
	v48 =	vadd.s32 s9, v12;
	v31 =	vmov s5;
	[tilespmem:v50+s14+$0x0] =	vst.idx.msk $0xffff, v27;
	v59 =	vmul.f32 v39, v22  }
0xf2: {  	vm3 =	vgt.s32 v31, v0;
	[tilespmem:v30+s14+$0x0] =	vst.idx.msk $0xffff, v35;
	v26 =	vld.idx.msk [tilespmem:v26+s12+$0x0], $0xffff;
	v33 =	vmul.f32 v51, v23  }
0xf3: {  	s11 =	sadd.s32 $0xFFFFFFF0, s18;
	v60 =	vadd.s32 s15, v14;
	v31 =	vadd.s32 s17, v11;
	v29 =	vmul.f32 v29, v17;
	v32 =	vld.idx.msk [tilespmem:v52+s12+$0x0], $0xffff;
	[tilespmem:v53+s14+$0x0] =	vst.idx.msk $0xffff, v59  }
0xf4: {  	v62 =	vadd.s32 s6, v11;
	v19 =	vmul.f32 v28, v19;
	v28 =	vmov s11;
	v37 =	vld.idx.msk [tilespmem:v54+s12+$0x0], $0xffff;
	[tilespmem:v55+s14+$0x0] =	vst.idx.msk $0xffff, v33  }
0xf5: {  	v63 =	vadd.s32 s13, v11;
	[tilespmem:v56+s14+$0x0] =	vst.idx.msk vm4, v29;
	v29 =	vadd.s32 s7, v12;
	v33 =	vld.idx.msk [tilespmem:v57+s12+$0x0], $0xffff  }
0xf6: {  	v61 =	vmul.f32 v36, v16;
	vm12 =	vgt.s32 v28, v0;
	v28 =	vadd.s32 s16, v12  }
0xf7: {  	v47 =	vmov s21;
	v45 =	vadd.s32 s1, v12;
	v26 =	vmul.f32 v26, v18  }
0xf8: {  	vm5 =	vgt.u32 v47, v0;
	v47 =	vadd.s32 s16, v14;
	[tilespmem:v58+s14+$0x0] =	vst.idx.msk vm2, v61;
	v32 =	vmul.f32 v32, v20  }
0xf9: {  	v58 =	vadd.s32 s1, v13;
	v27 =	vadd.s32 s2, v13;
	[tilespmem:v62+s14+$0x0] =	vst.idx.msk $0xffff, v26;
	v26 =	vmul.f32 v37, v22  }
0xfa: {  	v50 =	vadd.s32 s2, v14;
	v51 =	vadd.s32 s6, v12;
	v29 =	vld.idx.msk [tilespmem:v29+s12+$0x0], $0xffff;
	[tilespmem:v31+s14+$0x0] =	vst.idx.msk $0xffff, v32;
	v31 =	vmul.f32 v33, v23  }
0xfb: {  	v52 =	vmov s19;
	v53 =	vmov s30;
	v28 =	vld.idx.msk [tilespmem:v28+s12+$0x0], $0xffff;
	[tilespmem:v63+s14+$0x0] =	vst.idx.msk $0xffff, v26  }
0xfc: {  	vm6 =	vgt.u32 v52, v0;
	vm7 =	vgt.u32 v53, v0;
	v34 =	vld.idx.msk [tilespmem:v45+s12+$0x0], $0xffff;
	[tilespmem:v46+s14+$0x0] =	vst.idx.msk $0xffff, v31  }
0xfd: {  	v54 =	vmov s20;
	v26 =	vadd.s32 s7, v13;
	v31 =	vadd.s32 s17, v12;
	v55 =	vld.idx.msk [tilespmem:v48+s12+$0x0], $0xffff  }
0xfe: {  	v56 =	vadd.s32 s16, v13;
	v57 =	vadd.s32 s13, v12;
	vm8 =	vgt.u32 v54, v0;
	v27 =	vld.idx.msk [tilespmem:v27+s12+$0x0], $0xffff  }
0xff: {  	s8 =	sadd.s32 $0xFFFFFFD0, s22;
	v39 =	vld.idx.msk [tilespmem:v60+s12+$0x0], $0xffff;
	v60 =	vadd.s32 s9, v13;
	v59 =	vadd.s32 s10, v12;
	v29 =	vmul.f32 v29, v18  }
0x100: {  	s23 =	sadd.s32 $0xFFFFFFF0, s21;
	v30 =	vmov s8;
	v35 =	vadd.s32 s31, v14;
	v28 =	vmul.f32 v28, v20  }
0x101: {  	s22 =	sadd.s32 $0xFFFFFFE0, s18;
	vm2 =	vgt.s32 v30, v0;
	v62 =	vmov s23;
	[tilespmem:v51+s14+$0x0] =	vst.idx.msk vm5, v29;
	v29 =	vmul.f32 v34, v22  }
0x102: {  	s24 =	sadd.s32 $0xFFFFFFF0, s19;
	s25 =	sadd.s32 $0xFFFFFFF0, s30;
	v61 =	vmov s22;
	vm13 =	vgt.s32 v62, v0;
	v26 =	vld.idx.msk [tilespmem:v26+s12+$0x0], $0xffff;
	[tilespmem:v31+s14+$0x0] =	vst.idx.msk vm6, v28;
	v28 =	vmul.f32 v55, v23  }
0x103: {  	s26 =	sadd.s32 $0xFFFFFFF0, s20;
	v27 =	vmul.f32 v27, v17;
	v63 =	vmov s24;
	v45 =	vmov s25;
	v44 =	vld.idx.msk [tilespmem:v56+s12+$0x0], $0xffff;
	[tilespmem:v57+s14+$0x0] =	vst.idx.msk vm7, v29  }
0x104: {  	vm14 =	vgt.s32 v63, v0;
	v46 =	vmov s26;
	v31 =	vadd.s32 s6, v13;
	v33 =	vld.idx.msk [tilespmem:v58+s12+$0x0], $0xffff;
	[tilespmem:v59+s14+$0x0] =	vst.idx.msk vm8, v28  }
0x105: {  	[tilespmem:v49+s14+$0x0] =	vst.idx.msk vm12, v27;
	vm15 =	vgt.s32 v45, v0;
	v29 =	vadd.s32 s7, v14;
	v28 =	vadd.s32 s17, v13;
	v36 =	vld.idx.msk [tilespmem:v60+s12+$0x0], $0xffff  }
0x106: {  	v27 =	vmul.f32 v39, v16;
	v48 =	vadd.s32 s13, v13;
	vm9 =	vgt.s32 v46, v0;
	v30 =	vld.idx.msk [tilespmem:v50+s12+$0x0], $0xffff  }
0x107: {  	s4 =	sadd.s32 $0xFFFFFFE0, s21;
	v49 =	vadd.s32 s1, v14;
	v50 =	vadd.s32 s10, v13;
	v26 =	vmul.f32 v26, v18  }
0x108: {  	v53 =	vmov s4;
	[tilespmem:v35+s14+$0x0] =	vst.idx.msk vm3, v27;
	v51 =	vadd.s32 s9, v14;
	v27 =	vmul.f32 v44, v20  }
0x109: {  	s5 =	sadd.s32 $0xFFFFFFE0, s19;
	v52 =	vadd.s32 s0, v14;
	vm10 =	vgt.s32 v53, v0;
	[tilespmem:v31+s14+$0x0] =	vst.idx.msk vm13, v26;
	v31 =	vmul.f32 v33, v22  }
0x10a: {  	s11 =	sadd.s32 $0xFFFFFFE0, s20;
	s8 =	sadd.s32 $0xFFFFFFE0, s30;
	vm3 =	vgt.s32 v61, v0;
	v55 =	vmov s5;
	v29 =	vld.idx.msk [tilespmem:v29+s12+$0x0], $0xffff;
	[tilespmem:v28+s14+$0x0] =	vst.idx.msk vm14, v27;
	v27 =	vmul.f32 v36, v23  }
0x10b: {  	v30 =	vmul.f32 v30, v17;
	v56 =	vmov s8;
	v57 =	vmov s11;
	v54 =	vld.idx.msk [tilespmem:v47+s12+$0x0], $0xffff;
	[tilespmem:v48+s14+$0x0] =	vst.idx.msk vm15, v31  }
0x10c: {  	vm11 =	vgt.s32 v55, v0;
	v26 =	vadd.s32 s2, v15;
	v28 =	vadd.s32 s6, v14;
	v34 =	vld.idx.msk [tilespmem:v49+s12+$0x0], $0xffff;
	[tilespmem:v50+s14+$0x0] =	vst.idx.msk vm9, v27  }
0x10d: {  	vm12 =	vgt.s32 v56, v0;
	v31 =	vadd.s32 s7, v15;
	v27 =	vadd.s32 s17, v14;
	v32 =	vld.idx.msk [tilespmem:v51+s12+$0x0], $0xffff  }
0x10e: {  	v58 =	vadd.s32 s16, v15;
	v59 =	vadd.s32 s13, v14;
	vm13 =	vgt.s32 v57, v0  }
0x10f: {  	v61 =	vadd.s32 s10, v14;
	v60 =	vadd.s32 s1, v15;
	v29 =	vmul.f32 v29, v18  }
0x110: {  	v25 =	vadd.s32 s3, v15;
	s15 =	sadd.s32 $0xFFFFFFD0, s18;
	v62 =	vadd.s32 s9, v15;
	v35 =	vld.idx.msk [tilespmem:v43+s12+$0x0], $0xffff;
	[tilespmem:v52+s14+$0x0] =	vst.idx.msk vm3, v30;
	v33 =	vmul.f32 v54, v20  }
0x111: {  	s16 =	sadd.s32 $0xFFFFFFD0, s21;
	v30 =	vadd.s32 s31, v15;
	v26 =	vld.idx.msk [tilespmem:v26+s12+$0x0], $0xffff;
	[tilespmem:v28+s14+$0x0] =	vst.idx.msk vm10, v29;
	v28 =	vmov s15;
	v29 =	vmul.f32 v34, v22  }
0x112: {  	s18 =	sadd.s32 $0xFFFFFFD0, s19;
	[tilespmem:v27+s14+$0x0] =	vst.idx.msk vm11, v33;
	vm3 =	vgt.s32 v28, v0;
	v27 =	vmov s16;
	v28 =	vld.idx.msk [tilespmem:v31+s12+$0x0], $0xffff;
	v31 =	vmul.f32 v32, v23  }
0x113: {  	s19 =	sadd.s32 $0xFFFFFFD0, s30;
	v63 =	vadd.s32 s0, v15;
	[tilespmem:v59+s14+$0x0] =	vst.idx.msk vm12, v29;
	vm14 =	vgt.s32 v27, v0;
	v27 =	vmov s18;
	v29 =	vld.idx.msk [tilespmem:v58+s12+$0x0], $0xffff  }
0x114: {  	v39 =	vadd.s32 s6, v15;
	s21 =	sadd.s32 $0xFFFFFFD0, s20;
	[tilespmem:v61+s14+$0x0] =	vst.idx.msk vm13, v31;
	vm15 =	vgt.s32 v27, v0;
	v27 =	vmov s19;
	v31 =	vld.idx.msk [tilespmem:v60+s12+$0x0], $0xffff  }
0x115: {  	v16 =	vmul.f32 v35, v16;
	v24 =	vmov s21;
	vm0 =	vgt.s32 v27, v0;
	v27 =	vld.idx.msk [tilespmem:v62+s12+$0x0], $0xffff  }
0x116: {  	[tilespmem:v25+s14+$0x0] =	vst.idx.msk vm1, v19;
	v19 =	vadd.s32 s13, v15;
	vm1 =	vgt.s32 v24, v0;
	v17 =	vmul.f32 v26, v17  }
0x117: {  	s22 =	simm.s32 $0x40;
	[tilespmem:v30+s14+$0x0] =	vst.idx.msk vm2, v16;
	v16 =	vmul.f32 v28, v18;
	v18 =	vadd.s32 s10, v15  }
0x118: {  	[tilespmem:v63+s14+$0x0] =	vst.idx.msk vm3, v17;
	v17 =	vmul.f32 v29, v20;
	v20 =	vadd.s32 s22, v0  }
0x119: {  	[tilespmem:v39+s14+$0x0] =	vst.idx.msk vm14, v16;
	v16 =	vmul.f32 v31, v22  }
0x11a: {  	[tilespmem:v21+s14+$0x0] =	vst.idx.msk vm15, v17;
	v17 =	vmul.f32 v27, v23  }
0x11b: {  	[tilespmem:v19+s14+$0x0] =	vst.idx.msk vm0, v16  }
0x11c: {  	[tilespmem:v18+s14+$0x0] =	vst.idx.msk vm1, v17  }
0x11d: {  	v16 =	vld.idx.msk [tilespmem:v20+s12+$0x0], $0xffff;
	_ =	sdelay $0x2  }
0x11e: {  	s16 =	simm.s32 $0x3820  }
0x11f: {  	v17 =	vadd.s32 s16, v0  }
0x120: {  	v18 =	vadd.s32 s22, v1;
	v22 =	vbroadcast v16, $0x0;
	_ =	sdelay $0x1  }
0x121: {  	s15 =	simm.s32 $0x41;
	v16 =	vmul.f32 v22, v16  }
0x122: {  	v19 =	vadd.s32 s15, v0  }
0x123: {  	[tilespmem:v17+s14+$0x0] =	vst.idx.msk $0xffff, v16  }
0x124: {  	v16 =	vld.idx.msk [tilespmem:v18+s12+$0x0], $0xffff;
	_ =	sdelay $0x1  }
0x125: {  	v17 =	vadd.s32 s16, v1  }
0x126: {  	v18 =	vld.idx.msk [tilespmem:v19+s12+$0x0], $0xffff;
	v19 =	vadd.s32 s22, v2;
	_ =	sdelay $0x1  }
0x127: {  	v16 =	vmul.f32 v16, v22  }
0x128: {  	s8 =	simm.s32 $0x38E0  }
0x129: {  	[tilespmem:v17+s14+$0x0] =	vst.idx.msk $0xffff, v16;
	v16 =	vadd.s32 s8, v0  }
0x12a: {  	v20 =	vbroadcast v18, $0x0;
	v17 =	vadd.s32 s15, v1;
	v19 =	vld.idx.msk [tilespmem:v19+s12+$0x0], $0xffff  }
0x12b: {  	s9 =	simm.s32 $0x42  }
0x12c: {  	v21 =	vadd.s32 s9, v0;
	v23 =	vadd.s32 s16, v2;
	v18 =	vmul.f32 v20, v18  }
0x12d: {  	v24 =	vadd.s32 s22, v3  }
0x12e: {  	[tilespmem:v16+s14+$0x0] =	vst.idx.msk $0xffff, v18  }
0x12f: {  	v16 =	vld.idx.msk [tilespmem:v17+s12+$0x0], $0xffff;
	v17 =	vmul.f32 v19, v22;
	_ =	sdelay $0x1  }
0x130: {  	v18 =	vld.idx.msk [tilespmem:v21+s12+$0x0], $0xffff;
	v19 =	vadd.s32 s8, v1;
	[tilespmem:v23+s14+$0x0] =	vst.idx.msk $0xffff, v17  }
0x131: {  	v21 =	vadd.s32 s15, v2;
	v17 =	vld.idx.msk [tilespmem:v24+s12+$0x0], $0xffff;
	_ =	sdelay $0x1  }
0x132: {  	v23 =	vadd.s32 s16, v3;
	v16 =	vmul.f32 v16, v20  }
0x133: {  	s0 =	simm.s32 $0x399F;
	v24 =	vadd.s32 s22, v4  }
0x134: {  	[tilespmem:v19+s14+$0x0] =	vst.idx.msk $0xffff, v16;
	v19 =	vadd.s32 s0, v0  }
0x135: {  	v25 =	vadd.s32 s9, v1;
	v16 =	vbroadcast v18, $0x0;
	v21 =	vld.idx.msk [tilespmem:v21+s12+$0x0], $0xffff;
	v17 =	vmul.f32 v17, v22  }
0x136: {  	s2 =	simm.s32 $0x43  }
0x137: {  	v18 =	vmul.f32 v16, v18;
	[tilespmem:v23+s14+$0x0] =	vst.idx.msk $0xffff, v17;
	v17 =	vadd.s32 s2, v0;
	v23 =	vadd.s32 s8, v2  }
0x138: {  	v26 =	vadd.s32 s15, v3;
	v24 =	vld.idx.msk [tilespmem:v24+s12+$0x0], $0xffff  }
0x139: {  	[tilespmem:v19+s14+$0x0] =	vst.idx.msk $0xffff, v18  }
0x13a: {  	v18 =	vld.idx.msk [tilespmem:v25+s12+$0x0], $0xffff;
	v19 =	vmul.f32 v21, v20;
	v21 =	vadd.s32 s16, v4  }
0x13b: {  	v25 =	vadd.s32 s22, v5  }
0x13c: {  	v27 =	vld.idx.msk [tilespmem:v17+s12+$0x0], $0xffff;
	v17 =	vadd.s32 s0, v1;
	[tilespmem:v23+s14+$0x0] =	vst.idx.msk $0xffff, v19  }
0x13d: {  	v19 =	vld.idx.msk [tilespmem:v26+s12+$0x0], $0xffff;
	v23 =	vmul.f32 v24, v22;
	v24 =	vadd.s32 s9, v2;
	_ =	sdelay $0x1  }
0x13e: {  	v18 =	vmul.f32 v18, v16;
	[tilespmem:v21+s14+$0x0] =	vst.idx.msk $0xffff, v23;
	v21 =	vadd.s32 s8, v3  }
0x13f: {  	s1 =	simm.s32 $0x3A5D;
	v23 =	vld.idx.msk [tilespmem:v25+s12+$0x0], $0xffff;
	v25 =	vadd.s32 s15, v4  }
0x140: {  	v28 =	vadd.s32 s16, v5;
	[tilespmem:v17+s14+$0x0] =	vst.idx.msk $0xffff, v18;
	v18 =	vadd.s32 s1, v0  }
0x141: {  	v26 =	vadd.s32 s2, v1;
	v17 =	vbroadcast v27, $0x0;
	v24 =	vld.idx.msk [tilespmem:v24+s12+$0x0], $0xffff;
	v19 =	vmul.f32 v19, v20  }
0x142: {  	s6 =	simm.s32 $0x44;
	v29 =	vadd.s32 s22, v6  }
0x143: {  	v27 =	vmul.f32 v17, v27;
	[tilespmem:v21+s14+$0x0] =	vst.idx.msk $0xffff, v19;
	v19 =	vadd.s32 s6, v0;
	v21 =	vadd.s32 s0, v2  }
0x144: {  	v30 =	vadd.s32 s9, v3;
	v25 =	vld.idx.msk [tilespmem:v25+s12+$0x0], $0xffff;
	v23 =	vmul.f32 v23, v22  }
0x145: {  	[tilespmem:v18+s14+$0x0] =	vst.idx.msk $0xffff, v27  }
0x146: {  	v18 =	vld.idx.msk [tilespmem:v26+s12+$0x0], $0xffff;
	[tilespmem:v28+s14+$0x0] =	vst.idx.msk $0xffff, v23;
	v23 =	vmul.f32 v24, v16;
	v24 =	vadd.s32 s8, v4  }
0x147: {  	v27 =	vadd.s32 s15, v5;
	v26 =	vld.idx.msk [tilespmem:v29+s12+$0x0], $0xffff  }
0x148: {  	v28 =	vadd.s32 s1, v1;
	v19 =	vld.idx.msk [tilespmem:v19+s12+$0x0], $0xffff;
	[tilespmem:v21+s14+$0x0] =	vst.idx.msk $0xffff, v23  }
0x149: {  	v29 =	vadd.s32 s2, v2;
	v21 =	vld.idx.msk [tilespmem:v30+s12+$0x0], $0xffff;
	v23 =	vmul.f32 v25, v20;
	v25 =	vadd.s32 s16, v6  }
0x14a: {  	v30 =	vadd.s32 s22, v7  }
0x14b: {  	v18 =	vmul.f32 v18, v17;
	[tilespmem:v24+s14+$0x0] =	vst.idx.msk $0xffff, v23;
	v23 =	vadd.s32 s0, v3  }
0x14c: {  	s3 =	simm.s32 $0x3B1A;
	v24 =	vld.idx.msk [tilespmem:v27+s12+$0x0], $0xffff;
	v26 =	vmul.f32 v26, v22;
	v27 =	vadd.s32 s9, v4  }
0x14d: {  	v31 =	vadd.s32 s6, v1;
	[tilespmem:v28+s14+$0x0] =	vst.idx.msk $0xffff, v18;
	v28 =	vadd.s32 s3, v0  }
0x14e: {  	v18 =	vbroadcast v19, $0x0;
	[tilespmem:v25+s14+$0x0] =	vst.idx.msk $0xffff, v26;
	v25 =	vld.idx.msk [tilespmem:v29+s12+$0x0], $0xffff;
	v21 =	vmul.f32 v21, v16;
	v26 =	vadd.s32 s8, v5  }
0x14f: {  	s7 =	simm.s32 $0x45;
	v29 =	vadd.s32 s15, v6;
	v30 =	vld.idx.msk [tilespmem:v30+s12+$0x0], $0xffff  }
0x150: {  	v19 =	vmul.f32 v18, v19;
	[tilespmem:v23+s14+$0x0] =	vst.idx.msk $0xffff, v21;
	v21 =	vadd.s32 s7, v0;
	v23 =	vadd.s32 s1, v2  }
0x151: {  	v40 =	vadd.s32 s2, v3;
	v41 =	vadd.s32 s16, v7;
	v27 =	vld.idx.msk [tilespmem:v27+s12+$0x0], $0xffff;
	v24 =	vmul.f32 v24, v20  }
0x152: {  	[tilespmem:v28+s14+$0x0] =	vst.idx.msk $0xffff, v19;
	v19 =	vadd.s32 s22, v8  }
0x153: {  	v28 =	vld.idx.msk [tilespmem:v31+s12+$0x0], $0xffff;
	[tilespmem:v26+s14+$0x0] =	vst.idx.msk $0xffff, v24;
	v24 =	vmul.f32 v25, v17;
	v25 =	vadd.s32 s0, v4  }
0x154: {  	v26 =	vld.idx.msk [tilespmem:v29+s12+$0x0], $0xffff;
	v29 =	vadd.s32 s9, v5;
	v30 =	vmul.f32 v30, v22  }
0x155: {  	v31 =	vadd.s32 s3, v1;
	v21 =	vld.idx.msk [tilespmem:v21+s12+$0x0], $0xffff;
	[tilespmem:v23+s14+$0x0] =	vst.idx.msk $0xffff, v24  }
0x156: {  	v23 =	vld.idx.msk [tilespmem:v40+s12+$0x0], $0xffff;
	v24 =	vmul.f32 v27, v16;
	v27 =	vadd.s32 s8, v6;
	[tilespmem:v41+s14+$0x0] =	vst.idx.msk $0xffff, v30;
	v30 =	vadd.s32 s6, v2  }
0x157: {  	v42 =	vmov s22;
	v46 =	vadd.s32 s8, v7;
	v43 =	vadd.s32 s15, v7;
	v33 =	vld.idx.msk [tilespmem:v19+s12+$0x0], $0xffff  }
0x158: {  	vm0 =	vgt.u32 v42, v0;
	v19 =	vmul.f32 v28, v18;
	[tilespmem:v25+s14+$0x0] =	vst.idx.msk $0xffff, v24;
	v24 =	vadd.s32 s1, v3  }
0x159: {  	s5 =	simm.s32 $0x3BD6;
	v28 =	vadd.s32 s2, v4;
	v25 =	vld.idx.msk [tilespmem:v29+s12+$0x0], $0xffff;
	v26 =	vmul.f32 v26, v20;
	v29 =	vadd.s32 s16, v8  }
0x15a: {  	v44 =	vadd.s32 s22, v9;
	v45 =	vadd.s32 s7, v1;
	[tilespmem:v31+s14+$0x0] =	vst.idx.msk $0xffff, v19;
	v31 =	vadd.s32 s5, v0  }
0x15b: {  	v19 =	vbroadcast v21, $0x0;
	[tilespmem:v27+s14+$0x0] =	vst.idx.msk $0xffff, v26;
	v26 =	vld.idx.msk [tilespmem:v30+s12+$0x0], $0xffff;
	v23 =	vmul.f32 v23, v17;
	v27 =	vadd.s32 s0, v5  }
0x15c: {  	s11 =	simm.s32 $0x46;
	v56 =	vadd.s32 s8, v8;
	v30 =	vadd.s32 s9, v6;
	v34 =	vld.idx.msk [tilespmem:v43+s12+$0x0], $0xffff;
	v33 =	vmul.f32 v33, v22  }
0x15d: {  	s23 =	simm.s32 $0x30;
	v21 =	vmul.f32 v19, v21;
	[tilespmem:v24+s14+$0x0] =	vst.idx.msk $0xffff, v23;
	v23 =	vadd.s32 s11, v0;
	v24 =	vadd.s32 s3, v2  }
0x15e: {  	s24 =	simm.s32 $0x20;
	v47 =	vmov s23;
	v28 =	vld.idx.msk [tilespmem:v28+s12+$0x0], $0xffff;
	v25 =	vmul.f32 v25, v16;
	[tilespmem:v29+s14+$0x0] =	vst.idx.msk vm0, v33;
	v29 =	vadd.s32 s6, v3  }
0x15f: {  	v52 =	vmov s24;
	vm0 =	vgt.s32 v47, v0;
	[tilespmem:v31+s14+$0x0] =	vst.idx.msk $0xffff, v21;
	v21 =	vld.idx.msk [tilespmem:v44+s12+$0x0], $0xffff;
	v31 =	vadd.s32 s15, v8  }
0x160: {  	v57 =	vadd.s32 s11, v1;
	v35 =	vld.idx.msk [tilespmem:v45+s12+$0x0], $0xffff;
	[tilespmem:v27+s14+$0x0] =	vst.idx.msk $0xffff, v25;
	v25 =	vmul.f32 v26, v18;
	v26 =	vadd.s32 s1, v4  }
0x161: {  	v50 =	vadd.s32 s16, v9;
	v27 =	vld.idx.msk [tilespmem:v30+s12+$0x0], $0xffff;
	v30 =	vadd.s32 s2, v5;
	v48 =	vmul.f32 v34, v20  }
0x162: {  	s31 =	simm.s32 $0x3F;
	v55 =	vadd.s32 s6, v4;
	v23 =	vld.idx.msk [tilespmem:v23+s12+$0x0], $0xffff;
	[tilespmem:v24+s14+$0x0] =	vst.idx.msk $0xffff, v25;
	v25 =	vadd.s32 s22, v10  }
0x163: {  	v49 =	vmov s31;
	v24 =	vadd.s32 s5, v1;
	v29 =	vld.idx.msk [tilespmem:v29+s12+$0x0], $0xffff;
	v28 =	vmul.f32 v28, v17;
	[tilespmem:v46+s14+$0x0] =	vst.idx.msk $0xffff, v48  }
0x164: {  	v53 =	vadd.s32 s7, v2;
	v51 =	vadd.s32 s0, v6;
	v31 =	vld.idx.msk [tilespmem:v31+s12+$0x0], $0xffff;
	v21 =	vmul.f32 v21, v22  }
0x165: {  	vm1 =	vgt.u32 v49, v0;
	[tilespmem:v26+s14+$0x0] =	vst.idx.msk $0xffff, v28;
	v26 =	vadd.s32 s9, v7;
	v28 =	vadd.s32 s3, v3  }
0x166: {  	s13 =	simm.s32 $0x3C91;
	v54 =	vadd.s32 s15, v9;
	v32 =	vadd.s32 s3, v4;
	v35 =	vmul.f32 v35, v19;
	v30 =	vld.idx.msk [tilespmem:v30+s12+$0x0], $0xffff;
	[tilespmem:v50+s14+$0x0] =	vst.idx.msk vm0, v21  }
0x167: {  	v58 =	vadd.s32 s1, v5;
	v27 =	vmul.f32 v27, v16;
	v39 =	vld.idx.msk [tilespmem:v25+s12+$0x0], $0xffff;
	v25 =	vadd.s32 s13, v0  }
0x168: {  	vm0 =	vgt.s32 v52, v0;
	[tilespmem:v24+s14+$0x0] =	vst.idx.msk $0xffff, v35;
	v21 =	vbroadcast v23, $0x0;
	v29 =	vmul.f32 v29, v18  }
0x169: {  	s25 =	simm.s32 $0x2F;
	v60 =	vadd.s32 s2, v6;
	v61 =	vadd.s32 s16, v10;
	[tilespmem:v51+s14+$0x0] =	vst.idx.msk $0xffff, v27;
	v59 =	vld.idx.msk [tilespmem:v53+s12+$0x0], $0xffff;
	v31 =	vmul.f32 v31, v20  }
0x16a: {  	s19 =	simm.s32 $0x47;
	v62 =	vmov s25;
	v24 =	vld.idx.msk [tilespmem:v26+s12+$0x0], $0xffff;
	v26 =	vmul.f32 v21, v23;
	[tilespmem:v28+s14+$0x0] =	vst.idx.msk $0xffff, v29;
	v28 =	vadd.s32 s22, v11  }
0x16b: {  	s29 =	simm.s32 $0x3D;
	s28 =	simm.s32 $0x3A;
	s30 =	simm.s32 $0x3E;
	v33 =	vadd.s32 s5, v2;
	v23 =	vadd.s32 s19, v0;
	v27 =	vld.idx.msk [tilespmem:v55+s12+$0x0], $0xffff;
	v30 =	vmul.f32 v30, v17;
	[tilespmem:v56+s14+$0x0] =	vst.idx.msk vm1, v31  }
0x16c: {  	s26 =	simm.s32 $0x10;
	s20 =	simm.s32 $0x12DE;
	s21 =	simm.s32 $0x4600;
	v34 =	vadd.s32 s7, v3;
	v29 =	vadd.s32 s0, v7;
	[tilespmem:v25+s14+$0x0] =	vst.idx.msk $0xffff, v26;
	v25 =	vld.idx.msk [tilespmem:v54+s12+$0x0], $0xffff;
	v63 =	vmul.f32 v39, v22  }
0x16d: {  	s24 =	simm.s32 $0x39;
	s17 =	simm.s32 $0x47;
	s18 =	simm.s32 $0x8A;
	v35 =	vmov s26;
	v36 =	vld.idx.msk [tilespmem:v57+s12+$0x0], $0xffff;
	[tilespmem:v58+s14+$0x0] =	vst.idx.msk $0xffff, v30;
	v30 =	vadd.s32 s9, v8  }
0x16e: {  	s25 =	simm.s32 $0x3B;
	s26 =	simm.s32 $0x3C;
	s22 =	simm.s32 $0x38;
	vm1 =	vgt.s32 v62, v0;
	v26 =	vmov s30;
	v37 =	vmul.f32 v59, v19;
	v31 =	vld.idx.msk [tilespmem:v60+s12+$0x0], $0xffff;
	[tilespmem:v61+s14+$0x0] =	vst.idx.msk vm0, v63  }
.LBB2_5:
0x16f: {  	p1 =	sne.s32 s22, $0x1;
	v38 =	vadd.s32 s6, v5;
	v24 =	vmul.f32 v24, v16;
	v39 =	vadd.s32 s8, v9;
	v28 =	vld.idx.msk [tilespmem:v28+s12+$0x0], $0xffff;
	s23 =	smov.u32 s25;
	s25 =	smov.u32 s28  }
0x170: {  	v40 =	vadd.s32 s13, v1;
	s4 =	sadd.s32 $0xFFFFFFE0, s31;
	vm3 =	vgt.s32 v35, v0;
	s28 =	smov.u32 s24;
	s24 =	smov.u32 s22;
	v23 =	vld.idx.msk [tilespmem:v23+s12+$0x0], $0xffff;
	[tilespmem:v33+s14+$0x0] =	vst.idx.msk $0xffff, v37;
	v33 =	vadd.s32 s15, v10  }
0x171: {  	v35 =	vadd.s32 s1, v6;
	v27 =	vmul.f32 v27, v18;
	v34 =	vld.idx.msk [tilespmem:v34+s12+$0x0], $0xffff;
	[tilespmem:v29+s14+$0x0] =	vst.idx.msk $0xffff, v24;
	v24 =	vmov s4  }
0x172: {  	s18 =	sadd.s32 $0x2, s18;
	v37 =	vadd.s32 s16, v11;
	s16 =	smov.u32 s8;
	s8 =	smov.u32 s0;
	v29 =	vadd.s32 s11, v2;
	v25 =	vmul.f32 v25, v20;
	v30 =	vld.idx.msk [tilespmem:v30+s12+$0x0], $0xffff  }
0x173: {  	vm2 =	vgt.u32 v26, v0;
	s20 =	sadd.s32 s18, s20;
	s0 =	smov.u32 s1;
	s1 =	smov.u32 s3;
	v36 =	vmul.f32 v36, v21;
	[tilespmem:v32+s14+$0x0] =	vst.idx.msk $0xffff, v27;
	v27 =	vadd.s32 s2, v7  }
0x174: {  	s21 =	sadd.s32 $0x100, s21;
	v26 =	vadd.s32 s5, v3;
	s3 =	smov.u32 s5;
	s4 =	sshrl.u32 s20, $0x1;
	v31 =	vmul.f32 v31, v17;
	v32 =	vld.idx.msk [tilespmem:v38+s12+$0x0], $0xffff;
	v38 =	vadd.s32 s9, v9;
	[tilespmem:v39+s14+$0x0] =	vst.idx.msk vm1, v25  }
0x175: {  	s5 =	smov.u32 s13;
	s13 =	ssub.s32 s21, s4;
	v25 =	vadd.s32 s7, v4;
	v28 =	vmul.f32 v28, v22;
	[tilespmem:v40+s14+$0x0] =	vst.idx.msk $0xffff, v36;
	v36 =	vadd.s32 s8, v8;
	v39 =	vld.idx.msk [tilespmem:v33+s12+$0x0], $0xffff  }
0x176: {  	v41 =	vadd.s32 s19, v1;
	vm0 =	vgt.s32 v24, v0;
	v22 =	vmovc v20;
	v40 =	vadd.s32 s13, v0;
	[tilespmem:v35+s14+$0x0] =	vst.idx.msk $0xffff, v31  }
0x177: {  	v42 =	vbroadcast v23, $0x0;
	v35 =	vadd.s32 s1, v5;
	v31 =	vld.idx.msk [tilespmem:v29+s12+$0x0], $0xffff;
	v29 =	vmul.f32 v34, v19;
	[tilespmem:v37+s14+$0x0] =	vst.idx.msk vm3, v28  }
0x178: {  	v43 =	vadd.s32 s6, v6;
	v44 =	vadd.s32 s16, v10;
	s4 =	sadd.s32 $0xFFFFFFF0, s30;
	v20 =	vmovc v16;
	v30 =	vmul.f32 v30, v16;
	v16 =	vmovc v17;
	v24 =	vld.idx.msk [tilespmem:v27+s12+$0x0], $0xffff  }
.Ltmp1:
0x179: {  	s19 =	sadd.s32 $0x1, s19;
	v34 =	vmul.f32 v42, v23;
	v37 =	vmov s4;
	v28 =	vadd.s32 s15, v11;
	v17 =	vmovc v18;
	v18 =	vmovc v19;
	s15 =	smov.u32 s9;
	[tilespmem:v26+s14+$0x0] =	vst.idx.msk $0xffff, v29;
	(pc) =	sbr.rel @p1 .LBB2_5-.Ltmp1, $4  }
0x17a: {  	v33 =	vadd.s32 s5, v2;
	v23 =	vadd.s32 s19, v0;
	s9 =	smov.u32 s2;
	s2 =	smov.u32 s6;
	s6 =	smov.u32 s7;
	v12 =	vmul.f32 v32, v17;
	v27 =	vld.idx.msk [tilespmem:v25+s12+$0x0], $0xffff;
	[tilespmem:v36+s14+$0x0] =	vst.idx.msk vm2, v30  }
0x17b: {  	s7 =	smov.u32 s11;
	v29 =	vadd.s32 s0, v7;
	[tilespmem:v40+s14+$0x0] =	vst.idx.msk $0xffff, v34;
	v34 =	vadd.s32 s11, v3;
	v25 =	vld.idx.msk [tilespmem:v38+s12+$0x0], $0xffff;
	v38 =	vmul.f32 v39, v22;
	s11 =	smov.u32 s17;
	s17 =	smov.u32 s19  }
0x17c: {  	s4 =	sadd.s32 $0xFFFFFFD0, s31;
	v19 =	vmovc v21;
	s31 =	smov.u32 s30;
	s30 =	smov.u32 s29;
	vm1 =	vgt.s32 v37, v0;
	v26 =	vmov s29;
	v30 =	vadd.s32 s9, v8;
	v36 =	vld.idx.msk [tilespmem:v41+s12+$0x0], $0xffff;
	[tilespmem:v35+s14+$0x0] =	vst.idx.msk $0xffff, v12  }
0x17d: {  	s22 =	sadd.s32 $0xFFFFFFFF, s22;
	v21 =	vmovc v42;
	v32 =	vadd.s32 s3, v4;
	s29 =	smov.u32 s26;
	s26 =	smov.u32 s23;
	v37 =	vmul.f32 v31, v19;
	v35 =	vmov s4;
	v31 =	vld.idx.msk [tilespmem:v43+s12+$0x0], $0xffff;
	[tilespmem:v44+s14+$0x0] =	vst.idx.msk vm0, v38  }
0x17e: {  	_ =	sdelay $0x3  }
0x17f: {  	v38 =	vld.idx.msk [tilespmem:v23+s12+$0x0], $0xffff;
	s4 =	sadd.s32 $0x2, s18  }
0x180: {  	s4 =	sadd.s32 s4, s20  }
0x181: {  	s10 =	sadd.s32 $0x100, s21;
	s4 =	sshrl.u32 s4, $0x1  }
0x182: {  	s18 =	ssub.s32 s10, s4  }
0x183: {  	v39 =	vadd.s32 s18, v0  }
0x184: {  	v40 =	vadd.s32 s19, v1;
	v23 =	vbroadcast v38, $0x0;
	_ =	sdelay $0x1  }
0x185: {  	v38 =	vmul.f32 v23, v38;
	_ =	sdelay $0x1  }
0x186: {  	[tilespmem:v39+s14+$0x0] =	vst.idx.msk $0xffff, v38  }
0x187: {  	v38 =	vld.idx.msk [tilespmem:v40+s12+$0x0], $0xffff  }
0x188: {  	v52 =	vadd.s32 s13, v1  }
0x189: {  	v53 =	vadd.s32 s11, v2;
	v41 =	vadd.s32 s18, v1  }
0x18a: {  	v42 =	vadd.s32 s17, v2  }
0x18b: {  	v36 =	vmul.f32 v36, v21  }
0x18c: {  	v38 =	vmul.f32 v38, v23  }
0x18d: {  	[tilespmem:v52+s14+$0x0] =	vst.idx.msk $0xffff, v36  }
0x18e: {  	v36 =	vld.idx.msk [tilespmem:v53+s12+$0x0], $0xffff;
	[tilespmem:v41+s14+$0x0] =	vst.idx.msk $0xffff, v38  }
0x18f: {  	v38 =	vld.idx.msk [tilespmem:v42+s12+$0x0], $0xffff  }
0x190: {  	v54 =	vadd.s32 s13, v2  }
0x191: {  	v55 =	vadd.s32 s11, v3;
	v56 =	vadd.s32 s18, v2  }
0x192: {  	v57 =	vadd.s32 s17, v3  }
0x193: {  	v36 =	vmul.f32 v36, v21  }
0x194: {  	[tilespmem:v33+s14+$0x0] =	vst.idx.msk $0xffff, v37;
	v58 =	vmul.f32 v38, v23  }
0x195: {  	v34 =	vld.idx.msk [tilespmem:v34+s12+$0x0], $0xffff;
	[tilespmem:v54+s14+$0x0] =	vst.idx.msk $0xffff, v36  }
0x196: {  	v36 =	vld.idx.msk [tilespmem:v55+s12+$0x0], $0xffff;
	[tilespmem:v56+s14+$0x0] =	vst.idx.msk $0xffff, v58  }
0x197: {  	v59 =	vadd.s32 s5, v3;
	v60 =	vld.idx.msk [tilespmem:v57+s12+$0x0], $0xffff  }
0x198: {  	v61 =	vadd.s32 s7, v4;
	v62 =	vadd.s32 s13, v3  }
0x199: {  	v63 =	vadd.s32 s11, v4;
	v45 =	vadd.s32 s18, v3  }
0x19a: {  	v46 =	vadd.s32 s17, v4;
	v34 =	vmul.f32 v34, v19  }
0x19b: {  	v36 =	vmul.f32 v36, v21  }
0x19c: {  	[tilespmem:v59+s14+$0x0] =	vst.idx.msk $0xffff, v34;
	v47 =	vmul.f32 v60, v23  }
0x19d: {  	v48 =	vadd.s32 s6, v5;
	v50 =	vadd.s32 s8, v9;
	v49 =	vld.idx.msk [tilespmem:v61+s12+$0x0], $0xffff;
	[tilespmem:v62+s14+$0x0] =	vst.idx.msk $0xffff, v36  }
0x19e: {  	v24 =	vmul.f32 v24, v16;
	v51 =	vadd.s32 s1, v6;
	v43 =	vadd.s32 s7, v5;
	v39 =	vld.idx.msk [tilespmem:v63+s12+$0x0], $0xffff;
	[tilespmem:v45+s14+$0x0] =	vst.idx.msk $0xffff, v47  }
0x19f: {  	v44 =	vadd.s32 s13, v4;
	v53 =	vadd.s32 s2, v7;
	v54 =	vadd.s32 s5, v4;
	v42 =	vld.idx.msk [tilespmem:v46+s12+$0x0], $0xffff  }
0x1a0: {  	v28 =	vld.idx.msk [tilespmem:v28+s12+$0x0], $0xffff;
	vm0 =	vgt.s32 v35, v0;
	v27 =	vmul.f32 v27, v18;
	[tilespmem:v29+s14+$0x0] =	vst.idx.msk $0xffff, v24  }
0x1a1: {  	v30 =	vld.idx.msk [tilespmem:v30+s12+$0x0], $0xffff;
	v29 =	vmul.f32 v31, v17;
	v31 =	vadd.s32 s11, v5;
	v45 =	vadd.s32 s18, v4  }
0x1a2: {  	vm2 =	vgt.u32 v26, v0;
	[tilespmem:v32+s14+$0x0] =	vst.idx.msk $0xffff, v27;
	v55 =	vadd.s32 s17, v5;
	v27 =	vmul.f32 v49, v19  }
0x1a3: {  	v25 =	vmul.f32 v25, v20;
	[tilespmem:v51+s14+$0x0] =	vst.idx.msk $0xffff, v29;
	v34 =	vld.idx.msk [tilespmem:v48+s12+$0x0], $0xffff;
	v29 =	vmul.f32 v39, v21  }
0x1a4: {  	v26 =	vadd.s32 s0, v8;
	v52 =	vadd.s32 s15, v10;
	[tilespmem:v54+s14+$0x0] =	vst.idx.msk $0xffff, v27;
	v57 =	vld.idx.msk [tilespmem:v53+s12+$0x0], $0xffff;
	v27 =	vmul.f32 v42, v23  }
0x1a5: {  	v24 =	vadd.s32 s16, v11;
	v22 =	vmul.f32 v28, v22;
	v59 =	vld.idx.msk [tilespmem:v43+s12+$0x0], $0xffff;
	v58 =	vadd.s32 s3, v5;
	[tilespmem:v44+s14+$0x0] =	vst.idx.msk $0xffff, v29  }
0x1a6: {  	v28 =	vadd.s32 s6, v6;
	v30 =	vmul.f32 v30, v16;
	v29 =	vadd.s32 s1, v7;
	v31 =	vld.idx.msk [tilespmem:v31+s12+$0x0], $0xffff;
	[tilespmem:v45+s14+$0x0] =	vst.idx.msk $0xffff, v27  }
0x1a7: {  	v61 =	vadd.s32 s7, v6;
	v60 =	vadd.s32 s5, v5;
	v27 =	vadd.s32 s2, v8;
	v32 =	vld.idx.msk [tilespmem:v55+s12+$0x0], $0xffff  }
0x1a8: {  	s19 =	sadd.s32 $0xFFFFFFE0, s31;
	[tilespmem:v50+s14+$0x0] =	vst.idx.msk vm1, v25;
	v25 =	vmul.f32 v34, v18;
	v62 =	vadd.s32 s13, v5;
	v63 =	vadd.s32 s11, v6  }
0x1a9: {  	v33 =	vld.idx.msk [tilespmem:v52+s12+$0x0], $0xffff;
	v56 =	vmov s19;
	v37 =	vmul.f32 v57, v17;
	v45 =	vadd.s32 s18, v5  }
0x1aa: {  	s20 =	sadd.s32 $0xFFFFFFF0, s30;
	vm3 =	vgt.s32 v56, v0;
	[tilespmem:v58+s14+$0x0] =	vst.idx.msk $0xffff, v25;
	v25 =	vmul.f32 v59, v19;
	v46 =	vadd.s32 s17, v6  }
0x1ab: {  	v50 =	vmov s20;
	v48 =	vadd.s32 s8, v10;
	v28 =	vld.idx.msk [tilespmem:v28+s12+$0x0], $0xffff;
	[tilespmem:v29+s14+$0x0] =	vst.idx.msk $0xffff, v37;
	v29 =	vmul.f32 v31, v21  }
0x1ac: {  	v49 =	vmov s29;
	v31 =	vadd.s32 s15, v11;
	[tilespmem:v60+s14+$0x0] =	vst.idx.msk $0xffff, v25;
	v27 =	vld.idx.msk [tilespmem:v27+s12+$0x0], $0xffff;
	v25 =	vmul.f32 v32, v23  }
0x1ad: {  	v51 =	vadd.s32 s3, v6;
	v52 =	vadd.s32 s6, v7;
	vm1 =	vgt.u32 v49, v0;
	v34 =	vld.idx.msk [tilespmem:v61+s12+$0x0], $0xffff;
	[tilespmem:v62+s14+$0x0] =	vst.idx.msk $0xffff, v29  }
0x1ae: {  	v53 =	vadd.s32 s1, v8;
	v47 =	vadd.s32 s9, v9;
	v29 =	vmul.f32 v33, v20;
	v54 =	vld.idx.msk [tilespmem:v63+s12+$0x0], $0xffff;
	[tilespmem:v45+s14+$0x0] =	vst.idx.msk $0xffff, v25  }
0x1af: {  	[tilespmem:v26+s14+$0x0] =	vst.idx.msk vm2, v30;
	vm2 =	vgt.s32 v50, v0;
	v26 =	vadd.s32 s2, v9;
	v30 =	vadd.s32 s5, v6;
	v55 =	vld.idx.msk [tilespmem:v46+s12+$0x0], $0xffff  }
0x1b0: {  	[tilespmem:v48+s14+$0x0] =	vst.idx.msk vm3, v29;
	v29 =	vadd.s32 s13, v6;
	v25 =	vmul.f32 v28, v18;
	v28 =	vadd.s32 s7, v7  }
0x1b1: {  	v58 =	vadd.s32 s18, v6;
	v57 =	vadd.s32 s11, v7;
	v31 =	vld.idx.msk [tilespmem:v31+s12+$0x0], $0xffff;
	v27 =	vmul.f32 v27, v17  }
0x1b2: {  	s16 =	sadd.s32 $0xFFFFFFE0, s26;
	v50 =	vadd.s32 s13, v7;
	v60 =	vadd.s32 s17, v7;
	v34 =	vmul.f32 v34, v19;
	[tilespmem:v51+s14+$0x0] =	vst.idx.msk $0xffff, v25  }
0x1b3: {  	s22 =	sadd.s32 $0xFFFFFFE0, s30;
	v49 =	vadd.s32 s7, v8;
	v44 =	vmov s16;
	v56 =	vld.idx.msk [tilespmem:v47+s12+$0x0], $0xffff;
	[tilespmem:v53+s14+$0x0] =	vst.idx.msk vm1, v27;
	v27 =	vmul.f32 v54, v21  }
0x1b4: {  	v61 =	vmov s22;
	v62 =	vadd.s32 s0, v9;
	[tilespmem:v30+s14+$0x0] =	vst.idx.msk $0xffff, v34;
	v33 =	vld.idx.msk [tilespmem:v52+s12+$0x0], $0xffff;
	v30 =	vmul.f32 v55, v23  }
0x1b5: {  	v63 =	vadd.s32 s9, v10;
	v47 =	vadd.s32 s5, v7;
	vm3 =	vgt.s32 v61, v0;
	v28 =	vld.idx.msk [tilespmem:v28+s12+$0x0], $0xffff;
	[tilespmem:v29+s14+$0x0] =	vst.idx.msk $0xffff, v27  }
0x1b6: {  	v48 =	vmov s26;
	v20 =	vmul.f32 v31, v20;
	v29 =	vadd.s32 s3, v7;
	v31 =	vld.idx.msk [tilespmem:v57+s12+$0x0], $0xffff;
	[tilespmem:v58+s14+$0x0] =	vst.idx.msk $0xffff, v30  }
0x1b7: {  	s23 =	sadd.s32 $0xFFFFFFF0, s29;
	v61 =	vadd.s32 s7, v9;
	vm4 =	vgt.u32 v48, v0;
	v30 =	vadd.s32 s6, v8;
	v35 =	vld.idx.msk [tilespmem:v60+s12+$0x0], $0xffff  }
0x1b8: {  	v48 =	vadd.s32 s18, v8;
	v45 =	vmov s23;
	v46 =	vmul.f32 v56, v16  }
0x1b9: {  	v51 =	vadd.s32 s11, v8;
	v52 =	vadd.s32 s18, v7;
	v33 =	vmul.f32 v33, v18  }
0x1ba: {  	s21 =	sadd.s32 $0xFFFFFFD0, s31;
	v56 =	vadd.s32 s6, v9;
	[tilespmem:v62+s14+$0x0] =	vst.idx.msk vm2, v46;
	v53 =	vadd.s32 s17, v8;
	v28 =	vmul.f32 v28, v19  }
0x1bb: {  	v59 =	vmov s21;
	vm2 =	vgt.s32 v45, v0;
	v26 =	vld.idx.msk [tilespmem:v26+s12+$0x0], $0xffff;
	[tilespmem:v29+s14+$0x0] =	vst.idx.msk $0xffff, v33;
	v29 =	vmul.f32 v31, v21  }
0x1bc: {  	v25 =	vadd.s32 s8, v11;
	v54 =	vadd.s32 s1, v9;
	[tilespmem:v47+s14+$0x0] =	vst.idx.msk $0xffff, v28;
	v30 =	vld.idx.msk [tilespmem:v30+s12+$0x0], $0xffff;
	v28 =	vmul.f32 v35, v23  }
0x1bd: {  	vm1 =	vgt.s32 v59, v0;
	v55 =	vadd.s32 s2, v10;
	v57 =	vmov s25;
	v37 =	vld.idx.msk [tilespmem:v49+s12+$0x0], $0xffff;
	[tilespmem:v50+s14+$0x0] =	vst.idx.msk $0xffff, v29  }
0x1be: {  	vm5 =	vgt.u32 v57, v0;
	v58 =	vmov s28;
	v29 =	vadd.s32 s3, v8;
	v59 =	vld.idx.msk [tilespmem:v51+s12+$0x0], $0xffff;
	[tilespmem:v52+s14+$0x0] =	vst.idx.msk $0xffff, v28  }
0x1bf: {  	vm6 =	vgt.u32 v58, v0;
	v60 =	vmov s24;
	v28 =	vadd.s32 s5, v8;
	v32 =	vld.idx.msk [tilespmem:v53+s12+$0x0], $0xffff  }
0x1c0: {  	v62 =	vadd.s32 s13, v8;
	v26 =	vmul.f32 v26, v17;
	vm7 =	vgt.u32 v60, v0  }
0x1c1: {  	v34 =	vld.idx.msk [tilespmem:v63+s12+$0x0], $0xffff;
	v63 =	vadd.s32 s11, v9;
	v27 =	vadd.s32 s9, v11;
	v30 =	vmul.f32 v30, v18  }
0x1c2: {  	s30 =	sadd.s32 $0xFFFFFFD0, s30;
	v57 =	vadd.s32 s7, v10;
	[tilespmem:v54+s14+$0x0] =	vst.idx.msk vm2, v26;
	v50 =	vadd.s32 s17, v9;
	v26 =	vmul.f32 v37, v19  }
0x1c3: {  	s8 =	sadd.s32 $0xFFFFFFF0, s26;
	v31 =	vmov s30;
	v54 =	vadd.s32 s3, v9;
	v43 =	vld.idx.msk [tilespmem:v55+s12+$0x0], $0xffff;
	[tilespmem:v29+s14+$0x0] =	vst.idx.msk vm4, v30;
	v29 =	vmul.f32 v59, v21  }
0x1c4: {  	s9 =	sadd.s32 $0xFFFFFFF0, s25;
	vm2 =	vgt.s32 v31, v0;
	v52 =	vmov s8;
	v33 =	vld.idx.msk [tilespmem:v56+s12+$0x0], $0xffff;
	[tilespmem:v28+s14+$0x0] =	vst.idx.msk vm5, v26;
	v26 =	vmul.f32 v32, v23  }
0x1c5: {  	s10 =	sadd.s32 $0xFFFFFFF0, s28;
	v51 =	vadd.s32 s0, v10;
	v53 =	vmov s9;
	vm4 =	vgt.s32 v52, v0;
	v28 =	vld.idx.msk [tilespmem:v61+s12+$0x0], $0xffff;
	[tilespmem:v62+s14+$0x0] =	vst.idx.msk vm6, v29  }
0x1c6: {  	s15 =	sadd.s32 $0xFFFFFFF0, s24;
	v31 =	vmov s10;
	vm5 =	vgt.s32 v53, v0;
	v56 =	vadd.s32 s5, v9;
	v55 =	vld.idx.msk [tilespmem:v63+s12+$0x0], $0xffff;
	[tilespmem:v48+s14+$0x0] =	vst.idx.msk vm7, v26  }
0x1c7: {  	v29 =	vmov s15;
	vm6 =	vgt.s32 v31, v0;
	v26 =	vadd.s32 s6, v10;
	v31 =	vld.idx.msk [tilespmem:v50+s12+$0x0], $0xffff  }
0x1c8: {  	v58 =	vadd.s32 s13, v9;
	v30 =	vmul.f32 v34, v16;
	vm7 =	vgt.s32 v29, v0  }
0x1c9: {  	s19 =	sadd.s32 $0xFFFFFFE0, s25;
	v60 =	vadd.s32 s18, v9;
	v59 =	vadd.s32 s11, v10;
	v29 =	vmul.f32 v33, v18  }
0x1ca: {  	s31 =	sadd.s32 $0xFFFFFFE0, s29;
	s20 =	sadd.s32 $0xFFFFFFE0, s28;
	v45 =	vmov s19;
	[tilespmem:v51+s14+$0x0] =	vst.idx.msk vm3, v30;
	v30 =	vadd.s32 s17, v10;
	v28 =	vmul.f32 v28, v19  }
0x1cb: {  	s21 =	sadd.s32 $0xFFFFFFE0, s24;
	v46 =	vmov s20;
	v49 =	vmov s31;
	v27 =	vld.idx.msk [tilespmem:v27+s12+$0x0], $0xffff;
	[tilespmem:v54+s14+$0x0] =	vst.idx.msk vm4, v29;
	v29 =	vmul.f32 v55, v21  }
0x1cc: {  	v47 =	vmov s21;
	vm3 =	vgt.s32 v49, v0;
	v26 =	vld.idx.msk [tilespmem:v26+s12+$0x0], $0xffff;
	[tilespmem:v56+s14+$0x0] =	vst.idx.msk vm5, v28;
	v28 =	vmul.f32 v31, v23  }
0x1cd: {  	v61 =	vadd.s32 s1, v10;
	v62 =	vadd.s32 s2, v11;
	vm4 =	vgt.s32 v44, v0;
	v35 =	vld.idx.msk [tilespmem:v57+s12+$0x0], $0xffff;
	[tilespmem:v58+s14+$0x0] =	vst.idx.msk vm6, v29  }
0x1ce: {  	v49 =	vadd.s32 s13, v10;
	vm5 =	vgt.s32 v45, v0;
	v31 =	vadd.s32 s3, v10;
	v33 =	vld.idx.msk [tilespmem:v59+s12+$0x0], $0xffff;
	[tilespmem:v60+s14+$0x0] =	vst.idx.msk vm7, v28  }
0x1cf: {  	v29 =	vadd.s32 s6, v11;
	vm6 =	vgt.s32 v46, v0;
	v28 =	vadd.s32 s5, v10;
	v30 =	vld.idx.msk [tilespmem:v30+s12+$0x0], $0xffff  }
0x1d0: {  	v63 =	vmul.f32 v43, v17;
	v48 =	vadd.s32 s7, v11;
	vm7 =	vgt.s32 v47, v0  }
0x1d1: {  	v51 =	vadd.s32 s18, v10;
	v50 =	vadd.s32 s11, v11;
	v26 =	vmul.f32 v26, v18  }
0x1d2: {  	s22 =	sadd.s32 $0xFFFFFFD0, s29;
	v52 =	vadd.s32 s0, v11;
	[tilespmem:v61+s14+$0x0] =	vst.idx.msk vm3, v63;
	v54 =	vadd.s32 s17, v11;
	v53 =	vmul.f32 v35, v19  }
0x1d3: {  	s23 =	sadd.s32 $0xFFFFFFD0, s26;
	v16 =	vmul.f32 v27, v16;
	v27 =	vmov s22;
	v37 =	vld.idx.msk [tilespmem:v62+s12+$0x0], $0xffff;
	[tilespmem:v31+s14+$0x0] =	vst.idx.msk vm4, v26;
	v26 =	vmul.f32 v33, v21  }
0x1d4: {  	s25 =	sadd.s32 $0xFFFFFFD0, s25;
	vm3 =	vgt.s32 v27, v0;
	v27 =	vmov s23;
	v29 =	vld.idx.msk [tilespmem:v29+s12+$0x0], $0xffff;
	[tilespmem:v28+s14+$0x0] =	vst.idx.msk vm5, v53;
	v28 =	vmul.f32 v30, v23  }
0x1d5: {  	s26 =	sadd.s32 $0xFFFFFFD0, s28;
	vm4 =	vgt.s32 v27, v0;
	v27 =	vmov s25;
	v30 =	vadd.s32 s1, v11;
	v31 =	vld.idx.msk [tilespmem:v48+s12+$0x0], $0xffff;
	[tilespmem:v49+s14+$0x0] =	vst.idx.msk vm6, v26  }
0x1d6: {  	s28 =	sadd.s32 $0xFFFFFFD0, s24;
	vm5 =	vgt.s32 v27, v0;
	v27 =	vmov s26;
	v26 =	vadd.s32 s3, v11;
	v55 =	vld.idx.msk [tilespmem:v50+s12+$0x0], $0xffff;
	[tilespmem:v51+s14+$0x0] =	vst.idx.msk vm7, v28  }
0x1d7: {  	[tilespmem:v24+s14+$0x0] =	vst.idx.msk vm0, v22;
	v22 =	vadd.s32 s5, v11;
	v24 =	vmov s28;
	vm0 =	vgt.s32 v27, v0;
	v27 =	vld.idx.msk [tilespmem:v54+s12+$0x0], $0xffff  }
0x1d8: {  	[tilespmem:v25+s14+$0x0] =	vst.idx.msk vm1, v20;
	v20 =	vadd.s32 s13, v11;
	vm1 =	vgt.s32 v24, v0;
	v17 =	vmul.f32 v37, v17  }
0x1d9: {  	[tilespmem:v52+s14+$0x0] =	vst.idx.msk vm2, v16;
	s3 =	simm.s32 $0x80;
	v16 =	vmul.f32 v29, v18;
	v18 =	vadd.s32 s18, v11  }
0x1da: {  	s9 =	simm.s32 $0x81;
	[tilespmem:v30+s14+$0x0] =	vst.idx.msk vm3, v17;
	v17 =	vmul.f32 v31, v19;
	v19 =	vadd.s32 s3, v0  }
0x1db: {  	[tilespmem:v26+s14+$0x0] =	vst.idx.msk vm4, v16;
	v16 =	vmul.f32 v55, v21;
	v21 =	vadd.s32 s9, v0  }
0x1dc: {  	[tilespmem:v22+s14+$0x0] =	vst.idx.msk vm5, v17;
	v17 =	vmul.f32 v27, v23  }
0x1dd: {  	[tilespmem:v20+s14+$0x0] =	vst.idx.msk vm0, v16  }
0x1de: {  	[tilespmem:v18+s14+$0x0] =	vst.idx.msk vm1, v17  }
0x1df: {  	v18 =	vld.idx.msk [tilespmem:v19+s12+$0x0], $0xffff  }
0x1e0: {  	s29 =	simm.s32 $0x80;
	v19 =	vld.idx.msk [tilespmem:v21+s12+$0x0], $0xffff  }
0x1e1: {  	s30 =	simm.s32 $0x7F;
	v16 =	vmov s29  }
0x1e2: {  	s8 =	simm.s32 $0x6040;
	vm0 =	vgt.u32 v16, v0;
	v16 =	vmov s30  }
0x1e3: {  	s11 =	simm.s32 $0x60C0;
	v20 =	vadd.s32 s8, v0;
	vm1 =	vgt.u32 v16, v0  }
0x1e4: {  	s16 =	simm.s32 $0x1F;
	v22 =	vadd.s32 s11, v0;
	v21 =	vadd.s32 s3, v1;
	v16 =	vbroadcast v18, $0x0  }
0x1e5: {  	v36 =	vmov s16;
	s10 =	simm.s32 $0x3F;
	s2 =	simm.s32 $0x6F;
	v23 =	vadd.s32 s9, v1;
	v17 =	vbroadcast v19, $0x0  }
0x1e6: {  	s24 =	simm.s32 $0x5D;
	v34 =	vmov s10;
	v24 =	vmov s2;
	v18 =	vmul.f32 v16, v18  }
0x1e7: {  	s0 =	simm.s32 $0x83;
	v43 =	vmov s24;
	s17 =	simm.s32 $0x10;
	s22 =	simm.s32 $0x5E;
	v61 =	vadd.s32 s11, v2;
	v19 =	vmul.f32 v17, v19  }
0x1e8: {  	s31 =	simm.s32 $0x70;
	s2 =	simm.s32 $0x61BD;
	v63 =	vadd.s32 s0, v1;
	v12 =	vmov s17;
	v41 =	vmov s22;
	[tilespmem:v20+s14+$0x0] =	vst.idx.msk vm0, v18  }
0x1e9: {  	s19 =	simm.s32 $0x7E;
	s10 =	simm.s32 $0x40;
	v62 =	vadd.s32 s2, v0;
	v18 =	vmov s31;
	[tilespmem:v22+s14+$0x0] =	vst.idx.msk vm1, v19;
	v20 =	vld.idx.msk [tilespmem:v21+s12+$0x0], $0xffff  }
0x1ea: {  	s20 =	simm.s32 $0x6E;
	v45 =	vmov s10;
	v57 =	vmov s19;
	vm0 =	vgt.u32 v18, v0;
	v18 =	vld.idx.msk [tilespmem:v23+s12+$0x0], $0xffff  }
0x1eb: {  	v58 =	vmov s20;
	vm1 =	vgt.u32 v24, v0;
	v23 =	vadd.s32 s8, v1  }
0x1ec: {  	v52 =	vadd.s32 s11, v3;
	v25 =	vadd.s32 s3, v2;
	v24 =	vadd.s32 s11, v1  }
0x1ed: {  	s13 =	simm.s32 $0x2F;
	s23 =	simm.s32 $0x6D;
	v46 =	vadd.s32 s0, v2;
	v59 =	vadd.s32 s8, v2;
	v27 =	vadd.s32 s9, v2  }
0x1ee: {  	v60 =	vmov s23;
	v35 =	vmov s13;
	s25 =	simm.s32 $0x4E;
	v20 =	vmul.f32 v20, v16  }
0x1ef: {  	s13 =	simm.s32 $0x82;
	v33 =	vmov s25;
	s26 =	simm.s32 $0x4D;
	v48 =	vadd.s32 s9, v3;
	v56 =	vmul.f32 v18, v17  }
0x1f0: {  	s1 =	simm.s32 $0x60;
	v32 =	vmov s26;
	v49 =	vadd.s32 s13, v1;
	[tilespmem:v23+s14+$0x0] =	vst.idx.msk vm0, v20;
	v23 =	vadd.s32 s13, v0  }
0x1f1: {  	s4 =	simm.s32 $0x5F;
	vm2 =	vgt.u32 v57, v0;
	v21 =	vmov s1;
	v20 =	vadd.s32 s0, v0;
	[tilespmem:v24+s14+$0x0] =	vst.idx.msk vm1, v56;
	v25 =	vld.idx.msk [tilespmem:v25+s12+$0x0], $0xffff  }
0x1f2: {  	vm6 =	vgt.u32 v45, v0;
	v19 =	vmov s4;
	vm0 =	vgt.u32 v21, v0;
	v27 =	vld.idx.msk [tilespmem:v27+s12+$0x0], $0xffff  }
0x1f3: {  	v50 =	vadd.s32 s8, v3;
	v28 =	vadd.s32 s3, v5;
	vm1 =	vgt.u32 v19, v0  }
0x1f4: {  	s15 =	simm.s32 $0x20;
	s7 =	simm.s32 $0x30;
	v51 =	vadd.s32 s3, v4;
	v54 =	vadd.s32 s9, v4;
	v19 =	vadd.s32 s3, v3  }
0x1f5: {  	s6 =	simm.s32 $0x4F;
	v29 =	vmov s7;
	s18 =	simm.s32 $0xF;
	v30 =	vmov s15;
	v31 =	vadd.s32 s11, v4;
	v23 =	vld.idx.msk [tilespmem:v23+s12+$0x0], $0xffff  }
0x1f6: {  	s21 =	simm.s32 $0x7D;
	v40 =	vmov s18;
	v26 =	vmov s6;
	v47 =	vld.idx.msk [tilespmem:v20+s12+$0x0], $0xffff;
	v20 =	vmul.f32 v25, v16  }
0x1f7: {  	s5 =	simm.s32 $0x50;
	s18 =	simm.s32 $0x5C;
	vm4 =	vgt.s32 v36, v0;
	v21 =	vmov s21;
	v27 =	vmul.f32 v27, v17  }
0x1f8: {  	s22 =	simm.s32 $0x4B;
	v38 =	vmov s18;
	v22 =	vmov s5;
	s1 =	simm.s32 $0x613F;
	[tilespmem:v59+s14+$0x0] =	vst.idx.msk vm0, v20;
	vm0 =	vgt.u32 v21, v0  }
0x1f9: {  	v36 =	vmov s22;
	[tilespmem:v61+s14+$0x0] =	vst.idx.msk vm1, v27;
	vm1 =	vgt.u32 v22, v0;
	v22 =	vadd.s32 s1, v0;
	v21 =	vld.idx.msk [tilespmem:v19+s12+$0x0], $0xffff  }
0x1fa: {  	vm3 =	vgt.u32 v26, v0;
	vm5 =	vgt.u32 v58, v0;
	s29 =	simm.s32 $0x3D;
	v44 =	vld.idx.msk [tilespmem:v48+s12+$0x0], $0xffff;
	v20 =	vbroadcast v23, $0x0  }
0x1fb: {  	v58 =	vadd.s32 s13, v2;
	v13 =	vmov s29;
	s30 =	simm.s32 $0x2D;
	v19 =	vbroadcast v47, $0x0  }
0x1fc: {  	s28 =	simm.s32 $0x2E;
	v14 =	vmov s30;
	v57 =	vadd.s32 s1, v1;
	v53 =	vmul.f32 v20, v23  }
0x1fd: {  	v18 =	vadd.s32 s11, v7;
	v24 =	vmov s28;
	v26 =	vmul.f32 v19, v47  }
0x1fe: {  	s31 =	simm.s32 $0x1E;
	s5 =	simm.s32 $0x1D;
	v25 =	vadd.s32 s13, v5;
	v27 =	vadd.s32 s2, v4;
	v56 =	vmul.f32 v21, v16;
	[tilespmem:v22+s14+$0x0] =	vst.idx.msk vm2, v53  }
0x1ff: {  	s6 =	simm.s32 $0xE;
	v23 =	vmov s31;
	v47 =	vmov s5;
	[tilespmem:v62+s14+$0x0] =	vst.idx.msk vm0, v26;
	v44 =	vmul.f32 v44, v17;
	v53 =	vld.idx.msk [tilespmem:v49+s12+$0x0], $0xffff  }
0x200: {  	s7 =	simm.s32 $0xD;
	v21 =	vadd.s32 s2, v7;
	v22 =	vmov s6;
	vm0 =	vgt.s32 v35, v0;
	v39 =	vld.idx.msk [tilespmem:v63+s12+$0x0], $0xffff;
	[tilespmem:v50+s14+$0x0] =	vst.idx.msk vm1, v56  }
0x201: {  	s21 =	simm.s32 $0x4C;
	v26 =	vmov s7;
	vm2 =	vgt.u32 v34, v0;
	[tilespmem:v52+s14+$0x0] =	vst.idx.msk vm3, v44;
	vm3 =	vgt.u32 v60, v0;
	v37 =	vld.idx.msk [tilespmem:v51+s12+$0x0], $0xffff  }
0x202: {  	s24 =	simm.s32 $0x3B;
	v62 =	vadd.s32 s9, v5;
	v34 =	vmov s21;
	v63 =	vadd.s32 s2, v1;
	v42 =	vld.idx.msk [tilespmem:v54+s12+$0x0], $0xffff  }
0x203: {  	v35 =	vmov s24;
	v49 =	vadd.s32 s3, v7;
	v44 =	vadd.s32 s3, v6  }
0x204: {  	s16 =	simm.s32 $0x6C;
	s15 =	simm.s32 $0x7C;
	v60 =	vadd.s32 s8, v4;
	vm1 =	vgt.s32 v29, v0;
	v59 =	vmul.f32 v53, v20  }
0x205: {  	s5 =	simm.s32 $0x84;
	s3 =	simm.s32 $0x85;
	v56 =	vmov s15;
	v50 =	vmov s16;
	v39 =	vmul.f32 v39, v19  }
0x206: {  	s17 =	simm.s32 $0x7B;
	v29 =	vadd.s32 s5, v5;
	v54 =	vadd.s32 s3, v0;
	v53 =	vadd.s32 s5, v0;
	[tilespmem:v57+s14+$0x0] =	vst.idx.msk vm5, v59  }
0x207: {  	s19 =	simm.s32 $0x6B;
	s20 =	simm.s32 $0x5B;
	v61 =	vmul.f32 v37, v16;
	[tilespmem:v63+s14+$0x0] =	vst.idx.msk vm3, v39;
	v63 =	vmul.f32 v42, v17;
	v39 =	vmov s17;
	v55 =	vld.idx.msk [tilespmem:v58+s12+$0x0], $0xffff  }
0x208: {  	vm5 =	vgt.u32 v41, v0;
	v57 =	vmov s19;
	v37 =	vmov s20;
	v41 =	vld.idx.msk [tilespmem:v46+s12+$0x0], $0xffff  }
0x209: {  	s23 =	simm.s32 $0x2C;
	v59 =	vadd.s32 s2, v2;
	v46 =	vadd.s32 s1, v2;
	[tilespmem:v60+s14+$0x0] =	vst.idx.msk vm6, v61;
	vm6 =	vgt.u32 v43, v0  }
0x20a: {  	s6 =	simm.s32 $0x62B6;
	v42 =	vmov s23;
	vm3 =	vgt.u32 v56, v0;
	v58 =	vadd.s32 s13, v3;
	[tilespmem:v31+s14+$0x0] =	vst.idx.msk vm2, v63;
	v45 =	vld.idx.msk [tilespmem:v28+s12+$0x0], $0xffff  }
0x20b: {  	vm7 =	vgt.u32 v39, v0;
	v39 =	vadd.s32 s6, v7;
	vm8 =	vgt.u32 v57, v0;
	v51 =	vld.idx.msk [tilespmem:v62+s12+$0x0], $0xffff  }
0x20c: {  	s25 =	simm.s32 $0x2B;
	v54 =	vld.idx.msk [tilespmem:v54+s12+$0x0], $0xffff;
	v60 =	vadd.s32 s0, v3;
	v61 =	vadd.s32 s8, v5;
	v55 =	vmul.f32 v55, v20  }
0x20d: {  	s28 =	simm.s32 $0x1B;
	v31 =	vmov s25;
	v53 =	vld.idx.msk [tilespmem:v53+s12+$0x0], $0xffff;
	v62 =	vadd.s32 s11, v5;
	v41 =	vmul.f32 v41, v19  }
0x20e: {  	s26 =	simm.s32 $0x1C;
	vm2 =	vgt.s32 v30, v0;
	v63 =	vadd.s32 s9, v6;
	v30 =	vmov s28;
	[tilespmem:v46+s14+$0x0] =	vst.idx.msk vm5, v55  }
0x20f: {  	v28 =	vmov s26;
	v43 =	vmul.f32 v45, v16;
	[tilespmem:v59+s14+$0x0] =	vst.idx.msk vm6, v41;
	v55 =	vadd.s32 s8, v6  }
0x210: {  	s7 =	simm.s32 $0x623A;
	v46 =	vmul.f32 v51, v17;
	v51 =	vadd.s32 s6, v0;
	vm5 =	vgt.u32 v33, v0;
	v52 =	vld.idx.msk [tilespmem:v58+s12+$0x0], $0xffff  }
0x211: {  	v41 =	vbroadcast v54, $0x0;
	v59 =	vadd.s32 s7, v0;
	v56 =	vld.idx.msk [tilespmem:v60+s12+$0x0], $0xffff;
	v58 =	vadd.s32 s3, v1;
	[tilespmem:v61+s14+$0x0] =	vst.idx.msk vm1, v43  }
0x212: {  	v43 =	vbroadcast v53, $0x0;
	[tilespmem:v62+s14+$0x0] =	vst.idx.msk vm0, v46;
	v62 =	vadd.s32 s1, v3;
	vm0 =	vgt.u32 v32, v0;
	v60 =	vld.idx.msk [tilespmem:v44+s12+$0x0], $0xffff  }
0x213: {  	s29 =	simm.s32 $0xC;
	v45 =	vadd.s32 s2, v3;
	v61 =	vadd.s32 s5, v1;
	v48 =	vmul.f32 v41, v54;
	v54 =	vld.idx.msk [tilespmem:v63+s12+$0x0], $0xffff  }
0x214: {  	v33 =	vmov s29;
	v63 =	vadd.s32 s13, v4;
	v53 =	vmul.f32 v43, v53  }
0x215: {  	vm6 =	vgt.u32 v13, v0;
	v46 =	vadd.s32 s0, v4;
	[tilespmem:v51+s14+$0x0] =	vst.idx.msk vm7, v48;
	v51 =	vmul.f32 v52, v20  }
0x216: {  	vm1 =	vgt.s32 v40, v0;
	v52 =	vadd.s32 s11, v6;
	[tilespmem:v59+s14+$0x0] =	vst.idx.msk vm3, v53;
	v53 =	vmul.f32 v56, v19  }
0x217: {  	s30 =	simm.s32 $0xB;
	v40 =	vadd.s32 s13, v7;
	v48 =	vadd.s32 s9, v7;
	v59 =	vld.idx.msk [tilespmem:v58+s12+$0x0], $0xffff;
	v58 =	vmul.f32 v60, v16;
	[tilespmem:v62+s14+$0x0] =	vst.idx.msk vm5, v51  }
0x218: {  	v32 =	vmov s30;
	vm7 =	vgt.u32 v50, v0;
	v56 =	vld.idx.msk [tilespmem:v61+s12+$0x0], $0xffff;
	v60 =	vmul.f32 v54, v17;
	[tilespmem:v45+s14+$0x0] =	vst.idx.msk vm0, v53  }
0x219: {  	v44 =	vadd.s32 s6, v4;
	v53 =	vadd.s32 s7, v1;
	vm0 =	vgt.s32 v47, v0;
	v51 =	vld.idx.msk [tilespmem:v63+s12+$0x0], $0xffff;
	[tilespmem:v55+s14+$0x0] =	vst.idx.msk vm2, v58  }
0x21a: {  	s31 =	simm.s32 $0x3E;
	v47 =	vadd.s32 s8, v7;
	v54 =	vadd.s32 s5, v2;
	v45 =	vadd.s32 s13, v6;
	v49 =	vld.idx.msk [tilespmem:v49+s12+$0x0], $0xffff  }
0x21b: {  	s18 =	simm.s32 $0x8500;
	s15 =	simm.s32 $0x20E;
	s16 =	simm.s32 $0x8400;
	vm3 =	vgt.s32 v12, v0;
	v50 =	vld.idx.msk [tilespmem:v46+s12+$0x0], $0xffff;
	v63 =	vmov s31;
	v55 =	vadd.s32 s6, v1;
	[tilespmem:v52+s14+$0x0] =	vst.idx.msk vm4, v60  }
0x21c: {  	s17 =	simm.s32 $0x4494;
	s19 =	simm.s32 $0x3A;
	s9 =	simm.s32 $0x4;
	vm2 =	vgt.s32 v14, v0;
	vm5 =	vgt.u32 v63, v0;
	v57 =	vmul.f32 v59, v41;
	v48 =	vld.idx.msk [tilespmem:v48+s12+$0x0], $0xffff  }
0x21d: {  	s11 =	simm.s32 $0x20A;
	s8 =	simm.s32 $0x3C;
	s13 =	simm.s32 $0x438C;
	v52 =	vadd.s32 s1, v4;
	v58 =	vmul.f32 v56, v43;
	v56 =	vadd.s32 s3, v2  }
.LBB2_7:
0x21e: {  	s4 =	sadd.s32 $0x82, s9;
	s21 =	sadd.s32 $0x83, s9;
	v51 =	vmul.f32 v51, v20  }
0x21f: {  	s9 =	sadd.s32 $0x2, s9;
	[tilespmem:v53+s14+$0x0] =	vst.idx.msk vm7, v58;
	vm4 =	vgt.s32 v24, v0;
	v53 =	vadd.s32 s0, v5;
	s10 =	sadd.s32 $0x40, s19;
	v49 =	vmul.f32 v49, v16;
	s20 =	smov.u32 s5  }
0x220: {  	v24 =	vmovc v42;
	v16 =	vmovc v20;
	s22 =	sadd.s32 $0x3F, s19;
	v42 =	vmul.f32 v50, v19;
	s23 =	smov.u32 s1;
	v58 =	vadd.s32 s4, v0;
	v59 =	vadd.s32 s21, v0;
	p1 =	slt.u32 s9, $0x3E;
	v54 =	vld.idx.msk [tilespmem:v54+s12+$0x0], $0xffff  }
0x221: {  	v20 =	vmovc v43;
	v60 =	vmov s10;
	s10 =	sadd.s32 $0x30, s19;
	v50 =	vmul.f32 v48, v17;
	s5 =	smov.u32 s4;
	s4 =	sadd.s32 $0x20, s19;
	v43 =	vmov s22;
	[tilespmem:v55+s14+$0x0] =	vst.idx.msk vm8, v57  }
0x222: {  	vm7 =	vgt.u32 v38, v0;
	s1 =	smov.u32 s7;
	s22 =	sadd.s32 $0x1F, s19;
	v17 =	vmovc v19;
	v19 =	vmovc v41;
	v46 =	vmov s10;
	s10 =	sadd.s32 $0x2F, s19;
	v38 =	vmov s4;
	v55 =	vld.idx.msk [tilespmem:v56+s12+$0x0], $0xffff;
	[tilespmem:v47+s14+$0x0] =	vst.idx.msk vm3, v49  }
0x223: {  	s4 =	sadd.s32 $0x10, s19;
	v41 =	vmov s22;
	v48 =	vmov s10;
	v49 =	vadd.s32 s1, v2;
	[tilespmem:v52+s14+$0x0] =	vst.idx.msk vm5, v51  }
0x224: {  	s22 =	smov.u32 s8;
	s8 =	smov.u32 s19;
	v47 =	vmov s4;
	vm3 =	vgt.u32 v37, v0;
	v37 =	vmovc v41;
	v41 =	vadd.s32 s20, v3;
	v51 =	vld.idx.msk [tilespmem:v25+s12+$0x0], $0xffff;
	[tilespmem:v27+s14+$0x0] =	vst.idx.msk vm6, v42  }
0x225: {  	s4 =	sadd.s32 $0xF, s19;
	v52 =	vadd.s32 s6, v2;
	v25 =	vmov v29;
	v29 =	vadd.s32 s5, v5;
	v53 =	vld.idx.msk [tilespmem:v53+s12+$0x0], $0xffff;
	[tilespmem:v18+s14+$0x0] =	vst.idx.msk vm1, v50  }
0x226: {  	s7 =	sadd.s32 $0xFFFFFFF0, s19;
	s11 =	sadd.s32 $0x8, s11;
	v57 =	vadd.s32 s3, v3;
	v56 =	vmov s4;
	s4 =	sadd.s32 $0xFFFFFFFF, s19;
	v27 =	vmovc v44;
	v54 =	vmul.f32 v54, v20;
	v18 =	vmovc v21;
	v50 =	vld.idx.msk [tilespmem:v59+s12+$0x0], $0xffff  }
0x227: {  	s15 =	sadd.s32 $0x8, s15;
	s13 =	sadd.s32 s11, s13;
	v42 =	vmov s7;
	v21 =	vmovc v39;
	v59 =	vmov s4;
	s4 =	sadd.s32 $0xFFFFFFEF, s19;
	v44 =	vld.idx.msk [tilespmem:v58+s12+$0x0], $0xffff;
	v58 =	vadd.s32 s23, v5  }
0x228: {  	s16 =	sadd.s32 $0x200, s16;
	s17 =	sadd.s32 s15, s17;
	s7 =	sadd.s32 $0xFFFFFFE0, s19;
	v61 =	vmov s4;
	v39 =	vmul.f32 v55, v19;
	v55 =	vadd.s32 s2, v5  }
0x229: {  	s18 =	sadd.s32 $0x200, s18;
	vm5 =	vgt.s32 v23, v0;
	v23 =	vmovc v28;
	v28 =	vmov s7;
	s4 =	sadd.s32 $0xFFFFFFDF, s19;
	[tilespmem:v49+s14+$0x0] =	vst.idx.msk vm7, v54;
	v49 =	vadd.s32 s0, v6  }
0x22a: {  	s7 =	sshrl.u32 s17, $0x1;
	vm1 =	vgt.u32 v60, v0;
	v60 =	vmov s4;
	v54 =	vld.idx.msk [tilespmem:v41+s12+$0x0], $0xffff;
	[tilespmem:v52+s14+$0x0] =	vst.idx.msk vm3, v39;
	v39 =	vmul.f32 v51, v16  }
0x22b: {  	vm6 =	vgt.u32 v43, v0;
	s10 =	ssub.s32 s18, s7;
	s4 =	sshrl.u32 s13, $0x1;
	v52 =	vadd.s32 s23, v6;
	v53 =	vmul.f32 v53, v17;
	v51 =	vld.idx.msk [tilespmem:v57+s12+$0x0], $0xffff  }
0x22c: {  	v62 =	vadd.s32 s21, v1;
	s7 =	ssub.s32 s16, s4;
	vm3 =	vgt.u32 v34, v0;
	v34 =	vmovc v47;
	v57 =	vadd.s32 s10, v0;
	[tilespmem:v58+s14+$0x0] =	vst.idx.msk vm4, v39  }
0x22d: {  	v47 =	vadd.s32 s7, v0;
	v41 =	vbroadcast v50, $0x0;
	v43 =	vbroadcast v44, $0x0;
	v45 =	vld.idx.msk [tilespmem:v45+s12+$0x0], $0xffff;
	[tilespmem:v55+s14+$0x0] =	vst.idx.msk vm2, v53  }
0x22e: {  	v53 =	vadd.s32 s5, v1;
	v55 =	vadd.s32 s1, v3;
	vm2 =	vgt.u32 v36, v0;
	v36 =	vmovc v56;
	v49 =	vld.idx.msk [tilespmem:v49+s12+$0x0], $0xffff  }
0x22f: {  	v39 =	vmul.f32 v41, v50;
	v50 =	vadd.s32 s20, v4;
	v56 =	vadd.s32 s6, v3  }
0x230: {  	v63 =	vadd.s32 s3, v4;
	v58 =	vmul.f32 v43, v44;
	v44 =	vadd.s32 s10, v4  }
0x231: {  	s4 =	sadd.s32 $0xFFFFFFD0, s19;
	v54 =	vmul.f32 v54, v20;
	[tilespmem:v57+s14+$0x0] =	vst.idx.msk vm6, v39;
	v39 =	vadd.s32 s10, v7;
	v57 =	vadd.s32 s2, v6;
	s2 =	smov.u32 s6;
	s6 =	smov.u32 s10  }
0x232: {  	v12 =	vadd.s32 s0, v7;
	s0 =	smov.u32 s3;
	s3 =	smov.u32 s21;
	[tilespmem:v47+s14+$0x0] =	vst.idx.msk vm1, v58;
	v58 =	vmov s4;
	v62 =	vld.idx.msk [tilespmem:v62+s12+$0x0], $0xffff;
	s4 =	sadd.s32 $0xFFFFFFCF, s19;
	v47 =	vmul.f32 v51, v19  }
0x233: {  	v45 =	vmul.f32 v45, v16;
	vm1 =	vgt.s32 v26, v0;
	v13 =	vld.idx.msk [tilespmem:v53+s12+$0x0], $0xffff;
	v14 =	vmov s4;
	[tilespmem:v55+s14+$0x0] =	vst.idx.msk vm3, v54  }
0x234: {  	vm3 =	vgt.s32 v22, v0;
	v26 =	vmul.f32 v49, v17;
	v51 =	vld.idx.msk [tilespmem:v50+s12+$0x0], $0xffff;
	[tilespmem:v56+s14+$0x0] =	vst.idx.msk vm2, v47  }
0x235: {  	vm7 =	vgt.u32 v46, v0;
	v46 =	vadd.s32 s20, v7;
	v22 =	vmov v33;
	v50 =	vld.idx.msk [tilespmem:v63+s12+$0x0], $0xffff;
	[tilespmem:v52+s14+$0x0] =	vst.idx.msk vm5, v45  }
.Ltmp2:
0x236: {  	v53 =	vadd.s32 s7, v1;
	v47 =	vadd.s32 s23, v7;
	v49 =	vld.idx.msk [tilespmem:v40+s12+$0x0], $0xffff;
	[tilespmem:v57+s14+$0x0] =	vst.idx.msk vm0, v26;
	vm0 =	vgt.s32 v30, v0;
	(pc) =	sbr.rel @p1 .LBB2_7-.Ltmp2, $4  }
0x237: {  	vm8 =	vgt.u32 v48, v0;
	v54 =	vadd.s32 s5, v2;
	v33 =	vmovc v58;
	v45 =	vadd.s32 s20, v6;
	v30 =	vmovc v60;
	v48 =	vld.idx.msk [tilespmem:v12+s12+$0x0], $0xffff  }
0x238: {  	v55 =	vadd.s32 s6, v1;
	vm2 =	vgt.s32 v31, v0;
	v31 =	vmovc v61;
	v12 =	vmov s22;
	v26 =	vmovc v32  }
0x239: {  	v56 =	vadd.s32 s3, v2;
	v40 =	vmovc v46;
	v32 =	vmovc v14;
	v58 =	vmul.f32 v13, v43;
	vm5 =	vgt.u32 v12, v0  }
0x23a: {  	vm6 =	vgt.u32 v35, v0;
	v35 =	vmovc v59;
	s19 =	sadd.s32 $0xFFFFFFFE, s19;
	v52 =	vadd.s32 s1, v4;
	v57 =	vmul.f32 v62, v41  }
0x23b: {  	_ =	sdelay $0x4  }
0x23c: {  	[tilespmem:v53+s14+$0x0] =	vst.idx.msk vm7, v58  }
0x23d: {  	v12 =	vld.idx.msk [tilespmem:v54+s12+$0x0], $0xffff;
	[tilespmem:v55+s14+$0x0] =	vst.idx.msk vm8, v57  }
0x23e: {  	vm4 =	vgt.u32 v38, v0;
	v13 =	vld.idx.msk [tilespmem:v56+s12+$0x0], $0xffff  }
0x23f: {  	v14 =	vadd.s32 s7, v2;
	vm7 =	vgt.u32 v37, v0  }
0x240: {  	v60 =	vadd.s32 s5, v3;
	v61 =	vadd.s32 s6, v2  }
0x241: {  	v46 =	vadd.s32 s3, v3  }
0x242: {  	v12 =	vmul.f32 v12, v43  }
0x243: {  	v13 =	vmul.f32 v13, v41  }
0x244: {  	[tilespmem:v14+s14+$0x0] =	vst.idx.msk vm4, v12  }
0x245: {  	v12 =	vld.idx.msk [tilespmem:v60+s12+$0x0], $0xffff;
	[tilespmem:v61+s14+$0x0] =	vst.idx.msk vm7, v13  }
0x246: {  	vm4 =	vgt.u32 v34, v0;
	v13 =	vld.idx.msk [tilespmem:v46+s12+$0x0], $0xffff  }
0x247: {  	v14 =	vadd.s32 s7, v3;
	vm7 =	vgt.u32 v36, v0  }
0x248: {  	v62 =	vadd.s32 s5, v4;
	v63 =	vadd.s32 s6, v3  }
0x249: {  	v46 =	vadd.s32 s3, v4  }
0x24a: {  	v12 =	vmul.f32 v12, v43  }
0x24b: {  	v13 =	vmul.f32 v13, v41  }
0x24c: {  	[tilespmem:v14+s14+$0x0] =	vst.idx.msk vm4, v12  }
0x24d: {  	v12 =	vld.idx.msk [tilespmem:v62+s12+$0x0], $0xffff;
	[tilespmem:v63+s14+$0x0] =	vst.idx.msk vm7, v13;
	v13 =	vmov s8  }
0x24e: {  	v14 =	vld.idx.msk [tilespmem:v46+s12+$0x0], $0xffff;
	vm4 =	vgt.u32 v13, v0  }
0x24f: {  	v53 =	vadd.s32 s7, v4;
	vm7 =	vgt.u32 v35, v0;
	v13 =	vadd.s32 s0, v5  }
0x250: {  	v54 =	vmul.f32 v51, v20  }
0x251: {  	v55 =	vmul.f32 v50, v19;
	v56 =	vadd.s32 s3, v5  }
0x252: {  	[tilespmem:v52+s14+$0x0] =	vst.idx.msk vm5, v54;
	v12 =	vmul.f32 v12, v43  }
0x253: {  	[tilespmem:v27+s14+$0x0] =	vst.idx.msk vm6, v55;
	v25 =	vld.idx.msk [tilespmem:v25+s12+$0x0], $0xffff;
	v14 =	vmul.f32 v14, v41  }
0x254: {  	vm5 =	vgt.s32 v24, v0;
	v13 =	vld.idx.msk [tilespmem:v13+s12+$0x0], $0xffff;
	[tilespmem:v53+s14+$0x0] =	vst.idx.msk vm4, v12  }
0x255: {  	v12 =	vadd.s32 s1, v5;
	v24 =	vld.idx.msk [tilespmem:v29+s12+$0x0], $0xffff;
	[tilespmem:v44+s14+$0x0] =	vst.idx.msk vm7, v14  }
0x256: {  	vm4 =	vgt.s32 v42, v0;
	v14 =	vadd.s32 s2, v5;
	v27 =	vld.idx.msk [tilespmem:v56+s12+$0x0], $0xffff  }
0x257: {  	vm6 =	vgt.s32 v31, v0;
	v31 =	vadd.s32 s7, v5;
	v29 =	vadd.s32 s0, v6  }
0x258: {  	v58 =	vadd.s32 s6, v5;
	v57 =	vadd.s32 s5, v6;
	v25 =	vmul.f32 v25, v20  }
0x259: {  	v59 =	vadd.s32 s3, v6;
	v13 =	vmul.f32 v13, v19  }
0x25a: {  	[tilespmem:v12+s14+$0x0] =	vst.idx.msk vm5, v25;
	v12 =	vmul.f32 v24, v43  }
0x25b: {  	v24 =	vld.idx.msk [tilespmem:v45+s12+$0x0], $0xffff;
	[tilespmem:v14+s14+$0x0] =	vst.idx.msk vm2, v13;
	v13 =	vmul.f32 v27, v41  }
0x25c: {  	vm2 =	vgt.s32 v23, v0;
	v14 =	vld.idx.msk [tilespmem:v29+s12+$0x0], $0xffff;
	[tilespmem:v31+s14+$0x0] =	vst.idx.msk vm4, v12  }
0x25d: {  	v12 =	vadd.s32 s1, v6;
	v23 =	vld.idx.msk [tilespmem:v57+s12+$0x0], $0xffff;
	[tilespmem:v58+s14+$0x0] =	vst.idx.msk vm6, v13  }
0x25e: {  	vm4 =	vgt.s32 v28, v0;
	v13 =	vadd.s32 s2, v6;
	v25 =	vld.idx.msk [tilespmem:v59+s12+$0x0], $0xffff  }
0x25f: {  	vm5 =	vgt.s32 v30, v0;
	v27 =	vadd.s32 s0, v7;
	v28 =	vadd.s32 s7, v6  }
0x260: {  	v30 =	vadd.s32 s6, v6;
	v29 =	vadd.s32 s5, v7;
	v24 =	vmul.f32 v24, v20  }
0x261: {  	v31 =	vadd.s32 s3, v7;
	v14 =	vmul.f32 v14, v19  }
0x262: {  	[tilespmem:v12+s14+$0x0] =	vst.idx.msk vm2, v24;
	v12 =	vmul.f32 v23, v43  }
0x263: {  	v23 =	vld.idx.msk [tilespmem:v40+s12+$0x0], $0xffff;
	[tilespmem:v13+s14+$0x0] =	vst.idx.msk vm0, v14;
	v13 =	vmul.f32 v25, v41  }
0x264: {  	vm0 =	vgt.s32 v22, v0;
	v14 =	vld.idx.msk [tilespmem:v27+s12+$0x0], $0xffff;
	[tilespmem:v28+s14+$0x0] =	vst.idx.msk vm4, v12  }
0x265: {  	vm2 =	vgt.s32 v26, v0;
	v12 =	vadd.s32 s1, v7;
	v22 =	vld.idx.msk [tilespmem:v29+s12+$0x0], $0xffff;
	[tilespmem:v30+s14+$0x0] =	vst.idx.msk vm5, v13  }
0x266: {  	vm4 =	vgt.s32 v33, v0;
	v13 =	vmul.f32 v49, v16;
	v16 =	vld.idx.msk [tilespmem:v31+s12+$0x0], $0xffff  }
0x267: {  	v17 =	vmul.f32 v48, v17;
	v24 =	vadd.s32 s7, v7;
	vm5 =	vgt.s32 v32, v0  }
0x268: {  	s17 =	simm.s32 $0xC2;
	[tilespmem:v47+s14+$0x0] =	vst.idx.msk vm3, v13;
	v13 =	vmul.f32 v23, v20  }
0x269: {  	s21 =	simm.s32 $0xC1;
	[tilespmem:v18+s14+$0x0] =	vst.idx.msk vm1, v17;
	v17 =	vadd.s32 s17, v0;
	v14 =	vmul.f32 v14, v19  }
0x26a: {  	s5 =	simm.s32 $0xC3;
	[tilespmem:v12+s14+$0x0] =	vst.idx.msk vm0, v13;
	v13 =	vadd.s32 s21, v0;
	v12 =	vmul.f32 v22, v43  }
0x26b: {  	s6 =	simm.s32 $0xC0;
	[tilespmem:v21+s14+$0x0] =	vst.idx.msk vm2, v14;
	v14 =	vmul.f32 v16, v41;
	v16 =	vadd.s32 s5, v0  }
0x26c: {  	s15 =	simm.s32 $0x3D;
	[tilespmem:v24+s14+$0x0] =	vst.idx.msk vm4, v12;
	v12 =	vadd.s32 s6, v0  }
0x26d: {  	v18 =	vmov s15;
	[tilespmem:v39+s14+$0x0] =	vst.idx.msk vm5, v14  }
0x26e: {  	s4 =	simm.s32 $0x3E;
	s22 =	simm.s32 $0xE;
	s23 =	simm.s32 $0x1D;
	vm1 =	vgt.u32 v18, v0;
	v17 =	vld.idx.msk [tilespmem:v17+s12+$0x0], $0xffff  }
0x26f: {  	s13 =	simm.s32 $0x40;
	v18 =	vmov s4;
	v60 =	vmov s22;
	v61 =	vmov s23;
	v13 =	vld.idx.msk [tilespmem:v13+s12+$0x0], $0xffff  }
0x270: {  	s18 =	simm.s32 $0x3F;
	v62 =	vadd.s32 s17, v2;
	v63 =	vadd.s32 s21, v2;
	v14 =	vmov s13;
	v20 =	vld.idx.msk [tilespmem:v16+s12+$0x0], $0xffff  }
0x271: {  	s3 =	simm.s32 $0x78DF;
	vm3 =	vgt.u32 v18, v0;
	vm2 =	vgt.u32 v14, v0;
	v14 =	vmov s18;
	v12 =	vld.idx.msk [tilespmem:v12+s12+$0x0], $0xffff  }
0x272: {  	s0 =	simm.s32 $0x78A0;
	v26 =	vadd.s32 s6, v1;
	vm4 =	vgt.u32 v14, v0;
	v14 =	vadd.s32 s3, v0  }
0x273: {  	s1 =	simm.s32 $0x791D;
	v23 =	vadd.s32 s17, v1;
	v22 =	vadd.s32 s0, v0;
	v18 =	vbroadcast v17, $0x0  }
0x274: {  	s2 =	simm.s32 $0x7860;
	v29 =	vadd.s32 s21, v1;
	v24 =	vadd.s32 s1, v0;
	v16 =	vbroadcast v13, $0x0  }
0x275: {  	v28 =	vadd.s32 s2, v0;
	v31 =	vmul.f32 v18, v17;
	v17 =	vbroadcast v20, $0x0  }
0x276: {  	s16 =	simm.s32 $0x2D;
	s20 =	simm.s32 $0x1E;
	v27 =	vadd.s32 s5, v1;
	v13 =	vmul.f32 v16, v13;
	v19 =	vbroadcast v12, $0x0  }
0x277: {  	s25 =	simm.s32 $0x2E;
	v25 =	vmov s16;
	v30 =	vmov s20;
	[tilespmem:v14+s14+$0x0] =	vst.idx.msk vm3, v31;
	v14 =	vmul.f32 v17, v20  }
0x278: {  	s26 =	simm.s32 $0x2F;
	v32 =	vadd.s32 s5, v2;
	[tilespmem:v22+s14+$0x0] =	vst.idx.msk vm4, v13;
	v22 =	vmov s25;
	v13 =	vld.idx.msk [tilespmem:v23+s12+$0x0], $0xffff;
	v12 =	vmul.f32 v19, v12  }
0x279: {  	s19 =	simm.s32 $0x1F;
	vm0 =	vgt.s32 v30, v0;
	v30 =	vmov s26;
	v29 =	vld.idx.msk [tilespmem:v29+s12+$0x0], $0xffff;
	vm3 =	vgt.s32 v22, v0;
	[tilespmem:v24+s14+$0x0] =	vst.idx.msk vm1, v14  }
0x27a: {  	s30 =	simm.s32 $0x30;
	v21 =	vmov s19;
	vm6 =	vgt.s32 v30, v0;
	[tilespmem:v28+s14+$0x0] =	vst.idx.msk vm2, v12;
	v12 =	vadd.s32 s3, v1  }
0x27b: {  	s24 =	simm.s32 $0xD;
	s28 =	simm.s32 $0x10;
	v30 =	vmov s30;
	vm5 =	vgt.s32 v25, v0;
	v14 =	vld.idx.msk [tilespmem:v27+s12+$0x0], $0xffff;
	v28 =	vadd.s32 s0, v1  }
0x27c: {  	s29 =	simm.s32 $0xF;
	s9 =	simm.s32 $0x61C;
	p1 =	por $0x1, $0x1;
	v25 =	vadd.s32 s17, v3;
	v20 =	vmov s24;
	vm4 =	vgt.s32 v30, v0;
	v26 =	vld.idx.msk [tilespmem:v26+s12+$0x0], $0xffff  }
.Ltmp3:
0x27d: {  	s11 =	simm.s32 $0x9242;
	s31 =	simm.s32 $0x20;
	v30 =	vadd.s32 s2, v1;
	v31 =	vadd.s32 s6, v2;
	v13 =	vmul.f32 v13, v18;
	(pc) =	sbr.rel @!p1 .LBB2_10-.Ltmp3, $4  }
0x27e: {  	s15 =	simm.s32 $0x60C;
	s22 =	simm.s32 $0x954C;
	s23 =	simm.s32 $0x96D4;
	v23 =	vadd.s32 s3, v2;
	v22 =	vmov s28;
	v29 =	vmul.f32 v29, v16  }
0x27f: {  	s8 =	simm.s32 $0xC200;
	s7 =	simm.s32 $0x624;
	s16 =	simm.s32 $0x0;
	v24 =	vmov s29;
	vm1 =	vgt.s32 v60, v0;
	v27 =	vadd.s32 s1, v1;
	[tilespmem:v12+s14+$0x0] =	vst.idx.msk vm3, v13  }
0x280: {  	s20 =	simm.s32 $0x99EA;
	s19 =	simm.s32 $0xC500;
	s13 =	simm.s32 $0x614;
	vm2 =	vgt.s32 v61, v0;
	v12 =	vmov s31;
	[tilespmem:v28+s14+$0x0] =	vst.idx.msk vm6, v29;
	v33 =	vmul.f32 v14, v17;
	v28 =	vld.idx.msk [tilespmem:v62+s12+$0x0], $0xffff  }
0x281: {  	s17 =	simm.s32 $0xC700;
	s18 =	simm.s32 $0xC400;
	v34 =	vmul.f32 v26, v19;
	vm3 =	vgt.s32 v12, v0;
	v29 =	vld.idx.msk [tilespmem:v63+s12+$0x0], $0xffff;
	v26 =	vadd.s32 s21, v3;
	s21 =	simm.s32 $0x1C  }
.LBB2_9:
0x282: {  	s10 =	sadd.s32 $0xC4, s16;
	s25 =	sadd.s32 $0xC6, s16;
	v12 =	vadd.s32 s2, v2;
	v13 =	vadd.s32 s0, v2  }
0x283: {  	s24 =	sadd.s32 $0xC5, s16;
	v14 =	vadd.s32 s1, v2;
	s4 =	sshrl.u32 s23, $0x1;
	s26 =	sadd.s32 $0x20, s21;
	v51 =	vadd.s32 s6, v3;
	v37 =	vadd.s32 s25, v0  }
0x284: {  	s30 =	sadd.s32 $0xD, s21;
	s31 =	sadd.s32 $0xF, s21;
	vm6 =	vgt.s32 v21, v0;
	s6 =	sadd.s32 $0x1D, s21;
	v38 =	vadd.s32 s5, v3;
	v36 =	vadd.s32 s24, v0;
	[tilespmem:v30+s14+$0x0] =	vst.idx.msk vm4, v34  }
0x285: {  	s28 =	sadd.s32 $0x10, s21;
	v35 =	vadd.s32 s10, v0;
	v30 =	vmov s26;
	[dreg:$0x5] =	wrdreg s31;
	s31 =	sadd.s32 $0xC7, s16;
	[tilespmem:v27+s14+$0x0] =	vst.idx.msk vm5, v33;
	v52 =	vadd.s32 s25, v1  }
0x286: {  	s26 =	smov.u32 s1;
	s1 =	smov.u32 s0;
	s0 =	simm.s32 $0x0;
	v21 =	vmov s6;
	v41 =	vmov s30;
	v56 =	vadd.s32 s24, v1;
	v31 =	vld.idx.msk [tilespmem:v31+s12+$0x0], $0xffff  }
0x287: {  	s5 =	sadd.s32 $0xFFFFFFFF, s21;
	s11 =	sadd.s32 s9, s11;
	s29 =	ssub.s32 s19, s4;
	v62 =	vadd.s32 s25, v2;
	v32 =	vld.idx.msk [tilespmem:v32+s0+$0x0], $0xffff;
	v39 =	vadd.s32 s31, v0;
	v28 =	vmul.f32 v28, v18  }
0x288: {  	s14 =	sshrl.u32 s20, $0x1;
	[dreg:$0x3] =	wrdreg s28;
	s28 =	simm.s32 $0x500;
	v27 =	vadd.s32 s29, v0;
	vm4 =	vgt.u32 v30, v0;
	v29 =	vmul.f32 v29, v16;
	v30 =	vld.idx.msk [tilespmem:v37+s0+$0x0], $0xffff  }
0x289: {  	s12 =	sshrl.u32 s22, $0x1;
	s4 =	ssub.s32 s17, s14;
	s14 =	sadd.s32 $0x1E, s21;
	vm5 =	vgt.u32 v21, v0;
	v21 =	vmov s5;
	v45 =	vadd.s32 s1, v3;
	[tilespmem:v23+s28+$0x0] =	vst.idx.msk vm0, v28;
	v36 =	vld.idx.msk [tilespmem:v36+s0+$0x0], $0xffff  }
0x28a: {  	s5 =	smov.u32 s31;
	v40 =	vadd.s32 s4, v0;
	s30 =	ssub.s32 s18, s12;
	s12 =	sadd.s32 $0xFFFFFFFE, s21;
	v23 =	vmov s14;
	[tilespmem:v13+s28+$0x0] =	vst.idx.msk vm6, v29;
	v13 =	vld.idx.msk [tilespmem:v25+s0+$0x0], $0xffff  }
0x28b: {  	s31 =	sadd.s32 $0x1F, s21;
	s14 =	sadd.s32 $0xFFFFFFEE, s21;
	v29 =	vmov s12;
	s12 =	simm.s32 $0x0;
	vm7 =	vgt.u32 v23, v0;
	v23 =	vmul.f32 v31, v19;
	v25 =	vld.idx.msk [tilespmem:v26+s0+$0x0], $0xffff  }
0x28c: {  	s8 =	sadd.s32 $0x400, s8;
	v53 =	vadd.s32 s5, v1;
	v43 =	vmov s31;
	s0 =	sshrl.u32 s11, $0x1;
	v31 =	vmov s14;
	v54 =	vld.idx.msk [tilespmem:v39+s12+$0x0], $0xffff;
	s14 =	simm.s32 $0x500  }
0x28d: {  	s6 =	smov.u32 s10;
	v42 =	vadd.s32 s30, v0;
	v26 =	vmul.f32 v32, v17;
	v35 =	vld.idx.msk [tilespmem:v35+s12+$0x0], $0xffff;
	[tilespmem:v12+s14+$0x0] =	vst.idx.msk vm3, v23;
	v12 =	vadd.s32 s3, v3;
	s3 =	ssub.s32 s8, s0  }
0x28e: {  	v28 =	vadd.s32 s6, v1;
	vm6 =	vgt.u32 v43, v0;
	v44 =	vadd.s32 s3, v0  }
0x28f: {  	[tilespmem:v14+s14+$0x0] =	vst.idx.msk vm2, v26;
	vm3 =	vgt.s32 v24, v0;
	v14 =	vbroadcast v36, $0x0;
	v26 =	vbroadcast v30, $0x0  }
0x290: {  	s28 =	sadd.s32 $0xFFFFFFFD, s21;
	vm2 =	vgt.s32 v22, v0;
	v34 =	vld.idx.msk [tilespmem:v51+s12+$0x0], $0xffff;
	v13 =	vmul.f32 v13, v18;
	v22 =	vmul.f32 v25, v16  }
0x291: {  	v55 =	vmov s28;
	s28 =	sadd.s32 $0xFFFFFFED, s21;
	v24 =	vld.idx.msk [tilespmem:v38+s12+$0x0], $0xffff;
	v25 =	vbroadcast v54, $0x0;
	v46 =	vmul.f32 v26, v30;
	v16 =	vmovc v14  }
0x292: {  	vm0 =	vgt.s32 v29, v0;
	v29 =	vmov s28;
	s28 =	sadd.s32 $0xE, s21;
	v14 =	vmul.f32 v16, v36;
	[tilespmem:v12+s14+$0x0] =	vst.idx.msk vm1, v13  }
0x293: {  	v59 =	vmov s28;
	v18 =	vmovc v26;
	v12 =	vbroadcast v35, $0x0;
	v26 =	vmul.f32 v25, v54;
	[tilespmem:v44+s14+$0x0] =	vst.idx.msk vm7, v46  }
0x294: {  	s0 =	sadd.s32 $0xFFFFFFF0, s21;
	v30 =	vadd.s32 s26, v3;
	vm1 =	vgt.s32 v20, v0;
	v13 =	vadd.s32 s2, v3;
	v20 =	vmovc v29;
	[tilespmem:v27+s14+$0x0] =	vst.idx.msk vm6, v14  }
0x295: {  	v57 =	vmov s0;
	s0 =	smov.u32 s29;
	s29 =	rddreg [dreg:$0x5];
	v29 =	vmul.f32 v34, v19;
	v14 =	vld.idx.msk [tilespmem:v52+s12+$0x0], $0xffff;
	v27 =	vmul.f32 v12, v35;
	[tilespmem:v40+s14+$0x0] =	vst.idx.msk vm5, v26  }
0x296: {  	v60 =	vmul.f32 v24, v17;
	v24 =	vmov s29;
	vm6 =	vgt.s32 v59, v0;
	v58 =	vld.idx.msk [tilespmem:v56+s12+$0x0], $0xffff;
	[tilespmem:v45+s14+$0x0] =	vst.idx.msk vm3, v22  }
0x297: {  	s16 =	sadd.s32 $0x4, s16;
	v19 =	vmov v12;
	v12 =	vadd.s32 s3, v1;
	vm3 =	vgt.s32 v24, v0;
	v26 =	vld.idx.msk [tilespmem:v53+s12+$0x0], $0xffff;
	[tilespmem:v42+s14+$0x0] =	vst.idx.msk vm4, v27  }
0x298: {  	v63 =	vadd.s32 s24, v2;
	p1 =	slt.u32 s16, $0x3C;
	s31 =	rddreg [dreg:$0x3];
	v32 =	vadd.s32 s5, v2;
	v61 =	vld.idx.msk [tilespmem:v28+s12+$0x0], $0xffff;
	v28 =	vadd.s32 s0, v1  }
0x299: {  	s1 =	smov.u32 s4;
	v23 =	vadd.s32 s3, v2;
	s2 =	smov.u32 s30;
	s30 =	sadd.s32 $0xFFFFFFEF, s21;
	v17 =	vmovc v25;
	v25 =	vmov s31;
	vm5 =	vgt.s32 v41, v0  }
.Ltmp4:
0x29a: {  	v24 =	vmov s30;
	v27 =	vadd.s32 s1, v1;
	[tilespmem:v13+s14+$0x0] =	vst.idx.msk vm2, v29;
	v13 =	vmul.f32 v14, v18;
	(pc) =	sbr.rel @p1 .LBB2_9-.Ltmp4, $4  }
0x29b: {  	s13 =	sadd.s32 $0x20, s13;
	s9 =	sadd.s32 $0x20, s9;
	vm4 =	vgt.s32 v25, v0;
	v25 =	vadd.s32 s25, v3;
	[tilespmem:v30+s14+$0x0] =	vst.idx.msk vm1, v60;
	v14 =	vmul.f32 v58, v16  }
0x29c: {  	s15 =	sadd.s32 $0x20, s15;
	s7 =	sadd.s32 $0x20, s7;
	s19 =	sadd.s32 $0x400, s19;
	vm2 =	vgt.s32 v55, v0;
	vm1 =	vgt.s32 v31, v0;
	v30 =	vadd.s32 s2, v1;
	[tilespmem:v12+s14+$0x0] =	vst.idx.msk vm6, v13  }
0x29d: {  	s20 =	sadd.s32 s7, s20;
	s23 =	sadd.s32 s13, s23;
	s17 =	sadd.s32 $0x400, s17;
	v31 =	vadd.s32 s6, v2;
	v33 =	vmul.f32 v26, v17;
	v12 =	vmov s21;
	[tilespmem:v28+s14+$0x0] =	vst.idx.msk vm3, v14;
	v28 =	vld.idx.msk [tilespmem:v62+s12+$0x0], $0xffff  }
0x29e: {  	s22 =	sadd.s32 s15, s22;
	s18 =	sadd.s32 $0x400, s18;
	v22 =	vmovc v57;
	v26 =	vadd.s32 s24, v3;
	s21 =	sadd.s32 $0xFFFFFFFC, s21;
	v34 =	vmul.f32 v61, v19;
	vm3 =	vgt.s32 v12, v0;
	v29 =	vld.idx.msk [tilespmem:v63+s12+$0x0], $0xffff  }
.LBB2_10:
0x29f: {  	_ =	sdelay $0x4  }
0x2a0: {  	[tilespmem:v27+s14+$0x0] =	vst.idx.msk vm5, v33;
	vm15 =	vgt.s32 v21, v0  }
0x2a1: {  	v13 =	vadd.s32 s0, v2;
	[tilespmem:v30+s14+$0x0] =	vst.idx.msk vm4, v34;
	v12 =	vld.idx.msk [tilespmem:v32+s12+$0x0], $0xffff  }
0x2a2: {  	v14 =	vld.idx.msk [tilespmem:v31+s12+$0x0], $0xffff  }
0x2a3: {  	v21 =	vadd.s32 s1, v2;
	v28 =	vmul.f32 v28, v18  }
0x2a4: {  	v27 =	vadd.s32 s2, v2;
	v30 =	vadd.s32 s5, v3;
	v29 =	vmul.f32 v29, v16  }
0x2a5: {  	v31 =	vadd.s32 s6, v3;
	[tilespmem:v23+s14+$0x0] =	vst.idx.msk vm0, v28  }
0x2a6: {  	v12 =	vmul.f32 v12, v17;
	[tilespmem:v13+s14+$0x0] =	vst.idx.msk vm15, v29;
	v13 =	vld.idx.msk [tilespmem:v25+s12+$0x0], $0xffff  }
0x2a7: {  	v14 =	vmul.f32 v14, v19;
	v23 =	vld.idx.msk [tilespmem:v26+s12+$0x0], $0xffff  }
0x2a8: {  	vm0 =	vgt.s32 v24, v0;
	[tilespmem:v21+s14+$0x0] =	vst.idx.msk vm2, v12;
	v12 =	vadd.s32 s3, v3  }
0x2a9: {  	v24 =	vadd.s32 s0, v3;
	[tilespmem:v27+s14+$0x0] =	vst.idx.msk vm3, v14;
	v14 =	vld.idx.msk [tilespmem:v30+s12+$0x0], $0xffff  }
0x2aa: {  	vm2 =	vgt.s32 v20, v0;
	v21 =	vld.idx.msk [tilespmem:v31+s12+$0x0], $0xffff  }
0x2ab: {  	v20 =	vadd.s32 s1, v3;
	vm3 =	vgt.s32 v22, v0;
	v13 =	vmul.f32 v13, v18  }
0x2ac: {  	v18 =	vadd.s32 s2, v3;
	v16 =	vmul.f32 v23, v16  }
0x2ad: {  	s17 =	rddreg [dreg:$0xf];
	[tilespmem:v12+s14+$0x0] =	vst.idx.msk vm1, v13  }
0x2ae: {  	s0 =	smul.u32 $0x40400, s17;
	v12 =	vmul.f32 v14, v17;
	[tilespmem:v24+s14+$0x0] =	vst.idx.msk vm0, v16  }
0x2af: {  	v13 =	vmul.f32 v21, v19;
	s18 =	rddreg [dreg:$0xd]  }
0x2b0: {  	s0 =	sor.u32 s18, s0;
	[tilespmem:v20+s14+$0x0] =	vst.idx.msk vm2, v12  }
0x2b1: {  	s19 =	rddreg [dreg:$0x1];
	s20 =	simm.s32 $0x80;
	s0 =	sshrl.u32 s0, $0x3;
	[tilespmem:v18+s14+$0x0] =	vst.idx.msk vm3, v13  }
0x2b2: {  	s21 =	simm.s32 $0x400;
	s0 =	sadd.s32 s19, s0;
	s22 =	rddreg [dreg:$0xc]  }
0x2b3: {  	[hbm4b:s0+s20] =	stream.strided.scatter [tilespmem:s14], [sflag:$0x3], $0x8080, s21, s20, $0x38;
	[tilespmem:$0x10900] =	vst v63  }
0x2b4: {  	s23 =	rddreg [dreg:$0x7];
	s9 =	sor.u32 $0x1, s22  }
0x2b5: {  	s18 =	sor.u32 s23, s9;
	p1 =	sgt.u32 s9, $0x7E  }
0x2b6: {  	s0 =	sadd.s32 @!p1 $0x1, s18  }
0x2b7: {  	s24 =	simm.s32 $0x2;
	s1 =	sshll.u32 @!p1 s0, $0x4  }
0x2b8: {  	s2 =	rddreg [dreg:$0x0];
	s0 =	sshll.u32 @!p1 s0, $0x9;
	s1 =	sand.u32 @!p1 $0x60, s1  }
0x2b9: {  	s3 =	simm.s32 @!p1 $0x0;
	s0 =	sand.u32 @!p1 $0xFFFF000, s0;
	s1 =	sadd.s32 @!p1 s2, s1  }
0x2ba: {  	s2 =	simm.s32 @!p1 $0x400;
	s0 =	sadd.s32 @!p1 s0, s1;
	s1 =	simm.s32 @!p1 $0x80  }
0x2bb: {  	[tilespmem:s3], [sflag:$0x1] =	stream.strided.gather @!p1 [hbm4b:s0+s1], $0x100, s2, s1, $0x38;
	[tilespmem:$0x10900] =	vst v63  }
0x2bc: {  	s5 =	simm.s32 $0x0;
	_ =	swait.ge [sflag:s24], $0x100  }
0x2bd: {  	v12 =	vadd.s32 s5, v0;
	[sflag:s24] =	ssyncset.done $0x0  }
0x2be: {  	s0 =	simm.s32 @!p0 $0x4;
	[sflag:s24] =	ssyncadd.s32 $0xFFFFFF00  }
0x2bf: {  	_ =	swait.ge @!p0 [sflag:s0], $0x8080  }
0x2c0: {  	[sflag:s0] =	ssyncset.done @!p0 $0x0  }
0x2c1: {  	s14 =	simm.s32 $0x280;
	[sflag:s0] =	ssyncadd.s32 @!p0 $0xFFFF7F80  }
0x2c2: {  	v12 =	vld.idx.msk [tilespmem:v12+s14+$0x0], $0xffff;
	_ =	sdelay $0x2  }
0x2c3: {  	s8 =	simm.s32 $0x0  }
0x2c4: {  	v13 =	vadd.s32 s8, v0  }
0x2c5: {  	v14 =	vadd.s32 s5, v1;
	v21 =	vbroadcast v12, $0x0;
	_ =	sdelay $0x1  }
0x2c6: {  	v12 =	vmul.f32 v21, v12  }
0x2c7: {  	s12 =	simm.s32 $0x8700  }
0x2c8: {  	[tilespmem:v13+s12+$0x0] =	vst.idx.msk $0xffff, v12  }
0x2c9: {  	v12 =	vld.idx.msk [tilespmem:v14+s14+$0x0], $0xffff  }
0x2ca: {  	s11 =	simm.s32 $0x1  }
0x2cb: {  	v13 =	vadd.s32 s11, v0;
	v14 =	vadd.s32 s8, v1  }
0x2cc: {  	v16 =	vadd.s32 s5, v2;
	_ =	sdelay $0x1  }
0x2cd: {  	v12 =	vmul.f32 v12, v21;
	_ =	sdelay $0x1  }
0x2ce: {  	v13 =	vld.idx.msk [tilespmem:v13+s14+$0x0], $0xffff;
	[tilespmem:v14+s12+$0x0] =	vst.idx.msk $0xffff, v12  }
0x2cf: {  	v12 =	vld.idx.msk [tilespmem:v16+s14+$0x0], $0xffff;
	_ =	sdelay $0x1  }
0x2d0: {  	s3 =	simm.s32 $0x100;
	v14 =	vadd.s32 s8, v2  }
0x2d1: {  	v17 =	vadd.s32 s5, v3;
	v16 =	vadd.s32 s3, v0  }
0x2d2: {  	v18 =	vadd.s32 s11, v1;
	v19 =	vbroadcast v13, $0x0  }
0x2d3: {  	v12 =	vmul.f32 v12, v21  }
0x2d4: {  	v13 =	vmul.f32 v19, v13  }
0x2d5: {  	[tilespmem:v14+s12+$0x0] =	vst.idx.msk $0xffff, v12  }
0x2d6: {  	[tilespmem:v16+s12+$0x0] =	vst.idx.msk $0xffff, v13;
	v12 =	vld.idx.msk [tilespmem:v17+s14+$0x0], $0xffff  }
0x2d7: {  	s15 =	simm.s32 $0x2;
	v13 =	vld.idx.msk [tilespmem:v18+s14+$0x0], $0xffff  }
0x2d8: {  	v16 =	vadd.s32 s8, v3;
	v14 =	vadd.s32 s15, v0  }
0x2d9: {  	v18 =	vadd.s32 s5, v4;
	v17 =	vadd.s32 s3, v1  }
0x2da: {  	v20 =	vadd.s32 s11, v2  }
0x2db: {  	v12 =	vmul.f32 v12, v21  }
0x2dc: {  	v13 =	vmul.f32 v13, v19  }
0x2dd: {  	v14 =	vld.idx.msk [tilespmem:v14+s14+$0x0], $0xffff;
	[tilespmem:v16+s12+$0x0] =	vst.idx.msk $0xffff, v12  }
0x2de: {  	[tilespmem:v17+s12+$0x0] =	vst.idx.msk $0xffff, v13;
	v12 =	vld.idx.msk [tilespmem:v18+s14+$0x0], $0xffff  }
0x2df: {  	v13 =	vld.idx.msk [tilespmem:v20+s14+$0x0], $0xffff  }
0x2e0: {  	v17 =	vadd.s32 s8, v4  }
0x2e1: {  	s30 =	simm.s32 $0x1FF;
	v20 =	vadd.s32 s5, v5;
	v18 =	vadd.s32 s3, v2  }
0x2e2: {  	v22 =	vadd.s32 s30, v0;
	v23 =	vadd.s32 s11, v3  }
0x2e3: {  	v24 =	vadd.s32 s15, v1;
	v16 =	vbroadcast v14, $0x0;
	v12 =	vmul.f32 v12, v21  }
0x2e4: {  	v13 =	vmul.f32 v13, v19  }
0x2e5: {  	v14 =	vmul.f32 v16, v14;
	[tilespmem:v17+s12+$0x0] =	vst.idx.msk $0xffff, v12  }
0x2e6: {  	[tilespmem:v18+s12+$0x0] =	vst.idx.msk $0xffff, v13;
	v12 =	vld.idx.msk [tilespmem:v20+s14+$0x0], $0xffff  }
0x2e7: {  	s2 =	simm.s32 $0x3;
	[tilespmem:v22+s12+$0x0] =	vst.idx.msk $0xffff, v14;
	v13 =	vld.idx.msk [tilespmem:v23+s14+$0x0], $0xffff  }
0x2e8: {  	v14 =	vadd.s32 s2, v0;
	v18 =	vadd.s32 s8, v5;
	v17 =	vld.idx.msk [tilespmem:v24+s14+$0x0], $0xffff  }
0x2e9: {  	v22 =	vadd.s32 s5, v6;
	v20 =	vadd.s32 s3, v3  }
0x2ea: {  	v23 =	vadd.s32 s30, v1;
	v24 =	vadd.s32 s11, v4  }
0x2eb: {  	v25 =	vadd.s32 s15, v2;
	v12 =	vmul.f32 v12, v21  }
0x2ec: {  	v13 =	vmul.f32 v13, v19  }
0x2ed: {  	v14 =	vld.idx.msk [tilespmem:v14+s14+$0x0], $0xffff;
	v17 =	vmul.f32 v17, v16;
	[tilespmem:v18+s12+$0x0] =	vst.idx.msk $0xffff, v12  }
0x2ee: {  	[tilespmem:v20+s12+$0x0] =	vst.idx.msk $0xffff, v13;
	v12 =	vld.idx.msk [tilespmem:v22+s14+$0x0], $0xffff  }
0x2ef: {  	[tilespmem:v23+s12+$0x0] =	vst.idx.msk $0xffff, v17;
	v13 =	vld.idx.msk [tilespmem:v24+s14+$0x0], $0xffff  }
0x2f0: {  	v20 =	vadd.s32 s8, v6;
	v18 =	vld.idx.msk [tilespmem:v25+s14+$0x0], $0xffff  }
0x2f1: {  	v23 =	vadd.s32 s3, v4;
	v22 =	vadd.s32 s5, v7  }
0x2f2: {  	s0 =	simm.s32 $0x2FD;
	v24 =	vadd.s32 s30, v2;
	v25 =	vadd.s32 s11, v5  }
0x2f3: {  	v27 =	vadd.s32 s15, v3;
	v26 =	vadd.s32 s0, v0;
	v12 =	vmul.f32 v12, v21  }
0x2f4: {  	v28 =	vadd.s32 s2, v1;
	v17 =	vbroadcast v14, $0x0;
	v13 =	vmul.f32 v13, v19  }
0x2f5: {  	v18 =	vmul.f32 v18, v16;
	[tilespmem:v20+s12+$0x0] =	vst.idx.msk $0xffff, v12  }
0x2f6: {  	[tilespmem:v23+s12+$0x0] =	vst.idx.msk $0xffff, v13;
	v12 =	vmul.f32 v17, v14;
	v13 =	vld.idx.msk [tilespmem:v22+s14+$0x0], $0xffff  }
0x2f7: {  	s7 =	simm.s32 $0x4;
	[tilespmem:v24+s12+$0x0] =	vst.idx.msk $0xffff, v18;
	v14 =	vld.idx.msk [tilespmem:v25+s14+$0x0], $0xffff  }
0x2f8: {  	v18 =	vadd.s32 s7, v0;
	v20 =	vadd.s32 s8, v7;
	[tilespmem:v26+s12+$0x0] =	vst.idx.msk $0xffff, v12;
	v12 =	vld.idx.msk [tilespmem:v27+s14+$0x0], $0xffff  }
0x2f9: {  	v23 =	vadd.s32 s3, v5;
	v24 =	vadd.s32 s5, v8;
	v22 =	vld.idx.msk [tilespmem:v28+s14+$0x0], $0xffff  }
0x2fa: {  	v25 =	vadd.s32 s30, v3;
	v26 =	vadd.s32 s11, v6  }
0x2fb: {  	v27 =	vadd.s32 s0, v1;
	v28 =	vadd.s32 s15, v4;
	v13 =	vmul.f32 v13, v21  }
0x2fc: {  	v29 =	vadd.s32 s2, v2;
	v14 =	vmul.f32 v14, v19  }
0x2fd: {  	v30 =	vld.idx.msk [tilespmem:v18+s14+$0x0], $0xffff;
	v12 =	vmul.f32 v12, v16;
	[tilespmem:v20+s12+$0x0] =	vst.idx.msk $0xffff, v13  }
0x2fe: {  	[tilespmem:v23+s12+$0x0] =	vst.idx.msk $0xffff, v14;
	v13 =	vmul.f32 v22, v17;
	v14 =	vld.idx.msk [tilespmem:v24+s14+$0x0], $0xffff  }
0x2ff: {  	[tilespmem:v25+s12+$0x0] =	vst.idx.msk $0xffff, v12;
	v12 =	vld.idx.msk [tilespmem:v26+s14+$0x0], $0xffff  }
0x300: {  	v20 =	vadd.s32 s8, v8;
	[tilespmem:v27+s12+$0x0] =	vst.idx.msk $0xffff, v13;
	v13 =	vld.idx.msk [tilespmem:v28+s14+$0x0], $0xffff  }
0x301: {  	v22 =	vadd.s32 s5, v9;
	v24 =	vadd.s32 s3, v6;
	v23 =	vld.idx.msk [tilespmem:v29+s14+$0x0], $0xffff  }
0x302: {  	v25 =	vadd.s32 s11, v7;
	v26 =	vadd.s32 s30, v4  }
0x303: {  	s6 =	simm.s32 $0x3FA;
	v27 =	vadd.s32 s0, v2;
	v28 =	vadd.s32 s15, v5;
	v14 =	vmul.f32 v14, v21  }
0x304: {  	v31 =	vadd.s32 s2, v3;
	v29 =	vadd.s32 s6, v0;
	v12 =	vmul.f32 v12, v19  }
0x305: {  	v49 =	vadd.s32 s7, v1;
	v18 =	vbroadcast v30, $0x0;
	v13 =	vmul.f32 v13, v16;
	[tilespmem:v20+s12+$0x0] =	vst.idx.msk $0xffff, v14  }
0x306: {  	v14 =	vmul.f32 v23, v17;
	[tilespmem:v24+s12+$0x0] =	vst.idx.msk $0xffff, v12;
	v12 =	vld.idx.msk [tilespmem:v22+s14+$0x0], $0xffff  }
0x307: {  	s16 =	simm.s32 $0x5;
	v20 =	vmul.f32 v18, v30;
	[tilespmem:v26+s12+$0x0] =	vst.idx.msk $0xffff, v13;
	v13 =	vld.idx.msk [tilespmem:v25+s14+$0x0], $0xffff  }
0x308: {  	v23 =	vadd.s32 s8, v9;
	v22 =	vadd.s32 s16, v0;
	[tilespmem:v27+s12+$0x0] =	vst.idx.msk $0xffff, v14;
	v14 =	vld.idx.msk [tilespmem:v28+s14+$0x0], $0xffff  }
0x309: {  	v24 =	vadd.s32 s3, v7;
	v25 =	vadd.s32 s5, v10;
	[tilespmem:v29+s12+$0x0] =	vst.idx.msk $0xffff, v20;
	v20 =	vld.idx.msk [tilespmem:v31+s14+$0x0], $0xffff  }
0x30a: {  	v27 =	vadd.s32 s30, v5;
	v28 =	vadd.s32 s11, v8;
	v26 =	vld.idx.msk [tilespmem:v49+s14+$0x0], $0xffff  }
0x30b: {  	v30 =	vadd.s32 s15, v6;
	v29 =	vadd.s32 s0, v3;
	v12 =	vmul.f32 v12, v21  }
0x30c: {  	v50 =	vadd.s32 s2, v4;
	v31 =	vadd.s32 s6, v1;
	v13 =	vmul.f32 v13, v19  }
0x30d: {  	v51 =	vadd.s32 s7, v2;
	v22 =	vld.idx.msk [tilespmem:v22+s14+$0x0], $0xffff;
	v14 =	vmul.f32 v14, v16;
	[tilespmem:v23+s12+$0x0] =	vst.idx.msk $0xffff, v12  }
0x30e: {  	v12 =	vmul.f32 v20, v17;
	[tilespmem:v24+s12+$0x0] =	vst.idx.msk $0xffff, v13;
	v13 =	vld.idx.msk [tilespmem:v25+s14+$0x0], $0xffff  }
0x30f: {  	v20 =	vmul.f32 v26, v18;
	[tilespmem:v27+s12+$0x0] =	vst.idx.msk $0xffff, v14;
	v14 =	vld.idx.msk [tilespmem:v28+s14+$0x0], $0xffff  }
0x310: {  	v23 =	vadd.s32 s8, v10;
	[tilespmem:v29+s12+$0x0] =	vst.idx.msk $0xffff, v12;
	v12 =	vld.idx.msk [tilespmem:v30+s14+$0x0], $0xffff  }
0x311: {  	v26 =	vadd.s32 s3, v8;
	v25 =	vadd.s32 s5, v11;
	[tilespmem:v31+s12+$0x0] =	vst.idx.msk $0xffff, v20;
	v24 =	vld.idx.msk [tilespmem:v50+s14+$0x0], $0xffff  }
0x312: {  	v27 =	vadd.s32 s11, v9;
	v29 =	vadd.s32 s30, v6;
	v28 =	vld.idx.msk [tilespmem:v51+s14+$0x0], $0xffff  }
0x313: {  	v30 =	vadd.s32 s15, v7;
	v31 =	vadd.s32 s0, v4;
	v13 =	vmul.f32 v13, v21  }
0x314: {  	v52 =	vadd.s32 s6, v2;
	v53 =	vadd.s32 s2, v5;
	v14 =	vmul.f32 v14, v19  }
0x315: {  	s17 =	simm.s32 $0x4F6;
	v12 =	vmul.f32 v12, v16;
	[tilespmem:v23+s12+$0x0] =	vst.idx.msk $0xffff, v13  }
0x316: {  	v35 =	vadd.s32 s7, v3;
	v54 =	vadd.s32 s17, v0;
	v23 =	vmul.f32 v24, v17;
	[tilespmem:v26+s12+$0x0] =	vst.idx.msk $0xffff, v14;
	v14 =	vld.idx.msk [tilespmem:v25+s14+$0x0], $0xffff  }
0x317: {  	v20 =	vbroadcast v22, $0x0;
	v24 =	vmul.f32 v28, v18;
	[tilespmem:v29+s12+$0x0] =	vst.idx.msk $0xffff, v12;
	v12 =	vld.idx.msk [tilespmem:v27+s14+$0x0], $0xffff  }
0x318: {  	[tilespmem:v31+s12+$0x0] =	vst.idx.msk $0xffff, v23;
	v23 =	vld.idx.msk [tilespmem:v30+s14+$0x0], $0xffff  }
0x319: {  	v22 =	vmul.f32 v20, v22;
	v26 =	vadd.s32 s8, v11;
	[tilespmem:v52+s12+$0x0] =	vst.idx.msk $0xffff, v24;
	v24 =	vld.idx.msk [tilespmem:v53+s14+$0x0], $0xffff  }
0x31a: {  	v13 =	vadd.s32 s16, v1;
	v27 =	vadd.s32 s3, v9;
	v43 =	vld [tilespmem:$0x1FFD0]  }
0x31b: {  	v29 =	vadd.s32 s30, v7;
	[tilespmem:v54+s12+$0x0] =	vst.idx.msk $0xffff, v22;
	v22 =	vld.idx.msk [tilespmem:v35+s14+$0x0], $0xffff  }
0x31c: {  	v30 =	vadd.s32 s11, v10;
	v31 =	vadd.s32 s0, v5;
	v14 =	vmul.f32 v14, v21  }
0x31d: {  	v55 =	vadd.s32 s15, v8;
	v56 =	vadd.s32 s6, v3;
	v12 =	vmul.f32 v12, v19  }
0x31e: {  	s4 =	simm.s32 $0x40;
	v23 =	vmul.f32 v23, v16;
	[tilespmem:v26+s12+$0x0] =	vst.idx.msk $0xffff, v14  }
0x31f: {  	v57 =	vadd.s32 s2, v6;
	v13 =	vld.idx.msk [tilespmem:v13+s14+$0x0], $0xffff;
	v14 =	vmov s4;
	v24 =	vmul.f32 v24, v17;
	[tilespmem:v27+s12+$0x0] =	vst.idx.msk $0xffff, v12  }
0x320: {  	v28 =	vadd.s32 s5, v43;
	vm0 =	vgt.u32 v14, v0;
	v14 =	vmul.f32 v22, v18;
	[tilespmem:v29+s12+$0x0] =	vst.idx.msk $0xffff, v23  }
0x321: {  	v22 =	vld.idx.msk [tilespmem:v30+s14+$0x0], $0xffff;
	[tilespmem:v31+s12+$0x0] =	vst.idx.msk $0xffff, v24  }
0x322: {  	v23 =	vld.idx.msk [tilespmem:v55+s14+$0x0], $0xffff;
	[tilespmem:v56+s12+$0x0] =	vst.idx.msk $0xffff, v14  }
0x323: {  	v36 =	vadd.s32 s7, v4;
	v58 =	vadd.s32 s17, v1;
	v44 =	vld [tilespmem:$0x1FFE0]  }
0x324: {  	s1 =	simm.s32 $0x6;
	v29 =	vadd.s32 s3, v10;
	v14 =	vld.idx.msk [tilespmem:v57+s14+$0x0], $0xffff  }
0x325: {  	v25 =	vadd.s32 s1, v0;
	v31 =	vadd.s32 s30, v8;
	v12 =	vld.idx.msk [tilespmem:v28+s14+$0x0], $0xffff  }
0x326: {  	v60 =	vadd.s32 s0, v6;
	v26 =	vadd.s32 s16, v2;
	v13 =	vmul.f32 v13, v20  }
0x327: {  	v59 =	vadd.s32 s11, v11;
	v27 =	vadd.s32 s8, v43;
	v22 =	vmul.f32 v22, v19  }
0x328: {  	[tilespmem:v58+s12+$0x0] =	vst.idx.msk $0xffff, v13;
	v13 =	vld.idx.msk [tilespmem:v36+s14+$0x0], $0xffff;
	v23 =	vmul.f32 v23, v16;
	v28 =	vadd.s32 s5, v44  }
0x329: {  	v14 =	vmul.f32 v14, v17;
	[tilespmem:v29+s12+$0x0] =	vst.idx.msk $0xffff, v22  }
0x32a: {  	v62 =	vadd.s32 s6, v4;
	v25 =	vld.idx.msk [tilespmem:v25+s14+$0x0], $0xffff;
	[tilespmem:v31+s12+$0x0] =	vst.idx.msk $0xffff, v23;
	v12 =	vmul.f32 v12, v21  }
0x32b: {  	v26 =	vld.idx.msk [tilespmem:v26+s14+$0x0], $0xffff;
	[tilespmem:v60+s12+$0x0] =	vst.idx.msk $0xffff, v14  }
0x32c: {  	s26 =	sshll.u32 s9, $0x7;
	s10 =	sshrl.u32 s18, $0x3;
	v23 =	vld.idx.msk [tilespmem:v59+s14+$0x0], $0xffff;
	[tilespmem:v27+s12+$0x0] =	vst.idx.msk vm0, v12  }
0x32d: {  	s4 =	sand.u32 $0x380, s26;
	v13 =	vmul.f32 v13, v18;
	v28 =	vld.idx.msk [tilespmem:v28+s14+$0x0], $0xffff;
	[dreg:$0x10] =	wrdreg s10  }
0x32e: {  	[dreg:$0xe] =	wrdreg s4  }
0x32f: {  	s25 =	simm.s32 $0x30;
	v63 =	vadd.s32 s16, v3;
	v30 =	vadd.s32 s15, v9;
	[tilespmem:v62+s12+$0x0] =	vst.idx.msk $0xffff, v13  }
0x330: {  	v33 =	vadd.s32 s7, v6;
	v61 =	vadd.s32 s2, v7;
	v24 =	vmov s25;
	v45 =	vld [tilespmem:$0x1FFF0]  }
0x331: {  	s13 =	simm.s32 $0x5F1;
	vm1 =	vgt.s32 v24, v0;
	v24 =	vadd.s32 s17, v2;
	v12 =	vadd.s32 s7, v5  }
0x332: {  	v40 =	vadd.s32 s13, v1;
	v32 =	vadd.s32 s6, v5;
	s9 =	simm.s32 $0x7;
	v41 =	vadd.s32 s3, v11  }
0x333: {  	v37 =	vadd.s32 s1, v1;
	v31 =	vadd.s32 s9, v0;
	v27 =	vadd.s32 s13, v0  }
0x334: {  	s19 =	simm.s32 $0x3F;
	v22 =	vbroadcast v25, $0x0;
	v38 =	vadd.s32 s8, v44;
	v26 =	vmul.f32 v26, v20;
	v14 =	vld.idx.msk [tilespmem:v30+s14+$0x0], $0xffff  }
0x335: {  	v29 =	vmov s19;
	v23 =	vmul.f32 v23, v19;
	v13 =	vld.idx.msk [tilespmem:v61+s14+$0x0], $0xffff;
	v42 =	vadd.s32 s5, v45  }
0x336: {  	s28 =	simm.s32 $0x38;
	v25 =	vmul.f32 v22, v25;
	vm0 =	vgt.u32 v29, v0;
	[tilespmem:v24+s12+$0x0] =	vst.idx.msk $0xffff, v26;
	v30 =	vld.idx.msk [tilespmem:v12+s14+$0x0], $0xffff  }
0x337: {  	s29 =	simm.s32 $0x3A;
	s31 =	simm.s32 $0x39;
	s22 =	simm.s32 $0x3F;
	v29 =	vadd.s32 s11, v43;
	v26 =	vadd.s32 s30, v9;
	[tilespmem:v41+s12+$0x0] =	vst.idx.msk $0xffff, v23;
	v36 =	vld.idx.msk [tilespmem:v63+s14+$0x0], $0xffff;
	v12 =	vmul.f32 v28, v21  }
0x338: {  	s21 =	simm.s32 $0x3E;
	s20 =	simm.s32 $0x3B;
	s23 =	simm.s32 $0x40;
	v31 =	vld.idx.msk [tilespmem:v31+s14+$0x0], $0xffff;
	v24 =	vadd.s32 s15, v10;
	[tilespmem:v27+s12+$0x0] =	vst.idx.msk $0xffff, v25;
	v27 =	vadd.s32 s0, v7  }
0x339: {  	s18 =	simm.s32 $0x3D;
	s24 =	simm.s32 $0xA;
	s26 =	simm.s32 $0x1E;
	v39 =	vld.idx.msk [tilespmem:v37+s14+$0x0], $0xffff;
	v37 =	vadd.s32 s17, v3;
	v28 =	vadd.s32 s2, v8;
	[tilespmem:v38+s12+$0x0] =	vst.idx.msk vm1, v12  }
0x33a: {  	s25 =	simm.s32 $0x600;
	s19 =	simm.s32 $0x3C;
	s4 =	simm.s32 $0x20;
	v34 =	vmul.f32 v14, v16;
	v35 =	vmul.f32 v13, v17;
	v38 =	vadd.s32 s16, v4;
	v25 =	vld.idx.msk [tilespmem:v42+s14+$0x0], $0xffff  }
.LBB2_11:
0x33b: {  	v12 =	vadd.s32 s1, v2;
	v13 =	vmul.f32 v30, v18  }
0x33c: {  	p0 =	sne.s32 s28, $0x1;
	[tilespmem:v26+s12+$0x0] =	vst.idx.msk $0xffff, v34;
	v14 =	vld.idx.msk [tilespmem:v29+s14+$0x0], $0xffff;
	v23 =	vmov s4;
	s4 =	sadd.s32 $0xFFFFFFD0, s23;
	v34 =	vmovc v17;
	s23 =	smov.u32 s22;
	v26 =	vmul.f32 v36, v20;
	v29 =	vadd.s32 s8, v45  }
0x33d: {  	s22 =	smov.u32 s21;
	s21 =	smov.u32 s18;
	v30 =	vadd.s32 s3, v43;
	[tilespmem:v27+s12+$0x0] =	vst.idx.msk $0xffff, v35;
	v24 =	vld.idx.msk [tilespmem:v24+s14+$0x0], $0xffff;
	s10 =	sadd.s32 $0xFFFFFFF0, s23;
	vm3 =	vgt.s32 v23, v0;
	v23 =	vmov s4  }
0x33e: {  	v17 =	vmovc v18;
	s18 =	smov.u32 s19;
	s19 =	smov.u32 s20;
	s20 =	smov.u32 s29;
	v36 =	vadd.s32 s30, v10;
	v27 =	vmul.f32 v39, v22;
	[tilespmem:v32+s12+$0x0] =	vst.idx.msk $0xffff, v13;
	v13 =	vld.idx.msk [tilespmem:v28+s14+$0x0], $0xffff;
	v28 =	vmov s10  }
0x33f: {  	v18 =	vmov v20;
	v32 =	vadd.s32 s11, v44;
	[tilespmem:v37+s12+$0x0] =	vst.idx.msk $0xffff, v26;
	v26 =	vld.idx.msk [tilespmem:v33+s14+$0x0], $0xffff;
	v33 =	vadd.s32 s5, v15;
	s5 =	smov.u32 s11;
	s11 =	smov.u32 s15;
	s15 =	smov.u32 s2  }
0x340: {  	v20 =	vmov v22;
	s2 =	smov.u32 s7;
	s7 =	smov.u32 s16;
	s16 =	smov.u32 s1;
	[tilespmem:v40+s12+$0x0] =	vst.idx.msk $0xffff, v27;
	v27 =	vld.idx.msk [tilespmem:v38+s14+$0x0], $0xffff;
	v35 =	vadd.s32 s15, v9;
	v37 =	vadd.s32 s11, v11  }
0x341: {  	s24 =	sadd.s32 $0x2, s24;
	s29 =	smov.u32 s31;
	v39 =	vadd.s32 s0, v8;
	s1 =	smov.u32 s9;
	v38 =	vadd.s32 s2, v7;
	v22 =	vmul.f32 v25, v21;
	v12 =	vld.idx.msk [tilespmem:v12+s14+$0x0], $0xffff  }
0x342: {  	s31 =	smov.u32 s28;
	s26 =	sadd.s32 s24, s26;
	vm2 =	vgt.s32 v23, v0;
	v25 =	vadd.s32 s6, v6;
	v14 =	vmul.f32 v14, v19  }
0x343: {  	s25 =	sadd.s32 $0x100, s25;
	s4 =	sshrl.u32 s26, $0x1;
	v23 =	vadd.s32 s17, v4;
	vm1 =	vgt.s32 v28, v0;
	v24 =	vmul.f32 v24, v16;
	[tilespmem:v29+s12+$0x0] =	vst.idx.msk vm3, v22  }
0x344: {  	s4 =	ssub.s32 s25, s4;
	v28 =	vadd.s32 s13, v2;
	v29 =	vadd.s32 s7, v5;
	v13 =	vmul.f32 v13, v34;
	[tilespmem:v30+s12+$0x0] =	vst.idx.msk vm0, v14;
	v14 =	vld.idx.msk [tilespmem:v33+s14+$0x0], $0xffff  }
0x345: {  	v40 =	vadd.s32 s16, v3;
	v33 =	vadd.s32 s4, v0;
	v26 =	vmul.f32 v26, v17;
	[tilespmem:v36+s12+$0x0] =	vst.idx.msk $0xffff, v24;
	v32 =	vld.idx.msk [tilespmem:v32+s14+$0x0], $0xffff  }
0x346: {  	v22 =	vbroadcast v31, $0x0;
	v24 =	vadd.s32 s9, v1;
	v27 =	vmul.f32 v27, v18;
	[tilespmem:v39+s12+$0x0] =	vst.idx.msk $0xffff, v13;
	v13 =	vld.idx.msk [tilespmem:v37+s14+$0x0], $0xffff  }
0x347: {  	s9 =	sadd.s32 $0x1, s9;
	v12 =	vmul.f32 v12, v20;
	[tilespmem:v25+s12+$0x0] =	vst.idx.msk $0xffff, v26;
	v25 =	vld.idx.msk [tilespmem:v35+s14+$0x0], $0xffff;
	v26 =	vmov s22;
	v35 =	vadd.s32 s8, v15;
	s8 =	smov.u32 s3;
	s3 =	smov.u32 s30  }
0x348: {  	v31 =	vmul.f32 v22, v31;
	v37 =	vadd.s32 s9, v0;
	s30 =	smov.u32 s0;
	s0 =	smov.u32 s6;
	s6 =	smov.u32 s17;
	[tilespmem:v23+s12+$0x0] =	vst.idx.msk $0xffff, v27;
	v23 =	vld.idx.msk [tilespmem:v38+s14+$0x0], $0xffff;
	v38 =	vadd.s32 s8, v44  }
0x349: {  	v41 =	vadd.s32 s5, v45;
	s17 =	smov.u32 s13;
	s13 =	smov.u32 s4;
	vm0 =	vgt.u32 v26, v0;
	[tilespmem:v28+s12+$0x0] =	vst.idx.msk $0xffff, v12;
	v30 =	vld.idx.msk [tilespmem:v29+s14+$0x0], $0xffff;
	v12 =	vadd.s32 s3, v11  }
.Ltmp5:
0x34a: {  	v26 =	vadd.s32 s30, v9;
	v29 =	vadd.s32 s11, v43;
	v14 =	vmul.f32 v14, v21;
	[tilespmem:v33+s12+$0x0] =	vst.idx.msk $0xffff, v31;
	v36 =	vld.idx.msk [tilespmem:v40+s14+$0x0], $0xffff;
	(pc) =	sbr.rel @p0 .LBB2_11-.Ltmp5, $4  }
0x34b: {  	v27 =	vadd.s32 s0, v7;
	v21 =	vmovc v19;
	v40 =	vmul.f32 v32, v19;
	v19 =	vmovc v16;
	v39 =	vld.idx.msk [tilespmem:v24+s14+$0x0], $0xffff;
	v24 =	vadd.s32 s15, v10  }
0x34c: {  	v28 =	vadd.s32 s2, v8;
	v32 =	vadd.s32 s6, v5;
	v16 =	vmovc v34;
	v13 =	vmul.f32 v13, v19;
	[tilespmem:v35+s12+$0x0] =	vst.idx.msk vm2, v14  }
0x34d: {  	v33 =	vadd.s32 s7, v6;
	v34 =	vmul.f32 v25, v16;
	v31 =	vld.idx.msk [tilespmem:v37+s14+$0x0], $0xffff;
	v37 =	vadd.s32 s17, v3;
	[tilespmem:v38+s12+$0x0] =	vst.idx.msk vm1, v40  }
0x34e: {  	s28 =	sadd.s32 $0xFFFFFFFF, s28;
	s4 =	sadd.s32 $0xFFFFFFE0, s23;
	v40 =	vadd.s32 s13, v1;
	v38 =	vadd.s32 s16, v4;
	v35 =	vmul.f32 v23, v17;
	[tilespmem:v12+s12+$0x0] =	vst.idx.msk $0xffff, v13;
	v25 =	vld.idx.msk [tilespmem:v41+s14+$0x0], $0xffff  }
0x34f: {  	s10 =	sadd.s32 $0x2, s24  }
0x350: {  	s10 =	sadd.s32 s10, s26  }
0x351: {  	s12 =	sadd.s32 $0x100, s25;
	s10 =	sshrl.u32 s10, $0x1  }
0x352: {  	s10 =	ssub.s32 s12, s10  }
0x353: {  	v12 =	vadd.s32 s10, v0  }
0x354: {  	v13 =	vadd.s32 s9, v1;
	v23 =	vbroadcast v31, $0x0;
	_ =	sdelay $0x1  }
0x355: {  	v14 =	vmul.f32 v23, v31  }
0x356: {  	s24 =	simm.s32 $0x8700  }
0x357: {  	[tilespmem:v12+s24+$0x0] =	vst.idx.msk $0xffff, v14  }
0x358: {  	v12 =	vld.idx.msk [tilespmem:v13+s14+$0x0], $0xffff;
	_ =	sdelay $0x1  }
0x359: {  	v14 =	vadd.s32 s10, v1;
	v13 =	vadd.s32 s1, v2  }
0x35a: {  	v31 =	vadd.s32 s9, v2  }
0x35b: {  	v39 =	vmul.f32 v39, v22  }
0x35c: {  	v12 =	vmul.f32 v12, v23  }
0x35d: {  	[tilespmem:v40+s24+$0x0] =	vst.idx.msk $0xffff, v39  }
0x35e: {  	v13 =	vld.idx.msk [tilespmem:v13+s14+$0x0], $0xffff;
	[tilespmem:v14+s24+$0x0] =	vst.idx.msk $0xffff, v12  }
0x35f: {  	v12 =	vld.idx.msk [tilespmem:v31+s14+$0x0], $0xffff  }
0x360: {  	v14 =	vadd.s32 s13, v2  }
0x361: {  	v53 =	vadd.s32 s10, v2;
	v31 =	vadd.s32 s1, v3  }
0x362: {  	v54 =	vadd.s32 s9, v3  }
0x363: {  	v13 =	vmul.f32 v13, v22  }
0x364: {  	v12 =	vmul.f32 v12, v23  }
0x365: {  	[tilespmem:v14+s24+$0x0] =	vst.idx.msk $0xffff, v13  }
0x366: {  	v13 =	vld.idx.msk [tilespmem:v31+s14+$0x0], $0xffff;
	[tilespmem:v53+s24+$0x0] =	vst.idx.msk $0xffff, v12  }
0x367: {  	v12 =	vld.idx.msk [tilespmem:v54+s14+$0x0], $0xffff  }
0x368: {  	v14 =	vadd.s32 s13, v3  }
0x369: {  	v55 =	vadd.s32 s1, v4;
	v56 =	vadd.s32 s10, v3;
	v31 =	vmul.f32 v36, v20  }
0x36a: {  	v57 =	vadd.s32 s9, v4  }
0x36b: {  	[tilespmem:v37+s24+$0x0] =	vst.idx.msk $0xffff, v31;
	v13 =	vmul.f32 v13, v22  }
0x36c: {  	v31 =	vld.idx.msk [tilespmem:v38+s14+$0x0], $0xffff;
	v12 =	vmul.f32 v12, v23  }
0x36d: {  	[tilespmem:v14+s24+$0x0] =	vst.idx.msk $0xffff, v13  }
0x36e: {  	v13 =	vadd.s32 s17, v4;
	v14 =	vld.idx.msk [tilespmem:v55+s14+$0x0], $0xffff;
	[tilespmem:v56+s24+$0x0] =	vst.idx.msk $0xffff, v12  }
0x36f: {  	v12 =	vadd.s32 s16, v5;
	v58 =	vld.idx.msk [tilespmem:v57+s14+$0x0], $0xffff  }
0x370: {  	v59 =	vadd.s32 s13, v4  }
0x371: {  	v60 =	vadd.s32 s1, v5;
	v61 =	vadd.s32 s10, v4;
	v31 =	vmul.f32 v31, v20  }
0x372: {  	v62 =	vadd.s32 s9, v5  }
0x373: {  	[tilespmem:v13+s24+$0x0] =	vst.idx.msk $0xffff, v31;
	v13 =	vmul.f32 v14, v22  }
0x374: {  	v12 =	vld.idx.msk [tilespmem:v12+s14+$0x0], $0xffff;
	v14 =	vmul.f32 v58, v23  }
0x375: {  	[tilespmem:v59+s24+$0x0] =	vst.idx.msk $0xffff, v13  }
0x376: {  	v30 =	vmul.f32 v30, v18;
	v13 =	vadd.s32 s17, v5;
	v31 =	vld.idx.msk [tilespmem:v60+s14+$0x0], $0xffff;
	[tilespmem:v61+s24+$0x0] =	vst.idx.msk $0xffff, v14  }
0x377: {  	v14 =	vadd.s32 s16, v6;
	v63 =	vld.idx.msk [tilespmem:v62+s14+$0x0], $0xffff  }
0x378: {  	v42 =	vadd.s32 s13, v5;
	v29 =	vld.idx.msk [tilespmem:v29+s14+$0x0], $0xffff;
	[tilespmem:v32+s24+$0x0] =	vst.idx.msk $0xffff, v30  }
0x379: {  	v46 =	vadd.s32 s1, v6;
	[tilespmem:v27+s24+$0x0] =	vst.idx.msk $0xffff, v35;
	v32 =	vld.idx.msk [tilespmem:v33+s14+$0x0], $0xffff;
	v47 =	vadd.s32 s10, v5;
	v12 =	vmul.f32 v12, v20  }
0x37a: {  	[tilespmem:v26+s24+$0x0] =	vst.idx.msk $0xffff, v34;
	v30 =	vadd.s32 s9, v6;
	v26 =	vld.idx.msk [tilespmem:v28+s14+$0x0], $0xffff  }
0x37b: {  	v49 =	vadd.s32 s6, v6;
	[tilespmem:v13+s24+$0x0] =	vst.idx.msk $0xffff, v12;
	v12 =	vmul.f32 v31, v22  }
0x37c: {  	v50 =	vadd.s32 s17, v6;
	v14 =	vld.idx.msk [tilespmem:v14+s14+$0x0], $0xffff;
	v31 =	vmul.f32 v63, v23  }
0x37d: {  	s23 =	sadd.s32 $0xFFFFFFD0, s23;
	v51 =	vadd.s32 s5, v15;
	v52 =	vadd.s32 s13, v6;
	v55 =	vadd.s32 s3, v43;
	[tilespmem:v42+s24+$0x0] =	vst.idx.msk $0xffff, v12  }
0x37e: {  	v48 =	vmov s23;
	v28 =	vmul.f32 v32, v18;
	v12 =	vadd.s32 s7, v7;
	v38 =	vld.idx.msk [tilespmem:v46+s14+$0x0], $0xffff;
	[tilespmem:v47+s24+$0x0] =	vst.idx.msk $0xffff, v31  }
0x37f: {  	v27 =	vadd.s32 s16, v7;
	v29 =	vmul.f32 v29, v19;
	v26 =	vmul.f32 v26, v17;
	v30 =	vld.idx.msk [tilespmem:v30+s14+$0x0], $0xffff  }
0x380: {  	[tilespmem:v49+s24+$0x0] =	vst.idx.msk $0xffff, v28;
	v28 =	vadd.s32 s9, v7;
	v49 =	vadd.s32 s13, v8;
	v53 =	vadd.s32 s1, v7  }
0x381: {  	v54 =	vadd.s32 s10, v6;
	v13 =	vmov s4;
	v14 =	vmul.f32 v14, v20  }
0x382: {  	v24 =	vld.idx.msk [tilespmem:v24+s14+$0x0], $0xffff;
	v56 =	vadd.s32 s2, v9;
	[tilespmem:v55+s24+$0x0] =	vst.idx.msk vm0, v29;
	vm1 =	vgt.s32 v13, v0;
	v13 =	vadd.s32 s0, v8  }
0x383: {  	v57 =	vadd.s32 s11, v44;
	v29 =	vadd.s32 s16, v8;
	v12 =	vld.idx.msk [tilespmem:v12+s14+$0x0], $0xffff;
	[tilespmem:v50+s24+$0x0] =	vst.idx.msk $0xffff, v14;
	v14 =	vmul.f32 v38, v22  }
0x384: {  	vm0 =	vgt.s32 v48, v0;
	v58 =	vadd.s32 s30, v10;
	v27 =	vld.idx.msk [tilespmem:v27+s14+$0x0], $0xffff;
	v30 =	vmul.f32 v30, v23  }
0x385: {  	v48 =	vadd.s32 s16, v9;
	v55 =	vadd.s32 s1, v10;
	[tilespmem:v52+s24+$0x0] =	vst.idx.msk $0xffff, v14;
	v14 =	vadd.s32 s6, v7  }
0x386: {  	s25 =	sadd.s32 $0xFFFFFFF0, s22;
	v59 =	vadd.s32 s15, v11;
	v34 =	vld.idx.msk [tilespmem:v53+s14+$0x0], $0xffff;
	[tilespmem:v54+s24+$0x0] =	vst.idx.msk $0xffff, v30;
	v30 =	vadd.s32 s17, v7  }
0x387: {  	v24 =	vmul.f32 v24, v16;
	v31 =	vmov s25;
	[tilespmem:v13+s24+$0x0] =	vst.idx.msk $0xffff, v26;
	v13 =	vadd.s32 s7, v8;
	v26 =	vld.idx.msk [tilespmem:v28+s14+$0x0], $0xffff  }
0x388: {  	vm2 =	vgt.s32 v31, v0;
	v31 =	vadd.s32 s13, v7;
	v12 =	vmul.f32 v12, v18;
	v28 =	vld.idx.msk [tilespmem:v56+s14+$0x0], $0xffff  }
0x389: {  	v61 =	vadd.s32 s1, v8;
	v62 =	vadd.s32 s10, v7;
	[tilespmem:v58+s24+$0x0] =	vst.idx.msk $0xffff, v24;
	v27 =	vmul.f32 v27, v20  }
0x38a: {  	v36 =	vld.idx.msk [tilespmem:v57+s14+$0x0], $0xffff;
	v63 =	vadd.s32 s0, v9;
	[tilespmem:v14+s24+$0x0] =	vst.idx.msk $0xffff, v12;
	v12 =	vadd.s32 s9, v8  }
0x38b: {  	v60 =	vadd.s32 s8, v45;
	v32 =	vld.idx.msk [tilespmem:v59+s14+$0x0], $0xffff;
	[tilespmem:v30+s24+$0x0] =	vst.idx.msk $0xffff, v27;
	v27 =	vadd.s32 s2, v10;
	v30 =	vmul.f32 v34, v22  }
0x38c: {  	v57 =	vadd.s32 s9, v10;
	v42 =	vadd.s32 s3, v44;
	v13 =	vld.idx.msk [tilespmem:v13+s14+$0x0], $0xffff;
	v26 =	vmul.f32 v26, v23  }
0x38d: {  	v28 =	vmul.f32 v28, v17;
	v29 =	vld.idx.msk [tilespmem:v29+s14+$0x0], $0xffff;
	[tilespmem:v31+s24+$0x0] =	vst.idx.msk $0xffff, v30;
	v30 =	vadd.s32 s30, v11;
	v31 =	vadd.s32 s11, v45  }
0x38e: {  	v25 =	vmul.f32 v25, v21;
	v24 =	vadd.s32 s8, v15;
	[tilespmem:v62+s24+$0x0] =	vst.idx.msk $0xffff, v26;
	v26 =	vadd.s32 s6, v8;
	v37 =	vld.idx.msk [tilespmem:v61+s14+$0x0], $0xffff  }
0x38f: {  	v36 =	vmul.f32 v36, v19;
	v47 =	vadd.s32 s17, v8;
	[tilespmem:v63+s24+$0x0] =	vst.idx.msk $0xffff, v28;
	v28 =	vadd.s32 s7, v9;
	v12 =	vld.idx.msk [tilespmem:v12+s14+$0x0], $0xffff  }
0x390: {  	v58 =	vadd.s32 s30, v43;
	v46 =	vadd.s32 s15, v43;
	[tilespmem:v60+s24+$0x0] =	vst.idx.msk vm1, v25;
	v25 =	vmul.f32 v32, v16;
	v27 =	vld.idx.msk [tilespmem:v27+s14+$0x0], $0xffff  }
0x391: {  	v35 =	vld.idx.msk [tilespmem:v51+s14+$0x0], $0xffff;
	v50 =	vadd.s32 s1, v9;
	v51 =	vadd.s32 s10, v8;
	[tilespmem:v42+s24+$0x0] =	vst.idx.msk vm2, v36;
	v13 =	vmul.f32 v13, v18  }
0x392: {  	s26 =	sadd.s32 $0xFFFFFFE0, s22;
	v29 =	vmul.f32 v29, v20;
	[tilespmem:v30+s24+$0x0] =	vst.idx.msk $0xffff, v25;
	v25 =	vld.idx.msk [tilespmem:v31+s14+$0x0], $0xffff;
	v30 =	vadd.s32 s0, v10;
	v31 =	vadd.s32 s9, v9  }
0x393: {  	v14 =	vmov s26;
	[tilespmem:v26+s24+$0x0] =	vst.idx.msk $0xffff, v13;
	v13 =	vadd.s32 s2, v11;
	v26 =	vmul.f32 v37, v22  }
0x394: {  	vm1 =	vgt.s32 v14, v0;
	[tilespmem:v47+s24+$0x0] =	vst.idx.msk $0xffff, v29;
	v14 =	vld.idx.msk [tilespmem:v28+s14+$0x0], $0xffff;
	v12 =	vmul.f32 v12, v23  }
0x395: {  	v29 =	vadd.s32 s3, v45;
	v28 =	vmov s21;
	v32 =	vld.idx.msk [tilespmem:v48+s14+$0x0], $0xffff;
	v27 =	vmul.f32 v27, v17;
	[tilespmem:v49+s24+$0x0] =	vst.idx.msk $0xffff, v26  }
0x396: {  	v59 =	vadd.s32 s15, v44;
	vm3 =	vgt.u32 v28, v0;
	v28 =	vadd.s32 s6, v9;
	v34 =	vld.idx.msk [tilespmem:v50+s14+$0x0], $0xffff;
	[tilespmem:v51+s24+$0x0] =	vst.idx.msk $0xffff, v12  }
0x397: {  	v12 =	vadd.s32 s7, v10;
	[tilespmem:v30+s24+$0x0] =	vst.idx.msk $0xffff, v27;
	v27 =	vadd.s32 s17, v9;
	v30 =	vld.idx.msk [tilespmem:v31+s14+$0x0], $0xffff  }
0x398: {  	v54 =	vadd.s32 s13, v9;
	v25 =	vmul.f32 v25, v19;
	v31 =	vadd.s32 s16, v10;
	v13 =	vld.idx.msk [tilespmem:v13+s14+$0x0], $0xffff  }
0x399: {  	s8 =	sadd.s32 $0xFFFFFFF0, s21;
	v60 =	vadd.s32 s6, v10;
	v56 =	vadd.s32 s10, v9;
	v14 =	vmul.f32 v14, v18  }
0x39a: {  	v53 =	vmov s8;
	v33 =	vld.idx.msk [tilespmem:v46+s14+$0x0], $0xffff;
	[tilespmem:v29+s24+$0x0] =	vst.idx.msk vm1, v25;
	v29 =	vadd.s32 s0, v11;
	v25 =	vmul.f32 v32, v20  }
0x39b: {  	s5 =	sadd.s32 $0xFFFFFFD0, s22;
	vm2 =	vgt.s32 v53, v0;
	[tilespmem:v28+s24+$0x0] =	vst.idx.msk $0xffff, v14;
	v14 =	vadd.s32 s2, v43;
	v28 =	vmul.f32 v34, v22  }
0x39c: {  	v52 =	vmov s5;
	v26 =	vadd.s32 s11, v15;
	[tilespmem:v27+s24+$0x0] =	vst.idx.msk $0xffff, v25;
	v12 =	vld.idx.msk [tilespmem:v12+s14+$0x0], $0xffff;
	v27 =	vmul.f32 v30, v23  }
0x39d: {  	v42 =	vadd.s32 s16, v45;
	v53 =	vadd.s32 s13, v11;
	v13 =	vmul.f32 v13, v17;
	v31 =	vld.idx.msk [tilespmem:v31+s14+$0x0], $0xffff;
	[tilespmem:v54+s24+$0x0] =	vst.idx.msk $0xffff, v28  }
0x39e: {  	v21 =	vmul.f32 v35, v21;
	v61 =	vadd.s32 s13, v10;
	v28 =	vmov s18;
	v36 =	vld.idx.msk [tilespmem:v55+s14+$0x0], $0xffff;
	[tilespmem:v56+s24+$0x0] =	vst.idx.msk $0xffff, v27  }
0x39f: {  	v33 =	vmul.f32 v33, v16;
	v27 =	vadd.s32 s17, v10;
	[tilespmem:v29+s24+$0x0] =	vst.idx.msk $0xffff, v13;
	v13 =	vadd.s32 s7, v11;
	v29 =	vld.idx.msk [tilespmem:v57+s14+$0x0], $0xffff  }
0x3a0: {  	v62 =	vadd.s32 s1, v11;
	vm4 =	vgt.u32 v28, v0;
	v28 =	vadd.s32 s16, v11;
	v14 =	vld.idx.msk [tilespmem:v14+s14+$0x0], $0xffff  }
0x3a1: {  	v63 =	vadd.s32 s10, v10;
	v46 =	vadd.s32 s0, v43;
	v26 =	vld.idx.msk [tilespmem:v26+s14+$0x0], $0xffff;
	[tilespmem:v58+s24+$0x0] =	vst.idx.msk vm3, v33;
	v12 =	vmul.f32 v12, v18  }
0x3a2: {  	v47 =	vadd.s32 s9, v11;
	v48 =	vadd.s32 s30, v44;
	v33 =	vld.idx.msk [tilespmem:v59+s14+$0x0], $0xffff;
	v31 =	vmul.f32 v31, v20  }
0x3a3: {  	s11 =	sadd.s32 $0xFFFFFFE0, s21;
	v50 =	vadd.s32 s15, v45;
	vm1 =	vgt.s32 v52, v0;
	[tilespmem:v60+s24+$0x0] =	vst.idx.msk $0xffff, v12;
	v49 =	vmul.f32 v36, v22  }
0x3a4: {  	v52 =	vadd.s32 s6, v11;
	v30 =	vmov s11;
	[tilespmem:v27+s24+$0x0] =	vst.idx.msk $0xffff, v31;
	v13 =	vld.idx.msk [tilespmem:v13+s14+$0x0], $0xffff;
	v29 =	vmul.f32 v29, v23  }
0x3a5: {  	s12 =	sadd.s32 $0xFFFFFFD0, s21;
	s21 =	sadd.s32 $0xFFFFFFF0, s18;
	vm3 =	vgt.s32 v30, v0;
	v14 =	vmul.f32 v14, v17;
	v28 =	vld.idx.msk [tilespmem:v28+s14+$0x0], $0xffff;
	[tilespmem:v61+s24+$0x0] =	vst.idx.msk $0xffff, v49  }
0x3a6: {  	v19 =	vmul.f32 v26, v19;
	v26 =	vmov s21;
	v12 =	vadd.s32 s2, v44;
	v34 =	vld.idx.msk [tilespmem:v62+s14+$0x0], $0xffff;
	[tilespmem:v63+s24+$0x0] =	vst.idx.msk $0xffff, v29  }
0x3a7: {  	v31 =	vmul.f32 v33, v16;
	v29 =	vadd.s32 s17, v11;
	[tilespmem:v46+s24+$0x0] =	vst.idx.msk vm4, v14;
	v14 =	vadd.s32 s7, v43;
	v30 =	vld.idx.msk [tilespmem:v47+s14+$0x0], $0xffff  }
0x3a8: {  	v51 =	vadd.s32 s30, v45;
	vm12 =	vgt.s32 v26, v0;
	v26 =	vadd.s32 s16, v43  }
0x3a9: {  	v54 =	vadd.s32 s10, v11;
	[tilespmem:v48+s24+$0x0] =	vst.idx.msk vm2, v31;
	v31 =	vadd.s32 s1, v43;
	v13 =	vmul.f32 v13, v18  }
0x3aa: {  	v58 =	vadd.s32 s0, v44;
	v56 =	vadd.s32 s9, v43;
	v36 =	vld.idx.msk [tilespmem:v50+s14+$0x0], $0xffff;
	v28 =	vmul.f32 v28, v20  }
0x3ab: {  	v25 =	vadd.s32 s3, v15;
	v59 =	vadd.s32 s2, v45;
	v12 =	vld.idx.msk [tilespmem:v12+s14+$0x0], $0xffff;
	[tilespmem:v52+s24+$0x0] =	vst.idx.msk $0xffff, v13;
	v13 =	vmul.f32 v34, v22  }
0x3ac: {  	v55 =	vmov s19;
	v61 =	vadd.s32 s16, v44;
	v14 =	vld.idx.msk [tilespmem:v14+s14+$0x0], $0xffff;
	[tilespmem:v29+s24+$0x0] =	vst.idx.msk $0xffff, v28;
	v28 =	vmul.f32 v30, v23  }
0x3ad: {  	vm5 =	vgt.u32 v55, v0;
	v29 =	vadd.s32 s6, v43;
	v30 =	vmov s20;
	v26 =	vld.idx.msk [tilespmem:v26+s14+$0x0], $0xffff;
	[tilespmem:v53+s24+$0x0] =	vst.idx.msk $0xffff, v13  }
0x3ae: {  	v13 =	vadd.s32 s7, v44;
	vm6 =	vgt.u32 v30, v0;
	v30 =	vmov s29;
	v31 =	vld.idx.msk [tilespmem:v31+s14+$0x0], $0xffff;
	[tilespmem:v54+s24+$0x0] =	vst.idx.msk $0xffff, v28  }
0x3af: {  	v28 =	vadd.s32 s17, v43;
	vm7 =	vgt.u32 v30, v0;
	v30 =	vmov s31;
	v60 =	vld.idx.msk [tilespmem:v56+s14+$0x0], $0xffff  }
0x3b0: {  	v62 =	vadd.s32 s13, v43;
	v12 =	vmul.f32 v12, v17;
	vm8 =	vgt.u32 v30, v0  }
0x3b1: {  	v63 =	vadd.s32 s10, v43;
	v30 =	vadd.s32 s1, v44;
	v14 =	vmul.f32 v14, v18  }
0x3b2: {  	[tilespmem:v58+s24+$0x0] =	vst.idx.msk vm12, v12;
	v12 =	vmul.f32 v36, v16;
	v36 =	vadd.s32 s9, v44;
	v26 =	vmul.f32 v26, v20  }
0x3b3: {  	s23 =	sadd.s32 $0xFFFFFFF0, s19;
	v57 =	vadd.s32 s15, v15;
	v27 =	vmov s12;
	[tilespmem:v29+s24+$0x0] =	vst.idx.msk vm5, v14;
	v14 =	vmul.f32 v31, v22  }
0x3b4: {  	s25 =	sadd.s32 $0xFFFFFFF0, s20;
	vm2 =	vgt.s32 v27, v0;
	v31 =	vmov s23;
	v13 =	vld.idx.msk [tilespmem:v13+s14+$0x0], $0xffff;
	[tilespmem:v28+s24+$0x0] =	vst.idx.msk vm6, v26;
	v26 =	vmul.f32 v60, v23  }
0x3b5: {  	s26 =	sadd.s32 $0xFFFFFFF0, s29;
	vm13 =	vgt.s32 v31, v0;
	v28 =	vadd.s32 s6, v44;
	v31 =	vmov s25;
	v41 =	vld.idx.msk [tilespmem:v61+s14+$0x0], $0xffff;
	[tilespmem:v62+s24+$0x0] =	vst.idx.msk vm7, v14  }
0x3b6: {  	s4 =	sadd.s32 $0xFFFFFFF0, s31;
	v14 =	vadd.s32 s7, v45;
	vm14 =	vgt.s32 v31, v0;
	v31 =	vmov s26;
	v30 =	vld.idx.msk [tilespmem:v30+s14+$0x0], $0xffff;
	[tilespmem:v63+s24+$0x0] =	vst.idx.msk vm8, v26  }
0x3b7: {  	s22 =	sadd.s32 $0xFFFFFFE0, s18;
	v26 =	vadd.s32 s17, v44;
	vm15 =	vgt.s32 v31, v0;
	v31 =	vmov s4;
	v33 =	vld.idx.msk [tilespmem:v36+s14+$0x0], $0xffff  }
0x3b8: {  	v43 =	vadd.s32 s13, v44;
	v29 =	vmov s22;
	vm9 =	vgt.s32 v31, v0  }
0x3b9: {  	v27 =	vld.idx.msk [tilespmem:v59+s14+$0x0], $0xffff;
	v44 =	vadd.s32 s10, v44;
	v31 =	vadd.s32 s1, v45;
	v13 =	vmul.f32 v13, v18  }
0x3ba: {  	s11 =	sadd.s32 $0xFFFFFFE0, s29;
	s12 =	sadd.s32 $0xFFFFFFE0, s31;
	[tilespmem:v51+s24+$0x0] =	vst.idx.msk vm3, v12;
	vm3 =	vgt.s32 v29, v0;
	v29 =	vadd.s32 s9, v45;
	v12 =	vmul.f32 v41, v20  }
0x3bb: {  	s5 =	sadd.s32 $0xFFFFFFE0, s19;
	v49 =	vmov s12;
	v48 =	vmov s11;
	v32 =	vld.idx.msk [tilespmem:v57+s14+$0x0], $0xffff;
	[tilespmem:v28+s24+$0x0] =	vst.idx.msk vm13, v13;
	v28 =	vmul.f32 v30, v22  }
0x3bc: {  	s8 =	sadd.s32 $0xFFFFFFE0, s20;
	v46 =	vadd.s32 s0, v45;
	v30 =	vmov s5;
	v14 =	vld.idx.msk [tilespmem:v14+s14+$0x0], $0xffff;
	[tilespmem:v26+s24+$0x0] =	vst.idx.msk vm14, v12;
	v12 =	vmul.f32 v33, v23  }
0x3bd: {  	v47 =	vmov s8;
	v50 =	vadd.s32 s16, v15;
	vm10 =	vgt.s32 v30, v0;
	v30 =	vld.idx.msk [tilespmem:v42+s14+$0x0], $0xffff;
	[tilespmem:v43+s24+$0x0] =	vst.idx.msk vm15, v28  }
0x3be: {  	vm11 =	vgt.s32 v47, v0;
	v13 =	vadd.s32 s2, v15;
	v26 =	vadd.s32 s6, v45;
	v31 =	vld.idx.msk [tilespmem:v31+s14+$0x0], $0xffff;
	[tilespmem:v44+s24+$0x0] =	vst.idx.msk vm9, v12  }
0x3bf: {  	vm12 =	vgt.s32 v48, v0;
	v28 =	vadd.s32 s7, v15;
	v12 =	vadd.s32 s17, v45;
	v29 =	vld.idx.msk [tilespmem:v29+s14+$0x0], $0xffff  }
0x3c0: {  	v51 =	vadd.s32 s13, v45;
	v27 =	vmul.f32 v27, v17;
	vm13 =	vgt.s32 v49, v0  }
0x3c1: {  	v52 =	vadd.s32 s1, v15;
	v53 =	vadd.s32 s10, v45;
	v14 =	vmul.f32 v14, v18  }
0x3c2: {  	s15 =	sadd.s32 $0xFFFFFFD0, s18;
	v54 =	vadd.s32 s9, v15;
	[tilespmem:v46+s24+$0x0] =	vst.idx.msk vm3, v27;
	v27 =	vadd.s32 s30, v15;
	v30 =	vmul.f32 v30, v20  }
0x3c3: {  	s16 =	sadd.s32 $0xFFFFFFD0, s19;
	v13 =	vld.idx.msk [tilespmem:v13+s14+$0x0], $0xffff;
	[tilespmem:v26+s24+$0x0] =	vst.idx.msk vm10, v14;
	v14 =	vmul.f32 v32, v16;
	v16 =	vmov s15;
	v26 =	vmul.f32 v31, v22  }
0x3c4: {  	s18 =	sadd.s32 $0xFFFFFFD0, s20;
	[tilespmem:v12+s24+$0x0] =	vst.idx.msk vm11, v30;
	vm3 =	vgt.s32 v16, v0;
	v12 =	vmov s16;
	v16 =	vld.idx.msk [tilespmem:v28+s14+$0x0], $0xffff;
	v28 =	vmul.f32 v29, v23  }
0x3c5: {  	s19 =	sadd.s32 $0xFFFFFFD0, s29;
	v29 =	vadd.s32 s0, v15;
	[tilespmem:v51+s24+$0x0] =	vst.idx.msk vm12, v26;
	vm14 =	vgt.s32 v12, v0;
	v12 =	vmov s18;
	v26 =	vld.idx.msk [tilespmem:v50+s14+$0x0], $0xffff  }
0x3c6: {  	s20 =	sadd.s32 $0xFFFFFFD0, s31;
	v30 =	vadd.s32 s6, v15;
	[tilespmem:v53+s24+$0x0] =	vst.idx.msk vm13, v28;
	vm15 =	vgt.s32 v12, v0;
	v12 =	vmov s19;
	v28 =	vld.idx.msk [tilespmem:v52+s14+$0x0], $0xffff  }
0x3c7: {  	[tilespmem:v24+s24+$0x0] =	vst.idx.msk vm0, v21;
	v21 =	vadd.s32 s17, v15;
	vm0 =	vgt.s32 v12, v0;
	v12 =	vmov s20;
	v24 =	vld.idx.msk [tilespmem:v54+s14+$0x0], $0xffff  }
0x3c8: {  	[tilespmem:v25+s24+$0x0] =	vst.idx.msk vm1, v19;
	v13 =	vmul.f32 v13, v17;
	v17 =	vadd.s32 s13, v15;
	vm1 =	vgt.s32 v12, v0  }
0x3c9: {  	s21 =	simm.s32 $0x40;
	[tilespmem:v27+s24+$0x0] =	vst.idx.msk vm2, v14;
	v14 =	vadd.s32 s10, v15;
	v12 =	vmul.f32 v16, v18  }
0x3ca: {  	v16 =	vadd.s32 s21, v0;
	[tilespmem:v29+s24+$0x0] =	vst.idx.msk vm3, v13;
	v13 =	vmul.f32 v26, v20  }
0x3cb: {  	[tilespmem:v30+s24+$0x0] =	vst.idx.msk vm14, v12;
	v12 =	vmul.f32 v28, v22  }
0x3cc: {  	[tilespmem:v21+s24+$0x0] =	vst.idx.msk vm15, v13;
	v13 =	vmul.f32 v24, v23  }
0x3cd: {  	[tilespmem:v17+s24+$0x0] =	vst.idx.msk vm0, v12  }
0x3ce: {  	[tilespmem:v14+s24+$0x0] =	vst.idx.msk vm1, v13  }
0x3cf: {  	v12 =	vld.idx.msk [tilespmem:v16+s14+$0x0], $0xffff;
	_ =	sdelay $0x2  }
0x3d0: {  	s16 =	simm.s32 $0x3820  }
0x3d1: {  	v13 =	vadd.s32 s16, v0  }
0x3d2: {  	v14 =	vadd.s32 s21, v1;
	v22 =	vbroadcast v12, $0x0;
	_ =	sdelay $0x1  }
0x3d3: {  	s15 =	simm.s32 $0x41;
	v12 =	vmul.f32 v22, v12  }
0x3d4: {  	v16 =	vadd.s32 s15, v0  }
0x3d5: {  	[tilespmem:v13+s24+$0x0] =	vst.idx.msk $0xffff, v12  }
0x3d6: {  	v12 =	vld.idx.msk [tilespmem:v14+s14+$0x0], $0xffff;
	_ =	sdelay $0x1  }
0x3d7: {  	v13 =	vadd.s32 s16, v1  }
0x3d8: {  	v14 =	vld.idx.msk [tilespmem:v16+s14+$0x0], $0xffff;
	v16 =	vadd.s32 s21, v2;
	_ =	sdelay $0x1  }
0x3d9: {  	v12 =	vmul.f32 v12, v22  }
0x3da: {  	s8 =	simm.s32 $0x38E0  }
0x3db: {  	[tilespmem:v13+s24+$0x0] =	vst.idx.msk $0xffff, v12;
	v12 =	vadd.s32 s8, v0  }
0x3dc: {  	v20 =	vbroadcast v14, $0x0;
	v13 =	vadd.s32 s15, v1;
	v16 =	vld.idx.msk [tilespmem:v16+s14+$0x0], $0xffff  }
0x3dd: {  	s9 =	simm.s32 $0x42  }
0x3de: {  	v18 =	vadd.s32 s16, v2;
	v17 =	vadd.s32 s9, v0;
	v14 =	vmul.f32 v20, v14  }
0x3df: {  	v19 =	vadd.s32 s21, v3  }
0x3e0: {  	[tilespmem:v12+s24+$0x0] =	vst.idx.msk $0xffff, v14  }
0x3e1: {  	v12 =	vld.idx.msk [tilespmem:v13+s14+$0x0], $0xffff;
	v13 =	vmul.f32 v16, v22;
	_ =	sdelay $0x1  }
0x3e2: {  	v14 =	vld.idx.msk [tilespmem:v17+s14+$0x0], $0xffff;
	v16 =	vadd.s32 s8, v1;
	[tilespmem:v18+s24+$0x0] =	vst.idx.msk $0xffff, v13  }
0x3e3: {  	v17 =	vadd.s32 s15, v2;
	v13 =	vld.idx.msk [tilespmem:v19+s14+$0x0], $0xffff;
	_ =	sdelay $0x1  }
0x3e4: {  	v18 =	vadd.s32 s16, v3;
	v12 =	vmul.f32 v12, v20  }
0x3e5: {  	s0 =	simm.s32 $0x399F;
	v19 =	vadd.s32 s21, v4  }
0x3e6: {  	[tilespmem:v16+s24+$0x0] =	vst.idx.msk $0xffff, v12;
	v12 =	vadd.s32 s0, v0  }
0x3e7: {  	v21 =	vadd.s32 s9, v1;
	v16 =	vbroadcast v14, $0x0;
	v17 =	vld.idx.msk [tilespmem:v17+s14+$0x0], $0xffff;
	v13 =	vmul.f32 v13, v22  }
0x3e8: {  	s2 =	simm.s32 $0x43  }
0x3e9: {  	v14 =	vmul.f32 v16, v14;
	[tilespmem:v18+s24+$0x0] =	vst.idx.msk $0xffff, v13;
	v13 =	vadd.s32 s2, v0;
	v18 =	vadd.s32 s8, v2  }
0x3ea: {  	v23 =	vadd.s32 s15, v3;
	v19 =	vld.idx.msk [tilespmem:v19+s14+$0x0], $0xffff  }
0x3eb: {  	[tilespmem:v12+s24+$0x0] =	vst.idx.msk $0xffff, v14  }
0x3ec: {  	v12 =	vld.idx.msk [tilespmem:v21+s14+$0x0], $0xffff;
	v14 =	vmul.f32 v17, v20;
	v17 =	vadd.s32 s16, v4  }
0x3ed: {  	v21 =	vadd.s32 s21, v5  }
0x3ee: {  	v24 =	vadd.s32 s0, v1;
	v13 =	vld.idx.msk [tilespmem:v13+s14+$0x0], $0xffff;
	[tilespmem:v18+s24+$0x0] =	vst.idx.msk $0xffff, v14  }
0x3ef: {  	v14 =	vld.idx.msk [tilespmem:v23+s14+$0x0], $0xffff;
	v18 =	vmul.f32 v19, v22;
	v19 =	vadd.s32 s9, v2;
	_ =	sdelay $0x1  }
0x3f0: {  	v12 =	vmul.f32 v12, v16;
	[tilespmem:v17+s24+$0x0] =	vst.idx.msk $0xffff, v18;
	v18 =	vadd.s32 s8, v3  }
0x3f1: {  	s1 =	simm.s32 $0x3A5D;
	v23 =	vadd.s32 s15, v4;
	v21 =	vld.idx.msk [tilespmem:v21+s14+$0x0], $0xffff  }
0x3f2: {  	v25 =	vadd.s32 s16, v5;
	[tilespmem:v24+s24+$0x0] =	vst.idx.msk $0xffff, v12;
	v12 =	vadd.s32 s1, v0  }
0x3f3: {  	v24 =	vadd.s32 s2, v1;
	v17 =	vbroadcast v13, $0x0;
	v19 =	vld.idx.msk [tilespmem:v19+s14+$0x0], $0xffff;
	v14 =	vmul.f32 v14, v20  }
0x3f4: {  	s6 =	simm.s32 $0x44;
	v26 =	vadd.s32 s21, v6  }
0x3f5: {  	v13 =	vmul.f32 v17, v13;
	[tilespmem:v18+s24+$0x0] =	vst.idx.msk $0xffff, v14;
	v14 =	vadd.s32 s6, v0;
	v18 =	vadd.s32 s0, v2  }
0x3f6: {  	v27 =	vadd.s32 s9, v3;
	v23 =	vld.idx.msk [tilespmem:v23+s14+$0x0], $0xffff;
	v21 =	vmul.f32 v21, v22  }
0x3f7: {  	[tilespmem:v12+s24+$0x0] =	vst.idx.msk $0xffff, v13  }
0x3f8: {  	v12 =	vld.idx.msk [tilespmem:v24+s14+$0x0], $0xffff;
	[tilespmem:v25+s24+$0x0] =	vst.idx.msk $0xffff, v21;
	v13 =	vmul.f32 v19, v16;
	v19 =	vadd.s32 s8, v4  }
0x3f9: {  	v24 =	vadd.s32 s15, v5;
	v21 =	vld.idx.msk [tilespmem:v26+s14+$0x0], $0xffff  }
0x3fa: {  	v25 =	vadd.s32 s1, v1;
	v14 =	vld.idx.msk [tilespmem:v14+s14+$0x0], $0xffff;
	[tilespmem:v18+s24+$0x0] =	vst.idx.msk $0xffff, v13  }
0x3fb: {  	v26 =	vadd.s32 s2, v2;
	v13 =	vld.idx.msk [tilespmem:v27+s14+$0x0], $0xffff;
	v18 =	vmul.f32 v23, v20;
	v23 =	vadd.s32 s16, v6  }
0x3fc: {  	v27 =	vadd.s32 s21, v7  }
0x3fd: {  	v12 =	vmul.f32 v12, v17;
	[tilespmem:v19+s24+$0x0] =	vst.idx.msk $0xffff, v18;
	v19 =	vadd.s32 s0, v3  }
0x3fe: {  	s3 =	simm.s32 $0x3B1A;
	v24 =	vld.idx.msk [tilespmem:v24+s14+$0x0], $0xffff;
	v18 =	vmul.f32 v21, v22;
	v21 =	vadd.s32 s9, v4  }
0x3ff: {  	[tilespmem:v25+s24+$0x0] =	vst.idx.msk $0xffff, v12;
	v12 =	vadd.s32 s3, v0;
	v25 =	vadd.s32 s6, v1  }
0x400: {  	[tilespmem:v23+s24+$0x0] =	vst.idx.msk $0xffff, v18;
	v18 =	vbroadcast v14, $0x0;
	v23 =	vld.idx.msk [tilespmem:v26+s14+$0x0], $0xffff;
	v13 =	vmul.f32 v13, v16;
	v26 =	vadd.s32 s8, v5  }
0x401: {  	s7 =	simm.s32 $0x45;
	v28 =	vadd.s32 s15, v6;
	v27 =	vld.idx.msk [tilespmem:v27+s14+$0x0], $0xffff  }
0x402: {  	v14 =	vmul.f32 v18, v14;
	[tilespmem:v19+s24+$0x0] =	vst.idx.msk $0xffff, v13;
	v13 =	vadd.s32 s7, v0;
	v19 =	vadd.s32 s1, v2  }
0x403: {  	v29 =	vadd.s32 s2, v3;
	v30 =	vadd.s32 s16, v7;
	v21 =	vld.idx.msk [tilespmem:v21+s14+$0x0], $0xffff;
	v24 =	vmul.f32 v24, v20  }
0x404: {  	[tilespmem:v12+s24+$0x0] =	vst.idx.msk $0xffff, v14;
	v12 =	vadd.s32 s21, v8  }
0x405: {  	v14 =	vld.idx.msk [tilespmem:v25+s14+$0x0], $0xffff;
	[tilespmem:v26+s24+$0x0] =	vst.idx.msk $0xffff, v24;
	v23 =	vmul.f32 v23, v17;
	v24 =	vadd.s32 s0, v4  }
0x406: {  	v25 =	vld.idx.msk [tilespmem:v28+s14+$0x0], $0xffff;
	v27 =	vmul.f32 v27, v22  }
0x407: {  	v26 =	vadd.s32 s9, v5;
	v28 =	vadd.s32 s3, v1;
	v13 =	vld.idx.msk [tilespmem:v13+s14+$0x0], $0xffff;
	[tilespmem:v19+s24+$0x0] =	vst.idx.msk $0xffff, v23  }
0x408: {  	v23 =	vld.idx.msk [tilespmem:v29+s14+$0x0], $0xffff;
	v19 =	vmul.f32 v21, v16;
	v21 =	vadd.s32 s8, v6;
	[tilespmem:v30+s24+$0x0] =	vst.idx.msk $0xffff, v27  }
0x409: {  	v27 =	vadd.s32 s6, v2;
	v29 =	vmov s21;
	v30 =	vadd.s32 s15, v7;
	v12 =	vld.idx.msk [tilespmem:v12+s14+$0x0], $0xffff  }
0x40a: {  	vm0 =	vgt.u32 v29, v0;
	v14 =	vmul.f32 v14, v18;
	[tilespmem:v24+s24+$0x0] =	vst.idx.msk $0xffff, v19;
	v24 =	vadd.s32 s1, v3  }
0x40b: {  	s5 =	simm.s32 $0x3BD6;
	v29 =	vadd.s32 s16, v8;
	v19 =	vmul.f32 v25, v20;
	v25 =	vadd.s32 s2, v4  }
0x40c: {  	v31 =	vadd.s32 s21, v9;
	v26 =	vld.idx.msk [tilespmem:v26+s14+$0x0], $0xffff;
	[tilespmem:v28+s24+$0x0] =	vst.idx.msk $0xffff, v14;
	v14 =	vadd.s32 s5, v0  }
0x40d: {  	s31 =	simm.s32 $0x3F;
	v28 =	vadd.s32 s7, v1;
	[tilespmem:v21+s24+$0x0] =	vst.idx.msk $0xffff, v19;
	v19 =	vbroadcast v13, $0x0;
	v23 =	vmul.f32 v23, v17  }
0x40e: {  	v56 =	vmov s31;
	v21 =	vld.idx.msk [tilespmem:v27+s14+$0x0], $0xffff;
	v27 =	vadd.s32 s0, v5;
	v12 =	vmul.f32 v12, v22  }
0x40f: {  	s11 =	simm.s32 $0x46;
	v60 =	vadd.s32 s8, v8;
	v55 =	vadd.s32 s9, v6;
	v30 =	vld.idx.msk [tilespmem:v30+s14+$0x0], $0xffff;
	v13 =	vmul.f32 v19, v13;
	[tilespmem:v24+s24+$0x0] =	vst.idx.msk $0xffff, v23  }
0x410: {  	v23 =	vadd.s32 s11, v0;
	v24 =	vadd.s32 s3, v2;
	v25 =	vld.idx.msk [tilespmem:v25+s14+$0x0], $0xffff;
	[tilespmem:v29+s24+$0x0] =	vst.idx.msk vm0, v12  }
0x411: {  	s22 =	simm.s32 $0x30;
	v26 =	vmul.f32 v26, v16;
	v12 =	vadd.s32 s6, v3;
	v29 =	vadd.s32 s8, v7;
	[tilespmem:v14+s24+$0x0] =	vst.idx.msk $0xffff, v13;
	v13 =	vld.idx.msk [tilespmem:v31+s14+$0x0], $0xffff  }
0x412: {  	v62 =	vadd.s32 s11, v1;
	v14 =	vadd.s32 s15, v8;
	v31 =	vmov s22;
	v28 =	vld.idx.msk [tilespmem:v28+s14+$0x0], $0xffff  }
0x413: {  	[tilespmem:v27+s24+$0x0] =	vst.idx.msk $0xffff, v26;
	v21 =	vmul.f32 v21, v18;
	v26 =	vadd.s32 s1, v4;
	vm0 =	vgt.s32 v31, v0  }
0x414: {  	s26 =	simm.s32 $0x10;
	v57 =	vadd.s32 s16, v9;
	v31 =	vadd.s32 s2, v5;
	v27 =	vld.idx.msk [tilespmem:v55+s14+$0x0], $0xffff;
	v30 =	vmul.f32 v30, v20  }
0x415: {  	v35 =	vmov s26;
	v23 =	vld.idx.msk [tilespmem:v23+s14+$0x0], $0xffff;
	[tilespmem:v24+s24+$0x0] =	vst.idx.msk $0xffff, v21;
	v24 =	vadd.s32 s21, v10  }
0x416: {  	v58 =	vadd.s32 s7, v2;
	v21 =	vadd.s32 s5, v1;
	v12 =	vld.idx.msk [tilespmem:v12+s14+$0x0], $0xffff;
	v25 =	vmul.f32 v25, v17;
	[tilespmem:v29+s24+$0x0] =	vst.idx.msk $0xffff, v30  }
0x417: {  	v59 =	vadd.s32 s15, v9;
	v29 =	vadd.s32 s0, v6;
	v14 =	vld.idx.msk [tilespmem:v14+s14+$0x0], $0xffff;
	v13 =	vmul.f32 v13, v22  }
0x418: {  	s23 =	simm.s32 $0x20;
	vm1 =	vgt.u32 v56, v0;
	[tilespmem:v26+s24+$0x0] =	vst.idx.msk $0xffff, v25;
	v25 =	vadd.s32 s9, v7;
	v26 =	vadd.s32 s3, v3  }
0x419: {  	s13 =	simm.s32 $0x3C91;
	v30 =	vmov s23;
	v28 =	vmul.f32 v28, v19;
	v31 =	vld.idx.msk [tilespmem:v31+s14+$0x0], $0xffff;
	[tilespmem:v57+s24+$0x0] =	vst.idx.msk vm0, v13;
	v13 =	vadd.s32 s6, v4  }
0x41a: {  	v61 =	vadd.s32 s13, v0;
	v27 =	vmul.f32 v27, v16;
	vm0 =	vgt.s32 v30, v0;
	v36 =	vld.idx.msk [tilespmem:v24+s14+$0x0], $0xffff  }
0x41b: {  	v30 =	vadd.s32 s1, v5;
	[tilespmem:v21+s24+$0x0] =	vst.idx.msk $0xffff, v28;
	v21 =	vbroadcast v23, $0x0;
	v12 =	vmul.f32 v12, v18  }
0x41c: {  	v63 =	vadd.s32 s2, v6;
	v41 =	vadd.s32 s16, v10;
	[tilespmem:v29+s24+$0x0] =	vst.idx.msk $0xffff, v27;
	v39 =	vld.idx.msk [tilespmem:v58+s14+$0x0], $0xffff;
	v14 =	vmul.f32 v14, v20  }
0x41d: {  	s28 =	simm.s32 $0x8700;
	v33 =	vadd.s32 s5, v2;
	s19 =	simm.s32 $0x47;
	v28 =	vadd.s32 s21, v11;
	v24 =	vld.idx.msk [tilespmem:v25+s14+$0x0], $0xffff;
	v25 =	vmul.f32 v21, v23;
	[tilespmem:v26+s24+$0x0] =	vst.idx.msk $0xffff, v12  }
0x41e: {  	s12 =	simm.s32 $0x39;
	s29 =	simm.s32 $0x3D;
	s25 =	simm.s32 $0x2F;
	v34 =	vadd.s32 s7, v3;
	v23 =	vadd.s32 s19, v0;
	v27 =	vld.idx.msk [tilespmem:v13+s14+$0x0], $0xffff;
	v13 =	vmul.f32 v31, v17;
	[tilespmem:v60+s24+$0x0] =	vst.idx.msk vm1, v14  }
0x41f: {  	s26 =	simm.s32 $0x3A;
	s30 =	simm.s32 $0x3E;
	s17 =	simm.s32 $0x47;
	v32 =	vadd.s32 s3, v4;
	v29 =	vadd.s32 s0, v7;
	[tilespmem:v61+s24+$0x0] =	vst.idx.msk $0xffff, v25;
	v25 =	vld.idx.msk [tilespmem:v59+s14+$0x0], $0xffff;
	v14 =	vmul.f32 v36, v22  }
0x420: {  	s18 =	simm.s32 $0x8A;
	s20 =	simm.s32 $0x12DE;
	s22 =	simm.s32 $0x38;
	v12 =	vmov s25;
	v36 =	vld.idx.msk [tilespmem:v62+s14+$0x0], $0xffff;
	[tilespmem:v30+s24+$0x0] =	vst.idx.msk $0xffff, v13;
	v30 =	vadd.s32 s9, v8  }
0x421: {  	s21 =	simm.s32 $0x4600;
	v26 =	vmov s30;
	s25 =	simm.s32 $0x3C;
	vm1 =	vgt.s32 v12, v0;
	v37 =	vmul.f32 v39, v19;
	v31 =	vld.idx.msk [tilespmem:v63+s14+$0x0], $0xffff;
	[tilespmem:v41+s24+$0x0] =	vst.idx.msk vm0, v14;
	s24 =	simm.s32 $0x3B  }
.LBB2_13:
0x422: {  	p0 =	sne.s32 s22, $0x1;
	v12 =	vadd.s32 s6, v5;
	v13 =	vmul.f32 v24, v16;
	v14 =	vadd.s32 s8, v9;
	v24 =	vld.idx.msk [tilespmem:v28+s14+$0x0], $0xffff;
	s23 =	smov.u32 s24;
	s24 =	smov.u32 s26  }
0x423: {  	v28 =	vadd.s32 s13, v1;
	s4 =	sadd.s32 $0xFFFFFFE0, s31;
	vm3 =	vgt.s32 v35, v0;
	s26 =	smov.u32 s12;
	s12 =	smov.u32 s22;
	v23 =	vld.idx.msk [tilespmem:v23+s14+$0x0], $0xffff;
	[tilespmem:v33+s28+$0x0] =	vst.idx.msk $0xffff, v37;
	v33 =	vadd.s32 s15, v10  }
0x424: {  	v35 =	vadd.s32 s1, v6;
	v27 =	vmul.f32 v27, v18;
	v34 =	vld.idx.msk [tilespmem:v34+s14+$0x0], $0xffff;
	[tilespmem:v29+s28+$0x0] =	vst.idx.msk $0xffff, v13;
	v13 =	vmov s4  }
0x425: {  	s18 =	sadd.s32 $0x2, s18;
	v37 =	vadd.s32 s16, v11;
	s16 =	smov.u32 s8;
	s8 =	smov.u32 s0;
	v29 =	vadd.s32 s11, v2;
	v25 =	vmul.f32 v25, v20;
	v30 =	vld.idx.msk [tilespmem:v30+s14+$0x0], $0xffff  }
0x426: {  	vm2 =	vgt.u32 v26, v0;
	s20 =	sadd.s32 s18, s20;
	s0 =	smov.u32 s1;
	s1 =	smov.u32 s3;
	v36 =	vmul.f32 v36, v21;
	[tilespmem:v32+s28+$0x0] =	vst.idx.msk $0xffff, v27;
	v27 =	vadd.s32 s2, v7  }
0x427: {  	s21 =	sadd.s32 $0x100, s21;
	v26 =	vadd.s32 s5, v3;
	s3 =	smov.u32 s5;
	s4 =	sshrl.u32 s20, $0x1;
	v31 =	vmul.f32 v31, v17;
	v32 =	vadd.s32 s9, v9;
	v12 =	vld.idx.msk [tilespmem:v12+s14+$0x0], $0xffff;
	[tilespmem:v14+s28+$0x0] =	vst.idx.msk vm1, v25  }
0x428: {  	s5 =	smov.u32 s13;
	s13 =	ssub.s32 s21, s4;
	v14 =	vadd.s32 s7, v4;
	v25 =	vadd.s32 s8, v8;
	v24 =	vmul.f32 v24, v22;
	[tilespmem:v28+s28+$0x0] =	vst.idx.msk $0xffff, v36;
	v36 =	vld.idx.msk [tilespmem:v33+s14+$0x0], $0xffff  }
0x429: {  	v39 =	vadd.s32 s19, v1;
	vm0 =	vgt.s32 v13, v0;
	v38 =	vadd.s32 s13, v0;
	v22 =	vmovc v20;
	[tilespmem:v35+s28+$0x0] =	vst.idx.msk $0xffff, v31  }
0x42a: {  	v13 =	vbroadcast v23, $0x0;
	v28 =	vmul.f32 v34, v19;
	v35 =	vadd.s32 s1, v5;
	v31 =	vld.idx.msk [tilespmem:v29+s14+$0x0], $0xffff;
	[tilespmem:v37+s28+$0x0] =	vst.idx.msk vm3, v24  }
0x42b: {  	v40 =	vadd.s32 s6, v6;
	v41 =	vadd.s32 s16, v10;
	s4 =	sadd.s32 $0xFFFFFFF0, s30;
	v20 =	vmovc v16;
	v29 =	vmul.f32 v30, v16;
	v16 =	vmovc v17;
	v24 =	vld.idx.msk [tilespmem:v27+s14+$0x0], $0xffff  }
.Ltmp6:
0x42c: {  	s19 =	sadd.s32 $0x1, s19;
	v30 =	vmul.f32 v13, v23;
	v37 =	vmov s4;
	v17 =	vmovc v18;
	v18 =	vmovc v19;
	[tilespmem:v26+s28+$0x0] =	vst.idx.msk $0xffff, v28;
	v28 =	vadd.s32 s15, v11;
	s15 =	smov.u32 s9;
	(pc) =	sbr.rel @p0 .LBB2_13-.Ltmp6, $4  }
0x42d: {  	v33 =	vadd.s32 s5, v2;
	v23 =	vadd.s32 s19, v0;
	v12 =	vmul.f32 v12, v17;
	s9 =	smov.u32 s2;
	s2 =	smov.u32 s6;
	s6 =	smov.u32 s7;
	v27 =	vld.idx.msk [tilespmem:v14+s14+$0x0], $0xffff;
	[tilespmem:v25+s28+$0x0] =	vst.idx.msk vm2, v29  }
0x42e: {  	v34 =	vadd.s32 s11, v3;
	s7 =	smov.u32 s11;
	s11 =	smov.u32 s17;
	s17 =	smov.u32 s19;
	v29 =	vadd.s32 s0, v7;
	v14 =	vmul.f32 v36, v22;
	[tilespmem:v38+s28+$0x0] =	vst.idx.msk $0xffff, v30;
	v25 =	vld.idx.msk [tilespmem:v32+s14+$0x0], $0xffff  }
0x42f: {  	s4 =	sadd.s32 $0xFFFFFFD0, s31;
	v19 =	vmovc v21;
	s31 =	smov.u32 s30;
	s30 =	smov.u32 s29;
	vm1 =	vgt.s32 v37, v0;
	v26 =	vmov s29;
	v30 =	vadd.s32 s9, v8;
	v36 =	vld.idx.msk [tilespmem:v39+s14+$0x0], $0xffff;
	[tilespmem:v35+s28+$0x0] =	vst.idx.msk $0xffff, v12  }
0x430: {  	s22 =	sadd.s32 $0xFFFFFFFF, s22;
	v21 =	vmovc v13;
	s29 =	smov.u32 s25;
	s25 =	smov.u32 s23;
	v32 =	vadd.s32 s3, v4;
	v37 =	vmul.f32 v31, v19;
	v35 =	vmov s4;
	v31 =	vld.idx.msk [tilespmem:v40+s14+$0x0], $0xffff;
	[tilespmem:v41+s28+$0x0] =	vst.idx.msk vm0, v14  }
0x431: {  	_ =	sdelay $0x3  }
0x432: {  	v12 =	vld.idx.msk [tilespmem:v23+s14+$0x0], $0xffff;
	s4 =	sadd.s32 $0x2, s18  }
0x433: {  	s4 =	sadd.s32 s4, s20  }
0x434: {  	s10 =	sadd.s32 $0x100, s21;
	s4 =	sshrl.u32 s4, $0x1  }
0x435: {  	s18 =	ssub.s32 s10, s4  }
0x436: {  	v13 =	vadd.s32 s18, v0  }
0x437: {  	v14 =	vadd.s32 s19, v1;
	v23 =	vbroadcast v12, $0x0;
	_ =	sdelay $0x1  }
0x438: {  	v12 =	vmul.f32 v23, v12;
	_ =	sdelay $0x1  }
0x439: {  	[tilespmem:v13+s28+$0x0] =	vst.idx.msk $0xffff, v12  }
0x43a: {  	v12 =	vld.idx.msk [tilespmem:v14+s14+$0x0], $0xffff  }
0x43b: {  	v13 =	vadd.s32 s13, v1  }
0x43c: {  	v38 =	vadd.s32 s18, v1;
	v14 =	vadd.s32 s11, v2  }
0x43d: {  	v39 =	vadd.s32 s17, v2  }
0x43e: {  	v36 =	vmul.f32 v36, v21  }
0x43f: {  	v12 =	vmul.f32 v12, v23  }
0x440: {  	[tilespmem:v13+s28+$0x0] =	vst.idx.msk $0xffff, v36  }
0x441: {  	v13 =	vld.idx.msk [tilespmem:v14+s14+$0x0], $0xffff;
	[tilespmem:v38+s28+$0x0] =	vst.idx.msk $0xffff, v12  }
0x442: {  	v12 =	vld.idx.msk [tilespmem:v39+s14+$0x0], $0xffff  }
0x443: {  	v14 =	vadd.s32 s13, v2  }
0x444: {  	v51 =	vadd.s32 s11, v3;
	v52 =	vadd.s32 s18, v2  }
0x445: {  	v53 =	vadd.s32 s17, v3  }
0x446: {  	[tilespmem:v33+s28+$0x0] =	vst.idx.msk $0xffff, v37;
	v13 =	vmul.f32 v13, v21  }
0x447: {  	v33 =	vld.idx.msk [tilespmem:v34+s14+$0x0], $0xffff;
	v12 =	vmul.f32 v12, v23  }
0x448: {  	[tilespmem:v14+s28+$0x0] =	vst.idx.msk $0xffff, v13  }
0x449: {  	v13 =	vld.idx.msk [tilespmem:v51+s14+$0x0], $0xffff;
	[tilespmem:v52+s28+$0x0] =	vst.idx.msk $0xffff, v12;
	v12 =	vadd.s32 s5, v3  }
0x44a: {  	v54 =	vadd.s32 s7, v4;
	v14 =	vld.idx.msk [tilespmem:v53+s14+$0x0], $0xffff  }
0x44b: {  	v55 =	vadd.s32 s13, v3  }
0x44c: {  	v56 =	vadd.s32 s11, v4;
	v57 =	vadd.s32 s18, v3;
	v33 =	vmul.f32 v33, v19  }
0x44d: {  	v58 =	vadd.s32 s17, v4  }
0x44e: {  	v59 =	vadd.s32 s8, v9;
	v13 =	vmul.f32 v13, v21;
	[tilespmem:v12+s28+$0x0] =	vst.idx.msk $0xffff, v33  }
0x44f: {  	v60 =	vadd.s32 s1, v6;
	v61 =	vadd.s32 s2, v7;
	v12 =	vmul.f32 v14, v23;
	v33 =	vld.idx.msk [tilespmem:v54+s14+$0x0], $0xffff  }
0x450: {  	v40 =	vadd.s32 s5, v4;
	v41 =	vadd.s32 s7, v5;
	[tilespmem:v55+s28+$0x0] =	vst.idx.msk $0xffff, v13;
	v14 =	vadd.s32 s6, v5  }
0x451: {  	v42 =	vadd.s32 s13, v4;
	v62 =	vadd.s32 s17, v5;
	v13 =	vmul.f32 v24, v16;
	v37 =	vld.idx.msk [tilespmem:v56+s14+$0x0], $0xffff;
	[tilespmem:v57+s28+$0x0] =	vst.idx.msk $0xffff, v12  }
0x452: {  	vm2 =	vgt.u32 v26, v0;
	v26 =	vadd.s32 s0, v8;
	v27 =	vmul.f32 v27, v18;
	v39 =	vld.idx.msk [tilespmem:v58+s14+$0x0], $0xffff  }
0x453: {  	v28 =	vld.idx.msk [tilespmem:v28+s14+$0x0], $0xffff;
	v44 =	vadd.s32 s3, v5;
	v46 =	vadd.s32 s13, v5;
	[tilespmem:v29+s28+$0x0] =	vst.idx.msk $0xffff, v13;
	v13 =	vmul.f32 v31, v17  }
0x454: {  	[tilespmem:v32+s28+$0x0] =	vst.idx.msk $0xffff, v27;
	v29 =	vadd.s32 s11, v5;
	v31 =	vadd.s32 s18, v4;
	v27 =	vmul.f32 v33, v19  }
0x455: {  	s19 =	sadd.s32 $0xFFFFFFE0, s31;
	v48 =	vadd.s32 s11, v6;
	v50 =	vadd.s32 s17, v6;
	v25 =	vmul.f32 v25, v20;
	[tilespmem:v60+s28+$0x0] =	vst.idx.msk $0xffff, v13;
	v14 =	vld.idx.msk [tilespmem:v14+s14+$0x0], $0xffff  }
0x456: {  	v63 =	vmov s19;
	v12 =	vadd.s32 s15, v10;
	v43 =	vld.idx.msk [tilespmem:v61+s14+$0x0], $0xffff;
	v13 =	vmul.f32 v37, v21;
	[tilespmem:v40+s28+$0x0] =	vst.idx.msk $0xffff, v27  }
0x457: {  	vm3 =	vgt.s32 v63, v0;
	v63 =	vadd.s32 s0, v9;
	v27 =	vmul.f32 v39, v23;
	v45 =	vld.idx.msk [tilespmem:v41+s14+$0x0], $0xffff  }
0x458: {  	v22 =	vmul.f32 v28, v22;
	v28 =	vadd.s32 s1, v7;
	v30 =	vld.idx.msk [tilespmem:v30+s14+$0x0], $0xffff;
	[tilespmem:v42+s28+$0x0] =	vst.idx.msk $0xffff, v13;
	v13 =	vadd.s32 s6, v6  }
0x459: {  	v29 =	vld.idx.msk [tilespmem:v29+s14+$0x0], $0xffff;
	[tilespmem:v31+s28+$0x0] =	vst.idx.msk $0xffff, v27;
	v27 =	vadd.s32 s2, v8;
	v31 =	vadd.s32 s5, v5  }
0x45a: {  	v49 =	vadd.s32 s18, v5;
	[tilespmem:v59+s28+$0x0] =	vst.idx.msk vm1, v25;
	v25 =	vadd.s32 s7, v6;
	v14 =	vmul.f32 v14, v18;
	v32 =	vld.idx.msk [tilespmem:v62+s14+$0x0], $0xffff  }
0x45b: {  	v59 =	vadd.s32 s18, v6;
	v51 =	vadd.s32 s9, v9;
	v12 =	vld.idx.msk [tilespmem:v12+s14+$0x0], $0xffff;
	v47 =	vmul.f32 v43, v17  }
0x45c: {  	v52 =	vadd.s32 s8, v10;
	v53 =	vmov s29;
	[tilespmem:v44+s28+$0x0] =	vst.idx.msk $0xffff, v14;
	v14 =	vmul.f32 v45, v19  }
0x45d: {  	vm1 =	vgt.u32 v53, v0;
	v53 =	vmov s26;
	v30 =	vmul.f32 v30, v16;
	[tilespmem:v28+s28+$0x0] =	vst.idx.msk $0xffff, v47;
	v13 =	vld.idx.msk [tilespmem:v13+s14+$0x0], $0xffff  }
0x45e: {  	v24 =	vadd.s32 s16, v11;
	v28 =	vmul.f32 v29, v21;
	v29 =	vadd.s32 s15, v11;
	v27 =	vld.idx.msk [tilespmem:v27+s14+$0x0], $0xffff;
	[tilespmem:v31+s28+$0x0] =	vst.idx.msk $0xffff, v14  }
0x45f: {  	v55 =	vadd.s32 s1, v8;
	v54 =	vadd.s32 s3, v6;
	[tilespmem:v26+s28+$0x0] =	vst.idx.msk vm2, v30;
	v14 =	vmul.f32 v32, v23;
	v25 =	vld.idx.msk [tilespmem:v25+s14+$0x0], $0xffff  }
0x460: {  	v57 =	vadd.s32 s13, v6;
	v58 =	vadd.s32 s11, v7;
	v12 =	vmul.f32 v12, v20;
	[tilespmem:v46+s28+$0x0] =	vst.idx.msk $0xffff, v28  }
0x461: {  	vm6 =	vgt.u32 v53, v0;
	v26 =	vadd.s32 s5, v6;
	v28 =	vadd.s32 s6, v7;
	v56 =	vld.idx.msk [tilespmem:v48+s14+$0x0], $0xffff;
	[tilespmem:v49+s28+$0x0] =	vst.idx.msk $0xffff, v14  }
0x462: {  	s20 =	sadd.s32 $0xFFFFFFF0, s30;
	v61 =	vadd.s32 s17, v7;
	[tilespmem:v52+s28+$0x0] =	vst.idx.msk vm3, v12;
	v12 =	vmul.f32 v13, v18;
	v13 =	vadd.s32 s7, v7;
	v30 =	vld.idx.msk [tilespmem:v50+s14+$0x0], $0xffff  }
0x463: {  	s21 =	sadd.s32 $0xFFFFFFD0, s31;
	v43 =	vadd.s32 s9, v10;
	v31 =	vmov s20;
	v29 =	vld.idx.msk [tilespmem:v29+s14+$0x0], $0xffff;
	v27 =	vmul.f32 v27, v17  }
0x464: {  	s22 =	sadd.s32 $0xFFFFFFE0, s30;
	v60 =	vmov s21;
	vm2 =	vgt.s32 v31, v0;
	v31 =	vld.idx.msk [tilespmem:v51+s14+$0x0], $0xffff;
	[tilespmem:v54+s28+$0x0] =	vst.idx.msk $0xffff, v12;
	v12 =	vmul.f32 v25, v19  }
0x465: {  	v62 =	vmov s22;
	v47 =	vadd.s32 s13, v7;
	v44 =	vadd.s32 s5, v7;
	[tilespmem:v55+s28+$0x0] =	vst.idx.msk vm1, v27  }
0x466: {  	v45 =	vmov s25;
	vm3 =	vgt.s32 v62, v0;
	v28 =	vld.idx.msk [tilespmem:v28+s14+$0x0], $0xffff;
	v27 =	vmul.f32 v56, v21;
	[tilespmem:v26+s28+$0x0] =	vst.idx.msk $0xffff, v12  }
0x467: {  	vm4 =	vgt.u32 v45, v0;
	v52 =	vmov s24;
	v12 =	vmul.f32 v30, v23;
	v13 =	vld.idx.msk [tilespmem:v13+s14+$0x0], $0xffff  }
0x468: {  	v14 =	vadd.s32 s2, v9;
	v20 =	vmul.f32 v29, v20;
	v29 =	vadd.s32 s3, v7;
	[tilespmem:v57+s28+$0x0] =	vst.idx.msk $0xffff, v27  }
0x469: {  	v62 =	vadd.s32 s0, v10;
	v30 =	vmul.f32 v31, v16;
	v31 =	vld.idx.msk [tilespmem:v58+s14+$0x0], $0xffff;
	[tilespmem:v59+s28+$0x0] =	vst.idx.msk $0xffff, v12;
	v12 =	vadd.s32 s6, v8  }
0x46a: {  	v45 =	vadd.s32 s13, v9;
	v46 =	vadd.s32 s7, v8;
	v48 =	vadd.s32 s11, v8;
	v32 =	vld.idx.msk [tilespmem:v61+s14+$0x0], $0xffff  }
0x46b: {  	s23 =	sadd.s32 $0xFFFFFFF0, s29;
	v51 =	vadd.s32 s2, v10;
	v49 =	vadd.s32 s18, v7;
	v28 =	vmul.f32 v28, v18  }
0x46c: {  	v50 =	vadd.s32 s1, v9;
	v26 =	vmov s23;
	[tilespmem:v63+s28+$0x0] =	vst.idx.msk vm2, v30;
	v13 =	vmul.f32 v13, v19  }
0x46d: {  	v25 =	vadd.s32 s8, v11;
	v14 =	vld.idx.msk [tilespmem:v14+s14+$0x0], $0xffff;
	vm2 =	vgt.s32 v26, v0;
	v26 =	vadd.s32 s17, v8;
	[tilespmem:v29+s28+$0x0] =	vst.idx.msk $0xffff, v28  }
0x46e: {  	s31 =	sadd.s32 $0xFFFFFFE0, s29;
	vm1 =	vgt.s32 v60, v0;
	v55 =	vmov s12;
	v28 =	vmul.f32 v31, v21;
	v12 =	vld.idx.msk [tilespmem:v12+s14+$0x0], $0xffff;
	[tilespmem:v44+s28+$0x0] =	vst.idx.msk $0xffff, v13  }
0x46f: {  	v56 =	vadd.s32 s7, v9;
	v60 =	vmov s31;
	v13 =	vmul.f32 v32, v23;
	v34 =	vld.idx.msk [tilespmem:v46+s14+$0x0], $0xffff  }
0x470: {  	vm5 =	vgt.u32 v52, v0;
	v27 =	vadd.s32 s9, v11;
	v30 =	vld.idx.msk [tilespmem:v43+s14+$0x0], $0xffff;
	[tilespmem:v47+s28+$0x0] =	vst.idx.msk $0xffff, v28;
	v28 =	vadd.s32 s3, v8  }
0x471: {  	vm7 =	vgt.u32 v55, v0;
	v31 =	vadd.s32 s6, v9;
	v54 =	vld.idx.msk [tilespmem:v48+s14+$0x0], $0xffff;
	[tilespmem:v49+s28+$0x0] =	vst.idx.msk $0xffff, v13;
	v13 =	vadd.s32 s5, v8  }
0x472: {  	v57 =	vadd.s32 s13, v8;
	v58 =	vadd.s32 s11, v9;
	v14 =	vmul.f32 v14, v17;
	v26 =	vld.idx.msk [tilespmem:v26+s14+$0x0], $0xffff  }
0x473: {  	s30 =	sadd.s32 $0xFFFFFFD0, s30;
	v59 =	vadd.s32 s18, v8;
	v61 =	vadd.s32 s17, v9;
	v12 =	vmul.f32 v12, v18  }
0x474: {  	v43 =	vadd.s32 s5, v9;
	v29 =	vmov s30;
	[tilespmem:v50+s28+$0x0] =	vst.idx.msk vm2, v14;
	v14 =	vmul.f32 v34, v19  }
0x475: {  	s8 =	sadd.s32 $0xFFFFFFF0, s25;
	v44 =	vadd.s32 s7, v10;
	vm2 =	vgt.s32 v29, v0;
	v29 =	vadd.s32 s3, v9;
	[tilespmem:v28+s28+$0x0] =	vst.idx.msk vm4, v12  }
0x476: {  	s9 =	sadd.s32 $0xFFFFFFF0, s24;
	v63 =	vmov s8;
	v12 =	vmul.f32 v54, v21;
	v28 =	vmul.f32 v30, v16;
	v30 =	vld.idx.msk [tilespmem:v31+s14+$0x0], $0xffff;
	[tilespmem:v13+s28+$0x0] =	vst.idx.msk vm5, v14  }
0x477: {  	vm4 =	vgt.s32 v63, v0;
	v31 =	vmov s9;
	v13 =	vmul.f32 v26, v23;
	v14 =	vld.idx.msk [tilespmem:v56+s14+$0x0], $0xffff  }
0x478: {  	s10 =	sadd.s32 $0xFFFFFFF0, s26;
	v46 =	vadd.s32 s18, v9;
	v47 =	vadd.s32 s1, v10;
	[tilespmem:v57+s28+$0x0] =	vst.idx.msk vm6, v12;
	vm5 =	vgt.s32 v31, v0  }
0x479: {  	s15 =	sadd.s32 $0xFFFFFFF0, s12;
	v26 =	vmov s10;
	v31 =	vld.idx.msk [tilespmem:v58+s14+$0x0], $0xffff;
	[tilespmem:v59+s28+$0x0] =	vst.idx.msk vm7, v13;
	v13 =	vadd.s32 s6, v10  }
0x47a: {  	v50 =	vadd.s32 s13, v10;
	v12 =	vmov s15;
	vm6 =	vgt.s32 v26, v0;
	v26 =	vld.idx.msk [tilespmem:v61+s14+$0x0], $0xffff  }
0x47b: {  	v48 =	vadd.s32 s2, v11;
	vm7 =	vgt.s32 v12, v0;
	v12 =	vmul.f32 v30, v18  }
0x47c: {  	v40 =	vld.idx.msk [tilespmem:v51+s14+$0x0], $0xffff;
	v51 =	vadd.s32 s18, v10;
	[tilespmem:v62+s28+$0x0] =	vst.idx.msk vm3, v28;
	v30 =	vadd.s32 s11, v10;
	v14 =	vmul.f32 v14, v19  }
0x47d: {  	s16 =	sadd.s32 $0xFFFFFFE0, s25;
	v49 =	vadd.s32 s7, v11;
	v28 =	vadd.s32 s17, v10;
	v27 =	vld.idx.msk [tilespmem:v27+s14+$0x0], $0xffff;
	[tilespmem:v29+s28+$0x0] =	vst.idx.msk vm4, v12  }
0x47e: {  	s19 =	sadd.s32 $0xFFFFFFE0, s24;
	vm3 =	vgt.s32 v60, v0;
	v12 =	vmul.f32 v31, v21;
	v31 =	vmov s16;
	v13 =	vld.idx.msk [tilespmem:v13+s14+$0x0], $0xffff;
	[tilespmem:v43+s28+$0x0] =	vst.idx.msk vm5, v14  }
0x47f: {  	vm4 =	vgt.s32 v31, v0;
	v31 =	vmov s19;
	v14 =	vmul.f32 v26, v23;
	v32 =	vld.idx.msk [tilespmem:v44+s14+$0x0], $0xffff  }
0x480: {  	s20 =	sadd.s32 $0xFFFFFFE0, s26;
	v26 =	vadd.s32 s3, v10;
	[tilespmem:v45+s28+$0x0] =	vst.idx.msk vm6, v12;
	v12 =	vadd.s32 s6, v11;
	vm5 =	vgt.s32 v31, v0  }
0x481: {  	vm0 =	vgt.s32 v35, v0;
	s21 =	sadd.s32 $0xFFFFFFE0, s12;
	v31 =	vmov s20;
	v30 =	vld.idx.msk [tilespmem:v30+s14+$0x0], $0xffff;
	[tilespmem:v46+s28+$0x0] =	vst.idx.msk vm7, v14;
	v14 =	vadd.s32 s5, v10  }
0x482: {  	v29 =	vmul.f32 v40, v17;
	vm6 =	vgt.s32 v31, v0;
	v31 =	vmov s21;
	v28 =	vld.idx.msk [tilespmem:v28+s14+$0x0], $0xffff  }
0x483: {  	s22 =	sadd.s32 $0xFFFFFFD0, s29;
	v16 =	vmul.f32 v27, v16;
	vm7 =	vgt.s32 v31, v0;
	v13 =	vmul.f32 v13, v18  }
0x484: {  	v27 =	vmov s22;
	[tilespmem:v47+s28+$0x0] =	vst.idx.msk vm3, v29;
	v31 =	vadd.s32 s11, v11;
	v29 =	vmul.f32 v32, v19  }
0x485: {  	v53 =	vadd.s32 s17, v11;
	v52 =	vadd.s32 s0, v11;
	s23 =	sadd.s32 $0xFFFFFFD0, s25;
	vm3 =	vgt.s32 v27, v0;
	v34 =	vld.idx.msk [tilespmem:v48+s14+$0x0], $0xffff;
	[tilespmem:v26+s28+$0x0] =	vst.idx.msk vm4, v13  }
0x486: {  	s24 =	sadd.s32 $0xFFFFFFD0, s24;
	v27 =	vadd.s32 s1, v11;
	v13 =	vmul.f32 v30, v21;
	v26 =	vmov s23;
	v12 =	vld.idx.msk [tilespmem:v12+s14+$0x0], $0xffff;
	[tilespmem:v14+s28+$0x0] =	vst.idx.msk vm5, v29  }
0x487: {  	[tilespmem:v24+s28+$0x0] =	vst.idx.msk vm0, v22;
	vm4 =	vgt.s32 v26, v0;
	v26 =	vmov s24;
	v14 =	vmul.f32 v28, v23;
	v28 =	vld.idx.msk [tilespmem:v49+s14+$0x0], $0xffff  }
0x488: {  	s25 =	sadd.s32 $0xFFFFFFD0, s26;
	[tilespmem:v50+s28+$0x0] =	vst.idx.msk vm6, v13;
	v13 =	vadd.s32 s3, v11;
	vm5 =	vgt.s32 v26, v0  }
0x489: {  	s26 =	sadd.s32 $0xFFFFFFD0, s12;
	v26 =	vmov s25;
	v29 =	vld.idx.msk [tilespmem:v31+s14+$0x0], $0xffff;
	[tilespmem:v51+s28+$0x0] =	vst.idx.msk vm7, v14;
	v14 =	vadd.s32 s5, v11  }
0x48a: {  	v22 =	vmov s26;
	[tilespmem:v25+s28+$0x0] =	vst.idx.msk vm1, v20;
	v17 =	vmul.f32 v34, v17;
	vm0 =	vgt.s32 v26, v0;
	v24 =	vld.idx.msk [tilespmem:v53+s14+$0x0], $0xffff  }
0x48b: {  	v20 =	vadd.s32 s13, v11;
	vm1 =	vgt.s32 v22, v0;
	[tilespmem:v52+s28+$0x0] =	vst.idx.msk vm2, v16;
	v12 =	vmul.f32 v12, v18  }
0x48c: {  	v16 =	vadd.s32 s18, v11;
	s3 =	simm.s32 $0x80;
	[tilespmem:v27+s28+$0x0] =	vst.idx.msk vm3, v17;
	v17 =	vmul.f32 v28, v19  }
0x48d: {  	s9 =	simm.s32 $0x81;
	v18 =	vadd.s32 s3, v0;
	[tilespmem:v13+s28+$0x0] =	vst.idx.msk vm4, v12  }
0x48e: {  	v12 =	vmul.f32 v29, v21;
	[tilespmem:v14+s28+$0x0] =	vst.idx.msk vm5, v17;
	v14 =	vadd.s32 s9, v0  }
0x48f: {  	v13 =	vmul.f32 v24, v23  }
0x490: {  	[tilespmem:v20+s28+$0x0] =	vst.idx.msk vm0, v12  }
0x491: {  	[tilespmem:v16+s28+$0x0] =	vst.idx.msk vm1, v13  }
0x492: {  	v12 =	vld.idx.msk [tilespmem:v18+s14+$0x0], $0xffff  }
0x493: {  	s29 =	simm.s32 $0x80;
	s12 =	simm.s32 $0x2F;
	v14 =	vld.idx.msk [tilespmem:v14+s14+$0x0], $0xffff  }
0x494: {  	v55 =	vmov s12;
	s30 =	simm.s32 $0x7F;
	s10 =	simm.s32 $0x3F;
	v25 =	vadd.s32 s9, v2;
	v13 =	vmov s29  }
0x495: {  	s8 =	simm.s32 $0x6040;
	s15 =	simm.s32 $0x1F;
	v54 =	vmov s10;
	vm0 =	vgt.u32 v13, v0;
	v13 =	vmov s30  }
0x496: {  	v56 =	vmov s15;
	s11 =	simm.s32 $0x60C0;
	v18 =	vadd.s32 s8, v0;
	vm1 =	vgt.u32 v13, v0  }
0x497: {  	v19 =	vadd.s32 s11, v0;
	v13 =	vadd.s32 s3, v1;
	v16 =	vbroadcast v12, $0x0  }
0x498: {  	v61 =	vadd.s32 s8, v3;
	s16 =	simm.s32 $0x10;
	s22 =	simm.s32 $0x6D;
	v20 =	vadd.s32 s9, v1;
	v17 =	vbroadcast v14, $0x0  }
0x499: {  	v40 =	vmov s16;
	s19 =	simm.s32 $0x6E;
	v58 =	vmov s22;
	v12 =	vmul.f32 v16, v12  }
0x49a: {  	s12 =	simm.s32 $0x7C;
	s17 =	simm.s32 $0xF;
	v43 =	vadd.s32 s9, v3;
	v57 =	vmov s19;
	s19 =	simm.s32 $0x5B;
	v14 =	vmul.f32 v17, v14  }
0x49b: {  	s31 =	simm.s32 $0x70;
	v45 =	vmov s17;
	v52 =	vmov s12;
	s21 =	simm.s32 $0x5E;
	v37 =	vmov s19;
	[tilespmem:v18+s28+$0x0] =	vst.idx.msk vm0, v12  }
0x49c: {  	s2 =	simm.s32 $0x6F;
	v38 =	vmov s21;
	v12 =	vmov s31;
	v13 =	vld.idx.msk [tilespmem:v13+s14+$0x0], $0xffff;
	[tilespmem:v19+s28+$0x0] =	vst.idx.msk vm1, v14  }
0x49d: {  	s21 =	simm.s32 $0x4B;
	v59 =	vadd.s32 s11, v2;
	v18 =	vmov s2;
	vm0 =	vgt.u32 v12, v0;
	v19 =	vld.idx.msk [tilespmem:v20+s14+$0x0], $0xffff  }
0x49e: {  	s13 =	simm.s32 $0x20;
	v36 =	vmov s21;
	vm1 =	vgt.u32 v18, v0;
	v20 =	vadd.s32 s8, v1  }
0x49f: {  	v30 =	vmov s13;
	s13 =	simm.s32 $0x82;
	s23 =	simm.s32 $0x5D;
	v22 =	vadd.s32 s3, v2;
	v24 =	vadd.s32 s11, v1  }
0x4a0: {  	s24 =	simm.s32 $0x4E;
	v41 =	vmov s23;
	v60 =	vadd.s32 s13, v1;
	v27 =	vadd.s32 s8, v2  }
0x4a1: {  	s23 =	simm.s32 $0x3B;
	v33 =	vmov s24;
	v50 =	vadd.s32 s11, v3;
	v13 =	vmul.f32 v13, v16  }
0x4a2: {  	s18 =	simm.s32 $0x7E;
	s25 =	simm.s32 $0x4D;
	v35 =	vmov s23;
	v31 =	vadd.s32 s11, v4;
	v19 =	vmul.f32 v19, v17  }
0x4a3: {  	s0 =	simm.s32 $0x83;
	s1 =	simm.s32 $0x60;
	v26 =	vmov s18;
	v32 =	vmov s25;
	[tilespmem:v20+s28+$0x0] =	vst.idx.msk vm0, v13;
	v20 =	vadd.s32 s13, v0  }
0x4a4: {  	s4 =	simm.s32 $0x5F;
	v21 =	vmov s1;
	v13 =	vadd.s32 s0, v0;
	v22 =	vld.idx.msk [tilespmem:v22+s14+$0x0], $0xffff;
	[tilespmem:v24+s28+$0x0] =	vst.idx.msk vm1, v19  }
0x4a5: {  	v49 =	vadd.s32 s3, v4;
	v12 =	vmov s4;
	vm0 =	vgt.u32 v21, v0;
	v21 =	vld.idx.msk [tilespmem:v25+s14+$0x0], $0xffff  }
0x4a6: {  	s15 =	simm.s32 $0x6C;
	v39 =	vadd.s32 s3, v6;
	vm2 =	vgt.u32 v26, v0;
	vm1 =	vgt.u32 v12, v0  }
0x4a7: {  	s7 =	simm.s32 $0x30;
	v51 =	vadd.s32 s9, v4;
	v53 =	vmov s15;
	v12 =	vadd.s32 s3, v3  }
0x4a8: {  	v28 =	vadd.s32 s3, v5;
	v29 =	vmov s7;
	s1 =	simm.s32 $0x613F;
	vm4 =	vgt.s32 v56, v0;
	v44 =	vld.idx.msk [tilespmem:v20+s14+$0x0], $0xffff  }
0x4a9: {  	s10 =	simm.s32 $0x40;
	s20 =	simm.s32 $0x7D;
	vm5 =	vgt.u32 v57, v0;
	v62 =	vadd.s32 s1, v1;
	v13 =	vld.idx.msk [tilespmem:v13+s14+$0x0], $0xffff;
	v22 =	vmul.f32 v22, v16  }
0x4aa: {  	s5 =	simm.s32 $0x50;
	v57 =	vmov s10;
	v19 =	vmov s20;
	v20 =	vmul.f32 v21, v17  }
0x4ab: {  	s6 =	simm.s32 $0x4F;
	vm6 =	vgt.u32 v57, v0;
	v14 =	vmov s5;
	[tilespmem:v27+s28+$0x0] =	vst.idx.msk vm0, v22;
	vm0 =	vgt.u32 v19, v0  }
0x4ac: {  	v23 =	vmov s6;
	s2 =	simm.s32 $0x61BD;
	v12 =	vld.idx.msk [tilespmem:v12+s14+$0x0], $0xffff;
	[tilespmem:v59+s28+$0x0] =	vst.idx.msk vm1, v20;
	vm1 =	vgt.u32 v14, v0;
	v14 =	vadd.s32 s1, v0  }
0x4ad: {  	v57 =	vadd.s32 s0, v3;
	v21 =	vadd.s32 s2, v0;
	v26 =	vld.idx.msk [tilespmem:v43+s14+$0x0], $0xffff;
	v20 =	vbroadcast v44, $0x0  }
0x4ae: {  	vm3 =	vgt.u32 v23, v0;
	s29 =	simm.s32 $0x3D;
	s30 =	simm.s32 $0x2D;
	v22 =	vadd.s32 s0, v1;
	v19 =	vbroadcast v13, $0x0  }
0x4af: {  	v46 =	vmov s29;
	v48 =	vmov s30;
	s31 =	simm.s32 $0x1E;
	v44 =	vmul.f32 v20, v44  }
0x4b0: {  	s26 =	simm.s32 $0x2E;
	v18 =	vadd.s32 s11, v7;
	v23 =	vmov s31;
	s5 =	simm.s32 $0x1D;
	v13 =	vmul.f32 v19, v13  }
0x4b1: {  	v47 =	vmov s5;
	v24 =	vmov s26;
	s20 =	simm.s32 $0x4C;
	v12 =	vmul.f32 v12, v16;
	[tilespmem:v14+s28+$0x0] =	vst.idx.msk vm2, v44  }
0x4b2: {  	v25 =	vadd.s32 s13, v5;
	v34 =	vmov s20;
	[tilespmem:v21+s28+$0x0] =	vst.idx.msk vm0, v13;
	v14 =	vmul.f32 v26, v17;
	v42 =	vld.idx.msk [tilespmem:v60+s14+$0x0], $0xffff  }
0x4b3: {  	s16 =	simm.s32 $0x7B;
	v56 =	vadd.s32 s2, v1;
	s5 =	simm.s32 $0x84;
	v27 =	vadd.s32 s2, v4;
	v59 =	vadd.s32 s8, v4;
	v13 =	vld.idx.msk [tilespmem:v22+s14+$0x0], $0xffff;
	[tilespmem:v61+s28+$0x0] =	vst.idx.msk vm1, v12  }
0x4b4: {  	v43 =	vmov s16;
	v61 =	vadd.s32 s5, v0;
	v12 =	vld.idx.msk [tilespmem:v49+s14+$0x0], $0xffff;
	[tilespmem:v50+s28+$0x0] =	vst.idx.msk vm3, v14;
	vm3 =	vgt.u32 v58, v0  }
0x4b5: {  	vm7 =	vgt.u32 v43, v0;
	v21 =	vadd.s32 s2, v7;
	v14 =	vadd.s32 s13, v2;
	v63 =	vld.idx.msk [tilespmem:v51+s14+$0x0], $0xffff  }
0x4b6: {  	s18 =	simm.s32 $0x6B;
	vm0 =	vgt.s32 v55, v0;
	vm2 =	vgt.u32 v54, v0;
	v58 =	vadd.s32 s0, v2  }
0x4b7: {  	v55 =	vmov s18;
	v60 =	vadd.s32 s9, v5;
	v42 =	vmul.f32 v42, v20  }
0x4b8: {  	vm8 =	vgt.u32 v55, v0;
	v49 =	vadd.s32 s3, v7;
	s3 =	simm.s32 $0x85;
	v13 =	vmul.f32 v13, v19  }
0x4b9: {  	s6 =	simm.s32 $0xE;
	v44 =	vadd.s32 s2, v2;
	v50 =	vld.idx.msk [tilespmem:v61+s14+$0x0], $0xffff;
	v12 =	vmul.f32 v12, v16;
	[tilespmem:v62+s28+$0x0] =	vst.idx.msk vm5, v42;
	v62 =	vadd.s32 s3, v0  }
0x4ba: {  	s7 =	simm.s32 $0xD;
	v22 =	vmov s6;
	vm1 =	vgt.s32 v29, v0;
	v14 =	vld.idx.msk [tilespmem:v14+s14+$0x0], $0xffff;
	[tilespmem:v56+s28+$0x0] =	vst.idx.msk vm3, v13;
	v13 =	vmul.f32 v63, v17  }
0x4bb: {  	v26 =	vmov s7;
	s6 =	simm.s32 $0x62B6;
	v29 =	vadd.s32 s5, v5;
	vm5 =	vgt.u32 v38, v0;
	v54 =	vld.idx.msk [tilespmem:v58+s14+$0x0], $0xffff;
	[tilespmem:v59+s28+$0x0] =	vst.idx.msk vm6, v12  }
0x4bc: {  	s17 =	simm.s32 $0x5C;
	v55 =	vadd.s32 s6, v1;
	v12 =	vadd.s32 s1, v2;
	vm6 =	vgt.u32 v41, v0;
	v41 =	vld.idx.msk [tilespmem:v28+s14+$0x0], $0xffff;
	[tilespmem:v31+s28+$0x0] =	vst.idx.msk vm2, v13  }
0x4bd: {  	s22 =	simm.s32 $0x2C;
	v61 =	vadd.s32 s2, v3;
	v38 =	vmov s17;
	v13 =	vadd.s32 s13, v3;
	v56 =	vld.idx.msk [tilespmem:v60+s14+$0x0], $0xffff  }
0x4be: {  	v42 =	vmov s22;
	vm3 =	vgt.u32 v52, v0;
	v58 =	vadd.s32 s8, v5;
	v51 =	vld.idx.msk [tilespmem:v62+s14+$0x0], $0xffff  }
0x4bf: {  	s24 =	simm.s32 $0x2B;
	s25 =	simm.s32 $0x1C;
	v52 =	vadd.s32 s6, v0;
	v59 =	vadd.s32 s11, v5;
	v14 =	vmul.f32 v14, v20  }
0x4c0: {  	v31 =	vmov s24;
	v28 =	vmov s25;
	v54 =	vmul.f32 v54, v19  }
0x4c1: {  	s26 =	simm.s32 $0x1B;
	vm2 =	vgt.s32 v30, v0;
	v60 =	vadd.s32 s9, v6;
	[tilespmem:v12+s28+$0x0] =	vst.idx.msk vm5, v14;
	v12 =	vmul.f32 v41, v16  }
0x4c2: {  	s7 =	simm.s32 $0x623A;
	v30 =	vmov s26;
	v43 =	vbroadcast v50, $0x0;
	v13 =	vld.idx.msk [tilespmem:v13+s14+$0x0], $0xffff;
	[tilespmem:v44+s28+$0x0] =	vst.idx.msk vm6, v54;
	v63 =	vmul.f32 v56, v17  }
0x4c3: {  	v56 =	vadd.s32 s3, v1;
	v54 =	vld.idx.msk [tilespmem:v57+s14+$0x0], $0xffff;
	[tilespmem:v58+s28+$0x0] =	vst.idx.msk vm1, v12;
	v41 =	vbroadcast v51, $0x0;
	v12 =	vadd.s32 s7, v0  }
0x4c4: {  	v62 =	vadd.s32 s0, v4;
	vm5 =	vgt.u32 v33, v0;
	v58 =	vadd.s32 s5, v1;
	v57 =	vld.idx.msk [tilespmem:v39+s14+$0x0], $0xffff  }
0x4c5: {  	[tilespmem:v59+s28+$0x0] =	vst.idx.msk vm0, v63;
	v59 =	vadd.s32 s1, v3;
	vm0 =	vgt.u32 v32, v0;
	v32 =	vmul.f32 v41, v51  }
0x4c6: {  	s29 =	simm.s32 $0xC;
	v50 =	vmul.f32 v43, v50;
	v14 =	vadd.s32 s8, v6;
	v51 =	vld.idx.msk [tilespmem:v60+s14+$0x0], $0xffff;
	v60 =	vadd.s32 s13, v4  }
0x4c7: {  	v33 =	vmov s29;
	vm6 =	vgt.u32 v46, v0;
	vm1 =	vgt.s32 v45, v0;
	[tilespmem:v52+s28+$0x0] =	vst.idx.msk vm7, v32  }
0x4c8: {  	v44 =	vadd.s32 s6, v4;
	v13 =	vmul.f32 v13, v20;
	v52 =	vadd.s32 s11, v6;
	[tilespmem:v12+s28+$0x0] =	vst.idx.msk vm3, v50;
	v12 =	vld.idx.msk [tilespmem:v56+s14+$0x0], $0xffff  }
0x4c9: {  	v45 =	vadd.s32 s13, v6;
	v63 =	vadd.s32 s9, v7;
	v56 =	vld.idx.msk [tilespmem:v58+s14+$0x0], $0xffff;
	v58 =	vmul.f32 v57, v16  }
0x4ca: {  	s30 =	simm.s32 $0xB;
	v39 =	vadd.s32 s6, v7;
	vm7 =	vgt.u32 v53, v0;
	v50 =	vmul.f32 v54, v19;
	[tilespmem:v59+s28+$0x0] =	vst.idx.msk vm5, v13  }
0x4cb: {  	v32 =	vmov s30;
	v53 =	vadd.s32 s7, v1;
	v13 =	vmul.f32 v51, v17;
	v51 =	vld.idx.msk [tilespmem:v60+s14+$0x0], $0xffff;
	[tilespmem:v14+s28+$0x0] =	vst.idx.msk vm2, v58  }
0x4cc: {  	s31 =	simm.s32 $0x3E;
	vm3 =	vgt.s32 v40, v0;
	v40 =	vadd.s32 s13, v7;
	v54 =	vadd.s32 s5, v2;
	[tilespmem:v61+s28+$0x0] =	vst.idx.msk vm0, v50;
	v49 =	vld.idx.msk [tilespmem:v49+s14+$0x0], $0xffff  }
0x4cd: {  	s19 =	simm.s32 $0x3A;
	s15 =	simm.s32 $0x20E;
	s16 =	simm.s32 $0x8400;
	vm0 =	vgt.s32 v47, v0;
	v47 =	vadd.s32 s8, v7;
	v50 =	vld.idx.msk [tilespmem:v62+s14+$0x0], $0xffff;
	v14 =	vmov s31;
	[tilespmem:v52+s28+$0x0] =	vst.idx.msk vm4, v13  }
0x4ce: {  	s18 =	simm.s32 $0x8500;
	s17 =	simm.s32 $0x4494;
	s9 =	simm.s32 $0x4;
	vm2 =	vgt.s32 v48, v0;
	vm5 =	vgt.u32 v14, v0;
	v52 =	vadd.s32 s1, v4;
	v48 =	vld.idx.msk [tilespmem:v63+s14+$0x0], $0xffff  }
0x4cf: {  	s11 =	simm.s32 $0x20A;
	s13 =	simm.s32 $0x438C;
	s8 =	simm.s32 $0x3C;
	v57 =	vmul.f32 v12, v41;
	v58 =	vmul.f32 v56, v43;
	v56 =	vadd.s32 s3, v2  }
.LBB2_15:
0x4d0: {  	s4 =	sadd.s32 $0x82, s9;
	s21 =	sadd.s32 $0x83, s9;
	v12 =	vmul.f32 v51, v20  }
0x4d1: {  	s9 =	sadd.s32 $0x2, s9;
	[tilespmem:v53+s28+$0x0] =	vst.idx.msk vm7, v58;
	vm4 =	vgt.s32 v24, v0;
	v13 =	vadd.s32 s0, v5;
	s10 =	sadd.s32 $0x40, s19;
	v49 =	vmul.f32 v49, v16;
	s20 =	smov.u32 s5  }
0x4d2: {  	v24 =	vmovc v42;
	v16 =	vmovc v20;
	s12 =	sadd.s32 $0x3F, s19;
	v42 =	vmul.f32 v50, v19;
	s23 =	smov.u32 s1;
	v14 =	vadd.s32 s4, v0;
	v51 =	vadd.s32 s21, v0;
	p0 =	slt.u32 s9, $0x3E;
	v53 =	vld.idx.msk [tilespmem:v54+s14+$0x0], $0xffff  }
0x4d3: {  	v20 =	vmovc v43;
	v54 =	vmov s10;
	s10 =	sadd.s32 $0x30, s19;
	v50 =	vmul.f32 v48, v17;
	s5 =	smov.u32 s4;
	s4 =	sadd.s32 $0x20, s19;
	v43 =	vmov s12;
	[tilespmem:v55+s28+$0x0] =	vst.idx.msk vm8, v57  }
0x4d4: {  	vm7 =	vgt.u32 v38, v0;
	s1 =	smov.u32 s7;
	s12 =	sadd.s32 $0x1F, s19;
	v17 =	vmovc v19;
	v19 =	vmovc v41;
	v46 =	vmov s10;
	s10 =	sadd.s32 $0x2F, s19;
	v38 =	vmov s4;
	v55 =	vld.idx.msk [tilespmem:v56+s14+$0x0], $0xffff;
	[tilespmem:v47+s28+$0x0] =	vst.idx.msk vm3, v49  }
0x4d5: {  	s4 =	sadd.s32 $0x10, s19;
	v41 =	vmov s12;
	v48 =	vmov s10;
	v47 =	vadd.s32 s1, v2;
	[tilespmem:v52+s28+$0x0] =	vst.idx.msk vm5, v12  }
0x4d6: {  	s22 =	smov.u32 s8;
	s8 =	smov.u32 s19;
	vm3 =	vgt.u32 v37, v0;
	v37 =	vmovc v41;
	v41 =	vadd.s32 s20, v3;
	v12 =	vmov s4;
	v49 =	vld.idx.msk [tilespmem:v25+s14+$0x0], $0xffff;
	[tilespmem:v27+s28+$0x0] =	vst.idx.msk vm6, v42  }
0x4d7: {  	s4 =	sadd.s32 $0xF, s19;
	v52 =	vadd.s32 s6, v2;
	v25 =	vmov v29;
	v29 =	vadd.s32 s5, v5;
	v13 =	vld.idx.msk [tilespmem:v13+s14+$0x0], $0xffff;
	[tilespmem:v18+s28+$0x0] =	vst.idx.msk vm1, v50  }
0x4d8: {  	s7 =	sadd.s32 $0xFFFFFFF0, s19;
	s11 =	sadd.s32 $0x8, s11;
	v56 =	vadd.s32 s3, v3;
	v27 =	vmovc v44;
	v53 =	vmul.f32 v53, v20;
	v18 =	vmovc v21;
	v50 =	vld.idx.msk [tilespmem:v51+s14+$0x0], $0xffff;
	v51 =	vmov s4;
	s4 =	sadd.s32 $0xFFFFFFFF, s19  }
0x4d9: {  	s15 =	sadd.s32 $0x8, s15;
	s13 =	sadd.s32 s11, s13;
	v42 =	vmov s7;
	v44 =	vadd.s32 s23, v5;
	v21 =	vmovc v39;
	v14 =	vld.idx.msk [tilespmem:v14+s14+$0x0], $0xffff;
	v59 =	vmov s4;
	s4 =	sadd.s32 $0xFFFFFFEF, s19  }
0x4da: {  	s16 =	sadd.s32 $0x200, s16;
	s17 =	sadd.s32 s15, s17;
	s7 =	sadd.s32 $0xFFFFFFE0, s19;
	v39 =	vmul.f32 v55, v19;
	v55 =	vadd.s32 s2, v5;
	v57 =	vmov s4  }
0x4db: {  	s18 =	sadd.s32 $0x200, s18;
	vm5 =	vgt.s32 v23, v0;
	v23 =	vmovc v28;
	v28 =	vmov s7;
	s4 =	sadd.s32 $0xFFFFFFDF, s19;
	[tilespmem:v47+s28+$0x0] =	vst.idx.msk vm7, v53;
	v47 =	vadd.s32 s0, v6  }
0x4dc: {  	s7 =	sshrl.u32 s17, $0x1;
	vm1 =	vgt.u32 v54, v0;
	v58 =	vmov s4;
	v53 =	vld.idx.msk [tilespmem:v41+s14+$0x0], $0xffff;
	[tilespmem:v52+s28+$0x0] =	vst.idx.msk vm3, v39;
	v39 =	vmul.f32 v49, v16  }
0x4dd: {  	vm6 =	vgt.u32 v43, v0;
	s10 =	ssub.s32 s18, s7;
	s4 =	sshrl.u32 s13, $0x1;
	v52 =	vadd.s32 s23, v6;
	v13 =	vmul.f32 v13, v17;
	v49 =	vld.idx.msk [tilespmem:v56+s14+$0x0], $0xffff  }
0x4de: {  	v54 =	vadd.s32 s10, v0;
	s7 =	ssub.s32 s16, s4;
	vm3 =	vgt.u32 v34, v0;
	v34 =	vmovc v12;
	v56 =	vadd.s32 s21, v1;
	[tilespmem:v44+s28+$0x0] =	vst.idx.msk vm4, v39  }
0x4df: {  	v12 =	vadd.s32 s7, v0;
	v41 =	vbroadcast v50, $0x0;
	v43 =	vbroadcast v14, $0x0;
	v45 =	vld.idx.msk [tilespmem:v45+s14+$0x0], $0xffff;
	[tilespmem:v55+s28+$0x0] =	vst.idx.msk vm2, v13  }
0x4e0: {  	v13 =	vadd.s32 s5, v1;
	v55 =	vadd.s32 s1, v3;
	vm2 =	vgt.u32 v36, v0;
	v36 =	vmovc v51;
	v47 =	vld.idx.msk [tilespmem:v47+s14+$0x0], $0xffff  }
0x4e1: {  	v60 =	vadd.s32 s6, v3;
	v39 =	vmul.f32 v41, v50;
	v50 =	vadd.s32 s20, v4  }
0x4e2: {  	v61 =	vadd.s32 s3, v4;
	v44 =	vadd.s32 s10, v4;
	v14 =	vmul.f32 v43, v14  }
0x4e3: {  	s4 =	sadd.s32 $0xFFFFFFD0, s19;
	v51 =	vmul.f32 v53, v20;
	[tilespmem:v54+s28+$0x0] =	vst.idx.msk vm6, v39;
	v39 =	vadd.s32 s10, v7;
	v54 =	vadd.s32 s2, v6;
	s2 =	smov.u32 s6;
	s6 =	smov.u32 s10  }
0x4e4: {  	v49 =	vmul.f32 v49, v19;
	[tilespmem:v12+s28+$0x0] =	vst.idx.msk vm1, v14;
	v12 =	vmov s4;
	v14 =	vld.idx.msk [tilespmem:v56+s14+$0x0], $0xffff;
	s4 =	sadd.s32 $0xFFFFFFCF, s19;
	v56 =	vadd.s32 s0, v7;
	s0 =	smov.u32 s3;
	s3 =	smov.u32 s21  }
0x4e5: {  	v45 =	vmul.f32 v45, v16;
	vm1 =	vgt.s32 v26, v0;
	v13 =	vld.idx.msk [tilespmem:v13+s14+$0x0], $0xffff;
	v62 =	vmov s4;
	[tilespmem:v55+s28+$0x0] =	vst.idx.msk vm3, v51  }
0x4e6: {  	vm3 =	vgt.s32 v22, v0;
	v26 =	vmul.f32 v47, v17;
	v51 =	vld.idx.msk [tilespmem:v50+s14+$0x0], $0xffff;
	[tilespmem:v60+s28+$0x0] =	vst.idx.msk vm2, v49  }
0x4e7: {  	vm7 =	vgt.u32 v46, v0;
	v46 =	vadd.s32 s20, v7;
	v22 =	vmov v33;
	v50 =	vld.idx.msk [tilespmem:v61+s14+$0x0], $0xffff;
	[tilespmem:v52+s28+$0x0] =	vst.idx.msk vm5, v45  }
.Ltmp7:
0x4e8: {  	v53 =	vadd.s32 s7, v1;
	v47 =	vadd.s32 s23, v7;
	v49 =	vld.idx.msk [tilespmem:v40+s14+$0x0], $0xffff;
	[tilespmem:v54+s28+$0x0] =	vst.idx.msk vm0, v26;
	vm0 =	vgt.s32 v30, v0;
	(pc) =	sbr.rel @p0 .LBB2_15-.Ltmp7, $4  }
0x4e9: {  	vm8 =	vgt.u32 v48, v0;
	v33 =	vmovc v12;
	v45 =	vadd.s32 s20, v6;
	v54 =	vadd.s32 s5, v2;
	v30 =	vmovc v58;
	v48 =	vld.idx.msk [tilespmem:v56+s14+$0x0], $0xffff  }
0x4ea: {  	v55 =	vadd.s32 s6, v1;
	v12 =	vmov s22;
	vm2 =	vgt.s32 v31, v0;
	v31 =	vmovc v57;
	v26 =	vmovc v32  }
0x4eb: {  	vm5 =	vgt.u32 v12, v0;
	v40 =	vmovc v46;
	v56 =	vadd.s32 s3, v2;
	v32 =	vmovc v62;
	v58 =	vmul.f32 v13, v43  }
0x4ec: {  	vm6 =	vgt.u32 v35, v0;
	v35 =	vmovc v59;
	s19 =	sadd.s32 $0xFFFFFFFE, s19;
	v52 =	vadd.s32 s1, v4;
	v57 =	vmul.f32 v14, v41  }
0x4ed: {  	_ =	sdelay $0x4  }
0x4ee: {  	[tilespmem:v53+s28+$0x0] =	vst.idx.msk vm7, v58  }
0x4ef: {  	v12 =	vld.idx.msk [tilespmem:v54+s14+$0x0], $0xffff;
	[tilespmem:v55+s28+$0x0] =	vst.idx.msk vm8, v57  }
0x4f0: {  	vm4 =	vgt.u32 v38, v0;
	v13 =	vld.idx.msk [tilespmem:v56+s14+$0x0], $0xffff  }
0x4f1: {  	v14 =	vadd.s32 s7, v2;
	vm7 =	vgt.u32 v37, v0  }
0x4f2: {  	v60 =	vadd.s32 s5, v3;
	v61 =	vadd.s32 s6, v2  }
0x4f3: {  	v46 =	vadd.s32 s3, v3  }
0x4f4: {  	v12 =	vmul.f32 v12, v43  }
0x4f5: {  	v13 =	vmul.f32 v13, v41  }
0x4f6: {  	[tilespmem:v14+s28+$0x0] =	vst.idx.msk vm4, v12  }
0x4f7: {  	v12 =	vld.idx.msk [tilespmem:v60+s14+$0x0], $0xffff;
	[tilespmem:v61+s28+$0x0] =	vst.idx.msk vm7, v13  }
0x4f8: {  	vm4 =	vgt.u32 v34, v0;
	v13 =	vld.idx.msk [tilespmem:v46+s14+$0x0], $0xffff  }
0x4f9: {  	v14 =	vadd.s32 s7, v3;
	vm7 =	vgt.u32 v36, v0  }
0x4fa: {  	v62 =	vadd.s32 s5, v4;
	v63 =	vadd.s32 s6, v3  }
0x4fb: {  	v46 =	vadd.s32 s3, v4  }
0x4fc: {  	v12 =	vmul.f32 v12, v43  }
0x4fd: {  	v13 =	vmul.f32 v13, v41  }
0x4fe: {  	[tilespmem:v14+s28+$0x0] =	vst.idx.msk vm4, v12  }
0x4ff: {  	v12 =	vld.idx.msk [tilespmem:v62+s14+$0x0], $0xffff;
	[tilespmem:v63+s28+$0x0] =	vst.idx.msk vm7, v13;
	v13 =	vmov s8  }
0x500: {  	v14 =	vld.idx.msk [tilespmem:v46+s14+$0x0], $0xffff;
	vm4 =	vgt.u32 v13, v0  }
0x501: {  	v53 =	vadd.s32 s7, v4;
	vm7 =	vgt.u32 v35, v0;
	v13 =	vadd.s32 s0, v5  }
0x502: {  	v54 =	vmul.f32 v51, v20  }
0x503: {  	v55 =	vmul.f32 v50, v19;
	v56 =	vadd.s32 s3, v5  }
0x504: {  	[tilespmem:v52+s28+$0x0] =	vst.idx.msk vm5, v54;
	v12 =	vmul.f32 v12, v43  }
0x505: {  	[tilespmem:v27+s28+$0x0] =	vst.idx.msk vm6, v55;
	v25 =	vld.idx.msk [tilespmem:v25+s14+$0x0], $0xffff;
	v14 =	vmul.f32 v14, v41  }
0x506: {  	vm5 =	vgt.s32 v24, v0;
	v13 =	vld.idx.msk [tilespmem:v13+s14+$0x0], $0xffff;
	[tilespmem:v53+s28+$0x0] =	vst.idx.msk vm4, v12  }
0x507: {  	v12 =	vadd.s32 s1, v5;
	v24 =	vld.idx.msk [tilespmem:v29+s14+$0x0], $0xffff;
	[tilespmem:v44+s28+$0x0] =	vst.idx.msk vm7, v14  }
0x508: {  	vm4 =	vgt.s32 v42, v0;
	v14 =	vadd.s32 s2, v5;
	v27 =	vld.idx.msk [tilespmem:v56+s14+$0x0], $0xffff  }
0x509: {  	vm6 =	vgt.s32 v31, v0;
	v31 =	vadd.s32 s7, v5;
	v29 =	vadd.s32 s0, v6  }
0x50a: {  	v58 =	vadd.s32 s6, v5;
	v57 =	vadd.s32 s5, v6;
	v25 =	vmul.f32 v25, v20  }
0x50b: {  	v59 =	vadd.s32 s3, v6;
	v13 =	vmul.f32 v13, v19  }
0x50c: {  	[tilespmem:v12+s28+$0x0] =	vst.idx.msk vm5, v25;
	v12 =	vmul.f32 v24, v43  }
0x50d: {  	v24 =	vld.idx.msk [tilespmem:v45+s14+$0x0], $0xffff;
	[tilespmem:v14+s28+$0x0] =	vst.idx.msk vm2, v13;
	v13 =	vmul.f32 v27, v41  }
0x50e: {  	vm2 =	vgt.s32 v23, v0;
	v14 =	vld.idx.msk [tilespmem:v29+s14+$0x0], $0xffff;
	[tilespmem:v31+s28+$0x0] =	vst.idx.msk vm4, v12  }
0x50f: {  	v12 =	vadd.s32 s1, v6;
	v23 =	vld.idx.msk [tilespmem:v57+s14+$0x0], $0xffff;
	[tilespmem:v58+s28+$0x0] =	vst.idx.msk vm6, v13  }
0x510: {  	vm4 =	vgt.s32 v28, v0;
	v13 =	vadd.s32 s2, v6;
	v25 =	vld.idx.msk [tilespmem:v59+s14+$0x0], $0xffff  }
0x511: {  	vm5 =	vgt.s32 v30, v0;
	v27 =	vadd.s32 s0, v7;
	v28 =	vadd.s32 s7, v6  }
0x512: {  	v30 =	vadd.s32 s6, v6;
	v29 =	vadd.s32 s5, v7;
	v24 =	vmul.f32 v24, v20  }
0x513: {  	v31 =	vadd.s32 s3, v7;
	v14 =	vmul.f32 v14, v19  }
0x514: {  	[tilespmem:v12+s28+$0x0] =	vst.idx.msk vm2, v24;
	v12 =	vmul.f32 v23, v43  }
0x515: {  	v23 =	vld.idx.msk [tilespmem:v40+s14+$0x0], $0xffff;
	[tilespmem:v13+s28+$0x0] =	vst.idx.msk vm0, v14;
	v13 =	vmul.f32 v25, v41  }
0x516: {  	vm0 =	vgt.s32 v22, v0;
	v14 =	vld.idx.msk [tilespmem:v27+s14+$0x0], $0xffff;
	[tilespmem:v28+s28+$0x0] =	vst.idx.msk vm4, v12  }
0x517: {  	vm2 =	vgt.s32 v26, v0;
	v12 =	vadd.s32 s1, v7;
	v22 =	vld.idx.msk [tilespmem:v29+s14+$0x0], $0xffff;
	[tilespmem:v30+s28+$0x0] =	vst.idx.msk vm5, v13  }
0x518: {  	vm4 =	vgt.s32 v33, v0;
	v13 =	vmul.f32 v49, v16;
	v16 =	vld.idx.msk [tilespmem:v31+s14+$0x0], $0xffff  }
0x519: {  	v17 =	vmul.f32 v48, v17;
	v24 =	vadd.s32 s7, v7;
	vm5 =	vgt.s32 v32, v0  }
0x51a: {  	s17 =	simm.s32 $0xC2;
	[tilespmem:v47+s28+$0x0] =	vst.idx.msk vm3, v13;
	v13 =	vmul.f32 v23, v20  }
0x51b: {  	s21 =	simm.s32 $0xC1;
	[tilespmem:v18+s28+$0x0] =	vst.idx.msk vm1, v17;
	v17 =	vadd.s32 s17, v0;
	v14 =	vmul.f32 v14, v19  }
0x51c: {  	s5 =	simm.s32 $0xC3;
	[tilespmem:v12+s28+$0x0] =	vst.idx.msk vm0, v13;
	v13 =	vadd.s32 s21, v0;
	v12 =	vmul.f32 v22, v43  }
0x51d: {  	s6 =	simm.s32 $0xC0;
	[tilespmem:v21+s28+$0x0] =	vst.idx.msk vm2, v14;
	v14 =	vmul.f32 v16, v41;
	v16 =	vadd.s32 s5, v0  }
0x51e: {  	s13 =	simm.s32 $0x3D;
	[tilespmem:v24+s28+$0x0] =	vst.idx.msk vm4, v12;
	v12 =	vadd.s32 s6, v0  }
0x51f: {  	v18 =	vmov s13;
	[tilespmem:v39+s28+$0x0] =	vst.idx.msk vm5, v14  }
0x520: {  	s4 =	simm.s32 $0x3E;
	s20 =	simm.s32 $0xE;
	s22 =	simm.s32 $0x1D;
	vm1 =	vgt.u32 v18, v0;
	v17 =	vld.idx.msk [tilespmem:v17+s14+$0x0], $0xffff  }
0x521: {  	s12 =	simm.s32 $0x40;
	v18 =	vmov s4;
	v60 =	vmov s20;
	v61 =	vmov s22;
	v13 =	vld.idx.msk [tilespmem:v13+s14+$0x0], $0xffff  }
0x522: {  	s16 =	simm.s32 $0x3F;
	v62 =	vadd.s32 s17, v2;
	v63 =	vadd.s32 s21, v2;
	v14 =	vmov s12;
	v20 =	vld.idx.msk [tilespmem:v16+s14+$0x0], $0xffff  }
0x523: {  	s3 =	simm.s32 $0x78DF;
	vm3 =	vgt.u32 v18, v0;
	vm2 =	vgt.u32 v14, v0;
	v14 =	vmov s16;
	v12 =	vld.idx.msk [tilespmem:v12+s14+$0x0], $0xffff  }
0x524: {  	s0 =	simm.s32 $0x78A0;
	v26 =	vadd.s32 s6, v1;
	vm4 =	vgt.u32 v14, v0;
	v14 =	vadd.s32 s3, v0  }
0x525: {  	s1 =	simm.s32 $0x791D;
	v23 =	vadd.s32 s17, v1;
	v22 =	vadd.s32 s0, v0;
	v18 =	vbroadcast v17, $0x0  }
0x526: {  	s2 =	simm.s32 $0x7860;
	v29 =	vadd.s32 s21, v1;
	v24 =	vadd.s32 s1, v0;
	v16 =	vbroadcast v13, $0x0  }
0x527: {  	v28 =	vadd.s32 s2, v0;
	v31 =	vmul.f32 v18, v17;
	v17 =	vbroadcast v20, $0x0  }
0x528: {  	s15 =	simm.s32 $0x2D;
	s19 =	simm.s32 $0x1E;
	v27 =	vadd.s32 s5, v1;
	v13 =	vmul.f32 v16, v13;
	v19 =	vbroadcast v12, $0x0  }
0x529: {  	s24 =	simm.s32 $0x2E;
	v25 =	vmov s15;
	v30 =	vmov s19;
	[tilespmem:v14+s28+$0x0] =	vst.idx.msk vm3, v31;
	v14 =	vmul.f32 v17, v20  }
0x52a: {  	s25 =	simm.s32 $0x2F;
	v32 =	vadd.s32 s5, v2;
	[tilespmem:v22+s28+$0x0] =	vst.idx.msk vm4, v13;
	v22 =	vmov s24;
	v13 =	vld.idx.msk [tilespmem:v23+s14+$0x0], $0xffff;
	v12 =	vmul.f32 v19, v12  }
0x52b: {  	s18 =	simm.s32 $0x1F;
	vm0 =	vgt.s32 v30, v0;
	v30 =	vmov s25;
	v29 =	vld.idx.msk [tilespmem:v29+s14+$0x0], $0xffff;
	vm3 =	vgt.s32 v22, v0;
	[tilespmem:v24+s28+$0x0] =	vst.idx.msk vm1, v14  }
0x52c: {  	s30 =	simm.s32 $0x30;
	v21 =	vmov s18;
	vm6 =	vgt.s32 v30, v0;
	[tilespmem:v28+s28+$0x0] =	vst.idx.msk vm2, v12;
	v12 =	vadd.s32 s3, v1  }
0x52d: {  	s23 =	simm.s32 $0xD;
	s26 =	simm.s32 $0x10;
	v30 =	vmov s30;
	vm5 =	vgt.s32 v25, v0;
	v14 =	vld.idx.msk [tilespmem:v27+s14+$0x0], $0xffff;
	v28 =	vadd.s32 s0, v1  }
0x52e: {  	s29 =	simm.s32 $0xF;
	s9 =	simm.s32 $0x61C;
	p0 =	por $0x1, $0x1;
	v25 =	vadd.s32 s17, v3;
	v20 =	vmov s23;
	vm4 =	vgt.s32 v30, v0;
	v26 =	vld.idx.msk [tilespmem:v26+s14+$0x0], $0xffff  }
.Ltmp8:
0x52f: {  	s11 =	simm.s32 $0x9242;
	s31 =	simm.s32 $0x20;
	v30 =	vadd.s32 s2, v1;
	v31 =	vadd.s32 s6, v2;
	v13 =	vmul.f32 v13, v18;
	(pc) =	sbr.rel @!p0 .LBB2_18-.Ltmp8, $4  }
0x530: {  	s13 =	simm.s32 $0x614;
	s20 =	simm.s32 $0x99EA;
	s22 =	simm.s32 $0x954C;
	v23 =	vadd.s32 s3, v2;
	v22 =	vmov s26;
	v29 =	vmul.f32 v29, v16  }
0x531: {  	s8 =	simm.s32 $0xC200;
	s7 =	simm.s32 $0x624;
	s15 =	simm.s32 $0x60C;
	v24 =	vmov s29;
	vm1 =	vgt.s32 v60, v0;
	v27 =	vadd.s32 s1, v1;
	[tilespmem:v12+s28+$0x0] =	vst.idx.msk vm3, v13  }
0x532: {  	s19 =	simm.s32 $0xC500;
	s18 =	simm.s32 $0xC400;
	s17 =	simm.s32 $0xC700;
	vm2 =	vgt.s32 v61, v0;
	v12 =	vmov s31;
	[tilespmem:v28+s28+$0x0] =	vst.idx.msk vm6, v29;
	v33 =	vmul.f32 v14, v17;
	v28 =	vld.idx.msk [tilespmem:v62+s14+$0x0], $0xffff  }
0x533: {  	s16 =	simm.s32 $0x0;
	s23 =	simm.s32 $0x96D4;
	v34 =	vmul.f32 v26, v19;
	vm3 =	vgt.s32 v12, v0;
	v29 =	vld.idx.msk [tilespmem:v63+s14+$0x0], $0xffff;
	v26 =	vadd.s32 s21, v3;
	s21 =	simm.s32 $0x1C  }
.LBB2_17:
0x534: {  	s25 =	sadd.s32 $0xC6, s16;
	v12 =	vadd.s32 s2, v2;
	v13 =	vadd.s32 s0, v2;
	v14 =	vadd.s32 s1, v2  }
0x535: {  	[dreg:$0x6] =	wrdreg s1;
	s10 =	sadd.s32 $0xC4, s16;
	s24 =	sadd.s32 $0xC5, s16;
	v51 =	vadd.s32 s6, v3;
	vm6 =	vgt.s32 v21, v0;
	v37 =	vadd.s32 s25, v0  }
0x536: {  	s12 =	sadd.s32 $0x20, s21;
	s26 =	simm.s32 $0x8700;
	s6 =	sadd.s32 $0x1D, s21;
	v38 =	vadd.s32 s5, v3;
	v35 =	vadd.s32 s10, v0;
	v36 =	vadd.s32 s24, v0;
	[tilespmem:v30+s28+$0x0] =	vst.idx.msk vm4, v34  }
0x537: {  	s1 =	smov.u32 s0;
	s0 =	simm.s32 $0x280;
	s14 =	sadd.s32 $0xD, s21;
	v30 =	vmov s12;
	[tilespmem:v27+s26+$0x0] =	vst.idx.msk vm5, v33;
	v52 =	vadd.s32 s25, v1;
	v21 =	vmov s6  }
0x538: {  	s4 =	sshrl.u32 s23, $0x1;
	s12 =	sadd.s32 $0xC7, s16;
	v41 =	vmov s14;
	v56 =	vadd.s32 s24, v1;
	v45 =	vadd.s32 s1, v3;
	v31 =	vld.idx.msk [tilespmem:v31+s0+$0x0], $0xffff  }
0x539: {  	s30 =	sshrl.u32 s22, $0x1;
	s31 =	sshrl.u32 s20, $0x1;
	s29 =	ssub.s32 s19, s4;
	v62 =	vadd.s32 s25, v2;
	v32 =	vld.idx.msk [tilespmem:v32+s0+$0x0], $0xffff;
	v39 =	vadd.s32 s12, v0;
	v28 =	vmul.f32 v28, v18  }
0x53a: {  	s5 =	sadd.s32 $0xFFFFFFFF, s21;
	s4 =	ssub.s32 s17, s31;
	s31 =	sadd.s32 $0x10, s21;
	v27 =	vadd.s32 s29, v0;
	vm4 =	vgt.u32 v30, v0;
	v29 =	vmul.f32 v29, v16;
	v30 =	vld.idx.msk [tilespmem:v37+s0+$0x0], $0xffff  }
0x53b: {  	s30 =	ssub.s32 s18, s30;
	[dreg:$0x4] =	wrdreg s31;
	s31 =	sadd.s32 $0x1E, s21;
	v40 =	vadd.s32 s4, v0;
	vm5 =	vgt.u32 v21, v0;
	v21 =	vmov s5;
	[tilespmem:v23+s26+$0x0] =	vst.idx.msk vm0, v28;
	v36 =	vld.idx.msk [tilespmem:v36+s0+$0x0], $0xffff  }
0x53c: {  	s11 =	sadd.s32 s9, s11;
	s14 =	sadd.s32 $0x1F, s21;
	v42 =	vadd.s32 s30, v0;
	v23 =	vmov s31;
	[tilespmem:v13+s26+$0x0] =	vst.idx.msk vm6, v29;
	v13 =	vld.idx.msk [tilespmem:v25+s0+$0x0], $0xffff  }
0x53d: {  	s8 =	sadd.s32 $0x400, s8;
	s5 =	smov.u32 s12;
	v43 =	vmov s14;
	s14 =	sadd.s32 $0xFFFFFFFD, s21;
	vm7 =	vgt.u32 v23, v0;
	v23 =	vmul.f32 v31, v19;
	v25 =	vld.idx.msk [tilespmem:v26+s0+$0x0], $0xffff  }
0x53e: {  	s6 =	smov.u32 s10;
	v53 =	vadd.s32 s5, v1;
	v55 =	vmov s14;
	s14 =	simm.s32 $0x280;
	s31 =	sshrl.u32 s11, $0x1;
	v26 =	vmul.f32 v32, v17;
	v54 =	vld.idx.msk [tilespmem:v39+s0+$0x0], $0xffff  }
0x53f: {  	s10 =	sadd.s32 $0xFFFFFFFE, s21;
	s12 =	sadd.s32 $0xFFFFFFEE, s21;
	v28 =	vadd.s32 s6, v1;
	vm6 =	vgt.u32 v43, v0;
	v35 =	vld.idx.msk [tilespmem:v35+s14+$0x0], $0xffff;
	[tilespmem:v12+s26+$0x0] =	vst.idx.msk vm3, v23;
	v12 =	vadd.s32 s3, v3;
	s3 =	ssub.s32 s8, s31  }
0x540: {  	v29 =	vmov s10;
	v31 =	vmov s12;
	[tilespmem:v14+s26+$0x0] =	vst.idx.msk vm2, v26;
	v44 =	vadd.s32 s3, v0  }
0x541: {  	vm3 =	vgt.s32 v24, v0;
	v24 =	vld.idx.msk [tilespmem:v38+s14+$0x0], $0xffff;
	v14 =	vbroadcast v36, $0x0;
	v26 =	vbroadcast v30, $0x0  }
0x542: {  	vm2 =	vgt.s32 v22, v0;
	v13 =	vmul.f32 v13, v18;
	v22 =	vmul.f32 v25, v16  }
0x543: {  	s12 =	sadd.s32 $0xFFFFFFED, s21;
	vm0 =	vgt.s32 v29, v0;
	s0 =	sadd.s32 $0xFFFFFFF0, s21;
	v34 =	vld.idx.msk [tilespmem:v51+s14+$0x0], $0xffff;
	v25 =	vbroadcast v54, $0x0;
	v46 =	vmul.f32 v26, v30;
	v16 =	vmovc v14  }
0x544: {  	v29 =	vmov s12;
	v57 =	vmov s0;
	s12 =	rddreg [dreg:$0x6];
	v14 =	vmul.f32 v16, v36;
	[tilespmem:v12+s26+$0x0] =	vst.idx.msk vm1, v13  }
0x545: {  	s28 =	sadd.s32 $0xF, s21;
	v30 =	vadd.s32 s12, v3;
	v18 =	vmovc v26;
	v12 =	vbroadcast v35, $0x0;
	v26 =	vmul.f32 v25, v54;
	[tilespmem:v44+s26+$0x0] =	vst.idx.msk vm7, v46  }
0x546: {  	s0 =	smov.u32 s29;
	s29 =	sadd.s32 $0xE, s21;
	vm1 =	vgt.s32 v20, v0;
	v60 =	vmul.f32 v24, v17;
	v24 =	vmov s28;
	s28 =	simm.s32 $0x8700;
	[tilespmem:v27+s26+$0x0] =	vst.idx.msk vm6, v14  }
0x547: {  	v59 =	vmov s29;
	v13 =	vadd.s32 s2, v3;
	v20 =	vmovc v29;
	v14 =	vld.idx.msk [tilespmem:v52+s14+$0x0], $0xffff;
	v27 =	vmul.f32 v12, v35;
	[tilespmem:v40+s28+$0x0] =	vst.idx.msk vm5, v26  }
0x548: {  	v29 =	vmul.f32 v34, v19;
	vm6 =	vgt.s32 v59, v0;
	v58 =	vld.idx.msk [tilespmem:v56+s14+$0x0], $0xffff;
	[tilespmem:v45+s26+$0x0] =	vst.idx.msk vm3, v22  }
0x549: {  	s16 =	sadd.s32 $0x4, s16;
	v19 =	vmov v12;
	v12 =	vadd.s32 s3, v1;
	vm3 =	vgt.s32 v24, v0;
	v26 =	vld.idx.msk [tilespmem:v53+s14+$0x0], $0xffff;
	[tilespmem:v42+s28+$0x0] =	vst.idx.msk vm4, v27  }
0x54a: {  	v63 =	vadd.s32 s24, v2;
	p0 =	slt.u32 s16, $0x3C;
	v32 =	vadd.s32 s5, v2;
	s31 =	rddreg [dreg:$0x4];
	v61 =	vld.idx.msk [tilespmem:v28+s14+$0x0], $0xffff;
	v28 =	vadd.s32 s0, v1  }
0x54b: {  	s1 =	smov.u32 s4;
	v23 =	vadd.s32 s3, v2;
	s2 =	smov.u32 s30;
	s30 =	sadd.s32 $0xFFFFFFEF, s21;
	v17 =	vmovc v25;
	v25 =	vmov s31;
	vm5 =	vgt.s32 v41, v0  }
.Ltmp9:
0x54c: {  	v24 =	vmov s30;
	v27 =	vadd.s32 s1, v1;
	[tilespmem:v13+s28+$0x0] =	vst.idx.msk vm2, v29;
	v13 =	vmul.f32 v14, v18;
	(pc) =	sbr.rel @p0 .LBB2_17-.Ltmp9, $4  }
0x54d: {  	s13 =	sadd.s32 $0x20, s13;
	s9 =	sadd.s32 $0x20, s9;
	vm4 =	vgt.s32 v25, v0;
	v25 =	vadd.s32 s25, v3;
	[tilespmem:v30+s28+$0x0] =	vst.idx.msk vm1, v60;
	v14 =	vmul.f32 v58, v16  }
0x54e: {  	s15 =	sadd.s32 $0x20, s15;
	s7 =	sadd.s32 $0x20, s7;
	s17 =	sadd.s32 $0x400, s17;
	vm2 =	vgt.s32 v55, v0;
	vm1 =	vgt.s32 v31, v0;
	v30 =	vadd.s32 s2, v1;
	[tilespmem:v12+s28+$0x0] =	vst.idx.msk vm6, v13  }
0x54f: {  	s18 =	sadd.s32 $0x400, s18;
	s19 =	sadd.s32 $0x400, s19;
	s20 =	sadd.s32 s7, s20;
	v31 =	vadd.s32 s6, v2;
	v33 =	vmul.f32 v26, v17;
	v12 =	vmov s21;
	[tilespmem:v28+s28+$0x0] =	vst.idx.msk vm3, v14;
	v28 =	vld.idx.msk [tilespmem:v62+s14+$0x0], $0xffff  }
0x550: {  	s22 =	sadd.s32 s15, s22;
	s23 =	sadd.s32 s13, s23;
	v22 =	vmovc v57;
	v26 =	vadd.s32 s24, v3;
	s21 =	sadd.s32 $0xFFFFFFFC, s21;
	v34 =	vmul.f32 v61, v19;
	vm3 =	vgt.s32 v12, v0;
	v29 =	vld.idx.msk [tilespmem:v63+s14+$0x0], $0xffff  }
.LBB2_18:
0x551: {  	_ =	sdelay $0x4  }
0x552: {  	[tilespmem:v27+s28+$0x0] =	vst.idx.msk vm5, v33  }
0x553: {  	vm12 =	vgt.s32 v21, v0;
	[tilespmem:v30+s28+$0x0] =	vst.idx.msk vm4, v34;
	v12 =	vld.idx.msk [tilespmem:v32+s14+$0x0], $0xffff  }
0x554: {  	v13 =	vadd.s32 s0, v2;
	v14 =	vld.idx.msk [tilespmem:v31+s14+$0x0], $0xffff  }
0x555: {  	v55 =	vadd.s32 s1, v2  }
0x556: {  	v56 =	vadd.s32 s2, v2;
	v57 =	vadd.s32 s5, v3;
	v28 =	vmul.f32 v28, v18  }
0x557: {  	v58 =	vadd.s32 s6, v3;
	v29 =	vmul.f32 v29, v16  }
0x558: {  	[tilespmem:v23+s28+$0x0] =	vst.idx.msk vm0, v28;
	v12 =	vmul.f32 v12, v17  }
0x559: {  	[tilespmem:v13+s28+$0x0] =	vst.idx.msk vm12, v29;
	v13 =	vld.idx.msk [tilespmem:v25+s14+$0x0], $0xffff;
	v14 =	vmul.f32 v14, v19  }
0x55a: {  	v59 =	vld.idx.msk [tilespmem:v26+s14+$0x0], $0xffff;
	[tilespmem:v55+s28+$0x0] =	vst.idx.msk vm2, v12  }
0x55b: {  	vm13 =	vgt.s32 v24, v0;
	v12 =	vadd.s32 s3, v3;
	[tilespmem:v56+s28+$0x0] =	vst.idx.msk vm3, v14;
	v14 =	vld.idx.msk [tilespmem:v57+s14+$0x0], $0xffff  }
0x55c: {  	v61 =	vadd.s32 s0, v3;
	vm14 =	vgt.s32 v20, v0;
	v60 =	vld.idx.msk [tilespmem:v58+s14+$0x0], $0xffff  }
0x55d: {  	vm15 =	vgt.s32 v22, v0;
	v62 =	vadd.s32 s1, v3  }
0x55e: {  	v63 =	vadd.s32 s2, v3;
	v13 =	vmul.f32 v13, v18  }
0x55f: {  	v16 =	vmul.f32 v59, v16  }
0x560: {  	s29 =	rddreg [dreg:$0x10];
	[tilespmem:v12+s28+$0x0] =	vst.idx.msk vm1, v13;
	v12 =	vmul.f32 v14, v17  }
0x561: {  	[tilespmem:v61+s28+$0x0] =	vst.idx.msk vm13, v16;
	v13 =	vmul.f32 v60, v19  }
0x562: {  	s30 =	rddreg [dreg:$0xe];
	[tilespmem:v62+s28+$0x0] =	vst.idx.msk vm14, v12  }
0x563: {  	[tilespmem:v63+s28+$0x0] =	vst.idx.msk vm15, v13  }
0x564: {  	s9 =	rddreg [dreg:$0xb]  }
0x565: {  	s9 =	sadd.s32 $0x1, s9  }
0x566: {  	s0 =	smul.u32 $0x40400, s29;
	p0 =	sne.s32 s9, $0x40  }
.Ltmp10:
0x567: {  	_ = 	snop;
	(pc) =	sbr.rel @p0 .LBB2_2-.Ltmp10, $4  }
0x568: {  	s0 =	sor.u32 s30, s0  }
0x569: {  	s31 =	rddreg [dreg:$0x1];
	s4 =	simm.s32 $0x400;
	s0 =	sshrl.u32 s0, $0x3;
	v12 =	vld [tilespmem:$0x1FFD0]  }
0x56a: {  	s12 =	simm.s32 $0x0;
	s3 =	simm.s32 $0x80;
	s0 =	sadd.s32 s31, s0;
	v14 =	vld [tilespmem:$0x1FFF0]  }
0x56b: {  	v13 =	vld [tilespmem:$0x1FFE0];
	[hbm4b:s0+s3] =	stream.strided.scatter [tilespmem:s28], [sflag:$0x4], $0x8080, s4, s3, $0x38  }
0x56c: {  	s0 =	simm.s32 $0x3  }
0x56d: {  	_ =	swait.ge [sflag:s0], $0x8080  }
0x56e: {  	[sflag:s0] =	ssyncset.done $0x0  }
0x56f: {  	s1 =	simm.s32 $0x4;
	[sflag:s0] =	ssyncadd.s32 $0xFFFF7F80  }
0x570: {  	_ =	swait.ge [sflag:s1], $0x8080  }
0x571: {  	s2 =	rddreg [dreg:$0xa]  }
0x572: {  	s31 =	rddreg [dreg:$0x9];
	s2 =	sadd.s32 $0x1, s2  }
0x573: {  	p0 =	sne.s32 s2, s31  }
.Ltmp11:
0x574: {  	_ = 	snop;
	(pc) =	sbr.rel @p0 .LBB2_1-.Ltmp11, $3  }
0x575: {  	_ =	sdelay $0x1  }
0x576: {  	[sflag:s1] =	ssyncset.done $0x0  }
0x577: {  	[sflag:s1] =	ssyncadd.s32 $0xFFFF7F80  }
0x578: {  	_ =	sfence.sel $0x180000  }
0x579: {  	[bflag:$0x0] =	sbarrier.arrive $0xFFFF  }
0x57a: {  	_ =	strace $0x90000047  }
0x57b: {  	s0 =	stileid.u32;
	[bflag:$0x2] =	sbarrier.arrive $0xFFFF  }
0x57c: {  	p0 =	sne.s32 s0, $0x0;
	s0 =	rddreg [dreg:$0x2]  }
0x57d: {  	s0 =	sadd.s32 @!p0 $0x100000, s0  }
0x57e: {  	[sflag:s0] =	ssyncadd.tile.s32 @!p0 $0x1;
	_ =	shalt  }
.Lfunc_end2:
_tile_overlayer_lowered:
.L_overlay_start_2:
0x57f: {  	(tag) =	ssettag $0x2  }
0x580: {  	s0 =	rddreg [dreg:$0x0];
	s2 =	stileid.u32  }
0x581: {  	s1 =	rddreg [dreg:$0x1];
	p0 =	sne.s32 s2, $0x0  }
0x582: {  	s3 =	rddreg [dreg:$0x2];
	[bflag:$0x3] =	sbarrier.arrive $0xFFFF;
	s2 =	simm.s32 @!p0 $0x1C05  }
0x583: {  	[timem:s3], [sflag:s2] =	dma.local @!p0 [hbm:s0], s1  }
0x584: {  	s0 =	simm.s32 @!p0 $0x5  }
0x585: {  	_ =	swait.ge @!p0 [sflag:s0], s1  }
0x586: {  	s1 =	ssub.s32 @!p0 $0x0, s1;
	[sflag:s0] =	ssyncset.done @!p0 $0x0  }
0x587: {  	[sflag:s0] =	ssyncadd.s32 @!p0 s1  }
0x588: {  	[bflag:$0x3] =	sbarrier.arrive $0xFFFF  }
0x589: {  	_ =	shalt  }

</sc_bundles>
